<compile_context>
chip_gen: v7x
topology: tpu7x:2x2x1
jax: 0.10.2.dev20260603
libtpu: 0.0.44.dev20260713+nightly
codegen_flags: <defaults>
</compile_context>

<pallas_src>
import functools

import jax
import jax.numpy as jnp
from jax import lax
from jax.experimental import pallas as pl
from jax.experimental.pallas import tpu as pltpu
from jax.experimental.pallas import tpu_sc as plsc

N_DOF = 261121
NNZ = 1827847
NW = 32
C = 5728
CB = 5760
T = 10
NBUF = 4
MU = 12
N_PAD = 262144
U_SL = N_PAD // 16
Z = 4096

S_CHUNKS = NW * T
FULL_CHUNKS = S_CHUNKS - 1
SP_OFF = FULL_CHUNKS * C
SP_CNT = NNZ - SP_OFF
SP_G = SP_CNT // 16
SP_R = SP_CNT % 16

_mesh = plsc.VectorSubcoreMesh(core_axis_name="c", subcore_axis_name="s")


@functools.partial(
    pl.kernel,
    out_type=jax.ShapeDtypeStruct((2 * N_PAD,), jnp.float32),
    mesh=_mesh,
    scratch_types=[
        pltpu.VMEM_SHARED((N_PAD,), jnp.float32),
        pltpu.VMEM_SHARED((N_PAD,), jnp.float32),
        *([pltpu.VMEM((CB,), jnp.int32)] * NBUF),
        *([pltpu.VMEM((CB,), jnp.int32)] * NBUF),
        *([pltpu.VMEM((CB,), jnp.float32)] * NBUF),
        *([pltpu.VMEM((CB,), jnp.float32)] * NBUF),
        pltpu.VMEM((Z,), jnp.float32),
        *([pltpu.SemaphoreType.DMA] * NBUF),
        *([pltpu.SemaphoreType.DMA] * NBUF),
        *([pltpu.SemaphoreType.DMA] * NBUF),
        *([pltpu.SemaphoreType.DMA] * NBUF),
    ],
)
def _spmv_sc(u_hbm, rows_hbm, cols_hbm, vals_hbm, out_hbm,
             u_s, acc_s,
             rows_v0, rows_v1, rows_v2, rows_v3,
             cols_v0, cols_v1, cols_v2, cols_v3,
             vals_v0, vals_v1, vals_v2, vals_v3,
             g_v0, g_v1, g_v2, g_v3, z_v,
             si0, si1, si2, si3, sg0, sg1, sg2, sg3,
             sh0, sh1, sh2, sh3, ss0, ss1, ss2, ss3):
    rows_b = (rows_v0, rows_v1, rows_v2, rows_v3)
    cols_b = (cols_v0, cols_v1, cols_v2, cols_v3)
    vals_b = (vals_v0, vals_v1, vals_v2, vals_v3)
    g_b = (g_v0, g_v1, g_v2, g_v3)
    sem_in = (si0, si1, si2, si3)
    sem_g = (sg0, sg1, sg2, sg3)
    sem_h = (sh0, sh1, sh2, sh3)
    sem_sc = (ss0, ss1, ss2, ss3)

    cid = lax.axis_index("c")
    sid = lax.axis_index("s")
    wid = sid * 2 + cid

    def start_in(gidx, b):
        @pl.when(gidx < FULL_CHUNKS)
        def _():
            off = gidx * C
            pltpu.async_copy(rows_hbm.at[pl.ds(off, C)],
                             rows_b[b].at[pl.ds(0, C)], sem_in[b])
            pltpu.async_copy(cols_hbm.at[pl.ds(off, C)],
                             cols_b[b].at[pl.ds(0, C)], sem_in[b])
            pltpu.async_copy(vals_hbm.at[pl.ds(off, C)],
                             vals_b[b].at[pl.ds(0, C)], sem_in[b])

        @pl.when(gidx == FULL_CHUNKS)
        def _():
            pltpu.async_copy(rows_hbm.at[pl.ds(SP_OFF, SP_CNT)],
                             rows_b[b].at[pl.ds(0, SP_CNT)], sem_in[b])
            pltpu.async_copy(cols_hbm.at[pl.ds(SP_OFF, SP_CNT)],
                             cols_b[b].at[pl.ds(0, SP_CNT)], sem_in[b])
            pltpu.async_copy(vals_hbm.at[pl.ds(SP_OFF, SP_CNT)],
                             vals_b[b].at[pl.ds(0, SP_CNT)], sem_in[b])

    def wait_in(gidx, b):
        @pl.when(gidx < FULL_CHUNKS)
        def _():
            pltpu.make_async_copy(rows_hbm.at[pl.ds(0, C)],
                                  rows_b[b].at[pl.ds(0, C)], sem_in[b]).wait()
            pltpu.make_async_copy(cols_hbm.at[pl.ds(0, C)],
                                  cols_b[b].at[pl.ds(0, C)], sem_in[b]).wait()
            pltpu.make_async_copy(vals_hbm.at[pl.ds(0, C)],
                                  vals_b[b].at[pl.ds(0, C)], sem_in[b]).wait()

        @pl.when(gidx == FULL_CHUNKS)
        def _():
            pltpu.make_async_copy(rows_hbm.at[pl.ds(0, SP_CNT)],
                                  rows_b[b].at[pl.ds(0, SP_CNT)], sem_in[b]).wait()
            pltpu.make_async_copy(cols_hbm.at[pl.ds(0, SP_CNT)],
                                  cols_b[b].at[pl.ds(0, SP_CNT)], sem_in[b]).wait()
            pltpu.make_async_copy(vals_hbm.at[pl.ds(0, SP_CNT)],
                                  vals_b[b].at[pl.ds(0, SP_CNT)], sem_in[b]).wait()

    H = CB // 2

    def start_gather(b):
        pltpu.async_copy(u_s.at[cols_b[b].at[pl.ds(0, H)]],
                         g_b[b].at[pl.ds(0, H)], sem_g[b])
        pltpu.async_copy(u_s.at[cols_b[b].at[pl.ds(H, H)]],
                         g_b[b].at[pl.ds(H, H)], sem_h[b])

    def wait_gather_half(b, h):
        if h == 0:
            pltpu.make_async_copy(u_s.at[cols_b[b].at[pl.ds(0, H)]],
                                  g_b[b].at[pl.ds(0, H)], sem_g[b]).wait()
        else:
            pltpu.make_async_copy(u_s.at[cols_b[b].at[pl.ds(H, H)]],
                                  g_b[b].at[pl.ds(H, H)], sem_h[b]).wait()

    def start_sc(b):
        pltpu.async_copy(g_b[b], acc_s.at[rows_b[b]], sem_sc[b], add=True)

    def wait_sc(b):
        pltpu.make_async_copy(g_b[b], acc_s.at[rows_b[b]], sem_sc[b]).wait()

    def gi(t):
        return t * NW + wid

    start_in(gi(0), 0)
    start_in(gi(1), 1)
    pltpu.async_copy(u_hbm.at[pl.ds(sid * U_SL, U_SL)],
                     u_s.at[pl.ds(sid * U_SL, U_SL)], sem_g[0])

    widv = jnp.full((16,), wid, jnp.int32)
    for b in range(NBUF):
        for i in range(C // 16, CB // 16):
            s = pl.ds(i * 16, 16)
            rows_b[b][s] = widv
            cols_b[b][s] = widv
            vals_b[b][s] = jnp.zeros((16,), jnp.float32)

    pltpu.make_async_copy(u_hbm.at[pl.ds(sid * U_SL, U_SL)],
                          u_s.at[pl.ds(sid * U_SL, U_SL)], sem_g[0]).wait()
    plsc.subcore_barrier()

    wait_in(gi(0), 0)
    start_gather(0)

    def zset(i, _):
        z_v[pl.ds(i * 16, 16)] = jnp.zeros((16,), jnp.float32)
        return 0
    lax.fori_loop(0, Z // 16, zset, 0)

    def zcpy(j, _):
        pltpu.sync_copy(z_v, acc_s.at[pl.ds(sid * U_SL + j * Z, Z)])
        return 0
    lax.fori_loop(0, U_SL // Z, zcpy, 0)

    plsc.subcore_barrier()

    def consume(t, k):
        b = k
        gb, vb = g_b[b], vals_b[b]

        @pl.when(gi(t) == FULL_CHUNKS)
        def _():
            keep = jax.lax.iota(jnp.int32, 16) < SP_R
            sb = pl.ds(SP_G * 16, 16)
            vb[sb] = jnp.where(keep, vb[sb], 0.0)

            def zdup(i, _):
                vb[pl.ds(i * 16, 16)] = jnp.zeros((16,), jnp.float32)
                return 0
            lax.fori_loop(SP_G + 1, C // 16, zdup, 0)

        def mul(i, _):
            for r in range(MU):
                s = pl.ds(i * (16 * MU) + r * 16, 16)
                gb[s] = gb[s] * vb[s]
            return 0
        wait_gather_half(b, 0)
        lax.fori_loop(0, H // (16 * MU), mul, 0)
        wait_gather_half(b, 1)
        lax.fori_loop(H // (16 * MU), CB // (16 * MU), mul, 0)

        start_sc(b)

    def body4(j, _):
        for k in range(NBUF):
            t = j * NBUF + k

            @pl.when(t >= 2)
            def _():
                wait_sc((k - 2) % NBUF)

            start_in(gi(t + 2), (k + 2) % NBUF)
            wait_in(gi(t + 1), (k + 1) % NBUF)
            start_gather((k + 1) % NBUF)
            consume(t, k)
        return 0
    lax.fori_loop(0, (T - 2) // NBUF, body4, 0)

    kA, kB = (T - 2) % NBUF, (T - 1) % NBUF
    wait_sc((kA - 2) % NBUF)
    wait_in(gi(T - 1), kB)
    start_gather(kB)
    consume(T - 2, kA)
    wait_sc((kB - 2) % NBUF)
    consume(T - 1, kB)
    wait_sc(kA)
    wait_sc(kB)

    plsc.subcore_barrier()
    pltpu.sync_copy(acc_s.at[pl.ds(sid * U_SL, U_SL)],
                    out_hbm.at[pl.ds(cid * N_PAD + sid * U_SL, U_SL)])


def _add_body(p_ref, o_ref):
    o_ref[...] = p_ref[pl.ds(0, N_PAD)] + p_ref[pl.ds(N_PAD, N_PAD)]


def kernel(u, A_rows, A_cols, A_vals):
    u_p = jnp.concatenate(
        [u, jnp.zeros((N_PAD - N_DOF, 1), jnp.float32)]).reshape(N_PAD)
    partials = _spmv_sc(u_p, A_rows.astype(jnp.int32),
                        A_cols.astype(jnp.int32), A_vals)

    summed = pl.pallas_call(
        _add_body,
        out_shape=jax.ShapeDtypeStruct((N_PAD,), jnp.float32),
    )(partials)
    return summed[:N_DOF, None]

# --- scband reference (transcript-rebuilt; emitter-appended) ---
"""Pipeline reference for scband-poisson-59193239273678 (READ-ONLY COPY).

The authoritative reference and input builder live on the scoring server;
editing this copy changes nothing except your own understanding.
"""

import jax, jax.numpy as jnp
import numpy as np

N_DOF = 261121  # interior nodes of 513x513 grid = 511^2
NNZ = 1827847   # ~7 nnz per row for P1 FEM stiffness matrix


def setup_inputs(seed: int = 0) -> dict:
    key = jax.random.key(seed)
    k1, k2, k3, k4 = jax.random.split(key, 4)
    # forward arg
    u = jax.random.normal(k1, (N_DOF, 1), dtype=jnp.float32)
    # materialized module state: assembled interior stiffness matrix A_int in COO form
    A_rows = jax.random.randint(k2, (NNZ,), 0, N_DOF, dtype=jnp.int64)
    A_cols = jax.random.randint(k3, (NNZ,), 0, N_DOF, dtype=jnp.int64)
    A_vals = jax.random.normal(k4, (NNZ,), dtype=jnp.float32)
    return {"u": u, "A_rows": A_rows, "A_cols": A_cols, "A_vals": A_vals}


def reference(u, A_rows, A_cols, A_vals):
    # torch.sparse.mm(A_int, u) with A_int in COO form:
    # out[r] = sum_{k : rows[k]==r} vals[k] * u[cols[k]]
    gathered = A_vals[:, None] * jnp.take(u, A_cols, axis=0)  # [NNZ, 1]
    out = jax.ops.segment_sum(gathered, A_rows, num_segments=N_DOF)  # [N_DOF, 1]
    return out

if __name__ == "__main__":
    import jax
    _d = setup_inputs()
    print(jax.jit(kernel)(*tuple(_d.values())))

</pallas_src>

<mosaic_0001>
#map = affine_map<(d0, d1) -> (0)>
module attributes {stable_mosaic.version = 14 : i64} {
  func.func @_spmv_sc(%arg0: i32, %arg1: i32, %arg2: memref<262144xf32, #tpu.memory_space<hbm>>, %arg3: memref<1827847xi32, #tpu.memory_space<hbm>>, %arg4: memref<1827847xi32, #tpu.memory_space<hbm>>, %arg5: memref<1827847xf32, #tpu.memory_space<hbm>>, %arg6: memref<524288xf32, #tpu.memory_space<hbm>>, %arg7: memref<262144xf32, #tpu.memory_space<vmem_shared>>, %arg8: memref<262144xf32, #tpu.memory_space<vmem_shared>>, %arg9: memref<5760xi32, #tpu.memory_space<vmem>>, %arg10: memref<5760xi32, #tpu.memory_space<vmem>>, %arg11: memref<5760xi32, #tpu.memory_space<vmem>>, %arg12: memref<5760xi32, #tpu.memory_space<vmem>>, %arg13: memref<5760xi32, #tpu.memory_space<vmem>>, %arg14: memref<5760xi32, #tpu.memory_space<vmem>>, %arg15: memref<5760xi32, #tpu.memory_space<vmem>>, %arg16: memref<5760xi32, #tpu.memory_space<vmem>>, %arg17: memref<5760xf32, #tpu.memory_space<vmem>>, %arg18: memref<5760xf32, #tpu.memory_space<vmem>>, %arg19: memref<5760xf32, #tpu.memory_space<vmem>>, %arg20: memref<5760xf32, #tpu.memory_space<vmem>>, %arg21: memref<5760xf32, #tpu.memory_space<vmem>>, %arg22: memref<5760xf32, #tpu.memory_space<vmem>>, %arg23: memref<5760xf32, #tpu.memory_space<vmem>>, %arg24: memref<5760xf32, #tpu.memory_space<vmem>>, %arg25: memref<4096xf32, #tpu.memory_space<vmem>>, %arg26: memref<!tpu.dma_semaphore, #tpu.memory_space<semaphore_mem>>, %arg27: memref<!tpu.dma_semaphore, #tpu.memory_space<semaphore_mem>>, %arg28: memref<!tpu.dma_semaphore, #tpu.memory_space<semaphore_mem>>, %arg29: memref<!tpu.dma_semaphore, #tpu.memory_space<semaphore_mem>>, %arg30: memref<!tpu.dma_semaphore, #tpu.memory_space<semaphore_mem>>, %arg31: memref<!tpu.dma_semaphore, #tpu.memory_space<semaphore_mem>>, %arg32: memref<!tpu.dma_semaphore, #tpu.memory_space<semaphore_mem>>, %arg33: memref<!tpu.dma_semaphore, #tpu.memory_space<semaphore_mem>>, %arg34: memref<!tpu.dma_semaphore, #tpu.memory_space<semaphore_mem>>, %arg35: memref<!tpu.dma_semaphore, #tpu.memory_space<semaphore_mem>>, %arg36: memref<!tpu.dma_semaphore, #tpu.memory_space<semaphore_mem>>, %arg37: memref<!tpu.dma_semaphore, #tpu.memory_space<semaphore_mem>>, %arg38: memref<!tpu.dma_semaphore, #tpu.memory_space<semaphore_mem>>, %arg39: memref<!tpu.dma_semaphore, #tpu.memory_space<semaphore_mem>>, %arg40: memref<!tpu.dma_semaphore, #tpu.memory_space<semaphore_mem>>, %arg41: memref<!tpu.dma_semaphore, #tpu.memory_space<semaphore_mem>>) attributes {dimension_semantics = [#tpu.dimension_semantics<core_parallel>, #tpu.dimension_semantics<subcore_parallel>], iteration_bounds = array<i64: 2, 16>, scalar_prefetch = 0 : i64, scratch_operands = 35 : i64, tpu.core_type = #tpu.core_type<sc_vector_subcore>, window_params = [{transform_indices = #map}, {transform_indices = #map}, {transform_indices = #map}, {transform_indices = #map}, {transform_indices = #map}]} {
    %mul3A = arith.constant 2 : i32
    %mul3A_0 = arith.muli %arg1, %mul3A : i32
    %add3A = arith.addi %mul3A_0, %arg0 : i32
    %add3A_1 = arith.constant 0 : i32
    %add3A_2 = arith.addi %add3A_1, %add3A : i32
    %lt3A = arith.constant 319 : i32
    %lt3A_3 = arith.cmpi slt, %add3A_2, %lt3A : i32
    %convert_element_type3A = arith.extui %lt3A_3 : i1 to i32
    %cond3A = arith.constant 0 : i32
    %cond3A_4 = arith.cmpi ne, %convert_element_type3A, %cond3A : i32
    scf.if %cond3A_4 {
      %mul3A_297 = arith.constant 5728 : i32
      %mul3A_298 = arith.muli %add3A_2, %mul3A_297 : i32
      %dma_start3A_299 = arith.constant 0 : i32
      %dma_start3A_300 = tpu.memref_slice %arg9[%dma_start3A_299] : memref<5760xi32, #tpu.memory_space<vmem>> -> memref<5728xi32, #tpu.memory_space<vmem>>
      %dma_start3A_301 = tpu.memref_slice %arg3[%mul3A_298] : memref<1827847xi32, #tpu.memory_space<hbm>> -> memref<5728xi32, #tpu.memory_space<hbm>>
      %dma_start3A_302 = arith.constant 0 : i32
      %dma_start3A_303 = tpu.memref_slice %arg9[%dma_start3A_302] : memref<5760xi32, #tpu.memory_space<vmem>> -> memref<5728xi32, #tpu.memory_space<vmem>>
      %dma_start3A_304 = tpu.memref_slice %arg3[%mul3A_298] : memref<1827847xi32, #tpu.memory_space<hbm>> -> memref<5728xi32, #tpu.memory_space<hbm>>
      tpu.enqueue_dma source(%dma_start3A_304 : memref<5728xi32, #tpu.memory_space<hbm>>) target(%dma_start3A_303 : memref<5728xi32, #tpu.memory_space<vmem>>) target_semaphore(%arg26 : memref<!tpu.dma_semaphore, #tpu.memory_space<semaphore_mem>>)
      %dma_start3A_305 = arith.constant 0 : i32
      %dma_start3A_306 = tpu.memref_slice %arg13[%dma_start3A_305] : memref<5760xi32, #tpu.memory_space<vmem>> -> memref<5728xi32, #tpu.memory_space<vmem>>
      %dma_start3A_307 = tpu.memref_slice %arg4[%mul3A_298] : memref<1827847xi32, #tpu.memory_space<hbm>> -> memref<5728xi32, #tpu.memory_space<hbm>>
      %dma_start3A_308 = arith.constant 0 : i32
      %dma_start3A_309 = tpu.memref_slice %arg13[%dma_start3A_308] : memref<5760xi32, #tpu.memory_space<vmem>> -> memref<5728xi32, #tpu.memory_space<vmem>>
      %dma_start3A_310 = tpu.memref_slice %arg4[%mul3A_298] : memref<1827847xi32, #tpu.memory_space<hbm>> -> memref<5728xi32, #tpu.memory_space<hbm>>
      tpu.enqueue_dma source(%dma_start3A_310 : memref<5728xi32, #tpu.memory_space<hbm>>) target(%dma_start3A_309 : memref<5728xi32, #tpu.memory_space<vmem>>) target_semaphore(%arg26 : memref<!tpu.dma_semaphore, #tpu.memory_space<semaphore_mem>>)
      %dma_start3A_311 = arith.constant 0 : i32
      %dma_start3A_312 = tpu.memref_slice %arg17[%dma_start3A_311] : memref<5760xf32, #tpu.memory_space<vmem>> -> memref<5728xf32, #tpu.memory_space<vmem>>
      %dma_start3A_313 = tpu.memref_slice %arg5[%mul3A_298] : memref<1827847xf32, #tpu.memory_space<hbm>> -> memref<5728xf32, #tpu.memory_space<hbm>>
      %dma_start3A_314 = arith.constant 0 : i32
      %dma_start3A_315 = tpu.memref_slice %arg17[%dma_start3A_314] : memref<5760xf32, #tpu.memory_space<vmem>> -> memref<5728xf32, #tpu.memory_space<vmem>>
      %dma_start3A_316 = tpu.memref_slice %arg5[%mul3A_298] : memref<1827847xf32, #tpu.memory_space<hbm>> -> memref<5728xf32, #tpu.memory_space<hbm>>
      tpu.enqueue_dma source(%dma_start3A_316 : memref<5728xf32, #tpu.memory_space<hbm>>) target(%dma_start3A_315 : memref<5728xf32, #tpu.memory_space<vmem>>) target_semaphore(%arg26 : memref<!tpu.dma_semaphore, #tpu.memory_space<semaphore_mem>>)
    } else {
    }
    %eq3A = arith.constant 319 : i32
    %eq3A_5 = arith.cmpi eq, %add3A_2, %eq3A : i32
    %convert_element_type3A_6 = arith.extui %eq3A_5 : i1 to i32
    %cond3A_7 = arith.constant 0 : i32
    %cond3A_8 = arith.cmpi ne, %convert_element_type3A_6, %cond3A_7 : i32
    scf.if %cond3A_8 {
      %dma_start3A_297 = arith.constant 0 : i32
      %dma_start3A_298 = tpu.memref_slice %arg9[%dma_start3A_297] : memref<5760xi32, #tpu.memory_space<vmem>> -> memref<615xi32, #tpu.memory_space<vmem>>
      %dma_start3A_299 = arith.constant 1827232 : i32
      %dma_start3A_300 = tpu.memref_slice %arg3[%dma_start3A_299] : memref<1827847xi32, #tpu.memory_space<hbm>> -> memref<615xi32, #tpu.memory_space<hbm>>
      %dma_start3A_301 = arith.constant 0 : i32
      %dma_start3A_302 = tpu.memref_slice %arg9[%dma_start3A_301] : memref<5760xi32, #tpu.memory_space<vmem>> -> memref<615xi32, #tpu.memory_space<vmem>>
      %dma_start3A_303 = arith.constant 1827232 : i32
      %dma_start3A_304 = tpu.memref_slice %arg3[%dma_start3A_303] : memref<1827847xi32, #tpu.memory_space<hbm>> -> memref<615xi32, #tpu.memory_space<hbm>>
      tpu.enqueue_dma source(%dma_start3A_304 : memref<615xi32, #tpu.memory_space<hbm>>) target(%dma_start3A_302 : memref<615xi32, #tpu.memory_space<vmem>>) target_semaphore(%arg26 : memref<!tpu.dma_semaphore, #tpu.memory_space<semaphore_mem>>)
      %dma_start3A_305 = arith.constant 0 : i32
      %dma_start3A_306 = tpu.memref_slice %arg13[%dma_start3A_305] : memref<5760xi32, #tpu.memory_space<vmem>> -> memref<615xi32, #tpu.memory_space<vmem>>
      %dma_start3A_307 = arith.constant 1827232 : i32
      %dma_start3A_308 = tpu.memref_slice %arg4[%dma_start3A_307] : memref<1827847xi32, #tpu.memory_space<hbm>> -> memref<615xi32, #tpu.memory_space<hbm>>
      %dma_start3A_309 = arith.constant 0 : i32
      %dma_start3A_310 = tpu.memref_slice %arg13[%dma_start3A_309] : memref<5760xi32, #tpu.memory_space<vmem>> -> memref<615xi32, #tpu.memory_space<vmem>>
      %dma_start3A_311 = arith.constant 1827232 : i32
      %dma_start3A_312 = tpu.memref_slice %arg4[%dma_start3A_311] : memref<1827847xi32, #tpu.memory_space<hbm>> -> memref<615xi32, #tpu.memory_space<hbm>>
      tpu.enqueue_dma source(%dma_start3A_312 : memref<615xi32, #tpu.memory_space<hbm>>) target(%dma_start3A_310 : memref<615xi32, #tpu.memory_space<vmem>>) target_semaphore(%arg26 : memref<!tpu.dma_semaphore, #tpu.memory_space<semaphore_mem>>)
      %dma_start3A_313 = arith.constant 0 : i32
      %dma_start3A_314 = tpu.memref_slice %arg17[%dma_start3A_313] : memref<5760xf32, #tpu.memory_space<vmem>> -> memref<615xf32, #tpu.memory_space<vmem>>
      %dma_start3A_315 = arith.constant 1827232 : i32
      %dma_start3A_316 = tpu.memref_slice %arg5[%dma_start3A_315] : memref<1827847xf32, #tpu.memory_space<hbm>> -> memref<615xf32, #tpu.memory_space<hbm>>
      %dma_start3A_317 = arith.constant 0 : i32
      %dma_start3A_318 = tpu.memref_slice %arg17[%dma_start3A_317] : memref<5760xf32, #tpu.memory_space<vmem>> -> memref<615xf32, #tpu.memory_space<vmem>>
      %dma_start3A_319 = arith.constant 1827232 : i32
      %dma_start3A_320 = tpu.memref_slice %arg5[%dma_start3A_319] : memref<1827847xf32, #tpu.memory_space<hbm>> -> memref<615xf32, #tpu.memory_space<hbm>>
      tpu.enqueue_dma source(%dma_start3A_320 : memref<615xf32, #tpu.memory_space<hbm>>) target(%dma_start3A_318 : memref<615xf32, #tpu.memory_space<vmem>>) target_semaphore(%arg26 : memref<!tpu.dma_semaphore, #tpu.memory_space<semaphore_mem>>)
    } else {
    }
    %add3A_9 = arith.constant 32 : i32
    %add3A_10 = arith.addi %add3A_9, %add3A : i32
    %lt3A_11 = arith.constant 319 : i32
    %lt3A_12 = arith.cmpi slt, %add3A_10, %lt3A_11 : i32
    %convert_element_type3A_13 = arith.extui %lt3A_12 : i1 to i32
    %cond3A_14 = arith.constant 0 : i32
    %cond3A_15 = arith.cmpi ne, %convert_element_type3A_13, %cond3A_14 : i32
    scf.if %cond3A_15 {
      %mul3A_297 = arith.constant 5728 : i32
      %mul3A_298 = arith.muli %add3A_10, %mul3A_297 : i32
      %dma_start3A_299 = arith.constant 0 : i32
      %dma_start3A_300 = tpu.memref_slice %arg10[%dma_start3A_299] : memref<5760xi32, #tpu.memory_space<vmem>> -> memref<5728xi32, #tpu.memory_space<vmem>>
      %dma_start3A_301 = tpu.memref_slice %arg3[%mul3A_298] : memref<1827847xi32, #tpu.memory_space<hbm>> -> memref<5728xi32, #tpu.memory_space<hbm>>
      %dma_start3A_302 = arith.constant 0 : i32
      %dma_start3A_303 = tpu.memref_slice %arg10[%dma_start3A_302] : memref<5760xi32, #tpu.memory_space<vmem>> -> memref<5728xi32, #tpu.memory_space<vmem>>
      %dma_start3A_304 = tpu.memref_slice %arg3[%mul3A_298] : memref<1827847xi32, #tpu.memory_space<hbm>> -> memref<5728xi32, #tpu.memory_space<hbm>>
      tpu.enqueue_dma source(%dma_start3A_304 : memref<5728xi32, #tpu.memory_space<hbm>>) target(%dma_start3A_303 : memref<5728xi32, #tpu.memory_space<vmem>>) target_semaphore(%arg27 : memref<!tpu.dma_semaphore, #tpu.memory_space<semaphore_mem>>)
      %dma_start3A_305 = arith.constant 0 : i32
      %dma_start3A_306 = tpu.memref_slice %arg14[%dma_start3A_305] : memref<5760xi32, #tpu.memory_space<vmem>> -> memref<5728xi32, #tpu.memory_space<vmem>>
      %dma_start3A_307 = tpu.memref_slice %arg4[%mul3A_298] : memref<1827847xi32, #tpu.memory_space<hbm>> -> memref<5728xi32, #tpu.memory_space<hbm>>
      %dma_start3A_308 = arith.constant 0 : i32
      %dma_start3A_309 = tpu.memref_slice %arg14[%dma_start3A_308] : memref<5760xi32, #tpu.memory_space<vmem>> -> memref<5728xi32, #tpu.memory_space<vmem>>
      %dma_start3A_310 = tpu.memref_slice %arg4[%mul3A_298] : memref<1827847xi32, #tpu.memory_space<hbm>> -> memref<5728xi32, #tpu.memory_space<hbm>>
      tpu.enqueue_dma source(%dma_start3A_310 : memref<5728xi32, #tpu.memory_space<hbm>>) target(%dma_start3A_309 : memref<5728xi32, #tpu.memory_space<vmem>>) target_semaphore(%arg27 : memref<!tpu.dma_semaphore, #tpu.memory_space<semaphore_mem>>)
      %dma_start3A_311 = arith.constant 0 : i32
      %dma_start3A_312 = tpu.memref_slice %arg18[%dma_start3A_311] : memref<5760xf32, #tpu.memory_space<vmem>> -> memref<5728xf32, #tpu.memory_space<vmem>>
      %dma_start3A_313 = tpu.memref_slice %arg5[%mul3A_298] : memref<1827847xf32, #tpu.memory_space<hbm>> -> memref<5728xf32, #tpu.memory_space<hbm>>
      %dma_start3A_314 = arith.constant 0 : i32
      %dma_start3A_315 = tpu.memref_slice %arg18[%dma_start3A_314] : memref<5760xf32, #tpu.memory_space<vmem>> -> memref<5728xf32, #tpu.memory_space<vmem>>
      %dma_start3A_316 = tpu.memref_slice %arg5[%mul3A_298] : memref<1827847xf32, #tpu.memory_space<hbm>> -> memref<5728xf32, #tpu.memory_space<hbm>>
      tpu.enqueue_dma source(%dma_start3A_316 : memref<5728xf32, #tpu.memory_space<hbm>>) target(%dma_start3A_315 : memref<5728xf32, #tpu.memory_space<vmem>>) target_semaphore(%arg27 : memref<!tpu.dma_semaphore, #tpu.memory_space<semaphore_mem>>)
    } else {
    }
    %eq3A_16 = arith.constant 319 : i32
    %eq3A_17 = arith.cmpi eq, %add3A_10, %eq3A_16 : i32
    %convert_element_type3A_18 = arith.extui %eq3A_17 : i1 to i32
    %cond3A_19 = arith.constant 0 : i32
    %cond3A_20 = arith.cmpi ne, %convert_element_type3A_18, %cond3A_19 : i32
    scf.if %cond3A_20 {
      %dma_start3A_297 = arith.constant 0 : i32
      %dma_start3A_298 = tpu.memref_slice %arg10[%dma_start3A_297] : memref<5760xi32, #tpu.memory_space<vmem>> -> memref<615xi32, #tpu.memory_space<vmem>>
      %dma_start3A_299 = arith.constant 1827232 : i32
      %dma_start3A_300 = tpu.memref_slice %arg3[%dma_start3A_299] : memref<1827847xi32, #tpu.memory_space<hbm>> -> memref<615xi32, #tpu.memory_space<hbm>>
      %dma_start3A_301 = arith.constant 0 : i32
      %dma_start3A_302 = tpu.memref_slice %arg10[%dma_start3A_301] : memref<5760xi32, #tpu.memory_space<vmem>> -> memref<615xi32, #tpu.memory_space<vmem>>
      %dma_start3A_303 = arith.constant 1827232 : i32
      %dma_start3A_304 = tpu.memref_slice %arg3[%dma_start3A_303] : memref<1827847xi32, #tpu.memory_space<hbm>> -> memref<615xi32, #tpu.memory_space<hbm>>
      tpu.enqueue_dma source(%dma_start3A_304 : memref<615xi32, #tpu.memory_space<hbm>>) target(%dma_start3A_302 : memref<615xi32, #tpu.memory_space<vmem>>) target_semaphore(%arg27 : memref<!tpu.dma_semaphore, #tpu.memory_space<semaphore_mem>>)
      %dma_start3A_305 = arith.constant 0 : i32
      %dma_start3A_306 = tpu.memref_slice %arg14[%dma_start3A_305] : memref<5760xi32, #tpu.memory_space<vmem>> -> memref<615xi32, #tpu.memory_space<vmem>>
      %dma_start3A_307 = arith.constant 1827232 : i32
      %dma_start3A_308 = tpu.memref_slice %arg4[%dma_start3A_307] : memref<1827847xi32, #tpu.memory_space<hbm>> -> memref<615xi32, #tpu.memory_space<hbm>>
      %dma_start3A_309 = arith.constant 0 : i32
      %dma_start3A_310 = tpu.memref_slice %arg14[%dma_start3A_309] : memref<5760xi32, #tpu.memory_space<vmem>> -> memref<615xi32, #tpu.memory_space<vmem>>
      %dma_start3A_311 = arith.constant 1827232 : i32
      %dma_start3A_312 = tpu.memref_slice %arg4[%dma_start3A_311] : memref<1827847xi32, #tpu.memory_space<hbm>> -> memref<615xi32, #tpu.memory_space<hbm>>
      tpu.enqueue_dma source(%dma_start3A_312 : memref<615xi32, #tpu.memory_space<hbm>>) target(%dma_start3A_310 : memref<615xi32, #tpu.memory_space<vmem>>) target_semaphore(%arg27 : memref<!tpu.dma_semaphore, #tpu.memory_space<semaphore_mem>>)
      %dma_start3A_313 = arith.constant 0 : i32
      %dma_start3A_314 = tpu.memref_slice %arg18[%dma_start3A_313] : memref<5760xf32, #tpu.memory_space<vmem>> -> memref<615xf32, #tpu.memory_space<vmem>>
      %dma_start3A_315 = arith.constant 1827232 : i32
      %dma_start3A_316 = tpu.memref_slice %arg5[%dma_start3A_315] : memref<1827847xf32, #tpu.memory_space<hbm>> -> memref<615xf32, #tpu.memory_space<hbm>>
      %dma_start3A_317 = arith.constant 0 : i32
      %dma_start3A_318 = tpu.memref_slice %arg18[%dma_start3A_317] : memref<5760xf32, #tpu.memory_space<vmem>> -> memref<615xf32, #tpu.memory_space<vmem>>
      %dma_start3A_319 = arith.constant 1827232 : i32
      %dma_start3A_320 = tpu.memref_slice %arg5[%dma_start3A_319] : memref<1827847xf32, #tpu.memory_space<hbm>> -> memref<615xf32, #tpu.memory_space<hbm>>
      tpu.enqueue_dma source(%dma_start3A_320 : memref<615xf32, #tpu.memory_space<hbm>>) target(%dma_start3A_318 : memref<615xf32, #tpu.memory_space<vmem>>) target_semaphore(%arg27 : memref<!tpu.dma_semaphore, #tpu.memory_space<semaphore_mem>>)
    } else {
    }
    %mul3A_21 = arith.constant 16384 : i32
    %mul3A_22 = arith.muli %arg1, %mul3A_21 : i32
    %mul3A_23 = arith.constant 16384 : i32
    %mul3A_24 = arith.muli %arg1, %mul3A_23 : i32
    %dma_start3A = tpu.memref_slice %arg7[%mul3A_24] : memref<262144xf32, #tpu.memory_space<vmem_shared>> -> memref<16384xf32, #tpu.memory_space<vmem_shared>>
    %dma_start3A_25 = tpu.memref_slice %arg2[%mul3A_22] : memref<262144xf32, #tpu.memory_space<hbm>> -> memref<16384xf32, #tpu.memory_space<hbm>>
    tpu.enqueue_dma source(%dma_start3A_25 : memref<16384xf32, #tpu.memory_space<hbm>>) target(%dma_start3A : memref<16384xf32, #tpu.memory_space<vmem_shared>>) target_semaphore(%arg30 : memref<!tpu.dma_semaphore, #tpu.memory_space<semaphore_mem>>)
    %broadcast_in_dim3A = vector.broadcast %add3A : i32 to vector<16xi32>
    %swap3A = arith.constant 5728 : index
    %swap3A_26 = tpu.vector_load %arg9[%swap3A] {strides = array<i32>} : memref<5760xi32, #tpu.memory_space<vmem>>, vector<16xi32>,
    %swap3A_27 = vector.shape_cast %swap3A_26 : vector<16xi32> to vector<16xi32>
    %swap3A_28 = vector.shape_cast %broadcast_in_dim3A : vector<16xi32> to vector<16xi32>
    tpu.vector_store %arg9[%swap3A], %swap3A_28 {strides = array<i32>} : memref<5760xi32, #tpu.memory_space<vmem>>, vector<16xi32>,
    %swap3A_29 = arith.constant 5728 : index
    %swap3A_30 = tpu.vector_load %arg13[%swap3A_29] {strides = array<i32>} : memref<5760xi32, #tpu.memory_space<vmem>>, vector<16xi32>,
    %swap3A_31 = vector.shape_cast %swap3A_30 : vector<16xi32> to vector<16xi32>
    %swap3A_32 = vector.shape_cast %broadcast_in_dim3A : vector<16xi32> to vector<16xi32>
    tpu.vector_store %arg13[%swap3A_29], %swap3A_32 {strides = array<i32>} : memref<5760xi32, #tpu.memory_space<vmem>>, vector<16xi32>,
    %broadcast_in_dim3A_33 = arith.constant 0.000000e+00 : f32
    %broadcast_in_dim3A_34 = vector.broadcast %broadcast_in_dim3A_33 : f32 to vector<16xf32>
    %swap3A_35 = arith.constant 5728 : index
    %swap3A_36 = tpu.vector_load %arg17[%swap3A_35] {strides = array<i32>} : memref<5760xf32, #tpu.memory_space<vmem>>, vector<16xf32>,
    %swap3A_37 = vector.shape_cast %swap3A_36 : vector<16xf32> to vector<16xf32>
    %swap3A_38 = vector.shape_cast %broadcast_in_dim3A_34 : vector<16xf32> to vector<16xf32>
    tpu.vector_store %arg17[%swap3A_35], %swap3A_38 {strides = array<i32>} : memref<5760xf32, #tpu.memory_space<vmem>>, vector<16xf32>,
    %swap3A_39 = arith.constant 5744 : index
    %swap3A_40 = tpu.vector_load %arg9[%swap3A_39] {strides = array<i32>} : memref<5760xi32, #tpu.memory_space<vmem>>, vector<16xi32>,
    %swap3A_41 = vector.shape_cast %swap3A_40 : vector<16xi32> to vector<16xi32>
    %swap3A_42 = vector.shape_cast %broadcast_in_dim3A : vector<16xi32> to vector<16xi32>
    tpu.vector_store %arg9[%swap3A_39], %swap3A_42 {strides = array<i32>} : memref<5760xi32, #tpu.memory_space<vmem>>, vector<16xi32>,
    %swap3A_43 = arith.constant 5744 : index
    %swap3A_44 = tpu.vector_load %arg13[%swap3A_43] {strides = array<i32>} : memref<5760xi32, #tpu.memory_space<vmem>>, vector<16xi32>,
    %swap3A_45 = vector.shape_cast %swap3A_44 : vector<16xi32> to vector<16xi32>
    %swap3A_46 = vector.shape_cast %broadcast_in_dim3A : vector<16xi32> to vector<16xi32>
    tpu.vector_store %arg13[%swap3A_43], %swap3A_46 {strides = array<i32>} : memref<5760xi32, #tpu.memory_space<vmem>>, vector<16xi32>,
    %broadcast_in_dim3A_47 = arith.constant 0.000000e+00 : f32
    %broadcast_in_dim3A_48 = vector.broadcast %broadcast_in_dim3A_47 : f32 to vector<16xf32>
    %swap3A_49 = arith.constant 5744 : index
    %swap3A_50 = tpu.vector_load %arg17[%swap3A_49] {strides = array<i32>} : memref<5760xf32, #tpu.memory_space<vmem>>, vector<16xf32>,
    %swap3A_51 = vector.shape_cast %swap3A_50 : vector<16xf32> to vector<16xf32>
    %swap3A_52 = vector.shape_cast %broadcast_in_dim3A_48 : vector<16xf32> to vector<16xf32>
    tpu.vector_store %arg17[%swap3A_49], %swap3A_52 {strides = array<i32>} : memref<5760xf32, #tpu.memory_space<vmem>>, vector<16xf32>,
    %swap3A_53 = arith.constant 5728 : index
    %swap3A_54 = tpu.vector_load %arg10[%swap3A_53] {strides = array<i32>} : memref<5760xi32, #tpu.memory_space<vmem>>, vector<16xi32>,
    %swap3A_55 = vector.shape_cast %swap3A_54 : vector<16xi32> to vector<16xi32>
    %swap3A_56 = vector.shape_cast %broadcast_in_dim3A : vector<16xi32> to vector<16xi32>
    tpu.vector_store %arg10[%swap3A_53], %swap3A_56 {strides = array<i32>} : memref<5760xi32, #tpu.memory_space<vmem>>, vector<16xi32>,
    %swap3A_57 = arith.constant 5728 : index
    %swap3A_58 = tpu.vector_load %arg14[%swap3A_57] {strides = array<i32>} : memref<5760xi32, #tpu.memory_space<vmem>>, vector<16xi32>,
    %swap3A_59 = vector.shape_cast %swap3A_58 : vector<16xi32> to vector<16xi32>
    %swap3A_60 = vector.shape_cast %broadcast_in_dim3A : vector<16xi32> to vector<16xi32>
    tpu.vector_store %arg14[%swap3A_57], %swap3A_60 {strides = array<i32>} : memref<5760xi32, #tpu.memory_space<vmem>>, vector<16xi32>,
    %broadcast_in_dim3A_61 = arith.constant 0.000000e+00 : f32
    %broadcast_in_dim3A_62 = vector.broadcast %broadcast_in_dim3A_61 : f32 to vector<16xf32>
    %swap3A_63 = arith.constant 5728 : index
    %swap3A_64 = tpu.vector_load %arg18[%swap3A_63] {strides = array<i32>} : memref<5760xf32, #tpu.memory_space<vmem>>, vector<16xf32>,
    %swap3A_65 = vector.shape_cast %swap3A_64 : vector<16xf32> to vector<16xf32>
    %swap3A_66 = vector.shape_cast %broadcast_in_dim3A_62 : vector<16xf32> to vector<16xf32>
    tpu.vector_store %arg18[%swap3A_63], %swap3A_66 {strides = array<i32>} : memref<5760xf32, #tpu.memory_space<vmem>>, vector<16xf32>,
    %swap3A_67 = arith.constant 5744 : index
    %swap3A_68 = tpu.vector_load %arg10[%swap3A_67] {strides = array<i32>} : memref<5760xi32, #tpu.memory_space<vmem>>, vector<16xi32>,
    %swap3A_69 = vector.shape_cast %swap3A_68 : vector<16xi32> to vector<16xi32>
    %swap3A_70 = vector.shape_cast %broadcast_in_dim3A : vector<16xi32> to vector<16xi32>
    tpu.vector_store %arg10[%swap3A_67], %swap3A_70 {strides = array<i32>} : memref<5760xi32, #tpu.memory_space<vmem>>, vector<16xi32>,
    %swap3A_71 = arith.constant 5744 : index
    %swap3A_72 = tpu.vector_load %arg14[%swap3A_71] {strides = array<i32>} : memref<5760xi32, #tpu.memory_space<vmem>>, vector<16xi32>,
    %swap3A_73 = vector.shape_cast %swap3A_72 : vector<16xi32> to vector<16xi32>
    %swap3A_74 = vector.shape_cast %broadcast_in_dim3A : vector<16xi32> to vector<16xi32>
    tpu.vector_store %arg14[%swap3A_71], %swap3A_74 {strides = array<i32>} : memref<5760xi32, #tpu.memory_space<vmem>>, vector<16xi32>,
    %broadcast_in_dim3A_75 = arith.constant 0.000000e+00 : f32
    %broadcast_in_dim3A_76 = vector.broadcast %broadcast_in_dim3A_75 : f32 to vector<16xf32>
    %swap3A_77 = arith.constant 5744 : index
    %swap3A_78 = tpu.vector_load %arg18[%swap3A_77] {strides = array<i32>} : memref<5760xf32, #tpu.memory_space<vmem>>, vector<16xf32>,
    %swap3A_79 = vector.shape_cast %swap3A_78 : vector<16xf32> to vector<16xf32>
    %swap3A_80 = vector.shape_cast %broadcast_in_dim3A_76 : vector<16xf32> to vector<16xf32>
    tpu.vector_store %arg18[%swap3A_77], %swap3A_80 {strides = array<i32>} : memref<5760xf32, #tpu.memory_space<vmem>>, vector<16xf32>,
    %swap3A_81 = arith.constant 5728 : index
    %swap3A_82 = tpu.vector_load %arg11[%swap3A_81] {strides = array<i32>} : memref<5760xi32, #tpu.memory_space<vmem>>, vector<16xi32>,
    %swap3A_83 = vector.shape_cast %swap3A_82 : vector<16xi32> to vector<16xi32>
    %swap3A_84 = vector.shape_cast %broadcast_in_dim3A : vector<16xi32> to vector<16xi32>
    tpu.vector_store %arg11[%swap3A_81], %swap3A_84 {strides = array<i32>} : memref<5760xi32, #tpu.memory_space<vmem>>, vector<16xi32>,
    %swap3A_85 = arith.constant 5728 : index
    %swap3A_86 = tpu.vector_load %arg15[%swap3A_85] {strides = array<i32>} : memref<5760xi32, #tpu.memory_space<vmem>>, vector<16xi32>,
    %swap3A_87 = vector.shape_cast %swap3A_86 : vector<16xi32> to vector<16xi32>
    %swap3A_88 = vector.shape_cast %broadcast_in_dim3A : vector<16xi32> to vector<16xi32>
    tpu.vector_store %arg15[%swap3A_85], %swap3A_88 {strides = array<i32>} : memref<5760xi32, #tpu.memory_space<vmem>>, vector<16xi32>,
    %broadcast_in_dim3A_89 = arith.constant 0.000000e+00 : f32
    %broadcast_in_dim3A_90 = vector.broadcast %broadcast_in_dim3A_89 : f32 to vector<16xf32>
    %swap3A_91 = arith.constant 5728 : index
    %swap3A_92 = tpu.vector_load %arg19[%swap3A_91] {strides = array<i32>} : memref<5760xf32, #tpu.memory_space<vmem>>, vector<16xf32>,
    %swap3A_93 = vector.shape_cast %swap3A_92 : vector<16xf32> to vector<16xf32>
    %swap3A_94 = vector.shape_cast %broadcast_in_dim3A_90 : vector<16xf32> to vector<16xf32>
    tpu.vector_store %arg19[%swap3A_91], %swap3A_94 {strides = array<i32>} : memref<5760xf32, #tpu.memory_space<vmem>>, vector<16xf32>,
    %swap3A_95 = arith.constant 5744 : index
    %swap3A_96 = tpu.vector_load %arg11[%swap3A_95] {strides = array<i32>} : memref<5760xi32, #tpu.memory_space<vmem>>, vector<16xi32>,
    %swap3A_97 = vector.shape_cast %swap3A_96 : vector<16xi32> to vector<16xi32>
    %swap3A_98 = vector.shape_cast %broadcast_in_dim3A : vector<16xi32> to vector<16xi32>
    tpu.vector_store %arg11[%swap3A_95], %swap3A_98 {strides = array<i32>} : memref<5760xi32, #tpu.memory_space<vmem>>, vector<16xi32>,
    %swap3A_99 = arith.constant 5744 : index
    %swap3A_100 = tpu.vector_load %arg15[%swap3A_99] {strides = array<i32>} : memref<5760xi32, #tpu.memory_space<vmem>>, vector<16xi32>,
    %swap3A_101 = vector.shape_cast %swap3A_100 : vector<16xi32> to vector<16xi32>
    %swap3A_102 = vector.shape_cast %broadcast_in_dim3A : vector<16xi32> to vector<16xi32>
    tpu.vector_store %arg15[%swap3A_99], %swap3A_102 {strides = array<i32>} : memref<5760xi32, #tpu.memory_space<vmem>>, vector<16xi32>,
    %broadcast_in_dim3A_103 = arith.constant 0.000000e+00 : f32
    %broadcast_in_dim3A_104 = vector.broadcast %broadcast_in_dim3A_103 : f32 to vector<16xf32>
    %swap3A_105 = arith.constant 5744 : index
    %swap3A_106 = tpu.vector_load %arg19[%swap3A_105] {strides = array<i32>} : memref<5760xf32, #tpu.memory_space<vmem>>, vector<16xf32>,
    %swap3A_107 = vector.shape_cast %swap3A_106 : vector<16xf32> to vector<16xf32>
    %swap3A_108 = vector.shape_cast %broadcast_in_dim3A_104 : vector<16xf32> to vector<16xf32>
    tpu.vector_store %arg19[%swap3A_105], %swap3A_108 {strides = array<i32>} : memref<5760xf32, #tpu.memory_space<vmem>>, vector<16xf32>,
    %swap3A_109 = arith.constant 5728 : index
    %swap3A_110 = tpu.vector_load %arg12[%swap3A_109] {strides = array<i32>} : memref<5760xi32, #tpu.memory_space<vmem>>, vector<16xi32>,
    %swap3A_111 = vector.shape_cast %swap3A_110 : vector<16xi32> to vector<16xi32>
    %swap3A_112 = vector.shape_cast %broadcast_in_dim3A : vector<16xi32> to vector<16xi32>
    tpu.vector_store %arg12[%swap3A_109], %swap3A_112 {strides = array<i32>} : memref<5760xi32, #tpu.memory_space<vmem>>, vector<16xi32>,
    %swap3A_113 = arith.constant 5728 : index
    %swap3A_114 = tpu.vector_load %arg16[%swap3A_113] {strides = array<i32>} : memref<5760xi32, #tpu.memory_space<vmem>>, vector<16xi32>,
    %swap3A_115 = vector.shape_cast %swap3A_114 : vector<16xi32> to vector<16xi32>
    %swap3A_116 = vector.shape_cast %broadcast_in_dim3A : vector<16xi32> to vector<16xi32>
    tpu.vector_store %arg16[%swap3A_113], %swap3A_116 {strides = array<i32>} : memref<5760xi32, #tpu.memory_space<vmem>>, vector<16xi32>,
    %broadcast_in_dim3A_117 = arith.constant 0.000000e+00 : f32
    %broadcast_in_dim3A_118 = vector.broadcast %broadcast_in_dim3A_117 : f32 to vector<16xf32>
    %swap3A_119 = arith.constant 5728 : index
    %swap3A_120 = tpu.vector_load %arg20[%swap3A_119] {strides = array<i32>} : memref<5760xf32, #tpu.memory_space<vmem>>, vector<16xf32>,
    %swap3A_121 = vector.shape_cast %swap3A_120 : vector<16xf32> to vector<16xf32>
    %swap3A_122 = vector.shape_cast %broadcast_in_dim3A_118 : vector<16xf32> to vector<16xf32>
    tpu.vector_store %arg20[%swap3A_119], %swap3A_122 {strides = array<i32>} : memref<5760xf32, #tpu.memory_space<vmem>>, vector<16xf32>,
    %swap3A_123 = arith.constant 5744 : index
    %swap3A_124 = tpu.vector_load %arg12[%swap3A_123] {strides = array<i32>} : memref<5760xi32, #tpu.memory_space<vmem>>, vector<16xi32>,
    %swap3A_125 = vector.shape_cast %swap3A_124 : vector<16xi32> to vector<16xi32>
    %swap3A_126 = vector.shape_cast %broadcast_in_dim3A : vector<16xi32> to vector<16xi32>
    tpu.vector_store %arg12[%swap3A_123], %swap3A_126 {strides = array<i32>} : memref<5760xi32, #tpu.memory_space<vmem>>, vector<16xi32>,
    %swap3A_127 = arith.constant 5744 : index
    %swap3A_128 = tpu.vector_load %arg16[%swap3A_127] {strides = array<i32>} : memref<5760xi32, #tpu.memory_space<vmem>>, vector<16xi32>,
    %swap3A_129 = vector.shape_cast %swap3A_128 : vector<16xi32> to vector<16xi32>
    %swap3A_130 = vector.shape_cast %broadcast_in_dim3A : vector<16xi32> to vector<16xi32>
    tpu.vector_store %arg16[%swap3A_127], %swap3A_130 {strides = array<i32>} : memref<5760xi32, #tpu.memory_space<vmem>>, vector<16xi32>,
    %broadcast_in_dim3A_131 = arith.constant 0.000000e+00 : f32
    %broadcast_in_dim3A_132 = vector.broadcast %broadcast_in_dim3A_131 : f32 to vector<16xf32>
    %swap3A_133 = arith.constant 5744 : index
    %swap3A_134 = tpu.vector_load %arg20[%swap3A_133] {strides = array<i32>} : memref<5760xf32, #tpu.memory_space<vmem>>, vector<16xf32>,
    %swap3A_135 = vector.shape_cast %swap3A_134 : vector<16xf32> to vector<16xf32>
    %swap3A_136 = vector.shape_cast %broadcast_in_dim3A_132 : vector<16xf32> to vector<16xf32>
    tpu.vector_store %arg20[%swap3A_133], %swap3A_136 {strides = array<i32>} : memref<5760xf32, #tpu.memory_space<vmem>>, vector<16xf32>,
    %mul3A_137 = arith.constant 16384 : i32
    %mul3A_138 = arith.muli %arg1, %mul3A_137 : i32
    %mul3A_139 = arith.constant 16384 : i32
    %mul3A_140 = arith.muli %arg1, %mul3A_139 : i32
    %dma_wait3A = tpu.memref_slice %arg7[%mul3A_140] : memref<262144xf32, #tpu.memory_space<vmem_shared>> -> memref<16384xf32, #tpu.memory_space<vmem_shared>>
    %dma_wait3A_141 = tpu.memref_slice %arg2[%mul3A_138] : memref<262144xf32, #tpu.memory_space<hbm>> -> memref<16384xf32, #tpu.memory_space<hbm>>
    tpu.wait_dma2 semaphore(%arg30 : memref<!tpu.dma_semaphore, #tpu.memory_space<semaphore_mem>>) src(%dma_wait3A_141 : memref<16384xf32, #tpu.memory_space<hbm>>) dst(%dma_wait3A : memref<16384xf32, #tpu.memory_space<vmem_shared>>)
    %barrier3A = arith.constant 0 : index
    tpu.barrier barrier_id(%barrier3A)
    %add3A_142 = arith.constant 0 : i32
    %add3A_143 = arith.addi %add3A_142, %add3A : i32
    %lt3A_144 = arith.constant 319 : i32
    %lt3A_145 = arith.cmpi slt, %add3A_143, %lt3A_144 : i32
    %convert_element_type3A_146 = arith.extui %lt3A_145 : i1 to i32
    %cond3A_147 = arith.constant 0 : i32
    %cond3A_148 = arith.cmpi ne, %convert_element_type3A_146, %cond3A_147 : i32
    scf.if %cond3A_148 {
      %dma_wait3A_297 = arith.constant 0 : i32
      %dma_wait3A_298 = tpu.memref_slice %arg9[%dma_wait3A_297] : memref<5760xi32, #tpu.memory_space<vmem>> -> memref<5728xi32, #tpu.memory_space<vmem>>
      %dma_wait3A_299 = arith.constant 0 : i32
      %dma_wait3A_300 = tpu.memref_slice %arg3[%dma_wait3A_299] : memref<1827847xi32, #tpu.memory_space<hbm>> -> memref<5728xi32, #tpu.memory_space<hbm>>
      %dma_wait3A_301 = arith.constant 0 : i32
      %dma_wait3A_302 = tpu.memref_slice %arg9[%dma_wait3A_301] : memref<5760xi32, #tpu.memory_space<vmem>> -> memref<5728xi32, #tpu.memory_space<vmem>>
      %dma_wait3A_303 = arith.constant 0 : i32
      %dma_wait3A_304 = tpu.memref_slice %arg3[%dma_wait3A_303] : memref<1827847xi32, #tpu.memory_space<hbm>> -> memref<5728xi32, #tpu.memory_space<hbm>>
      tpu.wait_dma2 semaphore(%arg26 : memref<!tpu.dma_semaphore, #tpu.memory_space<semaphore_mem>>) src(%dma_wait3A_304 : memref<5728xi32, #tpu.memory_space<hbm>>) dst(%dma_wait3A_302 : memref<5728xi32, #tpu.memory_space<vmem>>)
      %dma_wait3A_305 = arith.constant 0 : i32
      %dma_wait3A_306 = tpu.memref_slice %arg13[%dma_wait3A_305] : memref<5760xi32, #tpu.memory_space<vmem>> -> memref<5728xi32, #tpu.memory_space<vmem>>
      %dma_wait3A_307 = arith.constant 0 : i32
      %dma_wait3A_308 = tpu.memref_slice %arg4[%dma_wait3A_307] : memref<1827847xi32, #tpu.memory_space<hbm>> -> memref<5728xi32, #tpu.memory_space<hbm>>
      %dma_wait3A_309 = arith.constant 0 : i32
      %dma_wait3A_310 = tpu.memref_slice %arg13[%dma_wait3A_309] : memref<5760xi32, #tpu.memory_space<vmem>> -> memref<5728xi32, #tpu.memory_space<vmem>>
      %dma_wait3A_311 = arith.constant 0 : i32
      %dma_wait3A_312 = tpu.memref_slice %arg4[%dma_wait3A_311] : memref<1827847xi32, #tpu.memory_space<hbm>> -> memref<5728xi32, #tpu.memory_space<hbm>>
      tpu.wait_dma2 semaphore(%arg26 : memref<!tpu.dma_semaphore, #tpu.memory_space<semaphore_mem>>) src(%dma_wait3A_312 : memref<5728xi32, #tpu.memory_space<hbm>>) dst(%dma_wait3A_310 : memref<5728xi32, #tpu.memory_space<vmem>>)
      %dma_wait3A_313 = arith.constant 0 : i32
      %dma_wait3A_314 = tpu.memref_slice %arg17[%dma_wait3A_313] : memref<5760xf32, #tpu.memory_space<vmem>> -> memref<5728xf32, #tpu.memory_space<vmem>>
      %dma_wait3A_315 = arith.constant 0 : i32
      %dma_wait3A_316 = tpu.memref_slice %arg5[%dma_wait3A_315] : memref<1827847xf32, #tpu.memory_space<hbm>> -> memref<5728xf32, #tpu.memory_space<hbm>>
      %dma_wait3A_317 = arith.constant 0 : i32
      %dma_wait3A_318 = tpu.memref_slice %arg17[%dma_wait3A_317] : memref<5760xf32, #tpu.memory_space<vmem>> -> memref<5728xf32, #tpu.memory_space<vmem>>
      %dma_wait3A_319 = arith.constant 0 : i32
      %dma_wait3A_320 = tpu.memref_slice %arg5[%dma_wait3A_319] : memref<1827847xf32, #tpu.memory_space<hbm>> -> memref<5728xf32, #tpu.memory_space<hbm>>
      tpu.wait_dma2 semaphore(%arg26 : memref<!tpu.dma_semaphore, #tpu.memory_space<semaphore_mem>>) src(%dma_wait3A_320 : memref<5728xf32, #tpu.memory_space<hbm>>) dst(%dma_wait3A_318 : memref<5728xf32, #tpu.memory_space<vmem>>)
    } else {
    }
    %eq3A_149 = arith.constant 319 : i32
    %eq3A_150 = arith.cmpi eq, %add3A_143, %eq3A_149 : i32
    %convert_element_type3A_151 = arith.extui %eq3A_150 : i1 to i32
    %cond3A_152 = arith.constant 0 : i32
    %cond3A_153 = arith.cmpi ne, %convert_element_type3A_151, %cond3A_152 : i32
    scf.if %cond3A_153 {
      %dma_wait3A_297 = arith.constant 0 : i32
      %dma_wait3A_298 = tpu.memref_slice %arg9[%dma_wait3A_297] : memref<5760xi32, #tpu.memory_space<vmem>> -> memref<615xi32, #tpu.memory_space<vmem>>
      %dma_wait3A_299 = arith.constant 0 : i32
      %dma_wait3A_300 = tpu.memref_slice %arg3[%dma_wait3A_299] : memref<1827847xi32, #tpu.memory_space<hbm>> -> memref<615xi32, #tpu.memory_space<hbm>>
      %dma_wait3A_301 = arith.constant 0 : i32
      %dma_wait3A_302 = tpu.memref_slice %arg9[%dma_wait3A_301] : memref<5760xi32, #tpu.memory_space<vmem>> -> memref<615xi32, #tpu.memory_space<vmem>>
      %dma_wait3A_303 = arith.constant 0 : i32
      %dma_wait3A_304 = tpu.memref_slice %arg3[%dma_wait3A_303] : memref<1827847xi32, #tpu.memory_space<hbm>> -> memref<615xi32, #tpu.memory_space<hbm>>
      tpu.wait_dma2 semaphore(%arg26 : memref<!tpu.dma_semaphore, #tpu.memory_space<semaphore_mem>>) src(%dma_wait3A_304 : memref<615xi32, #tpu.memory_space<hbm>>) dst(%dma_wait3A_302 : memref<615xi32, #tpu.memory_space<vmem>>)
      %dma_wait3A_305 = arith.constant 0 : i32
      %dma_wait3A_306 = tpu.memref_slice %arg13[%dma_wait3A_305] : memref<5760xi32, #tpu.memory_space<vmem>> -> memref<615xi32, #tpu.memory_space<vmem>>
      %dma_wait3A_307 = arith.constant 0 : i32
      %dma_wait3A_308 = tpu.memref_slice %arg4[%dma_wait3A_307] : memref<1827847xi32, #tpu.memory_space<hbm>> -> memref<615xi32, #tpu.memory_space<hbm>>
      %dma_wait3A_309 = arith.constant 0 : i32
      %dma_wait3A_310 = tpu.memref_slice %arg13[%dma_wait3A_309] : memref<5760xi32, #tpu.memory_space<vmem>> -> memref<615xi32, #tpu.memory_space<vmem>>
      %dma_wait3A_311 = arith.constant 0 : i32
      %dma_wait3A_312 = tpu.memref_slice %arg4[%dma_wait3A_311] : memref<1827847xi32, #tpu.memory_space<hbm>> -> memref<615xi32, #tpu.memory_space<hbm>>
      tpu.wait_dma2 semaphore(%arg26 : memref<!tpu.dma_semaphore, #tpu.memory_space<semaphore_mem>>) src(%dma_wait3A_312 : memref<615xi32, #tpu.memory_space<hbm>>) dst(%dma_wait3A_310 : memref<615xi32, #tpu.memory_space<vmem>>)
      %dma_wait3A_313 = arith.constant 0 : i32
      %dma_wait3A_314 = tpu.memref_slice %arg17[%dma_wait3A_313] : memref<5760xf32, #tpu.memory_space<vmem>> -> memref<615xf32, #tpu.memory_space<vmem>>
      %dma_wait3A_315 = arith.constant 0 : i32
      %dma_wait3A_316 = tpu.memref_slice %arg5[%dma_wait3A_315] : memref<1827847xf32, #tpu.memory_space<hbm>> -> memref<615xf32, #tpu.memory_space<hbm>>
      %dma_wait3A_317 = arith.constant 0 : i32
      %dma_wait3A_318 = tpu.memref_slice %arg17[%dma_wait3A_317] : memref<5760xf32, #tpu.memory_space<vmem>> -> memref<615xf32, #tpu.memory_space<vmem>>
      %dma_wait3A_319 = arith.constant 0 : i32
      %dma_wait3A_320 = tpu.memref_slice %arg5[%dma_wait3A_319] : memref<1827847xf32, #tpu.memory_space<hbm>> -> memref<615xf32, #tpu.memory_space<hbm>>
      tpu.wait_dma2 semaphore(%arg26 : memref<!tpu.dma_semaphore, #tpu.memory_space<semaphore_mem>>) src(%dma_wait3A_320 : memref<615xf32, #tpu.memory_space<hbm>>) dst(%dma_wait3A_318 : memref<615xf32, #tpu.memory_space<vmem>>)
    } else {
    }
    %dma_start3A_154 = arith.constant 0 : i32
    %dma_start3A_155 = tpu.memref_slice %arg21[%dma_start3A_154] : memref<5760xf32, #tpu.memory_space<vmem>> -> memref<2880xf32, #tpu.memory_space<vmem>>
    %dma_start3A_156 = arith.constant 0 : i32
    %dma_start3A_157 = tpu.memref_slice %arg13[%dma_start3A_156] : memref<5760xi32, #tpu.memory_space<vmem>> -> memref<2880xi32, #tpu.memory_space<vmem>>
    %dma_start3A_158 = arith.constant 0 : i32
    %dma_start3A_159 = tpu.memref_slice %arg7[%dma_start3A_158] : memref<262144xf32, #tpu.memory_space<vmem_shared>> -> memref<262144xf32, #tpu.memory_space<vmem_shared>>
    tpu.enqueue_indirect_dma source(%dma_start3A_159 : memref<262144xf32, #tpu.memory_space<vmem_shared>>) target(%dma_start3A_155 : memref<2880xf32, #tpu.memory_space<vmem>>) offsets(%dma_start3A_157 : memref<2880xi32, #tpu.memory_space<vmem>>) semaphore(%arg30 : memref<!tpu.dma_semaphore, #tpu.memory_space<semaphore_mem>>)
    %dma_start3A_160 = arith.constant 2880 : i32
    %dma_start3A_161 = tpu.memref_slice %arg21[%dma_start3A_160] : memref<5760xf32, #tpu.memory_space<vmem>> -> memref<2880xf32, #tpu.memory_space<vmem>>
    %dma_start3A_162 = arith.constant 2880 : i32
    %dma_start3A_163 = tpu.memref_slice %arg13[%dma_start3A_162] : memref<5760xi32, #tpu.memory_space<vmem>> -> memref<2880xi32, #tpu.memory_space<vmem>>
    %dma_start3A_164 = arith.constant 0 : i32
    %dma_start3A_165 = tpu.memref_slice %arg7[%dma_start3A_164] : memref<262144xf32, #tpu.memory_space<vmem_shared>> -> memref<262144xf32, #tpu.memory_space<vmem_shared>>
    tpu.enqueue_indirect_dma source(%dma_start3A_165 : memref<262144xf32, #tpu.memory_space<vmem_shared>>) target(%dma_start3A_161 : memref<2880xf32, #tpu.memory_space<vmem>>) offsets(%dma_start3A_163 : memref<2880xi32, #tpu.memory_space<vmem>>) semaphore(%arg34 : memref<!tpu.dma_semaphore, #tpu.memory_space<semaphore_mem>>)
    %scan3A = arith.constant 0 : i32
    %scan3A_166 = arith.constant 0 : i32
    %scan3A_167 = arith.constant 256 : i32
    %scan3A_168 = arith.addi %scan3A_166, %scan3A_167 : i32
    %scan3A_169 = arith.constant 1 : i32
    %scan3A_170 = scf.for %scan3A_297 = %scan3A_166 to %scan3A_168 step %scan3A_169 iter_args(%scan3A_298 = %scan3A) -> (i32)  : i32 {
      %broadcast_in_dim3A_299 = arith.constant 0.000000e+00 : f32
      %broadcast_in_dim3A_300 = vector.broadcast %broadcast_in_dim3A_299 : f32 to vector<16xf32>
      %mul3A_301 = arith.constant 16 : i32
      %mul3A_302 = arith.muli %scan3A_297, %mul3A_301 : i32
      %swap3A_303 = arith.index_cast %mul3A_302 : i32 to index
      %swap3A_304 = tpu.vector_load %arg25[%swap3A_303] {strides = array<i32>} : memref<4096xf32, #tpu.memory_space<vmem>>, vector<16xf32>,
      %swap3A_305 = vector.shape_cast %swap3A_304 : vector<16xf32> to vector<16xf32>
      %swap3A_306 = vector.shape_cast %broadcast_in_dim3A_300 : vector<16xf32> to vector<16xf32>
      tpu.vector_store %arg25[%swap3A_303], %swap3A_306 {strides = array<i32>} : memref<4096xf32, #tpu.memory_space<vmem>>, vector<16xf32>,
      %scan3A_307 = arith.constant 0 : i32
      scf.yield %scan3A_307 : i32
    }
    %scan3A_171 = arith.constant 256 : i32
    %scan3A_172 = arith.constant 0 : i32
    %scan3A_173 = arith.constant 0 : i32
    %scan3A_174 = arith.constant 4 : i32
    %scan3A_175 = arith.addi %scan3A_173, %scan3A_174 : i32
    %scan3A_176 = arith.constant 1 : i32
    %scan3A_177 = scf.for %scan3A_297 = %scan3A_173 to %scan3A_175 step %scan3A_176 iter_args(%scan3A_298 = %scan3A_172) -> (i32)  : i32 {
      %mul3A_299 = arith.constant 16384 : i32
      %mul3A_300 = arith.muli %arg1, %mul3A_299 : i32
      %mul3A_301 = arith.constant 4096 : i32
      %mul3A_302 = arith.muli %scan3A_297, %mul3A_301 : i32
      %add3A_303 = arith.addi %mul3A_300, %mul3A_302 : i32
      "tpu.region"() ({
        %run_scoped3A = tpu.sem_alloc : memref<!tpu.dma_semaphore, #tpu.memory_space<semaphore_mem>>
        %dma_start3A_305 = tpu.memref_slice %arg8[%add3A_303] : memref<262144xf32, #tpu.memory_space<vmem_shared>> -> memref<4096xf32, #tpu.memory_space<vmem_shared>>
        %dma_start3A_306 = tpu.memref_slice %arg8[%add3A_303] : memref<262144xf32, #tpu.memory_space<vmem_shared>> -> memref<4096xf32, #tpu.memory_space<vmem_shared>>
        tpu.enqueue_dma source(%arg25 : memref<4096xf32, #tpu.memory_space<vmem>>) target(%dma_start3A_306 : memref<4096xf32, #tpu.memory_space<vmem_shared>>) target_semaphore(%run_scoped3A : memref<!tpu.dma_semaphore, #tpu.memory_space<semaphore_mem>>)
        %dma_wait3A_307 = tpu.memref_slice %arg8[%add3A_303] : memref<262144xf32, #tpu.memory_space<vmem_shared>> -> memref<4096xf32, #tpu.memory_space<vmem_shared>>
        %dma_wait3A_308 = tpu.memref_slice %arg8[%add3A_303] : memref<262144xf32, #tpu.memory_space<vmem_shared>> -> memref<4096xf32, #tpu.memory_space<vmem_shared>>
        tpu.wait_dma2 semaphore(%run_scoped3A : memref<!tpu.dma_semaphore, #tpu.memory_space<semaphore_mem>>) src(%arg25 : memref<4096xf32, #tpu.memory_space<vmem>>) dst(%dma_wait3A_308 : memref<4096xf32, #tpu.memory_space<vmem_shared>>)
        tpu.yield
      }) : () -> ()
      %scan3A_304 = arith.constant 0 : i32
      scf.yield %scan3A_304 : i32
    }
    %scan3A_178 = arith.constant 4 : i32
    %barrier3A_179 = arith.constant 0 : index
    tpu.barrier barrier_id(%barrier3A_179)
    %scan3A_180 = arith.constant 0 : i32
    %scan3A_181 = arith.constant 0 : i32
    %scan3A_182 = arith.constant 2 : i32
    %scan3A_183 = arith.addi %scan3A_181, %scan3A_182 : i32
    %scan3A_184 = arith.constant 1 : i32
    %scan3A_185 = scf.for %scan3A_297 = %scan3A_181 to %scan3A_183 step %scan3A_184 iter_args(%scan3A_298 = %scan3A_180) -> (i32)  : i32 {
      %mul3A_299 = arith.constant 4 : i32
      %mul3A_300 = arith.muli %scan3A_297, %mul3A_299 : i32
      %add3A_301 = arith.constant 0 : i32
      %add3A_302 = arith.addi %mul3A_300, %add3A_301 : i32
      %ge3A = arith.constant 2 : i32
      %ge3A_303 = arith.cmpi sge, %add3A_302, %ge3A : i32
      %convert_element_type3A_304 = arith.extui %ge3A_303 : i1 to i32
      %cond3A_305 = arith.constant 0 : i32
      %cond3A_306 = arith.cmpi ne, %convert_element_type3A_304, %cond3A_305 : i32
      scf.if %cond3A_306 {
        %dma_wait3A_647 = arith.constant 0 : i32
        %dma_wait3A_648 = tpu.memref_slice %arg8[%dma_wait3A_647] : memref<262144xf32, #tpu.memory_space<vmem_shared>> -> memref<262144xf32, #tpu.memory_space<vmem_shared>>
        tpu.wait_indirect_dma semaphore(%arg40 : memref<!tpu.dma_semaphore, #tpu.memory_space<semaphore_mem>>) src(%arg23 : memref<5760xf32, #tpu.memory_space<vmem>>) dst(%dma_wait3A_648 : memref<262144xf32, #tpu.memory_space<vmem_shared>>)
      } else {
      }
      %add3A_307 = arith.constant 2 : i32
      %add3A_308 = arith.addi %add3A_302, %add3A_307 : i32
      %mul3A_309 = arith.constant 32 : i32
      %mul3A_310 = arith.muli %add3A_308, %mul3A_309 : i32
      %add3A_311 = arith.addi %mul3A_310, %add3A : i32
      %lt3A_312 = arith.constant 319 : i32
      %lt3A_313 = arith.cmpi slt, %add3A_311, %lt3A_312 : i32
      %convert_element_type3A_314 = arith.extui %lt3A_313 : i1 to i32
      %cond3A_315 = arith.constant 0 : i32
      %cond3A_316 = arith.cmpi ne, %convert_element_type3A_314, %cond3A_315 : i32
      scf.if %cond3A_316 {
        %mul3A_647 = arith.constant 5728 : i32
        %mul3A_648 = arith.muli %add3A_311, %mul3A_647 : i32
        %dma_start3A_649 = arith.constant 0 : i32
        %dma_start3A_650 = tpu.memref_slice %arg11[%dma_start3A_649] : memref<5760xi32, #tpu.memory_space<vmem>> -> memref<5728xi32, #tpu.memory_space<vmem>>
        %dma_start3A_651 = tpu.memref_slice %arg3[%mul3A_648] : memref<1827847xi32, #tpu.memory_space<hbm>> -> memref<5728xi32, #tpu.memory_space<hbm>>
        %dma_start3A_652 = arith.constant 0 : i32
        %dma_start3A_653 = tpu.memref_slice %arg11[%dma_start3A_652] : memref<5760xi32, #tpu.memory_space<vmem>> -> memref<5728xi32, #tpu.memory_space<vmem>>
        %dma_start3A_654 = tpu.memref_slice %arg3[%mul3A_648] : memref<1827847xi32, #tpu.memory_space<hbm>> -> memref<5728xi32, #tpu.memory_space<hbm>>
        tpu.enqueue_dma source(%dma_start3A_654 : memref<5728xi32, #tpu.memory_space<hbm>>) target(%dma_start3A_653 : memref<5728xi32, #tpu.memory_space<vmem>>) target_semaphore(%arg28 : memref<!tpu.dma_semaphore, #tpu.memory_space<semaphore_mem>>)
        %dma_start3A_655 = arith.constant 0 : i32
        %dma_start3A_656 = tpu.memref_slice %arg15[%dma_start3A_655] : memref<5760xi32, #tpu.memory_space<vmem>> -> memref<5728xi32, #tpu.memory_space<vmem>>
        %dma_start3A_657 = tpu.memref_slice %arg4[%mul3A_648] : memref<1827847xi32, #tpu.memory_space<hbm>> -> memref<5728xi32, #tpu.memory_space<hbm>>
        %dma_start3A_658 = arith.constant 0 : i32
        %dma_start3A_659 = tpu.memref_slice %arg15[%dma_start3A_658] : memref<5760xi32, #tpu.memory_space<vmem>> -> memref<5728xi32, #tpu.memory_space<vmem>>
        %dma_start3A_660 = tpu.memref_slice %arg4[%mul3A_648] : memref<1827847xi32, #tpu.memory_space<hbm>> -> memref<5728xi32, #tpu.memory_space<hbm>>
        tpu.enqueue_dma source(%dma_start3A_660 : memref<5728xi32, #tpu.memory_space<hbm>>) target(%dma_start3A_659 : memref<5728xi32, #tpu.memory_space<vmem>>) target_semaphore(%arg28 : memref<!tpu.dma_semaphore, #tpu.memory_space<semaphore_mem>>)
        %dma_start3A_661 = arith.constant 0 : i32
        %dma_start3A_662 = tpu.memref_slice %arg19[%dma_start3A_661] : memref<5760xf32, #tpu.memory_space<vmem>> -> memref<5728xf32, #tpu.memory_space<vmem>>
        %dma_start3A_663 = tpu.memref_slice %arg5[%mul3A_648] : memref<1827847xf32, #tpu.memory_space<hbm>> -> memref<5728xf32, #tpu.memory_space<hbm>>
        %dma_start3A_664 = arith.constant 0 : i32
        %dma_start3A_665 = tpu.memref_slice %arg19[%dma_start3A_664] : memref<5760xf32, #tpu.memory_space<vmem>> -> memref<5728xf32, #tpu.memory_space<vmem>>
        %dma_start3A_666 = tpu.memref_slice %arg5[%mul3A_648] : memref<1827847xf32, #tpu.memory_space<hbm>> -> memref<5728xf32, #tpu.memory_space<hbm>>
        tpu.enqueue_dma source(%dma_start3A_666 : memref<5728xf32, #tpu.memory_space<hbm>>) target(%dma_start3A_665 : memref<5728xf32, #tpu.memory_space<vmem>>) target_semaphore(%arg28 : memref<!tpu.dma_semaphore, #tpu.memory_space<semaphore_mem>>)
      } else {
      }
      %eq3A_317 = arith.constant 319 : i32
      %eq3A_318 = arith.cmpi eq, %add3A_311, %eq3A_317 : i32
      %convert_element_type3A_319 = arith.extui %eq3A_318 : i1 to i32
      %cond3A_320 = arith.constant 0 : i32
      %cond3A_321 = arith.cmpi ne, %convert_element_type3A_319, %cond3A_320 : i32
      scf.if %cond3A_321 {
        %dma_start3A_647 = arith.constant 0 : i32
        %dma_start3A_648 = tpu.memref_slice %arg11[%dma_start3A_647] : memref<5760xi32, #tpu.memory_space<vmem>> -> memref<615xi32, #tpu.memory_space<vmem>>
        %dma_start3A_649 = arith.constant 1827232 : i32
        %dma_start3A_650 = tpu.memref_slice %arg3[%dma_start3A_649] : memref<1827847xi32, #tpu.memory_space<hbm>> -> memref<615xi32, #tpu.memory_space<hbm>>
        %dma_start3A_651 = arith.constant 0 : i32
        %dma_start3A_652 = tpu.memref_slice %arg11[%dma_start3A_651] : memref<5760xi32, #tpu.memory_space<vmem>> -> memref<615xi32, #tpu.memory_space<vmem>>
        %dma_start3A_653 = arith.constant 1827232 : i32
        %dma_start3A_654 = tpu.memref_slice %arg3[%dma_start3A_653] : memref<1827847xi32, #tpu.memory_space<hbm>> -> memref<615xi32, #tpu.memory_space<hbm>>
        tpu.enqueue_dma source(%dma_start3A_654 : memref<615xi32, #tpu.memory_space<hbm>>) target(%dma_start3A_652 : memref<615xi32, #tpu.memory_space<vmem>>) target_semaphore(%arg28 : memref<!tpu.dma_semaphore, #tpu.memory_space<semaphore_mem>>)
        %dma_start3A_655 = arith.constant 0 : i32
        %dma_start3A_656 = tpu.memref_slice %arg15[%dma_start3A_655] : memref<5760xi32, #tpu.memory_space<vmem>> -> memref<615xi32, #tpu.memory_space<vmem>>
        %dma_start3A_657 = arith.constant 1827232 : i32
        %dma_start3A_658 = tpu.memref_slice %arg4[%dma_start3A_657] : memref<1827847xi32, #tpu.memory_space<hbm>> -> memref<615xi32, #tpu.memory_space<hbm>>
        %dma_start3A_659 = arith.constant 0 : i32
        %dma_start3A_660 = tpu.memref_slice %arg15[%dma_start3A_659] : memref<5760xi32, #tpu.memory_space<vmem>> -> memref<615xi32, #tpu.memory_space<vmem>>
        %dma_start3A_661 = arith.constant 1827232 : i32
        %dma_start3A_662 = tpu.memref_slice %arg4[%dma_start3A_661] : memref<1827847xi32, #tpu.memory_space<hbm>> -> memref<615xi32, #tpu.memory_space<hbm>>
        tpu.enqueue_dma source(%dma_start3A_662 : memref<615xi32, #tpu.memory_space<hbm>>) target(%dma_start3A_660 : memref<615xi32, #tpu.memory_space<vmem>>) target_semaphore(%arg28 : memref<!tpu.dma_semaphore, #tpu.memory_space<semaphore_mem>>)
        %dma_start3A_663 = arith.constant 0 : i32
        %dma_start3A_664 = tpu.memref_slice %arg19[%dma_start3A_663] : memref<5760xf32, #tpu.memory_space<vmem>> -> memref<615xf32, #tpu.memory_space<vmem>>
        %dma_start3A_665 = arith.constant 1827232 : i32
        %dma_start3A_666 = tpu.memref_slice %arg5[%dma_start3A_665] : memref<1827847xf32, #tpu.memory_space<hbm>> -> memref<615xf32, #tpu.memory_space<hbm>>
        %dma_start3A_667 = arith.constant 0 : i32
        %dma_start3A_668 = tpu.memref_slice %arg19[%dma_start3A_667] : memref<5760xf32, #tpu.memory_space<vmem>> -> memref<615xf32, #tpu.memory_space<vmem>>
        %dma_start3A_669 = arith.constant 1827232 : i32
        %dma_start3A_670 = tpu.memref_slice %arg5[%dma_start3A_669] : memref<1827847xf32, #tpu.memory_space<hbm>> -> memref<615xf32, #tpu.memory_space<hbm>>
        tpu.enqueue_dma source(%dma_start3A_670 : memref<615xf32, #tpu.memory_space<hbm>>) target(%dma_start3A_668 : memref<615xf32, #tpu.memory_space<vmem>>) target_semaphore(%arg28 : memref<!tpu.dma_semaphore, #tpu.memory_space<semaphore_mem>>)
      } else {
      }
      %add3A_322 = arith.constant 1 : i32
      %add3A_323 = arith.addi %add3A_302, %add3A_322 : i32
      %mul3A_324 = arith.constant 32 : i32
      %mul3A_325 = arith.muli %add3A_323, %mul3A_324 : i32
      %add3A_326 = arith.addi %mul3A_325, %add3A : i32
      %lt3A_327 = arith.constant 319 : i32
      %lt3A_328 = arith.cmpi slt, %add3A_326, %lt3A_327 : i32
      %convert_element_type3A_329 = arith.extui %lt3A_328 : i1 to i32
      %cond3A_330 = arith.constant 0 : i32
      %cond3A_331 = arith.cmpi ne, %convert_element_type3A_329, %cond3A_330 : i32
      scf.if %cond3A_331 {
        %dma_wait3A_647 = arith.constant 0 : i32
        %dma_wait3A_648 = tpu.memref_slice %arg10[%dma_wait3A_647] : memref<5760xi32, #tpu.memory_space<vmem>> -> memref<5728xi32, #tpu.memory_space<vmem>>
        %dma_wait3A_649 = arith.constant 0 : i32
        %dma_wait3A_650 = tpu.memref_slice %arg3[%dma_wait3A_649] : memref<1827847xi32, #tpu.memory_space<hbm>> -> memref<5728xi32, #tpu.memory_space<hbm>>
        %dma_wait3A_651 = arith.constant 0 : i32
        %dma_wait3A_652 = tpu.memref_slice %arg10[%dma_wait3A_651] : memref<5760xi32, #tpu.memory_space<vmem>> -> memref<5728xi32, #tpu.memory_space<vmem>>
        %dma_wait3A_653 = arith.constant 0 : i32
        %dma_wait3A_654 = tpu.memref_slice %arg3[%dma_wait3A_653] : memref<1827847xi32, #tpu.memory_space<hbm>> -> memref<5728xi32, #tpu.memory_space<hbm>>
        tpu.wait_dma2 semaphore(%arg27 : memref<!tpu.dma_semaphore, #tpu.memory_space<semaphore_mem>>) src(%dma_wait3A_654 : memref<5728xi32, #tpu.memory_space<hbm>>) dst(%dma_wait3A_652 : memref<5728xi32, #tpu.memory_space<vmem>>)
        %dma_wait3A_655 = arith.constant 0 : i32
        %dma_wait3A_656 = tpu.memref_slice %arg14[%dma_wait3A_655] : memref<5760xi32, #tpu.memory_space<vmem>> -> memref<5728xi32, #tpu.memory_space<vmem>>
        %dma_wait3A_657 = arith.constant 0 : i32
        %dma_wait3A_658 = tpu.memref_slice %arg4[%dma_wait3A_657] : memref<1827847xi32, #tpu.memory_space<hbm>> -> memref<5728xi32, #tpu.memory_space<hbm>>
        %dma_wait3A_659 = arith.constant 0 : i32
        %dma_wait3A_660 = tpu.memref_slice %arg14[%dma_wait3A_659] : memref<5760xi32, #tpu.memory_space<vmem>> -> memref<5728xi32, #tpu.memory_space<vmem>>
        %dma_wait3A_661 = arith.constant 0 : i32
        %dma_wait3A_662 = tpu.memref_slice %arg4[%dma_wait3A_661] : memref<1827847xi32, #tpu.memory_space<hbm>> -> memref<5728xi32, #tpu.memory_space<hbm>>
        tpu.wait_dma2 semaphore(%arg27 : memref<!tpu.dma_semaphore, #tpu.memory_space<semaphore_mem>>) src(%dma_wait3A_662 : memref<5728xi32, #tpu.memory_space<hbm>>) dst(%dma_wait3A_660 : memref<5728xi32, #tpu.memory_space<vmem>>)
        %dma_wait3A_663 = arith.constant 0 : i32
        %dma_wait3A_664 = tpu.memref_slice %arg18[%dma_wait3A_663] : memref<5760xf32, #tpu.memory_space<vmem>> -> memref<5728xf32, #tpu.memory_space<vmem>>
        %dma_wait3A_665 = arith.constant 0 : i32
        %dma_wait3A_666 = tpu.memref_slice %arg5[%dma_wait3A_665] : memref<1827847xf32, #tpu.memory_space<hbm>> -> memref<5728xf32, #tpu.memory_space<hbm>>
        %dma_wait3A_667 = arith.constant 0 : i32
        %dma_wait3A_668 = tpu.memref_slice %arg18[%dma_wait3A_667] : memref<5760xf32, #tpu.memory_space<vmem>> -> memref<5728xf32, #tpu.memory_space<vmem>>
        %dma_wait3A_669 = arith.constant 0 : i32
        %dma_wait3A_670 = tpu.memref_slice %arg5[%dma_wait3A_669] : memref<1827847xf32, #tpu.memory_space<hbm>> -> memref<5728xf32, #tpu.memory_space<hbm>>
        tpu.wait_dma2 semaphore(%arg27 : memref<!tpu.dma_semaphore, #tpu.memory_space<semaphore_mem>>) src(%dma_wait3A_670 : memref<5728xf32, #tpu.memory_space<hbm>>) dst(%dma_wait3A_668 : memref<5728xf32, #tpu.memory_space<vmem>>)
      } else {
      }
      %eq3A_332 = arith.constant 319 : i32
      %eq3A_333 = arith.cmpi eq, %add3A_326, %eq3A_332 : i32
      %convert_element_type3A_334 = arith.extui %eq3A_333 : i1 to i32
      %cond3A_335 = arith.constant 0 : i32
      %cond3A_336 = arith.cmpi ne, %convert_element_type3A_334, %cond3A_335 : i32
      scf.if %cond3A_336 {
        %dma_wait3A_647 = arith.constant 0 : i32
        %dma_wait3A_648 = tpu.memref_slice %arg10[%dma_wait3A_647] : memref<5760xi32, #tpu.memory_space<vmem>> -> memref<615xi32, #tpu.memory_space<vmem>>
        %dma_wait3A_649 = arith.constant 0 : i32
        %dma_wait3A_650 = tpu.memref_slice %arg3[%dma_wait3A_649] : memref<1827847xi32, #tpu.memory_space<hbm>> -> memref<615xi32, #tpu.memory_space<hbm>>
        %dma_wait3A_651 = arith.constant 0 : i32
        %dma_wait3A_652 = tpu.memref_slice %arg10[%dma_wait3A_651] : memref<5760xi32, #tpu.memory_space<vmem>> -> memref<615xi32, #tpu.memory_space<vmem>>
        %dma_wait3A_653 = arith.constant 0 : i32
        %dma_wait3A_654 = tpu.memref_slice %arg3[%dma_wait3A_653] : memref<1827847xi32, #tpu.memory_space<hbm>> -> memref<615xi32, #tpu.memory_space<hbm>>
        tpu.wait_dma2 semaphore(%arg27 : memref<!tpu.dma_semaphore, #tpu.memory_space<semaphore_mem>>) src(%dma_wait3A_654 : memref<615xi32, #tpu.memory_space<hbm>>) dst(%dma_wait3A_652 : memref<615xi32, #tpu.memory_space<vmem>>)
        %dma_wait3A_655 = arith.constant 0 : i32
        %dma_wait3A_656 = tpu.memref_slice %arg14[%dma_wait3A_655] : memref<5760xi32, #tpu.memory_space<vmem>> -> memref<615xi32, #tpu.memory_space<vmem>>
        %dma_wait3A_657 = arith.constant 0 : i32
        %dma_wait3A_658 = tpu.memref_slice %arg4[%dma_wait3A_657] : memref<1827847xi32, #tpu.memory_space<hbm>> -> memref<615xi32, #tpu.memory_space<hbm>>
        %dma_wait3A_659 = arith.constant 0 : i32
        %dma_wait3A_660 = tpu.memref_slice %arg14[%dma_wait3A_659] : memref<5760xi32, #tpu.memory_space<vmem>> -> memref<615xi32, #tpu.memory_space<vmem>>
        %dma_wait3A_661 = arith.constant 0 : i32
        %dma_wait3A_662 = tpu.memref_slice %arg4[%dma_wait3A_661] : memref<1827847xi32, #tpu.memory_space<hbm>> -> memref<615xi32, #tpu.memory_space<hbm>>
        tpu.wait_dma2 semaphore(%arg27 : memref<!tpu.dma_semaphore, #tpu.memory_space<semaphore_mem>>) src(%dma_wait3A_662 : memref<615xi32, #tpu.memory_space<hbm>>) dst(%dma_wait3A_660 : memref<615xi32, #tpu.memory_space<vmem>>)
        %dma_wait3A_663 = arith.constant 0 : i32
        %dma_wait3A_664 = tpu.memref_slice %arg18[%dma_wait3A_663] : memref<5760xf32, #tpu.memory_space<vmem>> -> memref<615xf32, #tpu.memory_space<vmem>>
        %dma_wait3A_665 = arith.constant 0 : i32
        %dma_wait3A_666 = tpu.memref_slice %arg5[%dma_wait3A_665] : memref<1827847xf32, #tpu.memory_space<hbm>> -> memref<615xf32, #tpu.memory_space<hbm>>
        %dma_wait3A_667 = arith.constant 0 : i32
        %dma_wait3A_668 = tpu.memref_slice %arg18[%dma_wait3A_667] : memref<5760xf32, #tpu.memory_space<vmem>> -> memref<615xf32, #tpu.memory_space<vmem>>
        %dma_wait3A_669 = arith.constant 0 : i32
        %dma_wait3A_670 = tpu.memref_slice %arg5[%dma_wait3A_669] : memref<1827847xf32, #tpu.memory_space<hbm>> -> memref<615xf32, #tpu.memory_space<hbm>>
        tpu.wait_dma2 semaphore(%arg27 : memref<!tpu.dma_semaphore, #tpu.memory_space<semaphore_mem>>) src(%dma_wait3A_670 : memref<615xf32, #tpu.memory_space<hbm>>) dst(%dma_wait3A_668 : memref<615xf32, #tpu.memory_space<vmem>>)
      } else {
      }
      %dma_start3A_337 = arith.constant 0 : i32
      %dma_start3A_338 = tpu.memref_slice %arg22[%dma_start3A_337] : memref<5760xf32, #tpu.memory_space<vmem>> -> memref<2880xf32, #tpu.memory_space<vmem>>
      %dma_start3A_339 = arith.constant 0 : i32
      %dma_start3A_340 = tpu.memref_slice %arg14[%dma_start3A_339] : memref<5760xi32, #tpu.memory_space<vmem>> -> memref<2880xi32, #tpu.memory_space<vmem>>
      %dma_start3A_341 = arith.constant 0 : i32
      %dma_start3A_342 = tpu.memref_slice %arg7[%dma_start3A_341] : memref<262144xf32, #tpu.memory_space<vmem_shared>> -> memref<262144xf32, #tpu.memory_space<vmem_shared>>
      tpu.enqueue_indirect_dma source(%dma_start3A_342 : memref<262144xf32, #tpu.memory_space<vmem_shared>>) target(%dma_start3A_338 : memref<2880xf32, #tpu.memory_space<vmem>>) offsets(%dma_start3A_340 : memref<2880xi32, #tpu.memory_space<vmem>>) semaphore(%arg31 : memref<!tpu.dma_semaphore, #tpu.memory_space<semaphore_mem>>)
      %dma_start3A_343 = arith.constant 2880 : i32
      %dma_start3A_344 = tpu.memref_slice %arg22[%dma_start3A_343] : memref<5760xf32, #tpu.memory_space<vmem>> -> memref<2880xf32, #tpu.memory_space<vmem>>
      %dma_start3A_345 = arith.constant 2880 : i32
      %dma_start3A_346 = tpu.memref_slice %arg14[%dma_start3A_345] : memref<5760xi32, #tpu.memory_space<vmem>> -> memref<2880xi32, #tpu.memory_space<vmem>>
      %dma_start3A_347 = arith.constant 0 : i32
      %dma_start3A_348 = tpu.memref_slice %arg7[%dma_start3A_347] : memref<262144xf32, #tpu.memory_space<vmem_shared>> -> memref<262144xf32, #tpu.memory_space<vmem_shared>>
      tpu.enqueue_indirect_dma source(%dma_start3A_348 : memref<262144xf32, #tpu.memory_space<vmem_shared>>) target(%dma_start3A_344 : memref<2880xf32, #tpu.memory_space<vmem>>) offsets(%dma_start3A_346 : memref<2880xi32, #tpu.memory_space<vmem>>) semaphore(%arg35 : memref<!tpu.dma_semaphore, #tpu.memory_space<semaphore_mem>>)
      %mul3A_349 = arith.constant 32 : i32
      %mul3A_350 = arith.muli %add3A_302, %mul3A_349 : i32
      %add3A_351 = arith.addi %mul3A_350, %add3A : i32
      %eq3A_352 = arith.constant 319 : i32
      %eq3A_353 = arith.cmpi eq, %add3A_351, %eq3A_352 : i32
      %convert_element_type3A_354 = arith.extui %eq3A_353 : i1 to i32
      %cond3A_355 = arith.constant 0 : i32
      %cond3A_356 = arith.cmpi ne, %convert_element_type3A_354, %cond3A_355 : i32
      scf.if %cond3A_356 {
        %iota3A = tpu.iota {dimensions = array<i32: 0>} : vector<16xi32>
        %lt3A_647 = arith.constant 7 : i32
        %lt3A_648 = vector.broadcast %lt3A_647 : i32 to vector<16xi32>
        %lt3A_649 = arith.cmpi slt, %iota3A, %lt3A_648 : vector<16xi32>
        %get3A = arith.constant 608 : index
        %get3A_650 = tpu.vector_load %arg17[%get3A] {strides = array<i32>} : memref<5760xf32, #tpu.memory_space<vmem>>, vector<16xf32>,
        %get3A_651 = vector.shape_cast %get3A_650 : vector<16xf32> to vector<16xf32>
        %jit3A = arith.constant 0.000000e+00 : f32
        %broadcast_in_dim3A_652 = vector.broadcast %jit3A : f32 to vector<16xf32>
        %select_n3A = arith.select %lt3A_649, %get3A_651, %broadcast_in_dim3A_652 : vector<16xi1>, vector<16xf32>
        %swap3A_653 = arith.constant 608 : index
        %swap3A_654 = tpu.vector_load %arg17[%swap3A_653] {strides = array<i32>} : memref<5760xf32, #tpu.memory_space<vmem>>, vector<16xf32>,
        %swap3A_655 = vector.shape_cast %swap3A_654 : vector<16xf32> to vector<16xf32>
        %swap3A_656 = vector.shape_cast %select_n3A : vector<16xf32> to vector<16xf32>
        tpu.vector_store %arg17[%swap3A_653], %swap3A_656 {strides = array<i32>} : memref<5760xf32, #tpu.memory_space<vmem>>, vector<16xf32>,
        %scan3A_657 = arith.constant 0 : i32
        %scan3A_658 = arith.constant 39 : i32
        %scan3A_659 = arith.constant 319 : i32
        %scan3A_660 = arith.addi %scan3A_658, %scan3A_659 : i32
        %scan3A_661 = arith.constant 1 : i32
        %scan3A_662 = scf.for %scan3A_664 = %scan3A_658 to %scan3A_660 step %scan3A_661 iter_args(%scan3A_665 = %scan3A_657) -> (i32)  : i32 {
          %broadcast_in_dim3A_666 = arith.constant 0.000000e+00 : f32
          %broadcast_in_dim3A_667 = vector.broadcast %broadcast_in_dim3A_666 : f32 to vector<16xf32>
          %mul3A_668 = arith.constant 16 : i32
          %mul3A_669 = arith.muli %scan3A_664, %mul3A_668 : i32
          %swap3A_670 = arith.index_cast %mul3A_669 : i32 to index
          %swap3A_671 = tpu.vector_load %arg17[%swap3A_670] {strides = array<i32>} : memref<5760xf32, #tpu.memory_space<vmem>>, vector<16xf32>,
          %swap3A_672 = vector.shape_cast %swap3A_671 : vector<16xf32> to vector<16xf32>
          %swap3A_673 = vector.shape_cast %broadcast_in_dim3A_667 : vector<16xf32> to vector<16xf32>
          tpu.vector_store %arg17[%swap3A_670], %swap3A_673 {strides = array<i32>} : memref<5760xf32, #tpu.memory_space<vmem>>, vector<16xf32>,
          %scan3A_674 = arith.constant 0 : i32
          scf.yield %scan3A_674 : i32
        }
        %scan3A_663 = arith.constant 319 : i32
      } else {
      }
      %dma_wait3A_357 = arith.constant 0 : i32
      %dma_wait3A_358 = tpu.memref_slice %arg21[%dma_wait3A_357] : memref<5760xf32, #tpu.memory_space<vmem>> -> memref<2880xf32, #tpu.memory_space<vmem>>
      %dma_wait3A_359 = arith.constant 0 : i32
      %dma_wait3A_360 = tpu.memref_slice %arg13[%dma_wait3A_359] : memref<5760xi32, #tpu.memory_space<vmem>> -> memref<2880xi32, #tpu.memory_space<vmem>>
      %dma_wait3A_361 = arith.constant 0 : i32
      %dma_wait3A_362 = tpu.memref_slice %arg7[%dma_wait3A_361] : memref<262144xf32, #tpu.memory_space<vmem_shared>> -> memref<262144xf32, #tpu.memory_space<vmem_shared>>
      tpu.wait_indirect_dma semaphore(%arg30 : memref<!tpu.dma_semaphore, #tpu.memory_space<semaphore_mem>>) src(%dma_wait3A_362 : memref<262144xf32, #tpu.memory_space<vmem_shared>>) dst(%dma_wait3A_358 : memref<2880xf32, #tpu.memory_space<vmem>>)
      %scan3A_363 = arith.constant 0 : i32
      %scan3A_364 = arith.constant 0 : i32
      %scan3A_365 = arith.constant 15 : i32
      %scan3A_366 = arith.addi %scan3A_364, %scan3A_365 : i32
      %scan3A_367 = arith.constant 1 : i32
      %scan3A_368 = scf.for %scan3A_647 = %scan3A_364 to %scan3A_366 step %scan3A_367 iter_args(%scan3A_648 = %scan3A_363) -> (i32)  : i32 {
        %mul3A_649 = arith.constant 192 : i32
        %mul3A_650 = arith.muli %scan3A_647, %mul3A_649 : i32
        %add3A_651 = arith.constant 0 : i32
        %add3A_652 = arith.addi %mul3A_650, %add3A_651 : i32
        %get3A = arith.index_cast %add3A_652 : i32 to index
        %get3A_653 = tpu.vector_load %arg21[%get3A] {strides = array<i32>} : memref<5760xf32, #tpu.memory_space<vmem>>, vector<16xf32>,
        %get3A_654 = vector.shape_cast %get3A_653 : vector<16xf32> to vector<16xf32>
        %get3A_655 = arith.index_cast %add3A_652 : i32 to index
        %get3A_656 = tpu.vector_load %arg17[%get3A_655] {strides = array<i32>} : memref<5760xf32, #tpu.memory_space<vmem>>, vector<16xf32>,
        %get3A_657 = vector.shape_cast %get3A_656 : vector<16xf32> to vector<16xf32>
        %mul3A_658 = arith.mulf %get3A_654, %get3A_657 : vector<16xf32>
        %swap3A_659 = arith.index_cast %add3A_652 : i32 to index
        %swap3A_660 = tpu.vector_load %arg21[%swap3A_659] {strides = array<i32>} : memref<5760xf32, #tpu.memory_space<vmem>>, vector<16xf32>,
        %swap3A_661 = vector.shape_cast %swap3A_660 : vector<16xf32> to vector<16xf32>
        %swap3A_662 = vector.shape_cast %mul3A_658 : vector<16xf32> to vector<16xf32>
        tpu.vector_store %arg21[%swap3A_659], %swap3A_662 {strides = array<i32>} : memref<5760xf32, #tpu.memory_space<vmem>>, vector<16xf32>,
        %mul3A_663 = arith.constant 192 : i32
        %mul3A_664 = arith.muli %scan3A_647, %mul3A_663 : i32
        %add3A_665 = arith.constant 16 : i32
        %add3A_666 = arith.addi %mul3A_664, %add3A_665 : i32
        %get3A_667 = arith.index_cast %add3A_666 : i32 to index
        %get3A_668 = tpu.vector_load %arg21[%get3A_667] {strides = array<i32>} : memref<5760xf32, #tpu.memory_space<vmem>>, vector<16xf32>,
        %get3A_669 = vector.shape_cast %get3A_668 : vector<16xf32> to vector<16xf32>
        %get3A_670 = arith.index_cast %add3A_666 : i32 to index
        %get3A_671 = tpu.vector_load %arg17[%get3A_670] {strides = array<i32>} : memref<5760xf32, #tpu.memory_space<vmem>>, vector<16xf32>,
        %get3A_672 = vector.shape_cast %get3A_671 : vector<16xf32> to vector<16xf32>
        %mul3A_673 = arith.mulf %get3A_669, %get3A_672 : vector<16xf32>
        %swap3A_674 = arith.index_cast %add3A_666 : i32 to index
        %swap3A_675 = tpu.vector_load %arg21[%swap3A_674] {strides = array<i32>} : memref<5760xf32, #tpu.memory_space<vmem>>, vector<16xf32>,
        %swap3A_676 = vector.shape_cast %swap3A_675 : vector<16xf32> to vector<16xf32>
        %swap3A_677 = vector.shape_cast %mul3A_673 : vector<16xf32> to vector<16xf32>
        tpu.vector_store %arg21[%swap3A_674], %swap3A_677 {strides = array<i32>} : memref<5760xf32, #tpu.memory_space<vmem>>, vector<16xf32>,
        %mul3A_678 = arith.constant 192 : i32
        %mul3A_679 = arith.muli %scan3A_647, %mul3A_678 : i32
        %add3A_680 = arith.constant 32 : i32
        %add3A_681 = arith.addi %mul3A_679, %add3A_680 : i32
        %get3A_682 = arith.index_cast %add3A_681 : i32 to index
        %get3A_683 = tpu.vector_load %arg21[%get3A_682] {strides = array<i32>} : memref<5760xf32, #tpu.memory_space<vmem>>, vector<16xf32>,
        %get3A_684 = vector.shape_cast %get3A_683 : vector<16xf32> to vector<16xf32>
        %get3A_685 = arith.index_cast %add3A_681 : i32 to index
        %get3A_686 = tpu.vector_load %arg17[%get3A_685] {strides = array<i32>} : memref<5760xf32, #tpu.memory_space<vmem>>, vector<16xf32>,
        %get3A_687 = vector.shape_cast %get3A_686 : vector<16xf32> to vector<16xf32>
        %mul3A_688 = arith.mulf %get3A_684, %get3A_687 : vector<16xf32>
        %swap3A_689 = arith.index_cast %add3A_681 : i32 to index
        %swap3A_690 = tpu.vector_load %arg21[%swap3A_689] {strides = array<i32>} : memref<5760xf32, #tpu.memory_space<vmem>>, vector<16xf32>,
        %swap3A_691 = vector.shape_cast %swap3A_690 : vector<16xf32> to vector<16xf32>
        %swap3A_692 = vector.shape_cast %mul3A_688 : vector<16xf32> to vector<16xf32>
        tpu.vector_store %arg21[%swap3A_689], %swap3A_692 {strides = array<i32>} : memref<5760xf32, #tpu.memory_space<vmem>>, vector<16xf32>,
        %mul3A_693 = arith.constant 192 : i32
        %mul3A_694 = arith.muli %scan3A_647, %mul3A_693 : i32
        %add3A_695 = arith.constant 48 : i32
        %add3A_696 = arith.addi %mul3A_694, %add3A_695 : i32
        %get3A_697 = arith.index_cast %add3A_696 : i32 to index
        %get3A_698 = tpu.vector_load %arg21[%get3A_697] {strides = array<i32>} : memref<5760xf32, #tpu.memory_space<vmem>>, vector<16xf32>,
        %get3A_699 = vector.shape_cast %get3A_698 : vector<16xf32> to vector<16xf32>
        %get3A_700 = arith.index_cast %add3A_696 : i32 to index
        %get3A_701 = tpu.vector_load %arg17[%get3A_700] {strides = array<i32>} : memref<5760xf32, #tpu.memory_space<vmem>>, vector<16xf32>,
        %get3A_702 = vector.shape_cast %get3A_701 : vector<16xf32> to vector<16xf32>
        %mul3A_703 = arith.mulf %get3A_699, %get3A_702 : vector<16xf32>
        %swap3A_704 = arith.index_cast %add3A_696 : i32 to index
        %swap3A_705 = tpu.vector_load %arg21[%swap3A_704] {strides = array<i32>} : memref<5760xf32, #tpu.memory_space<vmem>>, vector<16xf32>,
        %swap3A_706 = vector.shape_cast %swap3A_705 : vector<16xf32> to vector<16xf32>
        %swap3A_707 = vector.shape_cast %mul3A_703 : vector<16xf32> to vector<16xf32>
        tpu.vector_store %arg21[%swap3A_704], %swap3A_707 {strides = array<i32>} : memref<5760xf32, #tpu.memory_space<vmem>>, vector<16xf32>,
        %mul3A_708 = arith.constant 192 : i32
        %mul3A_709 = arith.muli %scan3A_647, %mul3A_708 : i32
        %add3A_710 = arith.constant 64 : i32
        %add3A_711 = arith.addi %mul3A_709, %add3A_710 : i32
        %get3A_712 = arith.index_cast %add3A_711 : i32 to index
        %get3A_713 = tpu.vector_load %arg21[%get3A_712] {strides = array<i32>} : memref<5760xf32, #tpu.memory_space<vmem>>, vector<16xf32>,
        %get3A_714 = vector.shape_cast %get3A_713 : vector<16xf32> to vector<16xf32>
        %get3A_715 = arith.index_cast %add3A_711 : i32 to index
        %get3A_716 = tpu.vector_load %arg17[%get3A_715] {strides = array<i32>} : memref<5760xf32, #tpu.memory_space<vmem>>, vector<16xf32>,
        %get3A_717 = vector.shape_cast %get3A_716 : vector<16xf32> to vector<16xf32>
        %mul3A_718 = arith.mulf %get3A_714, %get3A_717 : vector<16xf32>
        %swap3A_719 = arith.index_cast %add3A_711 : i32 to index
        %swap3A_720 = tpu.vector_load %arg21[%swap3A_719] {strides = array<i32>} : memref<5760xf32, #tpu.memory_space<vmem>>, vector<16xf32>,
        %swap3A_721 = vector.shape_cast %swap3A_720 : vector<16xf32> to vector<16xf32>
        %swap3A_722 = vector.shape_cast %mul3A_718 : vector<16xf32> to vector<16xf32>
        tpu.vector_store %arg21[%swap3A_719], %swap3A_722 {strides = array<i32>} : memref<5760xf32, #tpu.memory_space<vmem>>, vector<16xf32>,
        %mul3A_723 = arith.constant 192 : i32
        %mul3A_724 = arith.muli %scan3A_647, %mul3A_723 : i32
        %add3A_725 = arith.constant 80 : i32
        %add3A_726 = arith.addi %mul3A_724, %add3A_725 : i32
        %get3A_727 = arith.index_cast %add3A_726 : i32 to index
        %get3A_728 = tpu.vector_load %arg21[%get3A_727] {strides = array<i32>} : memref<5760xf32, #tpu.memory_space<vmem>>, vector<16xf32>,
        %get3A_729 = vector.shape_cast %get3A_728 : vector<16xf32> to vector<16xf32>
        %get3A_730 = arith.index_cast %add3A_726 : i32 to index
        %get3A_731 = tpu.vector_load %arg17[%get3A_730] {strides = array<i32>} : memref<5760xf32, #tpu.memory_space<vmem>>, vector<16xf32>,
        %get3A_732 = vector.shape_cast %get3A_731 : vector<16xf32> to vector<16xf32>
        %mul3A_733 = arith.mulf %get3A_729, %get3A_732 : vector<16xf32>
        %swap3A_734 = arith.index_cast %add3A_726 : i32 to index
        %swap3A_735 = tpu.vector_load %arg21[%swap3A_734] {strides = array<i32>} : memref<5760xf32, #tpu.memory_space<vmem>>, vector<16xf32>,
        %swap3A_736 = vector.shape_cast %swap3A_735 : vector<16xf32> to vector<16xf32>
        %swap3A_737 = vector.shape_cast %mul3A_733 : vector<16xf32> to vector<16xf32>
        tpu.vector_store %arg21[%swap3A_734], %swap3A_737 {strides = array<i32>} : memref<5760xf32, #tpu.memory_space<vmem>>, vector<16xf32>,
        %mul3A_738 = arith.constant 192 : i32
        %mul3A_739 = arith.muli %scan3A_647, %mul3A_738 : i32
        %add3A_740 = arith.constant 96 : i32
        %add3A_741 = arith.addi %mul3A_739, %add3A_740 : i32
        %get3A_742 = arith.index_cast %add3A_741 : i32 to index
        %get3A_743 = tpu.vector_load %arg21[%get3A_742] {strides = array<i32>} : memref<5760xf32, #tpu.memory_space<vmem>>, vector<16xf32>,
        %get3A_744 = vector.shape_cast %get3A_743 : vector<16xf32> to vector<16xf32>
        %get3A_745 = arith.index_cast %add3A_741 : i32 to index
        %get3A_746 = tpu.vector_load %arg17[%get3A_745] {strides = array<i32>} : memref<5760xf32, #tpu.memory_space<vmem>>, vector<16xf32>,
        %get3A_747 = vector.shape_cast %get3A_746 : vector<16xf32> to vector<16xf32>
        %mul3A_748 = arith.mulf %get3A_744, %get3A_747 : vector<16xf32>
        %swap3A_749 = arith.index_cast %add3A_741 : i32 to index
        %swap3A_750 = tpu.vector_load %arg21[%swap3A_749] {strides = array<i32>} : memref<5760xf32, #tpu.memory_space<vmem>>, vector<16xf32>,
        %swap3A_751 = vector.shape_cast %swap3A_750 : vector<16xf32> to vector<16xf32>
        %swap3A_752 = vector.shape_cast %mul3A_748 : vector<16xf32> to vector<16xf32>
        tpu.vector_store %arg21[%swap3A_749], %swap3A_752 {strides = array<i32>} : memref<5760xf32, #tpu.memory_space<vmem>>, vector<16xf32>,
        %mul3A_753 = arith.constant 192 : i32
        %mul3A_754 = arith.muli %scan3A_647, %mul3A_753 : i32
        %add3A_755 = arith.constant 112 : i32
        %add3A_756 = arith.addi %mul3A_754, %add3A_755 : i32
        %get3A_757 = arith.index_cast %add3A_756 : i32 to index
        %get3A_758 = tpu.vector_load %arg21[%get3A_757] {strides = array<i32>} : memref<5760xf32, #tpu.memory_space<vmem>>, vector<16xf32>,
        %get3A_759 = vector.shape_cast %get3A_758 : vector<16xf32> to vector<16xf32>
        %get3A_760 = arith.index_cast %add3A_756 : i32 to index
        %get3A_761 = tpu.vector_load %arg17[%get3A_760] {strides = array<i32>} : memref<5760xf32, #tpu.memory_space<vmem>>, vector<16xf32>,
        %get3A_762 = vector.shape_cast %get3A_761 : vector<16xf32> to vector<16xf32>
        %mul3A_763 = arith.mulf %get3A_759, %get3A_762 : vector<16xf32>
        %swap3A_764 = arith.index_cast %add3A_756 : i32 to index
        %swap3A_765 = tpu.vector_load %arg21[%swap3A_764] {strides = array<i32>} : memref<5760xf32, #tpu.memory_space<vmem>>, vector<16xf32>,
        %swap3A_766 = vector.shape_cast %swap3A_765 : vector<16xf32> to vector<16xf32>
        %swap3A_767 = vector.shape_cast %mul3A_763 : vector<16xf32> to vector<16xf32>
        tpu.vector_store %arg21[%swap3A_764], %swap3A_767 {strides = array<i32>} : memref<5760xf32, #tpu.memory_space<vmem>>, vector<16xf32>,
        %mul3A_768 = arith.constant 192 : i32
        %mul3A_769 = arith.muli %scan3A_647, %mul3A_768 : i32
        %add3A_770 = arith.constant 128 : i32
        %add3A_771 = arith.addi %mul3A_769, %add3A_770 : i32
        %get3A_772 = arith.index_cast %add3A_771 : i32 to index
        %get3A_773 = tpu.vector_load %arg21[%get3A_772] {strides = array<i32>} : memref<5760xf32, #tpu.memory_space<vmem>>, vector<16xf32>,
        %get3A_774 = vector.shape_cast %get3A_773 : vector<16xf32> to vector<16xf32>
        %get3A_775 = arith.index_cast %add3A_771 : i32 to index
        %get3A_776 = tpu.vector_load %arg17[%get3A_775] {strides = array<i32>} : memref<5760xf32, #tpu.memory_space<vmem>>, vector<16xf32>,
        %get3A_777 = vector.shape_cast %get3A_776 : vector<16xf32> to vector<16xf32>
        %mul3A_778 = arith.mulf %get3A_774, %get3A_777 : vector<16xf32>
        %swap3A_779 = arith.index_cast %add3A_771 : i32 to index
        %swap3A_780 = tpu.vector_load %arg21[%swap3A_779] {strides = array<i32>} : memref<5760xf32, #tpu.memory_space<vmem>>, vector<16xf32>,
        %swap3A_781 = vector.shape_cast %swap3A_780 : vector<16xf32> to vector<16xf32>
        %swap3A_782 = vector.shape_cast %mul3A_778 : vector<16xf32> to vector<16xf32>
        tpu.vector_store %arg21[%swap3A_779], %swap3A_782 {strides = array<i32>} : memref<5760xf32, #tpu.memory_space<vmem>>, vector<16xf32>,
        %mul3A_783 = arith.constant 192 : i32
        %mul3A_784 = arith.muli %scan3A_647, %mul3A_783 : i32
        %add3A_785 = arith.constant 144 : i32
        %add3A_786 = arith.addi %mul3A_784, %add3A_785 : i32
        %get3A_787 = arith.index_cast %add3A_786 : i32 to index
        %get3A_788 = tpu.vector_load %arg21[%get3A_787] {strides = array<i32>} : memref<5760xf32, #tpu.memory_space<vmem>>, vector<16xf32>,
        %get3A_789 = vector.shape_cast %get3A_788 : vector<16xf32> to vector<16xf32>
        %get3A_790 = arith.index_cast %add3A_786 : i32 to index
        %get3A_791 = tpu.vector_load %arg17[%get3A_790] {strides = array<i32>} : memref<5760xf32, #tpu.memory_space<vmem>>, vector<16xf32>,
        %get3A_792 = vector.shape_cast %get3A_791 : vector<16xf32> to vector<16xf32>
        %mul3A_793 = arith.mulf %get3A_789, %get3A_792 : vector<16xf32>
        %swap3A_794 = arith.index_cast %add3A_786 : i32 to index
        %swap3A_795 = tpu.vector_load %arg21[%swap3A_794] {strides = array<i32>} : memref<5760xf32, #tpu.memory_space<vmem>>, vector<16xf32>,
        %swap3A_796 = vector.shape_cast %swap3A_795 : vector<16xf32> to vector<16xf32>
        %swap3A_797 = vector.shape_cast %mul3A_793 : vector<16xf32> to vector<16xf32>
        tpu.vector_store %arg21[%swap3A_794], %swap3A_797 {strides = array<i32>} : memref<5760xf32, #tpu.memory_space<vmem>>, vector<16xf32>,
        %mul3A_798 = arith.constant 192 : i32
        %mul3A_799 = arith.muli %scan3A_647, %mul3A_798 : i32
        %add3A_800 = arith.constant 160 : i32
        %add3A_801 = arith.addi %mul3A_799, %add3A_800 : i32
        %get3A_802 = arith.index_cast %add3A_801 : i32 to index
        %get3A_803 = tpu.vector_load %arg21[%get3A_802] {strides = array<i32>} : memref<5760xf32, #tpu.memory_space<vmem>>, vector<16xf32>,
        %get3A_804 = vector.shape_cast %get3A_803 : vector<16xf32> to vector<16xf32>
        %get3A_805 = arith.index_cast %add3A_801 : i32 to index
        %get3A_806 = tpu.vector_load %arg17[%get3A_805] {strides = array<i32>} : memref<5760xf32, #tpu.memory_space<vmem>>, vector<16xf32>,
        %get3A_807 = vector.shape_cast %get3A_806 : vector<16xf32> to vector<16xf32>
        %mul3A_808 = arith.mulf %get3A_804, %get3A_807 : vector<16xf32>
        %swap3A_809 = arith.index_cast %add3A_801 : i32 to index
        %swap3A_810 = tpu.vector_load %arg21[%swap3A_809] {strides = array<i32>} : memref<5760xf32, #tpu.memory_space<vmem>>, vector<16xf32>,
        %swap3A_811 = vector.shape_cast %swap3A_810 : vector<16xf32> to vector<16xf32>
        %swap3A_812 = vector.shape_cast %mul3A_808 : vector<16xf32> to vector<16xf32>
        tpu.vector_store %arg21[%swap3A_809], %swap3A_812 {strides = array<i32>} : memref<5760xf32, #tpu.memory_space<vmem>>, vector<16xf32>,
        %mul3A_813 = arith.constant 192 : i32
        %mul3A_814 = arith.muli %scan3A_647, %mul3A_813 : i32
        %add3A_815 = arith.constant 176 : i32
        %add3A_816 = arith.addi %mul3A_814, %add3A_815 : i32
        %get3A_817 = arith.index_cast %add3A_816 : i32 to index
        %get3A_818 = tpu.vector_load %arg21[%get3A_817] {strides = array<i32>} : memref<5760xf32, #tpu.memory_space<vmem>>, vector<16xf32>,
        %get3A_819 = vector.shape_cast %get3A_818 : vector<16xf32> to vector<16xf32>
        %get3A_820 = arith.index_cast %add3A_816 : i32 to index
        %get3A_821 = tpu.vector_load %arg17[%get3A_820] {strides = array<i32>} : memref<5760xf32, #tpu.memory_space<vmem>>, vector<16xf32>,
        %get3A_822 = vector.shape_cast %get3A_821 : vector<16xf32> to vector<16xf32>
        %mul3A_823 = arith.mulf %get3A_819, %get3A_822 : vector<16xf32>
        %swap3A_824 = arith.index_cast %add3A_816 : i32 to index
        %swap3A_825 = tpu.vector_load %arg21[%swap3A_824] {strides = array<i32>} : memref<5760xf32, #tpu.memory_space<vmem>>, vector<16xf32>,
        %swap3A_826 = vector.shape_cast %swap3A_825 : vector<16xf32> to vector<16xf32>
        %swap3A_827 = vector.shape_cast %mul3A_823 : vector<16xf32> to vector<16xf32>
        tpu.vector_store %arg21[%swap3A_824], %swap3A_827 {strides = array<i32>} : memref<5760xf32, #tpu.memory_space<vmem>>, vector<16xf32>,
        %scan3A_828 = arith.constant 0 : i32
        scf.yield %scan3A_828 : i32
      }
      %scan3A_369 = arith.constant 15 : i32
      %dma_wait3A_370 = arith.constant 2880 : i32
      %dma_wait3A_371 = tpu.memref_slice %arg21[%dma_wait3A_370] : memref<5760xf32, #tpu.memory_space<vmem>> -> memref<2880xf32, #tpu.memory_space<vmem>>
      %dma_wait3A_372 = arith.constant 2880 : i32
      %dma_wait3A_373 = tpu.memref_slice %arg13[%dma_wait3A_372] : memref<5760xi32, #tpu.memory_space<vmem>> -> memref<2880xi32, #tpu.memory_space<vmem>>
      %dma_wait3A_374 = arith.constant 0 : i32
      %dma_wait3A_375 = tpu.memref_slice %arg7[%dma_wait3A_374] : memref<262144xf32, #tpu.memory_space<vmem_shared>> -> memref<262144xf32, #tpu.memory_space<vmem_shared>>
      tpu.wait_indirect_dma semaphore(%arg34 : memref<!tpu.dma_semaphore, #tpu.memory_space<semaphore_mem>>) src(%dma_wait3A_375 : memref<262144xf32, #tpu.memory_space<vmem_shared>>) dst(%dma_wait3A_371 : memref<2880xf32, #tpu.memory_space<vmem>>)
      %scan3A_376 = arith.constant 0 : i32
      %scan3A_377 = arith.constant 15 : i32
      %scan3A_378 = arith.constant 15 : i32
      %scan3A_379 = arith.addi %scan3A_377, %scan3A_378 : i32
      %scan3A_380 = arith.constant 1 : i32
      %scan3A_381 = scf.for %scan3A_647 = %scan3A_377 to %scan3A_379 step %scan3A_380 iter_args(%scan3A_648 = %scan3A_376) -> (i32)  : i32 {
        %mul3A_649 = arith.constant 192 : i32
        %mul3A_650 = arith.muli %scan3A_647, %mul3A_649 : i32
        %add3A_651 = arith.constant 0 : i32
        %add3A_652 = arith.addi %mul3A_650, %add3A_651 : i32
        %get3A = arith.index_cast %add3A_652 : i32 to index
        %get3A_653 = tpu.vector_load %arg21[%get3A] {strides = array<i32>} : memref<5760xf32, #tpu.memory_space<vmem>>, vector<16xf32>,
        %get3A_654 = vector.shape_cast %get3A_653 : vector<16xf32> to vector<16xf32>
        %get3A_655 = arith.index_cast %add3A_652 : i32 to index
        %get3A_656 = tpu.vector_load %arg17[%get3A_655] {strides = array<i32>} : memref<5760xf32, #tpu.memory_space<vmem>>, vector<16xf32>,
        %get3A_657 = vector.shape_cast %get3A_656 : vector<16xf32> to vector<16xf32>
        %mul3A_658 = arith.mulf %get3A_654, %get3A_657 : vector<16xf32>
        %swap3A_659 = arith.index_cast %add3A_652 : i32 to index
        %swap3A_660 = tpu.vector_load %arg21[%swap3A_659] {strides = array<i32>} : memref<5760xf32, #tpu.memory_space<vmem>>, vector<16xf32>,
        %swap3A_661 = vector.shape_cast %swap3A_660 : vector<16xf32> to vector<16xf32>
        %swap3A_662 = vector.shape_cast %mul3A_658 : vector<16xf32> to vector<16xf32>
        tpu.vector_store %arg21[%swap3A_659], %swap3A_662 {strides = array<i32>} : memref<5760xf32, #tpu.memory_space<vmem>>, vector<16xf32>,
        %mul3A_663 = arith.constant 192 : i32
        %mul3A_664 = arith.muli %scan3A_647, %mul3A_663 : i32
        %add3A_665 = arith.constant 16 : i32
        %add3A_666 = arith.addi %mul3A_664, %add3A_665 : i32
        %get3A_667 = arith.index_cast %add3A_666 : i32 to index
        %get3A_668 = tpu.vector_load %arg21[%get3A_667] {strides = array<i32>} : memref<5760xf32, #tpu.memory_space<vmem>>, vector<16xf32>,
        %get3A_669 = vector.shape_cast %get3A_668 : vector<16xf32> to vector<16xf32>
        %get3A_670 = arith.index_cast %add3A_666 : i32 to index
        %get3A_671 = tpu.vector_load %arg17[%get3A_670] {strides = array<i32>} : memref<5760xf32, #tpu.memory_space<vmem>>, vector<16xf32>,
        %get3A_672 = vector.shape_cast %get3A_671 : vector<16xf32> to vector<16xf32>
        %mul3A_673 = arith.mulf %get3A_669, %get3A_672 : vector<16xf32>
        %swap3A_674 = arith.index_cast %add3A_666 : i32 to index
        %swap3A_675 = tpu.vector_load %arg21[%swap3A_674] {strides = array<i32>} : memref<5760xf32, #tpu.memory_space<vmem>>, vector<16xf32>,
        %swap3A_676 = vector.shape_cast %swap3A_675 : vector<16xf32> to vector<16xf32>
        %swap3A_677 = vector.shape_cast %mul3A_673 : vector<16xf32> to vector<16xf32>
        tpu.vector_store %arg21[%swap3A_674], %swap3A_677 {strides = array<i32>} : memref<5760xf32, #tpu.memory_space<vmem>>, vector<16xf32>,
        %mul3A_678 = arith.constant 192 : i32
        %mul3A_679 = arith.muli %scan3A_647, %mul3A_678 : i32
        %add3A_680 = arith.constant 32 : i32
        %add3A_681 = arith.addi %mul3A_679, %add3A_680 : i32
        %get3A_682 = arith.index_cast %add3A_681 : i32 to index
        %get3A_683 = tpu.vector_load %arg21[%get3A_682] {strides = array<i32>} : memref<5760xf32, #tpu.memory_space<vmem>>, vector<16xf32>,
        %get3A_684 = vector.shape_cast %get3A_683 : vector<16xf32> to vector<16xf32>
        %get3A_685 = arith.index_cast %add3A_681 : i32 to index
        %get3A_686 = tpu.vector_load %arg17[%get3A_685] {strides = array<i32>} : memref<5760xf32, #tpu.memory_space<vmem>>, vector<16xf32>,
        %get3A_687 = vector.shape_cast %get3A_686 : vector<16xf32> to vector<16xf32>
        %mul3A_688 = arith.mulf %get3A_684, %get3A_687 : vector<16xf32>
        %swap3A_689 = arith.index_cast %add3A_681 : i32 to index
        %swap3A_690 = tpu.vector_load %arg21[%swap3A_689] {strides = array<i32>} : memref<5760xf32, #tpu.memory_space<vmem>>, vector<16xf32>,
        %swap3A_691 = vector.shape_cast %swap3A_690 : vector<16xf32> to vector<16xf32>
        %swap3A_692 = vector.shape_cast %mul3A_688 : vector<16xf32> to vector<16xf32>
        tpu.vector_store %arg21[%swap3A_689], %swap3A_692 {strides = array<i32>} : memref<5760xf32, #tpu.memory_space<vmem>>, vector<16xf32>,
        %mul3A_693 = arith.constant 192 : i32
        %mul3A_694 = arith.muli %scan3A_647, %mul3A_693 : i32
        %add3A_695 = arith.constant 48 : i32
        %add3A_696 = arith.addi %mul3A_694, %add3A_695 : i32
        %get3A_697 = arith.index_cast %add3A_696 : i32 to index
        %get3A_698 = tpu.vector_load %arg21[%get3A_697] {strides = array<i32>} : memref<5760xf32, #tpu.memory_space<vmem>>, vector<16xf32>,
        %get3A_699 = vector.shape_cast %get3A_698 : vector<16xf32> to vector<16xf32>
        %get3A_700 = arith.index_cast %add3A_696 : i32 to index
        %get3A_701 = tpu.vector_load %arg17[%get3A_700] {strides = array<i32>} : memref<5760xf32, #tpu.memory_space<vmem>>, vector<16xf32>,
        %get3A_702 = vector.shape_cast %get3A_701 : vector<16xf32> to vector<16xf32>
        %mul3A_703 = arith.mulf %get3A_699, %get3A_702 : vector<16xf32>
        %swap3A_704 = arith.index_cast %add3A_696 : i32 to index
        %swap3A_705 = tpu.vector_load %arg21[%swap3A_704] {strides = array<i32>} : memref<5760xf32, #tpu.memory_space<vmem>>, vector<16xf32>,
        %swap3A_706 = vector.shape_cast %swap3A_705 : vector<16xf32> to vector<16xf32>
        %swap3A_707 = vector.shape_cast %mul3A_703 : vector<16xf32> to vector<16xf32>
        tpu.vector_store %arg21[%swap3A_704], %swap3A_707 {strides = array<i32>} : memref<5760xf32, #tpu.memory_space<vmem>>, vector<16xf32>,
        %mul3A_708 = arith.constant 192 : i32
        %mul3A_709 = arith.muli %scan3A_647, %mul3A_708 : i32
        %add3A_710 = arith.constant 64 : i32
        %add3A_711 = arith.addi %mul3A_709, %add3A_710 : i32
        %get3A_712 = arith.index_cast %add3A_711 : i32 to index
        %get3A_713 = tpu.vector_load %arg21[%get3A_712] {strides = array<i32>} : memref<5760xf32, #tpu.memory_space<vmem>>, vector<16xf32>,
        %get3A_714 = vector.shape_cast %get3A_713 : vector<16xf32> to vector<16xf32>
        %get3A_715 = arith.index_cast %add3A_711 : i32 to index
        %get3A_716 = tpu.vector_load %arg17[%get3A_715] {strides = array<i32>} : memref<5760xf32, #tpu.memory_space<vmem>>, vector<16xf32>,
        %get3A_717 = vector.shape_cast %get3A_716 : vector<16xf32> to vector<16xf32>
        %mul3A_718 = arith.mulf %get3A_714, %get3A_717 : vector<16xf32>
        %swap3A_719 = arith.index_cast %add3A_711 : i32 to index
        %swap3A_720 = tpu.vector_load %arg21[%swap3A_719] {strides = array<i32>} : memref<5760xf32, #tpu.memory_space<vmem>>, vector<16xf32>,
        %swap3A_721 = vector.shape_cast %swap3A_720 : vector<16xf32> to vector<16xf32>
        %swap3A_722 = vector.shape_cast %mul3A_718 : vector<16xf32> to vector<16xf32>
        tpu.vector_store %arg21[%swap3A_719], %swap3A_722 {strides = array<i32>} : memref<5760xf32, #tpu.memory_space<vmem>>, vector<16xf32>,
        %mul3A_723 = arith.constant 192 : i32
        %mul3A_724 = arith.muli %scan3A_647, %mul3A_723 : i32
        %add3A_725 = arith.constant 80 : i32
        %add3A_726 = arith.addi %mul3A_724, %add3A_725 : i32
        %get3A_727 = arith.index_cast %add3A_726 : i32 to index
        %get3A_728 = tpu.vector_load %arg21[%get3A_727] {strides = array<i32>} : memref<5760xf32, #tpu.memory_space<vmem>>, vector<16xf32>,
        %get3A_729 = vector.shape_cast %get3A_728 : vector<16xf32> to vector<16xf32>
        %get3A_730 = arith.index_cast %add3A_726 : i32 to index
        %get3A_731 = tpu.vector_load %arg17[%get3A_730] {strides = array<i32>} : memref<5760xf32, #tpu.memory_space<vmem>>, vector<16xf32>,
        %get3A_732 = vector.shape_cast %get3A_731 : vector<16xf32> to vector<16xf32>
        %mul3A_733 = arith.mulf %get3A_729, %get3A_732 : vector<16xf32>
        %swap3A_734 = arith.index_cast %add3A_726 : i32 to index
        %swap3A_735 = tpu.vector_load %arg21[%swap3A_734] {strides = array<i32>} : memref<5760xf32, #tpu.memory_space<vmem>>, vector<16xf32>,
        %swap3A_736 = vector.shape_cast %swap3A_735 : vector<16xf32> to vector<16xf32>
        %swap3A_737 = vector.shape_cast %mul3A_733 : vector<16xf32> to vector<16xf32>
        tpu.vector_store %arg21[%swap3A_734], %swap3A_737 {strides = array<i32>} : memref<5760xf32, #tpu.memory_space<vmem>>, vector<16xf32>,
        %mul3A_738 = arith.constant 192 : i32
        %mul3A_739 = arith.muli %scan3A_647, %mul3A_738 : i32
        %add3A_740 = arith.constant 96 : i32
        %add3A_741 = arith.addi %mul3A_739, %add3A_740 : i32
        %get3A_742 = arith.index_cast %add3A_741 : i32 to index
        %get3A_743 = tpu.vector_load %arg21[%get3A_742] {strides = array<i32>} : memref<5760xf32, #tpu.memory_space<vmem>>, vector<16xf32>,
        %get3A_744 = vector.shape_cast %get3A_743 : vector<16xf32> to vector<16xf32>
        %get3A_745 = arith.index_cast %add3A_741 : i32 to index
        %get3A_746 = tpu.vector_load %arg17[%get3A_745] {strides = array<i32>} : memref<5760xf32, #tpu.memory_space<vmem>>, vector<16xf32>,
        %get3A_747 = vector.shape_cast %get3A_746 : vector<16xf32> to vector<16xf32>
        %mul3A_748 = arith.mulf %get3A_744, %get3A_747 : vector<16xf32>
        %swap3A_749 = arith.index_cast %add3A_741 : i32 to index
        %swap3A_750 = tpu.vector_load %arg21[%swap3A_749] {strides = array<i32>} : memref<5760xf32, #tpu.memory_space<vmem>>, vector<16xf32>,
        %swap3A_751 = vector.shape_cast %swap3A_750 : vector<16xf32> to vector<16xf32>
        %swap3A_752 = vector.shape_cast %mul3A_748 : vector<16xf32> to vector<16xf32>
        tpu.vector_store %arg21[%swap3A_749], %swap3A_752 {strides = array<i32>} : memref<5760xf32, #tpu.memory_space<vmem>>, vector<16xf32>,
        %mul3A_753 = arith.constant 192 : i32
        %mul3A_754 = arith.muli %scan3A_647, %mul3A_753 : i32
        %add3A_755 = arith.constant 112 : i32
        %add3A_756 = arith.addi %mul3A_754, %add3A_755 : i32
        %get3A_757 = arith.index_cast %add3A_756 : i32 to index
        %get3A_758 = tpu.vector_load %arg21[%get3A_757] {strides = array<i32>} : memref<5760xf32, #tpu.memory_space<vmem>>, vector<16xf32>,
        %get3A_759 = vector.shape_cast %get3A_758 : vector<16xf32> to vector<16xf32>
        %get3A_760 = arith.index_cast %add3A_756 : i32 to index
        %get3A_761 = tpu.vector_load %arg17[%get3A_760] {strides = array<i32>} : memref<5760xf32, #tpu.memory_space<vmem>>, vector<16xf32>,
        %get3A_762 = vector.shape_cast %get3A_761 : vector<16xf32> to vector<16xf32>
        %mul3A_763 = arith.mulf %get3A_759, %get3A_762 : vector<16xf32>
        %swap3A_764 = arith.index_cast %add3A_756 : i32 to index
        %swap3A_765 = tpu.vector_load %arg21[%swap3A_764] {strides = array<i32>} : memref<5760xf32, #tpu.memory_space<vmem>>, vector<16xf32>,
        %swap3A_766 = vector.shape_cast %swap3A_765 : vector<16xf32> to vector<16xf32>
        %swap3A_767 = vector.shape_cast %mul3A_763 : vector<16xf32> to vector<16xf32>
        tpu.vector_store %arg21[%swap3A_764], %swap3A_767 {strides = array<i32>} : memref<5760xf32, #tpu.memory_space<vmem>>, vector<16xf32>,
        %mul3A_768 = arith.constant 192 : i32
        %mul3A_769 = arith.muli %scan3A_647, %mul3A_768 : i32
        %add3A_770 = arith.constant 128 : i32
        %add3A_771 = arith.addi %mul3A_769, %add3A_770 : i32
        %get3A_772 = arith.index_cast %add3A_771 : i32 to index
        %get3A_773 = tpu.vector_load %arg21[%get3A_772] {strides = array<i32>} : memref<5760xf32, #tpu.memory_space<vmem>>, vector<16xf32>,
        %get3A_774 = vector.shape_cast %get3A_773 : vector<16xf32> to vector<16xf32>
        %get3A_775 = arith.index_cast %add3A_771 : i32 to index
        %get3A_776 = tpu.vector_load %arg17[%get3A_775] {strides = array<i32>} : memref<5760xf32, #tpu.memory_space<vmem>>, vector<16xf32>,
        %get3A_777 = vector.shape_cast %get3A_776 : vector<16xf32> to vector<16xf32>
        %mul3A_778 = arith.mulf %get3A_774, %get3A_777 : vector<16xf32>
        %swap3A_779 = arith.index_cast %add3A_771 : i32 to index
        %swap3A_780 = tpu.vector_load %arg21[%swap3A_779] {strides = array<i32>} : memref<5760xf32, #tpu.memory_space<vmem>>, vector<16xf32>,
        %swap3A_781 = vector.shape_cast %swap3A_780 : vector<16xf32> to vector<16xf32>
        %swap3A_782 = vector.shape_cast %mul3A_778 : vector<16xf32> to vector<16xf32>
        tpu.vector_store %arg21[%swap3A_779], %swap3A_782 {strides = array<i32>} : memref<5760xf32, #tpu.memory_space<vmem>>, vector<16xf32>,
        %mul3A_783 = arith.constant 192 : i32
        %mul3A_784 = arith.muli %scan3A_647, %mul3A_783 : i32
        %add3A_785 = arith.constant 144 : i32
        %add3A_786 = arith.addi %mul3A_784, %add3A_785 : i32
        %get3A_787 = arith.index_cast %add3A_786 : i32 to index
        %get3A_788 = tpu.vector_load %arg21[%get3A_787] {strides = array<i32>} : memref<5760xf32, #tpu.memory_space<vmem>>, vector<16xf32>,
        %get3A_789 = vector.shape_cast %get3A_788 : vector<16xf32> to vector<16xf32>
        %get3A_790 = arith.index_cast %add3A_786 : i32 to index
        %get3A_791 = tpu.vector_load %arg17[%get3A_790] {strides = array<i32>} : memref<5760xf32, #tpu.memory_space<vmem>>, vector<16xf32>,
        %get3A_792 = vector.shape_cast %get3A_791 : vector<16xf32> to vector<16xf32>
        %mul3A_793 = arith.mulf %get3A_789, %get3A_792 : vector<16xf32>
        %swap3A_794 = arith.index_cast %add3A_786 : i32 to index
        %swap3A_795 = tpu.vector_load %arg21[%swap3A_794] {strides = array<i32>} : memref<5760xf32, #tpu.memory_space<vmem>>, vector<16xf32>,
        %swap3A_796 = vector.shape_cast %swap3A_795 : vector<16xf32> to vector<16xf32>
        %swap3A_797 = vector.shape_cast %mul3A_793 : vector<16xf32> to vector<16xf32>
        tpu.vector_store %arg21[%swap3A_794], %swap3A_797 {strides = array<i32>} : memref<5760xf32, #tpu.memory_space<vmem>>, vector<16xf32>,
        %mul3A_798 = arith.constant 192 : i32
        %mul3A_799 = arith.muli %scan3A_647, %mul3A_798 : i32
        %add3A_800 = arith.constant 160 : i32
        %add3A_801 = arith.addi %mul3A_799, %add3A_800 : i32
        %get3A_802 = arith.index_cast %add3A_801 : i32 to index
        %get3A_803 = tpu.vector_load %arg21[%get3A_802] {strides = array<i32>} : memref<5760xf32, #tpu.memory_space<vmem>>, vector<16xf32>,
        %get3A_804 = vector.shape_cast %get3A_803 : vector<16xf32> to vector<16xf32>
        %get3A_805 = arith.index_cast %add3A_801 : i32 to index
        %get3A_806 = tpu.vector_load %arg17[%get3A_805] {strides = array<i32>} : memref<5760xf32, #tpu.memory_space<vmem>>, vector<16xf32>,
        %get3A_807 = vector.shape_cast %get3A_806 : vector<16xf32> to vector<16xf32>
        %mul3A_808 = arith.mulf %get3A_804, %get3A_807 : vector<16xf32>
        %swap3A_809 = arith.index_cast %add3A_801 : i32 to index
        %swap3A_810 = tpu.vector_load %arg21[%swap3A_809] {strides = array<i32>} : memref<5760xf32, #tpu.memory_space<vmem>>, vector<16xf32>,
        %swap3A_811 = vector.shape_cast %swap3A_810 : vector<16xf32> to vector<16xf32>
        %swap3A_812 = vector.shape_cast %mul3A_808 : vector<16xf32> to vector<16xf32>
        tpu.vector_store %arg21[%swap3A_809], %swap3A_812 {strides = array<i32>} : memref<5760xf32, #tpu.memory_space<vmem>>, vector<16xf32>,
        %mul3A_813 = arith.constant 192 : i32
        %mul3A_814 = arith.muli %scan3A_647, %mul3A_813 : i32
        %add3A_815 = arith.constant 176 : i32
        %add3A_816 = arith.addi %mul3A_814, %add3A_815 : i32
        %get3A_817 = arith.index_cast %add3A_816 : i32 to index
        %get3A_818 = tpu.vector_load %arg21[%get3A_817] {strides = array<i32>} : memref<5760xf32, #tpu.memory_space<vmem>>, vector<16xf32>,
        %get3A_819 = vector.shape_cast %get3A_818 : vector<16xf32> to vector<16xf32>
        %get3A_820 = arith.index_cast %add3A_816 : i32 to index
        %get3A_821 = tpu.vector_load %arg17[%get3A_820] {strides = array<i32>} : memref<5760xf32, #tpu.memory_space<vmem>>, vector<16xf32>,
        %get3A_822 = vector.shape_cast %get3A_821 : vector<16xf32> to vector<16xf32>
        %mul3A_823 = arith.mulf %get3A_819, %get3A_822 : vector<16xf32>
        %swap3A_824 = arith.index_cast %add3A_816 : i32 to index
        %swap3A_825 = tpu.vector_load %arg21[%swap3A_824] {strides = array<i32>} : memref<5760xf32, #tpu.memory_space<vmem>>, vector<16xf32>,
        %swap3A_826 = vector.shape_cast %swap3A_825 : vector<16xf32> to vector<16xf32>
        %swap3A_827 = vector.shape_cast %mul3A_823 : vector<16xf32> to vector<16xf32>
        tpu.vector_store %arg21[%swap3A_824], %swap3A_827 {strides = array<i32>} : memref<5760xf32, #tpu.memory_space<vmem>>, vector<16xf32>,
        %scan3A_828 = arith.constant 0 : i32
        scf.yield %scan3A_828 : i32
      }
      %scan3A_382 = arith.constant 15 : i32
      %dma_start3A_383 = arith.constant 0 : i32
      %dma_start3A_384 = tpu.memref_slice %arg8[%dma_start3A_383] : memref<262144xf32, #tpu.memory_space<vmem_shared>> -> memref<262144xf32, #tpu.memory_space<vmem_shared>>
      tpu.enqueue_indirect_dma source(%arg21 : memref<5760xf32, #tpu.memory_space<vmem>>) target(%dma_start3A_384 : memref<262144xf32, #tpu.memory_space<vmem_shared>>) offsets(%arg9 : memref<5760xi32, #tpu.memory_space<vmem>>) semaphore(%arg38 : memref<!tpu.dma_semaphore, #tpu.memory_space<semaphore_mem>>) {add = true}
      %mul3A_385 = arith.constant 4 : i32
      %mul3A_386 = arith.muli %scan3A_297, %mul3A_385 : i32
      %add3A_387 = arith.constant 1 : i32
      %add3A_388 = arith.addi %mul3A_386, %add3A_387 : i32
      %ge3A_389 = arith.constant 2 : i32
      %ge3A_390 = arith.cmpi sge, %add3A_388, %ge3A_389 : i32
      %convert_element_type3A_391 = arith.extui %ge3A_390 : i1 to i32
      %cond3A_392 = arith.constant 0 : i32
      %cond3A_393 = arith.cmpi ne, %convert_element_type3A_391, %cond3A_392 : i32
      scf.if %cond3A_393 {
        %dma_wait3A_647 = arith.constant 0 : i32
        %dma_wait3A_648 = tpu.memref_slice %arg8[%dma_wait3A_647] : memref<262144xf32, #tpu.memory_space<vmem_shared>> -> memref<262144xf32, #tpu.memory_space<vmem_shared>>
        tpu.wait_indirect_dma semaphore(%arg41 : memref<!tpu.dma_semaphore, #tpu.memory_space<semaphore_mem>>) src(%arg24 : memref<5760xf32, #tpu.memory_space<vmem>>) dst(%dma_wait3A_648 : memref<262144xf32, #tpu.memory_space<vmem_shared>>)
      } else {
      }
      %add3A_394 = arith.constant 2 : i32
      %add3A_395 = arith.addi %add3A_388, %add3A_394 : i32
      %mul3A_396 = arith.constant 32 : i32
      %mul3A_397 = arith.muli %add3A_395, %mul3A_396 : i32
      %add3A_398 = arith.addi %mul3A_397, %add3A : i32
      %lt3A_399 = arith.constant 319 : i32
      %lt3A_400 = arith.cmpi slt, %add3A_398, %lt3A_399 : i32
      %convert_element_type3A_401 = arith.extui %lt3A_400 : i1 to i32
      %cond3A_402 = arith.constant 0 : i32
      %cond3A_403 = arith.cmpi ne, %convert_element_type3A_401, %cond3A_402 : i32
      scf.if %cond3A_403 {
        %mul3A_647 = arith.constant 5728 : i32
        %mul3A_648 = arith.muli %add3A_398, %mul3A_647 : i32
        %dma_start3A_649 = arith.constant 0 : i32
        %dma_start3A_650 = tpu.memref_slice %arg12[%dma_start3A_649] : memref<5760xi32, #tpu.memory_space<vmem>> -> memref<5728xi32, #tpu.memory_space<vmem>>
        %dma_start3A_651 = tpu.memref_slice %arg3[%mul3A_648] : memref<1827847xi32, #tpu.memory_space<hbm>> -> memref<5728xi32, #tpu.memory_space<hbm>>
        %dma_start3A_652 = arith.constant 0 : i32
        %dma_start3A_653 = tpu.memref_slice %arg12[%dma_start3A_652] : memref<5760xi32, #tpu.memory_space<vmem>> -> memref<5728xi32, #tpu.memory_space<vmem>>
        %dma_start3A_654 = tpu.memref_slice %arg3[%mul3A_648] : memref<1827847xi32, #tpu.memory_space<hbm>> -> memref<5728xi32, #tpu.memory_space<hbm>>
        tpu.enqueue_dma source(%dma_start3A_654 : memref<5728xi32, #tpu.memory_space<hbm>>) target(%dma_start3A_653 : memref<5728xi32, #tpu.memory_space<vmem>>) target_semaphore(%arg29 : memref<!tpu.dma_semaphore, #tpu.memory_space<semaphore_mem>>)
        %dma_start3A_655 = arith.constant 0 : i32
        %dma_start3A_656 = tpu.memref_slice %arg16[%dma_start3A_655] : memref<5760xi32, #tpu.memory_space<vmem>> -> memref<5728xi32, #tpu.memory_space<vmem>>
        %dma_start3A_657 = tpu.memref_slice %arg4[%mul3A_648] : memref<1827847xi32, #tpu.memory_space<hbm>> -> memref<5728xi32, #tpu.memory_space<hbm>>
        %dma_start3A_658 = arith.constant 0 : i32
        %dma_start3A_659 = tpu.memref_slice %arg16[%dma_start3A_658] : memref<5760xi32, #tpu.memory_space<vmem>> -> memref<5728xi32, #tpu.memory_space<vmem>>
        %dma_start3A_660 = tpu.memref_slice %arg4[%mul3A_648] : memref<1827847xi32, #tpu.memory_space<hbm>> -> memref<5728xi32, #tpu.memory_space<hbm>>
        tpu.enqueue_dma source(%dma_start3A_660 : memref<5728xi32, #tpu.memory_space<hbm>>) target(%dma_start3A_659 : memref<5728xi32, #tpu.memory_space<vmem>>) target_semaphore(%arg29 : memref<!tpu.dma_semaphore, #tpu.memory_space<semaphore_mem>>)
        %dma_start3A_661 = arith.constant 0 : i32
        %dma_start3A_662 = tpu.memref_slice %arg20[%dma_start3A_661] : memref<5760xf32, #tpu.memory_space<vmem>> -> memref<5728xf32, #tpu.memory_space<vmem>>
        %dma_start3A_663 = tpu.memref_slice %arg5[%mul3A_648] : memref<1827847xf32, #tpu.memory_space<hbm>> -> memref<5728xf32, #tpu.memory_space<hbm>>
        %dma_start3A_664 = arith.constant 0 : i32
        %dma_start3A_665 = tpu.memref_slice %arg20[%dma_start3A_664] : memref<5760xf32, #tpu.memory_space<vmem>> -> memref<5728xf32, #tpu.memory_space<vmem>>
        %dma_start3A_666 = tpu.memref_slice %arg5[%mul3A_648] : memref<1827847xf32, #tpu.memory_space<hbm>> -> memref<5728xf32, #tpu.memory_space<hbm>>
        tpu.enqueue_dma source(%dma_start3A_666 : memref<5728xf32, #tpu.memory_space<hbm>>) target(%dma_start3A_665 : memref<5728xf32, #tpu.memory_space<vmem>>) target_semaphore(%arg29 : memref<!tpu.dma_semaphore, #tpu.memory_space<semaphore_mem>>)
      } else {
      }
      %eq3A_404 = arith.constant 319 : i32
      %eq3A_405 = arith.cmpi eq, %add3A_398, %eq3A_404 : i32
      %convert_element_type3A_406 = arith.extui %eq3A_405 : i1 to i32
      %cond3A_407 = arith.constant 0 : i32
      %cond3A_408 = arith.cmpi ne, %convert_element_type3A_406, %cond3A_407 : i32
      scf.if %cond3A_408 {
        %dma_start3A_647 = arith.constant 0 : i32
        %dma_start3A_648 = tpu.memref_slice %arg12[%dma_start3A_647] : memref<5760xi32, #tpu.memory_space<vmem>> -> memref<615xi32, #tpu.memory_space<vmem>>
        %dma_start3A_649 = arith.constant 1827232 : i32
        %dma_start3A_650 = tpu.memref_slice %arg3[%dma_start3A_649] : memref<1827847xi32, #tpu.memory_space<hbm>> -> memref<615xi32, #tpu.memory_space<hbm>>
        %dma_start3A_651 = arith.constant 0 : i32
        %dma_start3A_652 = tpu.memref_slice %arg12[%dma_start3A_651] : memref<5760xi32, #tpu.memory_space<vmem>> -> memref<615xi32, #tpu.memory_space<vmem>>
        %dma_start3A_653 = arith.constant 1827232 : i32
        %dma_start3A_654 = tpu.memref_slice %arg3[%dma_start3A_653] : memref<1827847xi32, #tpu.memory_space<hbm>> -> memref<615xi32, #tpu.memory_space<hbm>>
        tpu.enqueue_dma source(%dma_start3A_654 : memref<615xi32, #tpu.memory_space<hbm>>) target(%dma_start3A_652 : memref<615xi32, #tpu.memory_space<vmem>>) target_semaphore(%arg29 : memref<!tpu.dma_semaphore, #tpu.memory_space<semaphore_mem>>)
        %dma_start3A_655 = arith.constant 0 : i32
        %dma_start3A_656 = tpu.memref_slice %arg16[%dma_start3A_655] : memref<5760xi32, #tpu.memory_space<vmem>> -> memref<615xi32, #tpu.memory_space<vmem>>
        %dma_start3A_657 = arith.constant 1827232 : i32
        %dma_start3A_658 = tpu.memref_slice %arg4[%dma_start3A_657] : memref<1827847xi32, #tpu.memory_space<hbm>> -> memref<615xi32, #tpu.memory_space<hbm>>
        %dma_start3A_659 = arith.constant 0 : i32
        %dma_start3A_660 = tpu.memref_slice %arg16[%dma_start3A_659] : memref<5760xi32, #tpu.memory_space<vmem>> -> memref<615xi32, #tpu.memory_space<vmem>>
        %dma_start3A_661 = arith.constant 1827232 : i32
        %dma_start3A_662 = tpu.memref_slice %arg4[%dma_start3A_661] : memref<1827847xi32, #tpu.memory_space<hbm>> -> memref<615xi32, #tpu.memory_space<hbm>>
        tpu.enqueue_dma source(%dma_start3A_662 : memref<615xi32, #tpu.memory_space<hbm>>) target(%dma_start3A_660 : memref<615xi32, #tpu.memory_space<vmem>>) target_semaphore(%arg29 : memref<!tpu.dma_semaphore, #tpu.memory_space<semaphore_mem>>)
        %dma_start3A_663 = arith.constant 0 : i32
        %dma_start3A_664 = tpu.memref_slice %arg20[%dma_start3A_663] : memref<5760xf32, #tpu.memory_space<vmem>> -> memref<615xf32, #tpu.memory_space<vmem>>
        %dma_start3A_665 = arith.constant 1827232 : i32
        %dma_start3A_666 = tpu.memref_slice %arg5[%dma_start3A_665] : memref<1827847xf32, #tpu.memory_space<hbm>> -> memref<615xf32, #tpu.memory_space<hbm>>
        %dma_start3A_667 = arith.constant 0 : i32
        %dma_start3A_668 = tpu.memref_slice %arg20[%dma_start3A_667] : memref<5760xf32, #tpu.memory_space<vmem>> -> memref<615xf32, #tpu.memory_space<vmem>>
        %dma_start3A_669 = arith.constant 1827232 : i32
        %dma_start3A_670 = tpu.memref_slice %arg5[%dma_start3A_669] : memref<1827847xf32, #tpu.memory_space<hbm>> -> memref<615xf32, #tpu.memory_space<hbm>>
        tpu.enqueue_dma source(%dma_start3A_670 : memref<615xf32, #tpu.memory_space<hbm>>) target(%dma_start3A_668 : memref<615xf32, #tpu.memory_space<vmem>>) target_semaphore(%arg29 : memref<!tpu.dma_semaphore, #tpu.memory_space<semaphore_mem>>)
      } else {
      }
      %add3A_409 = arith.constant 1 : i32
      %add3A_410 = arith.addi %add3A_388, %add3A_409 : i32
      %mul3A_411 = arith.constant 32 : i32
      %mul3A_412 = arith.muli %add3A_410, %mul3A_411 : i32
      %add3A_413 = arith.addi %mul3A_412, %add3A : i32
      %lt3A_414 = arith.constant 319 : i32
      %lt3A_415 = arith.cmpi slt, %add3A_413, %lt3A_414 : i32
      %convert_element_type3A_416 = arith.extui %lt3A_415 : i1 to i32
      %cond3A_417 = arith.constant 0 : i32
      %cond3A_418 = arith.cmpi ne, %convert_element_type3A_416, %cond3A_417 : i32
      scf.if %cond3A_418 {
        %dma_wait3A_647 = arith.constant 0 : i32
        %dma_wait3A_648 = tpu.memref_slice %arg11[%dma_wait3A_647] : memref<5760xi32, #tpu.memory_space<vmem>> -> memref<5728xi32, #tpu.memory_space<vmem>>
        %dma_wait3A_649 = arith.constant 0 : i32
        %dma_wait3A_650 = tpu.memref_slice %arg3[%dma_wait3A_649] : memref<1827847xi32, #tpu.memory_space<hbm>> -> memref<5728xi32, #tpu.memory_space<hbm>>
        %dma_wait3A_651 = arith.constant 0 : i32
        %dma_wait3A_652 = tpu.memref_slice %arg11[%dma_wait3A_651] : memref<5760xi32, #tpu.memory_space<vmem>> -> memref<5728xi32, #tpu.memory_space<vmem>>
        %dma_wait3A_653 = arith.constant 0 : i32
        %dma_wait3A_654 = tpu.memref_slice %arg3[%dma_wait3A_653] : memref<1827847xi32, #tpu.memory_space<hbm>> -> memref<5728xi32, #tpu.memory_space<hbm>>
        tpu.wait_dma2 semaphore(%arg28 : memref<!tpu.dma_semaphore, #tpu.memory_space<semaphore_mem>>) src(%dma_wait3A_654 : memref<5728xi32, #tpu.memory_space<hbm>>) dst(%dma_wait3A_652 : memref<5728xi32, #tpu.memory_space<vmem>>)
        %dma_wait3A_655 = arith.constant 0 : i32
        %dma_wait3A_656 = tpu.memref_slice %arg15[%dma_wait3A_655] : memref<5760xi32, #tpu.memory_space<vmem>> -> memref<5728xi32, #tpu.memory_space<vmem>>
        %dma_wait3A_657 = arith.constant 0 : i32
        %dma_wait3A_658 = tpu.memref_slice %arg4[%dma_wait3A_657] : memref<1827847xi32, #tpu.memory_space<hbm>> -> memref<5728xi32, #tpu.memory_space<hbm>>
        %dma_wait3A_659 = arith.constant 0 : i32
        %dma_wait3A_660 = tpu.memref_slice %arg15[%dma_wait3A_659] : memref<5760xi32, #tpu.memory_space<vmem>> -> memref<5728xi32, #tpu.memory_space<vmem>>
        %dma_wait3A_661 = arith.constant 0 : i32
        %dma_wait3A_662 = tpu.memref_slice %arg4[%dma_wait3A_661] : memref<1827847xi32, #tpu.memory_space<hbm>> -> memref<5728xi32, #tpu.memory_space<hbm>>
        tpu.wait_dma2 semaphore(%arg28 : memref<!tpu.dma_semaphore, #tpu.memory_space<semaphore_mem>>) src(%dma_wait3A_662 : memref<5728xi32, #tpu.memory_space<hbm>>) dst(%dma_wait3A_660 : memref<5728xi32, #tpu.memory_space<vmem>>)
        %dma_wait3A_663 = arith.constant 0 : i32
        %dma_wait3A_664 = tpu.memref_slice %arg19[%dma_wait3A_663] : memref<5760xf32, #tpu.memory_space<vmem>> -> memref<5728xf32, #tpu.memory_space<vmem>>
        %dma_wait3A_665 = arith.constant 0 : i32
        %dma_wait3A_666 = tpu.memref_slice %arg5[%dma_wait3A_665] : memref<1827847xf32, #tpu.memory_space<hbm>> -> memref<5728xf32, #tpu.memory_space<hbm>>
        %dma_wait3A_667 = arith.constant 0 : i32
        %dma_wait3A_668 = tpu.memref_slice %arg19[%dma_wait3A_667] : memref<5760xf32, #tpu.memory_space<vmem>> -> memref<5728xf32, #tpu.memory_space<vmem>>
        %dma_wait3A_669 = arith.constant 0 : i32
        %dma_wait3A_670 = tpu.memref_slice %arg5[%dma_wait3A_669] : memref<1827847xf32, #tpu.memory_space<hbm>> -> memref<5728xf32, #tpu.memory_space<hbm>>
        tpu.wait_dma2 semaphore(%arg28 : memref<!tpu.dma_semaphore, #tpu.memory_space<semaphore_mem>>) src(%dma_wait3A_670 : memref<5728xf32, #tpu.memory_space<hbm>>) dst(%dma_wait3A_668 : memref<5728xf32, #tpu.memory_space<vmem>>)
      } else {
      }
      %eq3A_419 = arith.constant 319 : i32
      %eq3A_420 = arith.cmpi eq, %add3A_413, %eq3A_419 : i32
      %convert_element_type3A_421 = arith.extui %eq3A_420 : i1 to i32
      %cond3A_422 = arith.constant 0 : i32
      %cond3A_423 = arith.cmpi ne, %convert_element_type3A_421, %cond3A_422 : i32
      scf.if %cond3A_423 {
        %dma_wait3A_647 = arith.constant 0 : i32
        %dma_wait3A_648 = tpu.memref_slice %arg11[%dma_wait3A_647] : memref<5760xi32, #tpu.memory_space<vmem>> -> memref<615xi32, #tpu.memory_space<vmem>>
        %dma_wait3A_649 = arith.constant 0 : i32
        %dma_wait3A_650 = tpu.memref_slice %arg3[%dma_wait3A_649] : memref<1827847xi32, #tpu.memory_space<hbm>> -> memref<615xi32, #tpu.memory_space<hbm>>
        %dma_wait3A_651 = arith.constant 0 : i32
        %dma_wait3A_652 = tpu.memref_slice %arg11[%dma_wait3A_651] : memref<5760xi32, #tpu.memory_space<vmem>> -> memref<615xi32, #tpu.memory_space<vmem>>
        %dma_wait3A_653 = arith.constant 0 : i32
        %dma_wait3A_654 = tpu.memref_slice %arg3[%dma_wait3A_653] : memref<1827847xi32, #tpu.memory_space<hbm>> -> memref<615xi32, #tpu.memory_space<hbm>>
        tpu.wait_dma2 semaphore(%arg28 : memref<!tpu.dma_semaphore, #tpu.memory_space<semaphore_mem>>) src(%dma_wait3A_654 : memref<615xi32, #tpu.memory_space<hbm>>) dst(%dma_wait3A_652 : memref<615xi32, #tpu.memory_space<vmem>>)
        %dma_wait3A_655 = arith.constant 0 : i32
        %dma_wait3A_656 = tpu.memref_slice %arg15[%dma_wait3A_655] : memref<5760xi32, #tpu.memory_space<vmem>> -> memref<615xi32, #tpu.memory_space<vmem>>
        %dma_wait3A_657 = arith.constant 0 : i32
        %dma_wait3A_658 = tpu.memref_slice %arg4[%dma_wait3A_657] : memref<1827847xi32, #tpu.memory_space<hbm>> -> memref<615xi32, #tpu.memory_space<hbm>>
        %dma_wait3A_659 = arith.constant 0 : i32
        %dma_wait3A_660 = tpu.memref_slice %arg15[%dma_wait3A_659] : memref<5760xi32, #tpu.memory_space<vmem>> -> memref<615xi32, #tpu.memory_space<vmem>>
        %dma_wait3A_661 = arith.constant 0 : i32
        %dma_wait3A_662 = tpu.memref_slice %arg4[%dma_wait3A_661] : memref<1827847xi32, #tpu.memory_space<hbm>> -> memref<615xi32, #tpu.memory_space<hbm>>
        tpu.wait_dma2 semaphore(%arg28 : memref<!tpu.dma_semaphore, #tpu.memory_space<semaphore_mem>>) src(%dma_wait3A_662 : memref<615xi32, #tpu.memory_space<hbm>>) dst(%dma_wait3A_660 : memref<615xi32, #tpu.memory_space<vmem>>)
        %dma_wait3A_663 = arith.constant 0 : i32
        %dma_wait3A_664 = tpu.memref_slice %arg19[%dma_wait3A_663] : memref<5760xf32, #tpu.memory_space<vmem>> -> memref<615xf32, #tpu.memory_space<vmem>>
        %dma_wait3A_665 = arith.constant 0 : i32
        %dma_wait3A_666 = tpu.memref_slice %arg5[%dma_wait3A_665] : memref<1827847xf32, #tpu.memory_space<hbm>> -> memref<615xf32, #tpu.memory_space<hbm>>
        %dma_wait3A_667 = arith.constant 0 : i32
        %dma_wait3A_668 = tpu.memref_slice %arg19[%dma_wait3A_667] : memref<5760xf32, #tpu.memory_space<vmem>> -> memref<615xf32, #tpu.memory_space<vmem>>
        %dma_wait3A_669 = arith.constant 0 : i32
        %dma_wait3A_670 = tpu.memref_slice %arg5[%dma_wait3A_669] : memref<1827847xf32, #tpu.memory_space<hbm>> -> memref<615xf32, #tpu.memory_space<hbm>>
        tpu.wait_dma2 semaphore(%arg28 : memref<!tpu.dma_semaphore, #tpu.memory_space<semaphore_mem>>) src(%dma_wait3A_670 : memref<615xf32, #tpu.memory_space<hbm>>) dst(%dma_wait3A_668 : memref<615xf32, #tpu.memory_space<vmem>>)
      } else {
      }
      %dma_start3A_424 = arith.constant 0 : i32
      %dma_start3A_425 = tpu.memref_slice %arg23[%dma_start3A_424] : memref<5760xf32, #tpu.memory_space<vmem>> -> memref<2880xf32, #tpu.memory_space<vmem>>
      %dma_start3A_426 = arith.constant 0 : i32
      %dma_start3A_427 = tpu.memref_slice %arg15[%dma_start3A_426] : memref<5760xi32, #tpu.memory_space<vmem>> -> memref<2880xi32, #tpu.memory_space<vmem>>
      %dma_start3A_428 = arith.constant 0 : i32
      %dma_start3A_429 = tpu.memref_slice %arg7[%dma_start3A_428] : memref<262144xf32, #tpu.memory_space<vmem_shared>> -> memref<262144xf32, #tpu.memory_space<vmem_shared>>
      tpu.enqueue_indirect_dma source(%dma_start3A_429 : memref<262144xf32, #tpu.memory_space<vmem_shared>>) target(%dma_start3A_425 : memref<2880xf32, #tpu.memory_space<vmem>>) offsets(%dma_start3A_427 : memref<2880xi32, #tpu.memory_space<vmem>>) semaphore(%arg32 : memref<!tpu.dma_semaphore, #tpu.memory_space<semaphore_mem>>)
      %dma_start3A_430 = arith.constant 2880 : i32
      %dma_start3A_431 = tpu.memref_slice %arg23[%dma_start3A_430] : memref<5760xf32, #tpu.memory_space<vmem>> -> memref<2880xf32, #tpu.memory_space<vmem>>
      %dma_start3A_432 = arith.constant 2880 : i32
      %dma_start3A_433 = tpu.memref_slice %arg15[%dma_start3A_432] : memref<5760xi32, #tpu.memory_space<vmem>> -> memref<2880xi32, #tpu.memory_space<vmem>>
      %dma_start3A_434 = arith.constant 0 : i32
      %dma_start3A_435 = tpu.memref_slice %arg7[%dma_start3A_434] : memref<262144xf32, #tpu.memory_space<vmem_shared>> -> memref<262144xf32, #tpu.memory_space<vmem_shared>>
      tpu.enqueue_indirect_dma source(%dma_start3A_435 : memref<262144xf32, #tpu.memory_space<vmem_shared>>) target(%dma_start3A_431 : memref<2880xf32, #tpu.memory_space<vmem>>) offsets(%dma_start3A_433 : memref<2880xi32, #tpu.memory_space<vmem>>) semaphore(%arg36 : memref<!tpu.dma_semaphore, #tpu.memory_space<semaphore_mem>>)
      %mul3A_436 = arith.constant 32 : i32
      %mul3A_437 = arith.muli %add3A_388, %mul3A_436 : i32
      %add3A_438 = arith.addi %mul3A_437, %add3A : i32
      %eq3A_439 = arith.constant 319 : i32
      %eq3A_440 = arith.cmpi eq, %add3A_438, %eq3A_439 : i32
      %convert_element_type3A_441 = arith.extui %eq3A_440 : i1 to i32
      %cond3A_442 = arith.constant 0 : i32
      %cond3A_443 = arith.cmpi ne, %convert_element_type3A_441, %cond3A_442 : i32
      scf.if %cond3A_443 {
        %iota3A = tpu.iota {dimensions = array<i32: 0>} : vector<16xi32>
        %lt3A_647 = arith.constant 7 : i32
        %lt3A_648 = vector.broadcast %lt3A_647 : i32 to vector<16xi32>
        %lt3A_649 = arith.cmpi slt, %iota3A, %lt3A_648 : vector<16xi32>
        %get3A = arith.constant 608 : index
        %get3A_650 = tpu.vector_load %arg18[%get3A] {strides = array<i32>} : memref<5760xf32, #tpu.memory_space<vmem>>, vector<16xf32>,
        %get3A_651 = vector.shape_cast %get3A_650 : vector<16xf32> to vector<16xf32>
        %jit3A = arith.constant 0.000000e+00 : f32
        %broadcast_in_dim3A_652 = vector.broadcast %jit3A : f32 to vector<16xf32>
        %select_n3A = arith.select %lt3A_649, %get3A_651, %broadcast_in_dim3A_652 : vector<16xi1>, vector<16xf32>
        %swap3A_653 = arith.constant 608 : index
        %swap3A_654 = tpu.vector_load %arg18[%swap3A_653] {strides = array<i32>} : memref<5760xf32, #tpu.memory_space<vmem>>, vector<16xf32>,
        %swap3A_655 = vector.shape_cast %swap3A_654 : vector<16xf32> to vector<16xf32>
        %swap3A_656 = vector.shape_cast %select_n3A : vector<16xf32> to vector<16xf32>
        tpu.vector_store %arg18[%swap3A_653], %swap3A_656 {strides = array<i32>} : memref<5760xf32, #tpu.memory_space<vmem>>, vector<16xf32>,
        %scan3A_657 = arith.constant 0 : i32
        %scan3A_658 = arith.constant 39 : i32
        %scan3A_659 = arith.constant 319 : i32
        %scan3A_660 = arith.addi %scan3A_658, %scan3A_659 : i32
        %scan3A_661 = arith.constant 1 : i32
        %scan3A_662 = scf.for %scan3A_664 = %scan3A_658 to %scan3A_660 step %scan3A_661 iter_args(%scan3A_665 = %scan3A_657) -> (i32)  : i32 {
          %broadcast_in_dim3A_666 = arith.constant 0.000000e+00 : f32
          %broadcast_in_dim3A_667 = vector.broadcast %broadcast_in_dim3A_666 : f32 to vector<16xf32>
          %mul3A_668 = arith.constant 16 : i32
          %mul3A_669 = arith.muli %scan3A_664, %mul3A_668 : i32
          %swap3A_670 = arith.index_cast %mul3A_669 : i32 to index
          %swap3A_671 = tpu.vector_load %arg18[%swap3A_670] {strides = array<i32>} : memref<5760xf32, #tpu.memory_space<vmem>>, vector<16xf32>,
          %swap3A_672 = vector.shape_cast %swap3A_671 : vector<16xf32> to vector<16xf32>
          %swap3A_673 = vector.shape_cast %broadcast_in_dim3A_667 : vector<16xf32> to vector<16xf32>
          tpu.vector_store %arg18[%swap3A_670], %swap3A_673 {strides = array<i32>} : memref<5760xf32, #tpu.memory_space<vmem>>, vector<16xf32>,
          %scan3A_674 = arith.constant 0 : i32
          scf.yield %scan3A_674 : i32
        }
        %scan3A_663 = arith.constant 319 : i32
      } else {
      }
      %dma_wait3A_444 = arith.constant 0 : i32
      %dma_wait3A_445 = tpu.memref_slice %arg22[%dma_wait3A_444] : memref<5760xf32, #tpu.memory_space<vmem>> -> memref<2880xf32, #tpu.memory_space<vmem>>
      %dma_wait3A_446 = arith.constant 0 : i32
      %dma_wait3A_447 = tpu.memref_slice %arg14[%dma_wait3A_446] : memref<5760xi32, #tpu.memory_space<vmem>> -> memref<2880xi32, #tpu.memory_space<vmem>>
      %dma_wait3A_448 = arith.constant 0 : i32
      %dma_wait3A_449 = tpu.memref_slice %arg7[%dma_wait3A_448] : memref<262144xf32, #tpu.memory_space<vmem_shared>> -> memref<262144xf32, #tpu.memory_space<vmem_shared>>
      tpu.wait_indirect_dma semaphore(%arg31 : memref<!tpu.dma_semaphore, #tpu.memory_space<semaphore_mem>>) src(%dma_wait3A_449 : memref<262144xf32, #tpu.memory_space<vmem_shared>>) dst(%dma_wait3A_445 : memref<2880xf32, #tpu.memory_space<vmem>>)
      %scan3A_450 = arith.constant 0 : i32
      %scan3A_451 = arith.constant 0 : i32
      %scan3A_452 = arith.constant 15 : i32
      %scan3A_453 = arith.addi %scan3A_451, %scan3A_452 : i32
      %scan3A_454 = arith.constant 1 : i32
      %scan3A_455 = scf.for %scan3A_647 = %scan3A_451 to %scan3A_453 step %scan3A_454 iter_args(%scan3A_648 = %scan3A_450) -> (i32)  : i32 {
        %mul3A_649 = arith.constant 192 : i32
        %mul3A_650 = arith.muli %scan3A_647, %mul3A_649 : i32
        %add3A_651 = arith.constant 0 : i32
        %add3A_652 = arith.addi %mul3A_650, %add3A_651 : i32
        %get3A = arith.index_cast %add3A_652 : i32 to index
        %get3A_653 = tpu.vector_load %arg22[%get3A] {strides = array<i32>} : memref<5760xf32, #tpu.memory_space<vmem>>, vector<16xf32>,
        %get3A_654 = vector.shape_cast %get3A_653 : vector<16xf32> to vector<16xf32>
        %get3A_655 = arith.index_cast %add3A_652 : i32 to index
        %get3A_656 = tpu.vector_load %arg18[%get3A_655] {strides = array<i32>} : memref<5760xf32, #tpu.memory_space<vmem>>, vector<16xf32>,
        %get3A_657 = vector.shape_cast %get3A_656 : vector<16xf32> to vector<16xf32>
        %mul3A_658 = arith.mulf %get3A_654, %get3A_657 : vector<16xf32>
        %swap3A_659 = arith.index_cast %add3A_652 : i32 to index
        %swap3A_660 = tpu.vector_load %arg22[%swap3A_659] {strides = array<i32>} : memref<5760xf32, #tpu.memory_space<vmem>>, vector<16xf32>,
        %swap3A_661 = vector.shape_cast %swap3A_660 : vector<16xf32> to vector<16xf32>
        %swap3A_662 = vector.shape_cast %mul3A_658 : vector<16xf32> to vector<16xf32>
        tpu.vector_store %arg22[%swap3A_659], %swap3A_662 {strides = array<i32>} : memref<5760xf32, #tpu.memory_space<vmem>>, vector<16xf32>,
        %mul3A_663 = arith.constant 192 : i32
        %mul3A_664 = arith.muli %scan3A_647, %mul3A_663 : i32
        %add3A_665 = arith.constant 16 : i32
        %add3A_666 = arith.addi %mul3A_664, %add3A_665 : i32
        %get3A_667 = arith.index_cast %add3A_666 : i32 to index
        %get3A_668 = tpu.vector_load %arg22[%get3A_667] {strides = array<i32>} : memref<5760xf32, #tpu.memory_space<vmem>>, vector<16xf32>,
        %get3A_669 = vector.shape_cast %get3A_668 : vector<16xf32> to vector<16xf32>
        %get3A_670 = arith.index_cast %add3A_666 : i32 to index
        %get3A_671 = tpu.vector_load %arg18[%get3A_670] {strides = array<i32>} : memref<5760xf32, #tpu.memory_space<vmem>>, vector<16xf32>,
        %get3A_672 = vector.shape_cast %get3A_671 : vector<16xf32> to vector<16xf32>
        %mul3A_673 = arith.mulf %get3A_669, %get3A_672 : vector<16xf32>
        %swap3A_674 = arith.index_cast %add3A_666 : i32 to index
        %swap3A_675 = tpu.vector_load %arg22[%swap3A_674] {strides = array<i32>} : memref<5760xf32, #tpu.memory_space<vmem>>, vector<16xf32>,
        %swap3A_676 = vector.shape_cast %swap3A_675 : vector<16xf32> to vector<16xf32>
        %swap3A_677 = vector.shape_cast %mul3A_673 : vector<16xf32> to vector<16xf32>
        tpu.vector_store %arg22[%swap3A_674], %swap3A_677 {strides = array<i32>} : memref<5760xf32, #tpu.memory_space<vmem>>, vector<16xf32>,
        %mul3A_678 = arith.constant 192 : i32
        %mul3A_679 = arith.muli %scan3A_647, %mul3A_678 : i32
        %add3A_680 = arith.constant 32 : i32
        %add3A_681 = arith.addi %mul3A_679, %add3A_680 : i32
        %get3A_682 = arith.index_cast %add3A_681 : i32 to index
        %get3A_683 = tpu.vector_load %arg22[%get3A_682] {strides = array<i32>} : memref<5760xf32, #tpu.memory_space<vmem>>, vector<16xf32>,
        %get3A_684 = vector.shape_cast %get3A_683 : vector<16xf32> to vector<16xf32>
        %get3A_685 = arith.index_cast %add3A_681 : i32 to index
        %get3A_686 = tpu.vector_load %arg18[%get3A_685] {strides = array<i32>} : memref<5760xf32, #tpu.memory_space<vmem>>, vector<16xf32>,
        %get3A_687 = vector.shape_cast %get3A_686 : vector<16xf32> to vector<16xf32>
        %mul3A_688 = arith.mulf %get3A_684, %get3A_687 : vector<16xf32>
        %swap3A_689 = arith.index_cast %add3A_681 : i32 to index
        %swap3A_690 = tpu.vector_load %arg22[%swap3A_689] {strides = array<i32>} : memref<5760xf32, #tpu.memory_space<vmem>>, vector<16xf32>,
        %swap3A_691 = vector.shape_cast %swap3A_690 : vector<16xf32> to vector<16xf32>
        %swap3A_692 = vector.shape_cast %mul3A_688 : vector<16xf32> to vector<16xf32>
        tpu.vector_store %arg22[%swap3A_689], %swap3A_692 {strides = array<i32>} : memref<5760xf32, #tpu.memory_space<vmem>>, vector<16xf32>,
        %mul3A_693 = arith.constant 192 : i32
        %mul3A_694 = arith.muli %scan3A_647, %mul3A_693 : i32
        %add3A_695 = arith.constant 48 : i32
        %add3A_696 = arith.addi %mul3A_694, %add3A_695 : i32
        %get3A_697 = arith.index_cast %add3A_696 : i32 to index
        %get3A_698 = tpu.vector_load %arg22[%get3A_697] {strides = array<i32>} : memref<5760xf32, #tpu.memory_space<vmem>>, vector<16xf32>,
        %get3A_699 = vector.shape_cast %get3A_698 : vector<16xf32> to vector<16xf32>
        %get3A_700 = arith.index_cast %add3A_696 : i32 to index
        %get3A_701 = tpu.vector_load %arg18[%get3A_700] {strides = array<i32>} : memref<5760xf32, #tpu.memory_space<vmem>>, vector<16xf32>,
        %get3A_702 = vector.shape_cast %get3A_701 : vector<16xf32> to vector<16xf32>
        %mul3A_703 = arith.mulf %get3A_699, %get3A_702 : vector<16xf32>
        %swap3A_704 = arith.index_cast %add3A_696 : i32 to index
        %swap3A_705 = tpu.vector_load %arg22[%swap3A_704] {strides = array<i32>} : memref<5760xf32, #tpu.memory_space<vmem>>, vector<16xf32>,
        %swap3A_706 = vector.shape_cast %swap3A_705 : vector<16xf32> to vector<16xf32>
        %swap3A_707 = vector.shape_cast %mul3A_703 : vector<16xf32> to vector<16xf32>
        tpu.vector_store %arg22[%swap3A_704], %swap3A_707 {strides = array<i32>} : memref<5760xf32, #tpu.memory_space<vmem>>, vector<16xf32>,
        %mul3A_708 = arith.constant 192 : i32
        %mul3A_709 = arith.muli %scan3A_647, %mul3A_708 : i32
        %add3A_710 = arith.constant 64 : i32
        %add3A_711 = arith.addi %mul3A_709, %add3A_710 : i32
        %get3A_712 = arith.index_cast %add3A_711 : i32 to index
        %get3A_713 = tpu.vector_load %arg22[%get3A_712] {strides = array<i32>} : memref<5760xf32, #tpu.memory_space<vmem>>, vector<16xf32>,
        %get3A_714 = vector.shape_cast %get3A_713 : vector<16xf32> to vector<16xf32>
        %get3A_715 = arith.index_cast %add3A_711 : i32 to index
        %get3A_716 = tpu.vector_load %arg18[%get3A_715] {strides = array<i32>} : memref<5760xf32, #tpu.memory_space<vmem>>, vector<16xf32>,
        %get3A_717 = vector.shape_cast %get3A_716 : vector<16xf32> to vector<16xf32>
        %mul3A_718 = arith.mulf %get3A_714, %get3A_717 : vector<16xf32>
        %swap3A_719 = arith.index_cast %add3A_711 : i32 to index
        %swap3A_720 = tpu.vector_load %arg22[%swap3A_719] {strides = array<i32>} : memref<5760xf32, #tpu.memory_space<vmem>>, vector<16xf32>,
        %swap3A_721 = vector.shape_cast %swap3A_720 : vector<16xf32> to vector<16xf32>
        %swap3A_722 = vector.shape_cast %mul3A_718 : vector<16xf32> to vector<16xf32>
        tpu.vector_store %arg22[%swap3A_719], %swap3A_722 {strides = array<i32>} : memref<5760xf32, #tpu.memory_space<vmem>>, vector<16xf32>,
        %mul3A_723 = arith.constant 192 : i32
        %mul3A_724 = arith.muli %scan3A_647, %mul3A_723 : i32
        %add3A_725 = arith.constant 80 : i32
        %add3A_726 = arith.addi %mul3A_724, %add3A_725 : i32
        %get3A_727 = arith.index_cast %add3A_726 : i32 to index
        %get3A_728 = tpu.vector_load %arg22[%get3A_727] {strides = array<i32>} : memref<5760xf32, #tpu.memory_space<vmem>>, vector<16xf32>,
        %get3A_729 = vector.shape_cast %get3A_728 : vector<16xf32> to vector<16xf32>
        %get3A_730 = arith.index_cast %add3A_726 : i32 to index
        %get3A_731 = tpu.vector_load %arg18[%get3A_730] {strides = array<i32>} : memref<5760xf32, #tpu.memory_space<vmem>>, vector<16xf32>,
        %get3A_732 = vector.shape_cast %get3A_731 : vector<16xf32> to vector<16xf32>
        %mul3A_733 = arith.mulf %get3A_729, %get3A_732 : vector<16xf32>
        %swap3A_734 = arith.index_cast %add3A_726 : i32 to index
        %swap3A_735 = tpu.vector_load %arg22[%swap3A_734] {strides = array<i32>} : memref<5760xf32, #tpu.memory_space<vmem>>, vector<16xf32>,
        %swap3A_736 = vector.shape_cast %swap3A_735 : vector<16xf32> to vector<16xf32>
        %swap3A_737 = vector.shape_cast %mul3A_733 : vector<16xf32> to vector<16xf32>
        tpu.vector_store %arg22[%swap3A_734], %swap3A_737 {strides = array<i32>} : memref<5760xf32, #tpu.memory_space<vmem>>, vector<16xf32>,
        %mul3A_738 = arith.constant 192 : i32
        %mul3A_739 = arith.muli %scan3A_647, %mul3A_738 : i32
        %add3A_740 = arith.constant 96 : i32
        %add3A_741 = arith.addi %mul3A_739, %add3A_740 : i32
        %get3A_742 = arith.index_cast %add3A_741 : i32 to index
        %get3A_743 = tpu.vector_load %arg22[%get3A_742] {strides = array<i32>} : memref<5760xf32, #tpu.memory_space<vmem>>, vector<16xf32>,
        %get3A_744 = vector.shape_cast %get3A_743 : vector<16xf32> to vector<16xf32>
        %get3A_745 = arith.index_cast %add3A_741 : i32 to index
        %get3A_746 = tpu.vector_load %arg18[%get3A_745] {strides = array<i32>} : memref<5760xf32, #tpu.memory_space<vmem>>, vector<16xf32>,
        %get3A_747 = vector.shape_cast %get3A_746 : vector<16xf32> to vector<16xf32>
        %mul3A_748 = arith.mulf %get3A_744, %get3A_747 : vector<16xf32>
        %swap3A_749 = arith.index_cast %add3A_741 : i32 to index
        %swap3A_750 = tpu.vector_load %arg22[%swap3A_749] {strides = array<i32>} : memref<5760xf32, #tpu.memory_space<vmem>>, vector<16xf32>,
        %swap3A_751 = vector.shape_cast %swap3A_750 : vector<16xf32> to vector<16xf32>
        %swap3A_752 = vector.shape_cast %mul3A_748 : vector<16xf32> to vector<16xf32>
        tpu.vector_store %arg22[%swap3A_749], %swap3A_752 {strides = array<i32>} : memref<5760xf32, #tpu.memory_space<vmem>>, vector<16xf32>,
        %mul3A_753 = arith.constant 192 : i32
        %mul3A_754 = arith.muli %scan3A_647, %mul3A_753 : i32
        %add3A_755 = arith.constant 112 : i32
        %add3A_756 = arith.addi %mul3A_754, %add3A_755 : i32
        %get3A_757 = arith.index_cast %add3A_756 : i32 to index
        %get3A_758 = tpu.vector_load %arg22[%get3A_757] {strides = array<i32>} : memref<5760xf32, #tpu.memory_space<vmem>>, vector<16xf32>,
        %get3A_759 = vector.shape_cast %get3A_758 : vector<16xf32> to vector<16xf32>
        %get3A_760 = arith.index_cast %add3A_756 : i32 to index
        %get3A_761 = tpu.vector_load %arg18[%get3A_760] {strides = array<i32>} : memref<5760xf32, #tpu.memory_space<vmem>>, vector<16xf32>,
        %get3A_762 = vector.shape_cast %get3A_761 : vector<16xf32> to vector<16xf32>
        %mul3A_763 = arith.mulf %get3A_759, %get3A_762 : vector<16xf32>
        %swap3A_764 = arith.index_cast %add3A_756 : i32 to index
        %swap3A_765 = tpu.vector_load %arg22[%swap3A_764] {strides = array<i32>} : memref<5760xf32, #tpu.memory_space<vmem>>, vector<16xf32>,
        %swap3A_766 = vector.shape_cast %swap3A_765 : vector<16xf32> to vector<16xf32>
        %swap3A_767 = vector.shape_cast %mul3A_763 : vector<16xf32> to vector<16xf32>
        tpu.vector_store %arg22[%swap3A_764], %swap3A_767 {strides = array<i32>} : memref<5760xf32, #tpu.memory_space<vmem>>, vector<16xf32>,
        %mul3A_768 = arith.constant 192 : i32
        %mul3A_769 = arith.muli %scan3A_647, %mul3A_768 : i32
        %add3A_770 = arith.constant 128 : i32
        %add3A_771 = arith.addi %mul3A_769, %add3A_770 : i32
        %get3A_772 = arith.index_cast %add3A_771 : i32 to index
        %get3A_773 = tpu.vector_load %arg22[%get3A_772] {strides = array<i32>} : memref<5760xf32, #tpu.memory_space<vmem>>, vector<16xf32>,
        %get3A_774 = vector.shape_cast %get3A_773 : vector<16xf32> to vector<16xf32>
        %get3A_775 = arith.index_cast %add3A_771 : i32 to index
        %get3A_776 = tpu.vector_load %arg18[%get3A_775] {strides = array<i32>} : memref<5760xf32, #tpu.memory_space<vmem>>, vector<16xf32>,
        %get3A_777 = vector.shape_cast %get3A_776 : vector<16xf32> to vector<16xf32>
        %mul3A_778 = arith.mulf %get3A_774, %get3A_777 : vector<16xf32>
        %swap3A_779 = arith.index_cast %add3A_771 : i32 to index
        %swap3A_780 = tpu.vector_load %arg22[%swap3A_779] {strides = array<i32>} : memref<5760xf32, #tpu.memory_space<vmem>>, vector<16xf32>,
        %swap3A_781 = vector.shape_cast %swap3A_780 : vector<16xf32> to vector<16xf32>
        %swap3A_782 = vector.shape_cast %mul3A_778 : vector<16xf32> to vector<16xf32>
        tpu.vector_store %arg22[%swap3A_779], %swap3A_782 {strides = array<i32>} : memref<5760xf32, #tpu.memory_space<vmem>>, vector<16xf32>,
        %mul3A_783 = arith.constant 192 : i32
        %mul3A_784 = arith.muli %scan3A_647, %mul3A_783 : i32
        %add3A_785 = arith.constant 144 : i32
        %add3A_786 = arith.addi %mul3A_784, %add3A_785 : i32
        %get3A_787 = arith.index_cast %add3A_786 : i32 to index
        %get3A_788 = tpu.vector_load %arg22[%get3A_787] {strides = array<i32>} : memref<5760xf32, #tpu.memory_space<vmem>>, vector<16xf32>,
        %get3A_789 = vector.shape_cast %get3A_788 : vector<16xf32> to vector<16xf32>
        %get3A_790 = arith.index_cast %add3A_786 : i32 to index
        %get3A_791 = tpu.vector_load %arg18[%get3A_790] {strides = array<i32>} : memref<5760xf32, #tpu.memory_space<vmem>>, vector<16xf32>,
        %get3A_792 = vector.shape_cast %get3A_791 : vector<16xf32> to vector<16xf32>
        %mul3A_793 = arith.mulf %get3A_789, %get3A_792 : vector<16xf32>
        %swap3A_794 = arith.index_cast %add3A_786 : i32 to index
        %swap3A_795 = tpu.vector_load %arg22[%swap3A_794] {strides = array<i32>} : memref<5760xf32, #tpu.memory_space<vmem>>, vector<16xf32>,
        %swap3A_796 = vector.shape_cast %swap3A_795 : vector<16xf32> to vector<16xf32>
        %swap3A_797 = vector.shape_cast %mul3A_793 : vector<16xf32> to vector<16xf32>
        tpu.vector_store %arg22[%swap3A_794], %swap3A_797 {strides = array<i32>} : memref<5760xf32, #tpu.memory_space<vmem>>, vector<16xf32>,
        %mul3A_798 = arith.constant 192 : i32
        %mul3A_799 = arith.muli %scan3A_647, %mul3A_798 : i32
        %add3A_800 = arith.constant 160 : i32
        %add3A_801 = arith.addi %mul3A_799, %add3A_800 : i32
        %get3A_802 = arith.index_cast %add3A_801 : i32 to index
        %get3A_803 = tpu.vector_load %arg22[%get3A_802] {strides = array<i32>} : memref<5760xf32, #tpu.memory_space<vmem>>, vector<16xf32>,
        %get3A_804 = vector.shape_cast %get3A_803 : vector<16xf32> to vector<16xf32>
        %get3A_805 = arith.index_cast %add3A_801 : i32 to index
        %get3A_806 = tpu.vector_load %arg18[%get3A_805] {strides = array<i32>} : memref<5760xf32, #tpu.memory_space<vmem>>, vector<16xf32>,
        %get3A_807 = vector.shape_cast %get3A_806 : vector<16xf32> to vector<16xf32>
        %mul3A_808 = arith.mulf %get3A_804, %get3A_807 : vector<16xf32>
        %swap3A_809 = arith.index_cast %add3A_801 : i32 to index
        %swap3A_810 = tpu.vector_load %arg22[%swap3A_809] {strides = array<i32>} : memref<5760xf32, #tpu.memory_space<vmem>>, vector<16xf32>,
        %swap3A_811 = vector.shape_cast %swap3A_810 : vector<16xf32> to vector<16xf32>
        %swap3A_812 = vector.shape_cast %mul3A_808 : vector<16xf32> to vector<16xf32>
        tpu.vector_store %arg22[%swap3A_809], %swap3A_812 {strides = array<i32>} : memref<5760xf32, #tpu.memory_space<vmem>>, vector<16xf32>,
        %mul3A_813 = arith.constant 192 : i32
        %mul3A_814 = arith.muli %scan3A_647, %mul3A_813 : i32
        %add3A_815 = arith.constant 176 : i32
        %add3A_816 = arith.addi %mul3A_814, %add3A_815 : i32
        %get3A_817 = arith.index_cast %add3A_816 : i32 to index
        %get3A_818 = tpu.vector_load %arg22[%get3A_817] {strides = array<i32>} : memref<5760xf32, #tpu.memory_space<vmem>>, vector<16xf32>,
        %get3A_819 = vector.shape_cast %get3A_818 : vector<16xf32> to vector<16xf32>
        %get3A_820 = arith.index_cast %add3A_816 : i32 to index
        %get3A_821 = tpu.vector_load %arg18[%get3A_820] {strides = array<i32>} : memref<5760xf32, #tpu.memory_space<vmem>>, vector<16xf32>,
        %get3A_822 = vector.shape_cast %get3A_821 : vector<16xf32> to vector<16xf32>
        %mul3A_823 = arith.mulf %get3A_819, %get3A_822 : vector<16xf32>
        %swap3A_824 = arith.index_cast %add3A_816 : i32 to index
        %swap3A_825 = tpu.vector_load %arg22[%swap3A_824] {strides = array<i32>} : memref<5760xf32, #tpu.memory_space<vmem>>, vector<16xf32>,
        %swap3A_826 = vector.shape_cast %swap3A_825 : vector<16xf32> to vector<16xf32>
        %swap3A_827 = vector.shape_cast %mul3A_823 : vector<16xf32> to vector<16xf32>
        tpu.vector_store %arg22[%swap3A_824], %swap3A_827 {strides = array<i32>} : memref<5760xf32, #tpu.memory_space<vmem>>, vector<16xf32>,
        %scan3A_828 = arith.constant 0 : i32
        scf.yield %scan3A_828 : i32
      }
      %scan3A_456 = arith.constant 15 : i32
      %dma_wait3A_457 = arith.constant 2880 : i32
      %dma_wait3A_458 = tpu.memref_slice %arg22[%dma_wait3A_457] : memref<5760xf32, #tpu.memory_space<vmem>> -> memref<2880xf32, #tpu.memory_space<vmem>>
      %dma_wait3A_459 = arith.constant 2880 : i32
      %dma_wait3A_460 = tpu.memref_slice %arg14[%dma_wait3A_459] : memref<5760xi32, #tpu.memory_space<vmem>> -> memref<2880xi32, #tpu.memory_space<vmem>>
      %dma_wait3A_461 = arith.constant 0 : i32
      %dma_wait3A_462 = tpu.memref_slice %arg7[%dma_wait3A_461] : memref<262144xf32, #tpu.memory_space<vmem_shared>> -> memref<262144xf32, #tpu.memory_space<vmem_shared>>
      tpu.wait_indirect_dma semaphore(%arg35 : memref<!tpu.dma_semaphore, #tpu.memory_space<semaphore_mem>>) src(%dma_wait3A_462 : memref<262144xf32, #tpu.memory_space<vmem_shared>>) dst(%dma_wait3A_458 : memref<2880xf32, #tpu.memory_space<vmem>>)
      %scan3A_463 = arith.constant 0 : i32
      %scan3A_464 = arith.constant 15 : i32
      %scan3A_465 = arith.constant 15 : i32
      %scan3A_466 = arith.addi %scan3A_464, %scan3A_465 : i32
      %scan3A_467 = arith.constant 1 : i32
      %scan3A_468 = scf.for %scan3A_647 = %scan3A_464 to %scan3A_466 step %scan3A_467 iter_args(%scan3A_648 = %scan3A_463) -> (i32)  : i32 {
        %mul3A_649 = arith.constant 192 : i32
        %mul3A_650 = arith.muli %scan3A_647, %mul3A_649 : i32
        %add3A_651 = arith.constant 0 : i32
        %add3A_652 = arith.addi %mul3A_650, %add3A_651 : i32
        %get3A = arith.index_cast %add3A_652 : i32 to index
        %get3A_653 = tpu.vector_load %arg22[%get3A] {strides = array<i32>} : memref<5760xf32, #tpu.memory_space<vmem>>, vector<16xf32>,
        %get3A_654 = vector.shape_cast %get3A_653 : vector<16xf32> to vector<16xf32>
        %get3A_655 = arith.index_cast %add3A_652 : i32 to index
        %get3A_656 = tpu.vector_load %arg18[%get3A_655] {strides = array<i32>} : memref<5760xf32, #tpu.memory_space<vmem>>, vector<16xf32>,
        %get3A_657 = vector.shape_cast %get3A_656 : vector<16xf32> to vector<16xf32>
        %mul3A_658 = arith.mulf %get3A_654, %get3A_657 : vector<16xf32>
        %swap3A_659 = arith.index_cast %add3A_652 : i32 to index
        %swap3A_660 = tpu.vector_load %arg22[%swap3A_659] {strides = array<i32>} : memref<5760xf32, #tpu.memory_space<vmem>>, vector<16xf32>,
        %swap3A_661 = vector.shape_cast %swap3A_660 : vector<16xf32> to vector<16xf32>
        %swap3A_662 = vector.shape_cast %mul3A_658 : vector<16xf32> to vector<16xf32>
        tpu.vector_store %arg22[%swap3A_659], %swap3A_662 {strides = array<i32>} : memref<5760xf32, #tpu.memory_space<vmem>>, vector<16xf32>,
        %mul3A_663 = arith.constant 192 : i32
        %mul3A_664 = arith.muli %scan3A_647, %mul3A_663 : i32
        %add3A_665 = arith.constant 16 : i32
        %add3A_666 = arith.addi %mul3A_664, %add3A_665 : i32
        %get3A_667 = arith.index_cast %add3A_666 : i32 to index
        %get3A_668 = tpu.vector_load %arg22[%get3A_667] {strides = array<i32>} : memref<5760xf32, #tpu.memory_space<vmem>>, vector<16xf32>,
        %get3A_669 = vector.shape_cast %get3A_668 : vector<16xf32> to vector<16xf32>
        %get3A_670 = arith.index_cast %add3A_666 : i32 to index
        %get3A_671 = tpu.vector_load %arg18[%get3A_670] {strides = array<i32>} : memref<5760xf32, #tpu.memory_space<vmem>>, vector<16xf32>,
        %get3A_672 = vector.shape_cast %get3A_671 : vector<16xf32> to vector<16xf32>
        %mul3A_673 = arith.mulf %get3A_669, %get3A_672 : vector<16xf32>
        %swap3A_674 = arith.index_cast %add3A_666 : i32 to index
        %swap3A_675 = tpu.vector_load %arg22[%swap3A_674] {strides = array<i32>} : memref<5760xf32, #tpu.memory_space<vmem>>, vector<16xf32>,
        %swap3A_676 = vector.shape_cast %swap3A_675 : vector<16xf32> to vector<16xf32>
        %swap3A_677 = vector.shape_cast %mul3A_673 : vector<16xf32> to vector<16xf32>
        tpu.vector_store %arg22[%swap3A_674], %swap3A_677 {strides = array<i32>} : memref<5760xf32, #tpu.memory_space<vmem>>, vector<16xf32>,
        %mul3A_678 = arith.constant 192 : i32
        %mul3A_679 = arith.muli %scan3A_647, %mul3A_678 : i32
        %add3A_680 = arith.constant 32 : i32
        %add3A_681 = arith.addi %mul3A_679, %add3A_680 : i32
        %get3A_682 = arith.index_cast %add3A_681 : i32 to index
        %get3A_683 = tpu.vector_load %arg22[%get3A_682] {strides = array<i32>} : memref<5760xf32, #tpu.memory_space<vmem>>, vector<16xf32>,
        %get3A_684 = vector.shape_cast %get3A_683 : vector<16xf32> to vector<16xf32>
        %get3A_685 = arith.index_cast %add3A_681 : i32 to index
        %get3A_686 = tpu.vector_load %arg18[%get3A_685] {strides = array<i32>} : memref<5760xf32, #tpu.memory_space<vmem>>, vector<16xf32>,
        %get3A_687 = vector.shape_cast %get3A_686 : vector<16xf32> to vector<16xf32>
        %mul3A_688 = arith.mulf %get3A_684, %get3A_687 : vector<16xf32>
        %swap3A_689 = arith.index_cast %add3A_681 : i32 to index
        %swap3A_690 = tpu.vector_load %arg22[%swap3A_689] {strides = array<i32>} : memref<5760xf32, #tpu.memory_space<vmem>>, vector<16xf32>,
        %swap3A_691 = vector.shape_cast %swap3A_690 : vector<16xf32> to vector<16xf32>
        %swap3A_692 = vector.shape_cast %mul3A_688 : vector<16xf32> to vector<16xf32>
        tpu.vector_store %arg22[%swap3A_689], %swap3A_692 {strides = array<i32>} : memref<5760xf32, #tpu.memory_space<vmem>>, vector<16xf32>,
        %mul3A_693 = arith.constant 192 : i32
        %mul3A_694 = arith.muli %scan3A_647, %mul3A_693 : i32
        %add3A_695 = arith.constant 48 : i32
        %add3A_696 = arith.addi %mul3A_694, %add3A_695 : i32
        %get3A_697 = arith.index_cast %add3A_696 : i32 to index
        %get3A_698 = tpu.vector_load %arg22[%get3A_697] {strides = array<i32>} : memref<5760xf32, #tpu.memory_space<vmem>>, vector<16xf32>,
        %get3A_699 = vector.shape_cast %get3A_698 : vector<16xf32> to vector<16xf32>
        %get3A_700 = arith.index_cast %add3A_696 : i32 to index
        %get3A_701 = tpu.vector_load %arg18[%get3A_700] {strides = array<i32>} : memref<5760xf32, #tpu.memory_space<vmem>>, vector<16xf32>,
        %get3A_702 = vector.shape_cast %get3A_701 : vector<16xf32> to vector<16xf32>
        %mul3A_703 = arith.mulf %get3A_699, %get3A_702 : vector<16xf32>
        %swap3A_704 = arith.index_cast %add3A_696 : i32 to index
        %swap3A_705 = tpu.vector_load %arg22[%swap3A_704] {strides = array<i32>} : memref<5760xf32, #tpu.memory_space<vmem>>, vector<16xf32>,
        %swap3A_706 = vector.shape_cast %swap3A_705 : vector<16xf32> to vector<16xf32>
        %swap3A_707 = vector.shape_cast %mul3A_703 : vector<16xf32> to vector<16xf32>
        tpu.vector_store %arg22[%swap3A_704], %swap3A_707 {strides = array<i32>} : memref<5760xf32, #tpu.memory_space<vmem>>, vector<16xf32>,
        %mul3A_708 = arith.constant 192 : i32
        %mul3A_709 = arith.muli %scan3A_647, %mul3A_708 : i32
        %add3A_710 = arith.constant 64 : i32
        %add3A_711 = arith.addi %mul3A_709, %add3A_710 : i32
        %get3A_712 = arith.index_cast %add3A_711 : i32 to index
        %get3A_713 = tpu.vector_load %arg22[%get3A_712] {strides = array<i32>} : memref<5760xf32, #tpu.memory_space<vmem>>, vector<16xf32>,
        %get3A_714 = vector.shape_cast %get3A_713 : vector<16xf32> to vector<16xf32>
        %get3A_715 = arith.index_cast %add3A_711 : i32 to index
        %get3A_716 = tpu.vector_load %arg18[%get3A_715] {strides = array<i32>} : memref<5760xf32, #tpu.memory_space<vmem>>, vector<16xf32>,
        %get3A_717 = vector.shape_cast %get3A_716 : vector<16xf32> to vector<16xf32>
        %mul3A_718 = arith.mulf %get3A_714, %get3A_717 : vector<16xf32>
        %swap3A_719 = arith.index_cast %add3A_711 : i32 to index
        %swap3A_720 = tpu.vector_load %arg22[%swap3A_719] {strides = array<i32>} : memref<5760xf32, #tpu.memory_space<vmem>>, vector<16xf32>,
        %swap3A_721 = vector.shape_cast %swap3A_720 : vector<16xf32> to vector<16xf32>
        %swap3A_722 = vector.shape_cast %mul3A_718 : vector<16xf32> to vector<16xf32>
        tpu.vector_store %arg22[%swap3A_719], %swap3A_722 {strides = array<i32>} : memref<5760xf32, #tpu.memory_space<vmem>>, vector<16xf32>,
        %mul3A_723 = arith.constant 192 : i32
        %mul3A_724 = arith.muli %scan3A_647, %mul3A_723 : i32
        %add3A_725 = arith.constant 80 : i32
        %add3A_726 = arith.addi %mul3A_724, %add3A_725 : i32
        %get3A_727 = arith.index_cast %add3A_726 : i32 to index
        %get3A_728 = tpu.vector_load %arg22[%get3A_727] {strides = array<i32>} : memref<5760xf32, #tpu.memory_space<vmem>>, vector<16xf32>,
        %get3A_729 = vector.shape_cast %get3A_728 : vector<16xf32> to vector<16xf32>
        %get3A_730 = arith.index_cast %add3A_726 : i32 to index
        %get3A_731 = tpu.vector_load %arg18[%get3A_730] {strides = array<i32>} : memref<5760xf32, #tpu.memory_space<vmem>>, vector<16xf32>,
        %get3A_732 = vector.shape_cast %get3A_731 : vector<16xf32> to vector<16xf32>
        %mul3A_733 = arith.mulf %get3A_729, %get3A_732 : vector<16xf32>
        %swap3A_734 = arith.index_cast %add3A_726 : i32 to index
        %swap3A_735 = tpu.vector_load %arg22[%swap3A_734] {strides = array<i32>} : memref<5760xf32, #tpu.memory_space<vmem>>, vector<16xf32>,
        %swap3A_736 = vector.shape_cast %swap3A_735 : vector<16xf32> to vector<16xf32>
        %swap3A_737 = vector.shape_cast %mul3A_733 : vector<16xf32> to vector<16xf32>
        tpu.vector_store %arg22[%swap3A_734], %swap3A_737 {strides = array<i32>} : memref<5760xf32, #tpu.memory_space<vmem>>, vector<16xf32>,
        %mul3A_738 = arith.constant 192 : i32
        %mul3A_739 = arith.muli %scan3A_647, %mul3A_738 : i32
        %add3A_740 = arith.constant 96 : i32
        %add3A_741 = arith.addi %mul3A_739, %add3A_740 : i32
        %get3A_742 = arith.index_cast %add3A_741 : i32 to index
        %get3A_743 = tpu.vector_load %arg22[%get3A_742] {strides = array<i32>} : memref<5760xf32, #tpu.memory_space<vmem>>, vector<16xf32>,
        %get3A_744 = vector.shape_cast %get3A_743 : vector<16xf32> to vector<16xf32>
        %get3A_745 = arith.index_cast %add3A_741 : i32 to index
        %get3A_746 = tpu.vector_load %arg18[%get3A_745] {strides = array<i32>} : memref<5760xf32, #tpu.memory_space<vmem>>, vector<16xf32>,
        %get3A_747 = vector.shape_cast %get3A_746 : vector<16xf32> to vector<16xf32>
        %mul3A_748 = arith.mulf %get3A_744, %get3A_747 : vector<16xf32>
        %swap3A_749 = arith.index_cast %add3A_741 : i32 to index
        %swap3A_750 = tpu.vector_load %arg22[%swap3A_749] {strides = array<i32>} : memref<5760xf32, #tpu.memory_space<vmem>>, vector<16xf32>,
        %swap3A_751 = vector.shape_cast %swap3A_750 : vector<16xf32> to vector<16xf32>
        %swap3A_752 = vector.shape_cast %mul3A_748 : vector<16xf32> to vector<16xf32>
        tpu.vector_store %arg22[%swap3A_749], %swap3A_752 {strides = array<i32>} : memref<5760xf32, #tpu.memory_space<vmem>>, vector<16xf32>,
        %mul3A_753 = arith.constant 192 : i32
        %mul3A_754 = arith.muli %scan3A_647, %mul3A_753 : i32
        %add3A_755 = arith.constant 112 : i32
        %add3A_756 = arith.addi %mul3A_754, %add3A_755 : i32
        %get3A_757 = arith.index_cast %add3A_756 : i32 to index
        %get3A_758 = tpu.vector_load %arg22[%get3A_757] {strides = array<i32>} : memref<5760xf32, #tpu.memory_space<vmem>>, vector<16xf32>,
        %get3A_759 = vector.shape_cast %get3A_758 : vector<16xf32> to vector<16xf32>
        %get3A_760 = arith.index_cast %add3A_756 : i32 to index
        %get3A_761 = tpu.vector_load %arg18[%get3A_760] {strides = array<i32>} : memref<5760xf32, #tpu.memory_space<vmem>>, vector<16xf32>,
        %get3A_762 = vector.shape_cast %get3A_761 : vector<16xf32> to vector<16xf32>
        %mul3A_763 = arith.mulf %get3A_759, %get3A_762 : vector<16xf32>
        %swap3A_764 = arith.index_cast %add3A_756 : i32 to index
        %swap3A_765 = tpu.vector_load %arg22[%swap3A_764] {strides = array<i32>} : memref<5760xf32, #tpu.memory_space<vmem>>, vector<16xf32>,
        %swap3A_766 = vector.shape_cast %swap3A_765 : vector<16xf32> to vector<16xf32>
        %swap3A_767 = vector.shape_cast %mul3A_763 : vector<16xf32> to vector<16xf32>
        tpu.vector_store %arg22[%swap3A_764], %swap3A_767 {strides = array<i32>} : memref<5760xf32, #tpu.memory_space<vmem>>, vector<16xf32>,
        %mul3A_768 = arith.constant 192 : i32
        %mul3A_769 = arith.muli %scan3A_647, %mul3A_768 : i32
        %add3A_770 = arith.constant 128 : i32
        %add3A_771 = arith.addi %mul3A_769, %add3A_770 : i32
        %get3A_772 = arith.index_cast %add3A_771 : i32 to index
        %get3A_773 = tpu.vector_load %arg22[%get3A_772] {strides = array<i32>} : memref<5760xf32, #tpu.memory_space<vmem>>, vector<16xf32>,
        %get3A_774 = vector.shape_cast %get3A_773 : vector<16xf32> to vector<16xf32>
        %get3A_775 = arith.index_cast %add3A_771 : i32 to index
        %get3A_776 = tpu.vector_load %arg18[%get3A_775] {strides = array<i32>} : memref<5760xf32, #tpu.memory_space<vmem>>, vector<16xf32>,
        %get3A_777 = vector.shape_cast %get3A_776 : vector<16xf32> to vector<16xf32>
        %mul3A_778 = arith.mulf %get3A_774, %get3A_777 : vector<16xf32>
        %swap3A_779 = arith.index_cast %add3A_771 : i32 to index
        %swap3A_780 = tpu.vector_load %arg22[%swap3A_779] {strides = array<i32>} : memref<5760xf32, #tpu.memory_space<vmem>>, vector<16xf32>,
        %swap3A_781 = vector.shape_cast %swap3A_780 : vector<16xf32> to vector<16xf32>
        %swap3A_782 = vector.shape_cast %mul3A_778 : vector<16xf32> to vector<16xf32>
        tpu.vector_store %arg22[%swap3A_779], %swap3A_782 {strides = array<i32>} : memref<5760xf32, #tpu.memory_space<vmem>>, vector<16xf32>,
        %mul3A_783 = arith.constant 192 : i32
        %mul3A_784 = arith.muli %scan3A_647, %mul3A_783 : i32
        %add3A_785 = arith.constant 144 : i32
        %add3A_786 = arith.addi %mul3A_784, %add3A_785 : i32
        %get3A_787 = arith.index_cast %add3A_786 : i32 to index
        %get3A_788 = tpu.vector_load %arg22[%get3A_787] {strides = array<i32>} : memref<5760xf32, #tpu.memory_space<vmem>>, vector<16xf32>,
        %get3A_789 = vector.shape_cast %get3A_788 : vector<16xf32> to vector<16xf32>
        %get3A_790 = arith.index_cast %add3A_786 : i32 to index
        %get3A_791 = tpu.vector_load %arg18[%get3A_790] {strides = array<i32>} : memref<5760xf32, #tpu.memory_space<vmem>>, vector<16xf32>,
        %get3A_792 = vector.shape_cast %get3A_791 : vector<16xf32> to vector<16xf32>
        %mul3A_793 = arith.mulf %get3A_789, %get3A_792 : vector<16xf32>
        %swap3A_794 = arith.index_cast %add3A_786 : i32 to index
        %swap3A_795 = tpu.vector_load %arg22[%swap3A_794] {strides = array<i32>} : memref<5760xf32, #tpu.memory_space<vmem>>, vector<16xf32>,
        %swap3A_796 = vector.shape_cast %swap3A_795 : vector<16xf32> to vector<16xf32>
        %swap3A_797 = vector.shape_cast %mul3A_793 : vector<16xf32> to vector<16xf32>
        tpu.vector_store %arg22[%swap3A_794], %swap3A_797 {strides = array<i32>} : memref<5760xf32, #tpu.memory_space<vmem>>, vector<16xf32>,
        %mul3A_798 = arith.constant 192 : i32
        %mul3A_799 = arith.muli %scan3A_647, %mul3A_798 : i32
        %add3A_800 = arith.constant 160 : i32
        %add3A_801 = arith.addi %mul3A_799, %add3A_800 : i32
        %get3A_802 = arith.index_cast %add3A_801 : i32 to index
        %get3A_803 = tpu.vector_load %arg22[%get3A_802] {strides = array<i32>} : memref<5760xf32, #tpu.memory_space<vmem>>, vector<16xf32>,
        %get3A_804 = vector.shape_cast %get3A_803 : vector<16xf32> to vector<16xf32>
        %get3A_805 = arith.index_cast %add3A_801 : i32 to index
        %get3A_806 = tpu.vector_load %arg18[%get3A_805] {strides = array<i32>} : memref<5760xf32, #tpu.memory_space<vmem>>, vector<16xf32>,
        %get3A_807 = vector.shape_cast %get3A_806 : vector<16xf32> to vector<16xf32>
        %mul3A_808 = arith.mulf %get3A_804, %get3A_807 : vector<16xf32>
        %swap3A_809 = arith.index_cast %add3A_801 : i32 to index
        %swap3A_810 = tpu.vector_load %arg22[%swap3A_809] {strides = array<i32>} : memref<5760xf32, #tpu.memory_space<vmem>>, vector<16xf32>,
        %swap3A_811 = vector.shape_cast %swap3A_810 : vector<16xf32> to vector<16xf32>
        %swap3A_812 = vector.shape_cast %mul3A_808 : vector<16xf32> to vector<16xf32>
        tpu.vector_store %arg22[%swap3A_809], %swap3A_812 {strides = array<i32>} : memref<5760xf32, #tpu.memory_space<vmem>>, vector<16xf32>,
        %mul3A_813 = arith.constant 192 : i32
        %mul3A_814 = arith.muli %scan3A_647, %mul3A_813 : i32
        %add3A_815 = arith.constant 176 : i32
        %add3A_816 = arith.addi %mul3A_814, %add3A_815 : i32
        %get3A_817 = arith.index_cast %add3A_816 : i32 to index
        %get3A_818 = tpu.vector_load %arg22[%get3A_817] {strides = array<i32>} : memref<5760xf32, #tpu.memory_space<vmem>>, vector<16xf32>,
        %get3A_819 = vector.shape_cast %get3A_818 : vector<16xf32> to vector<16xf32>
        %get3A_820 = arith.index_cast %add3A_816 : i32 to index
        %get3A_821 = tpu.vector_load %arg18[%get3A_820] {strides = array<i32>} : memref<5760xf32, #tpu.memory_space<vmem>>, vector<16xf32>,
        %get3A_822 = vector.shape_cast %get3A_821 : vector<16xf32> to vector<16xf32>
        %mul3A_823 = arith.mulf %get3A_819, %get3A_822 : vector<16xf32>
        %swap3A_824 = arith.index_cast %add3A_816 : i32 to index
        %swap3A_825 = tpu.vector_load %arg22[%swap3A_824] {strides = array<i32>} : memref<5760xf32, #tpu.memory_space<vmem>>, vector<16xf32>,
        %swap3A_826 = vector.shape_cast %swap3A_825 : vector<16xf32> to vector<16xf32>
        %swap3A_827 = vector.shape_cast %mul3A_823 : vector<16xf32> to vector<16xf32>
        tpu.vector_store %arg22[%swap3A_824], %swap3A_827 {strides = array<i32>} : memref<5760xf32, #tpu.memory_space<vmem>>, vector<16xf32>,
        %scan3A_828 = arith.constant 0 : i32
        scf.yield %scan3A_828 : i32
      }
      %scan3A_469 = arith.constant 15 : i32
      %dma_start3A_470 = arith.constant 0 : i32
      %dma_start3A_471 = tpu.memref_slice %arg8[%dma_start3A_470] : memref<262144xf32, #tpu.memory_space<vmem_shared>> -> memref<262144xf32, #tpu.memory_space<vmem_shared>>
      tpu.enqueue_indirect_dma source(%arg22 : memref<5760xf32, #tpu.memory_space<vmem>>) target(%dma_start3A_471 : memref<262144xf32, #tpu.memory_space<vmem_shared>>) offsets(%arg10 : memref<5760xi32, #tpu.memory_space<vmem>>) semaphore(%arg39 : memref<!tpu.dma_semaphore, #tpu.memory_space<semaphore_mem>>) {add = true}
      %mul3A_472 = arith.constant 4 : i32
      %mul3A_473 = arith.muli %scan3A_297, %mul3A_472 : i32
      %add3A_474 = arith.constant 2 : i32
      %add3A_475 = arith.addi %mul3A_473, %add3A_474 : i32
      %ge3A_476 = arith.constant 2 : i32
      %ge3A_477 = arith.cmpi sge, %add3A_475, %ge3A_476 : i32
      %convert_element_type3A_478 = arith.extui %ge3A_477 : i1 to i32
      %cond3A_479 = arith.constant 0 : i32
      %cond3A_480 = arith.cmpi ne, %convert_element_type3A_478, %cond3A_479 : i32
      scf.if %cond3A_480 {
        %dma_wait3A_647 = arith.constant 0 : i32
        %dma_wait3A_648 = tpu.memref_slice %arg8[%dma_wait3A_647] : memref<262144xf32, #tpu.memory_space<vmem_shared>> -> memref<262144xf32, #tpu.memory_space<vmem_shared>>
        tpu.wait_indirect_dma semaphore(%arg38 : memref<!tpu.dma_semaphore, #tpu.memory_space<semaphore_mem>>) src(%arg21 : memref<5760xf32, #tpu.memory_space<vmem>>) dst(%dma_wait3A_648 : memref<262144xf32, #tpu.memory_space<vmem_shared>>)
      } else {
      }
      %add3A_481 = arith.constant 2 : i32
      %add3A_482 = arith.addi %add3A_475, %add3A_481 : i32
      %mul3A_483 = arith.constant 32 : i32
      %mul3A_484 = arith.muli %add3A_482, %mul3A_483 : i32
      %add3A_485 = arith.addi %mul3A_484, %add3A : i32
      %lt3A_486 = arith.constant 319 : i32
      %lt3A_487 = arith.cmpi slt, %add3A_485, %lt3A_486 : i32
      %convert_element_type3A_488 = arith.extui %lt3A_487 : i1 to i32
      %cond3A_489 = arith.constant 0 : i32
      %cond3A_490 = arith.cmpi ne, %convert_element_type3A_488, %cond3A_489 : i32
      scf.if %cond3A_490 {
        %mul3A_647 = arith.constant 5728 : i32
        %mul3A_648 = arith.muli %add3A_485, %mul3A_647 : i32
        %dma_start3A_649 = arith.constant 0 : i32
        %dma_start3A_650 = tpu.memref_slice %arg9[%dma_start3A_649] : memref<5760xi32, #tpu.memory_space<vmem>> -> memref<5728xi32, #tpu.memory_space<vmem>>
        %dma_start3A_651 = tpu.memref_slice %arg3[%mul3A_648] : memref<1827847xi32, #tpu.memory_space<hbm>> -> memref<5728xi32, #tpu.memory_space<hbm>>
        %dma_start3A_652 = arith.constant 0 : i32
        %dma_start3A_653 = tpu.memref_slice %arg9[%dma_start3A_652] : memref<5760xi32, #tpu.memory_space<vmem>> -> memref<5728xi32, #tpu.memory_space<vmem>>
        %dma_start3A_654 = tpu.memref_slice %arg3[%mul3A_648] : memref<1827847xi32, #tpu.memory_space<hbm>> -> memref<5728xi32, #tpu.memory_space<hbm>>
        tpu.enqueue_dma source(%dma_start3A_654 : memref<5728xi32, #tpu.memory_space<hbm>>) target(%dma_start3A_653 : memref<5728xi32, #tpu.memory_space<vmem>>) target_semaphore(%arg26 : memref<!tpu.dma_semaphore, #tpu.memory_space<semaphore_mem>>)
        %dma_start3A_655 = arith.constant 0 : i32
        %dma_start3A_656 = tpu.memref_slice %arg13[%dma_start3A_655] : memref<5760xi32, #tpu.memory_space<vmem>> -> memref<5728xi32, #tpu.memory_space<vmem>>
        %dma_start3A_657 = tpu.memref_slice %arg4[%mul3A_648] : memref<1827847xi32, #tpu.memory_space<hbm>> -> memref<5728xi32, #tpu.memory_space<hbm>>
        %dma_start3A_658 = arith.constant 0 : i32
        %dma_start3A_659 = tpu.memref_slice %arg13[%dma_start3A_658] : memref<5760xi32, #tpu.memory_space<vmem>> -> memref<5728xi32, #tpu.memory_space<vmem>>
        %dma_start3A_660 = tpu.memref_slice %arg4[%mul3A_648] : memref<1827847xi32, #tpu.memory_space<hbm>> -> memref<5728xi32, #tpu.memory_space<hbm>>
        tpu.enqueue_dma source(%dma_start3A_660 : memref<5728xi32, #tpu.memory_space<hbm>>) target(%dma_start3A_659 : memref<5728xi32, #tpu.memory_space<vmem>>) target_semaphore(%arg26 : memref<!tpu.dma_semaphore, #tpu.memory_space<semaphore_mem>>)
        %dma_start3A_661 = arith.constant 0 : i32
        %dma_start3A_662 = tpu.memref_slice %arg17[%dma_start3A_661] : memref<5760xf32, #tpu.memory_space<vmem>> -> memref<5728xf32, #tpu.memory_space<vmem>>
        %dma_start3A_663 = tpu.memref_slice %arg5[%mul3A_648] : memref<1827847xf32, #tpu.memory_space<hbm>> -> memref<5728xf32, #tpu.memory_space<hbm>>
        %dma_start3A_664 = arith.constant 0 : i32
        %dma_start3A_665 = tpu.memref_slice %arg17[%dma_start3A_664] : memref<5760xf32, #tpu.memory_space<vmem>> -> memref<5728xf32, #tpu.memory_space<vmem>>
        %dma_start3A_666 = tpu.memref_slice %arg5[%mul3A_648] : memref<1827847xf32, #tpu.memory_space<hbm>> -> memref<5728xf32, #tpu.memory_space<hbm>>
        tpu.enqueue_dma source(%dma_start3A_666 : memref<5728xf32, #tpu.memory_space<hbm>>) target(%dma_start3A_665 : memref<5728xf32, #tpu.memory_space<vmem>>) target_semaphore(%arg26 : memref<!tpu.dma_semaphore, #tpu.memory_space<semaphore_mem>>)
      } else {
      }
      %eq3A_491 = arith.constant 319 : i32
      %eq3A_492 = arith.cmpi eq, %add3A_485, %eq3A_491 : i32
      %convert_element_type3A_493 = arith.extui %eq3A_492 : i1 to i32
      %cond3A_494 = arith.constant 0 : i32
      %cond3A_495 = arith.cmpi ne, %convert_element_type3A_493, %cond3A_494 : i32
      scf.if %cond3A_495 {
        %dma_start3A_647 = arith.constant 0 : i32
        %dma_start3A_648 = tpu.memref_slice %arg9[%dma_start3A_647] : memref<5760xi32, #tpu.memory_space<vmem>> -> memref<615xi32, #tpu.memory_space<vmem>>
        %dma_start3A_649 = arith.constant 1827232 : i32
        %dma_start3A_650 = tpu.memref_slice %arg3[%dma_start3A_649] : memref<1827847xi32, #tpu.memory_space<hbm>> -> memref<615xi32, #tpu.memory_space<hbm>>
        %dma_start3A_651 = arith.constant 0 : i32
        %dma_start3A_652 = tpu.memref_slice %arg9[%dma_start3A_651] : memref<5760xi32, #tpu.memory_space<vmem>> -> memref<615xi32, #tpu.memory_space<vmem>>
        %dma_start3A_653 = arith.constant 1827232 : i32
        %dma_start3A_654 = tpu.memref_slice %arg3[%dma_start3A_653] : memref<1827847xi32, #tpu.memory_space<hbm>> -> memref<615xi32, #tpu.memory_space<hbm>>
        tpu.enqueue_dma source(%dma_start3A_654 : memref<615xi32, #tpu.memory_space<hbm>>) target(%dma_start3A_652 : memref<615xi32, #tpu.memory_space<vmem>>) target_semaphore(%arg26 : memref<!tpu.dma_semaphore, #tpu.memory_space<semaphore_mem>>)
        %dma_start3A_655 = arith.constant 0 : i32
        %dma_start3A_656 = tpu.memref_slice %arg13[%dma_start3A_655] : memref<5760xi32, #tpu.memory_space<vmem>> -> memref<615xi32, #tpu.memory_space<vmem>>
        %dma_start3A_657 = arith.constant 1827232 : i32
        %dma_start3A_658 = tpu.memref_slice %arg4[%dma_start3A_657] : memref<1827847xi32, #tpu.memory_space<hbm>> -> memref<615xi32, #tpu.memory_space<hbm>>
        %dma_start3A_659 = arith.constant 0 : i32
        %dma_start3A_660 = tpu.memref_slice %arg13[%dma_start3A_659] : memref<5760xi32, #tpu.memory_space<vmem>> -> memref<615xi32, #tpu.memory_space<vmem>>
        %dma_start3A_661 = arith.constant 1827232 : i32
        %dma_start3A_662 = tpu.memref_slice %arg4[%dma_start3A_661] : memref<1827847xi32, #tpu.memory_space<hbm>> -> memref<615xi32, #tpu.memory_space<hbm>>
        tpu.enqueue_dma source(%dma_start3A_662 : memref<615xi32, #tpu.memory_space<hbm>>) target(%dma_start3A_660 : memref<615xi32, #tpu.memory_space<vmem>>) target_semaphore(%arg26 : memref<!tpu.dma_semaphore, #tpu.memory_space<semaphore_mem>>)
        %dma_start3A_663 = arith.constant 0 : i32
        %dma_start3A_664 = tpu.memref_slice %arg17[%dma_start3A_663] : memref<5760xf32, #tpu.memory_space<vmem>> -> memref<615xf32, #tpu.memory_space<vmem>>
        %dma_start3A_665 = arith.constant 1827232 : i32
        %dma_start3A_666 = tpu.memref_slice %arg5[%dma_start3A_665] : memref<1827847xf32, #tpu.memory_space<hbm>> -> memref<615xf32, #tpu.memory_space<hbm>>
        %dma_start3A_667 = arith.constant 0 : i32
        %dma_start3A_668 = tpu.memref_slice %arg17[%dma_start3A_667] : memref<5760xf32, #tpu.memory_space<vmem>> -> memref<615xf32, #tpu.memory_space<vmem>>
        %dma_start3A_669 = arith.constant 1827232 : i32
        %dma_start3A_670 = tpu.memref_slice %arg5[%dma_start3A_669] : memref<1827847xf32, #tpu.memory_space<hbm>> -> memref<615xf32, #tpu.memory_space<hbm>>
        tpu.enqueue_dma source(%dma_start3A_670 : memref<615xf32, #tpu.memory_space<hbm>>) target(%dma_start3A_668 : memref<615xf32, #tpu.memory_space<vmem>>) target_semaphore(%arg26 : memref<!tpu.dma_semaphore, #tpu.memory_space<semaphore_mem>>)
      } else {
      }
      %add3A_496 = arith.constant 1 : i32
      %add3A_497 = arith.addi %add3A_475, %add3A_496 : i32
      %mul3A_498 = arith.constant 32 : i32
      %mul3A_499 = arith.muli %add3A_497, %mul3A_498 : i32
      %add3A_500 = arith.addi %mul3A_499, %add3A : i32
      %lt3A_501 = arith.constant 319 : i32
      %lt3A_502 = arith.cmpi slt, %add3A_500, %lt3A_501 : i32
      %convert_element_type3A_503 = arith.extui %lt3A_502 : i1 to i32
      %cond3A_504 = arith.constant 0 : i32
      %cond3A_505 = arith.cmpi ne, %convert_element_type3A_503, %cond3A_504 : i32
      scf.if %cond3A_505 {
        %dma_wait3A_647 = arith.constant 0 : i32
        %dma_wait3A_648 = tpu.memref_slice %arg12[%dma_wait3A_647] : memref<5760xi32, #tpu.memory_space<vmem>> -> memref<5728xi32, #tpu.memory_space<vmem>>
        %dma_wait3A_649 = arith.constant 0 : i32
        %dma_wait3A_650 = tpu.memref_slice %arg3[%dma_wait3A_649] : memref<1827847xi32, #tpu.memory_space<hbm>> -> memref<5728xi32, #tpu.memory_space<hbm>>
        %dma_wait3A_651 = arith.constant 0 : i32
        %dma_wait3A_652 = tpu.memref_slice %arg12[%dma_wait3A_651] : memref<5760xi32, #tpu.memory_space<vmem>> -> memref<5728xi32, #tpu.memory_space<vmem>>
        %dma_wait3A_653 = arith.constant 0 : i32
        %dma_wait3A_654 = tpu.memref_slice %arg3[%dma_wait3A_653] : memref<1827847xi32, #tpu.memory_space<hbm>> -> memref<5728xi32, #tpu.memory_space<hbm>>
        tpu.wait_dma2 semaphore(%arg29 : memref<!tpu.dma_semaphore, #tpu.memory_space<semaphore_mem>>) src(%dma_wait3A_654 : memref<5728xi32, #tpu.memory_space<hbm>>) dst(%dma_wait3A_652 : memref<5728xi32, #tpu.memory_space<vmem>>)
        %dma_wait3A_655 = arith.constant 0 : i32
        %dma_wait3A_656 = tpu.memref_slice %arg16[%dma_wait3A_655] : memref<5760xi32, #tpu.memory_space<vmem>> -> memref<5728xi32, #tpu.memory_space<vmem>>
        %dma_wait3A_657 = arith.constant 0 : i32
        %dma_wait3A_658 = tpu.memref_slice %arg4[%dma_wait3A_657] : memref<1827847xi32, #tpu.memory_space<hbm>> -> memref<5728xi32, #tpu.memory_space<hbm>>
        %dma_wait3A_659 = arith.constant 0 : i32
        %dma_wait3A_660 = tpu.memref_slice %arg16[%dma_wait3A_659] : memref<5760xi32, #tpu.memory_space<vmem>> -> memref<5728xi32, #tpu.memory_space<vmem>>
        %dma_wait3A_661 = arith.constant 0 : i32
        %dma_wait3A_662 = tpu.memref_slice %arg4[%dma_wait3A_661] : memref<1827847xi32, #tpu.memory_space<hbm>> -> memref<5728xi32, #tpu.memory_space<hbm>>
        tpu.wait_dma2 semaphore(%arg29 : memref<!tpu.dma_semaphore, #tpu.memory_space<semaphore_mem>>) src(%dma_wait3A_662 : memref<5728xi32, #tpu.memory_space<hbm>>) dst(%dma_wait3A_660 : memref<5728xi32, #tpu.memory_space<vmem>>)
        %dma_wait3A_663 = arith.constant 0 : i32
        %dma_wait3A_664 = tpu.memref_slice %arg20[%dma_wait3A_663] : memref<5760xf32, #tpu.memory_space<vmem>> -> memref<5728xf32, #tpu.memory_space<vmem>>
        %dma_wait3A_665 = arith.constant 0 : i32
        %dma_wait3A_666 = tpu.memref_slice %arg5[%dma_wait3A_665] : memref<1827847xf32, #tpu.memory_space<hbm>> -> memref<5728xf32, #tpu.memory_space<hbm>>
        %dma_wait3A_667 = arith.constant 0 : i32
        %dma_wait3A_668 = tpu.memref_slice %arg20[%dma_wait3A_667] : memref<5760xf32, #tpu.memory_space<vmem>> -> memref<5728xf32, #tpu.memory_space<vmem>>
        %dma_wait3A_669 = arith.constant 0 : i32
        %dma_wait3A_670 = tpu.memref_slice %arg5[%dma_wait3A_669] : memref<1827847xf32, #tpu.memory_space<hbm>> -> memref<5728xf32, #tpu.memory_space<hbm>>
        tpu.wait_dma2 semaphore(%arg29 : memref<!tpu.dma_semaphore, #tpu.memory_space<semaphore_mem>>) src(%dma_wait3A_670 : memref<5728xf32, #tpu.memory_space<hbm>>) dst(%dma_wait3A_668 : memref<5728xf32, #tpu.memory_space<vmem>>)
      } else {
      }
      %eq3A_506 = arith.constant 319 : i32
      %eq3A_507 = arith.cmpi eq, %add3A_500, %eq3A_506 : i32
      %convert_element_type3A_508 = arith.extui %eq3A_507 : i1 to i32
      %cond3A_509 = arith.constant 0 : i32
      %cond3A_510 = arith.cmpi ne, %convert_element_type3A_508, %cond3A_509 : i32
      scf.if %cond3A_510 {
        %dma_wait3A_647 = arith.constant 0 : i32
        %dma_wait3A_648 = tpu.memref_slice %arg12[%dma_wait3A_647] : memref<5760xi32, #tpu.memory_space<vmem>> -> memref<615xi32, #tpu.memory_space<vmem>>
        %dma_wait3A_649 = arith.constant 0 : i32
        %dma_wait3A_650 = tpu.memref_slice %arg3[%dma_wait3A_649] : memref<1827847xi32, #tpu.memory_space<hbm>> -> memref<615xi32, #tpu.memory_space<hbm>>
        %dma_wait3A_651 = arith.constant 0 : i32
        %dma_wait3A_652 = tpu.memref_slice %arg12[%dma_wait3A_651] : memref<5760xi32, #tpu.memory_space<vmem>> -> memref<615xi32, #tpu.memory_space<vmem>>
        %dma_wait3A_653 = arith.constant 0 : i32
        %dma_wait3A_654 = tpu.memref_slice %arg3[%dma_wait3A_653] : memref<1827847xi32, #tpu.memory_space<hbm>> -> memref<615xi32, #tpu.memory_space<hbm>>
        tpu.wait_dma2 semaphore(%arg29 : memref<!tpu.dma_semaphore, #tpu.memory_space<semaphore_mem>>) src(%dma_wait3A_654 : memref<615xi32, #tpu.memory_space<hbm>>) dst(%dma_wait3A_652 : memref<615xi32, #tpu.memory_space<vmem>>)
        %dma_wait3A_655 = arith.constant 0 : i32
        %dma_wait3A_656 = tpu.memref_slice %arg16[%dma_wait3A_655] : memref<5760xi32, #tpu.memory_space<vmem>> -> memref<615xi32, #tpu.memory_space<vmem>>
        %dma_wait3A_657 = arith.constant 0 : i32
        %dma_wait3A_658 = tpu.memref_slice %arg4[%dma_wait3A_657] : memref<1827847xi32, #tpu.memory_space<hbm>> -> memref<615xi32, #tpu.memory_space<hbm>>
        %dma_wait3A_659 = arith.constant 0 : i32
        %dma_wait3A_660 = tpu.memref_slice %arg16[%dma_wait3A_659] : memref<5760xi32, #tpu.memory_space<vmem>> -> memref<615xi32, #tpu.memory_space<vmem>>
        %dma_wait3A_661 = arith.constant 0 : i32
        %dma_wait3A_662 = tpu.memref_slice %arg4[%dma_wait3A_661] : memref<1827847xi32, #tpu.memory_space<hbm>> -> memref<615xi32, #tpu.memory_space<hbm>>
        tpu.wait_dma2 semaphore(%arg29 : memref<!tpu.dma_semaphore, #tpu.memory_space<semaphore_mem>>) src(%dma_wait3A_662 : memref<615xi32, #tpu.memory_space<hbm>>) dst(%dma_wait3A_660 : memref<615xi32, #tpu.memory_space<vmem>>)
        %dma_wait3A_663 = arith.constant 0 : i32
        %dma_wait3A_664 = tpu.memref_slice %arg20[%dma_wait3A_663] : memref<5760xf32, #tpu.memory_space<vmem>> -> memref<615xf32, #tpu.memory_space<vmem>>
        %dma_wait3A_665 = arith.constant 0 : i32
        %dma_wait3A_666 = tpu.memref_slice %arg5[%dma_wait3A_665] : memref<1827847xf32, #tpu.memory_space<hbm>> -> memref<615xf32, #tpu.memory_space<hbm>>
        %dma_wait3A_667 = arith.constant 0 : i32
        %dma_wait3A_668 = tpu.memref_slice %arg20[%dma_wait3A_667] : memref<5760xf32, #tpu.memory_space<vmem>> -> memref<615xf32, #tpu.memory_space<vmem>>
        %dma_wait3A_669 = arith.constant 0 : i32
        %dma_wait3A_670 = tpu.memref_slice %arg5[%dma_wait3A_669] : memref<1827847xf32, #tpu.memory_space<hbm>> -> memref<615xf32, #tpu.memory_space<hbm>>
        tpu.wait_dma2 semaphore(%arg29 : memref<!tpu.dma_semaphore, #tpu.memory_space<semaphore_mem>>) src(%dma_wait3A_670 : memref<615xf32, #tpu.memory_space<hbm>>) dst(%dma_wait3A_668 : memref<615xf32, #tpu.memory_space<vmem>>)
      } else {
      }
      %dma_start3A_511 = arith.constant 0 : i32
      %dma_start3A_512 = tpu.memref_slice %arg24[%dma_start3A_511] : memref<5760xf32, #tpu.memory_space<vmem>> -> memref<2880xf32, #tpu.memory_space<vmem>>
      %dma_start3A_513 = arith.constant 0 : i32
      %dma_start3A_514 = tpu.memref_slice %arg16[%dma_start3A_513] : memref<5760xi32, #tpu.memory_space<vmem>> -> memref<2880xi32, #tpu.memory_space<vmem>>
      %dma_start3A_515 = arith.constant 0 : i32
      %dma_start3A_516 = tpu.memref_slice %arg7[%dma_start3A_515] : memref<262144xf32, #tpu.memory_space<vmem_shared>> -> memref<262144xf32, #tpu.memory_space<vmem_shared>>
      tpu.enqueue_indirect_dma source(%dma_start3A_516 : memref<262144xf32, #tpu.memory_space<vmem_shared>>) target(%dma_start3A_512 : memref<2880xf32, #tpu.memory_space<vmem>>) offsets(%dma_start3A_514 : memref<2880xi32, #tpu.memory_space<vmem>>) semaphore(%arg33 : memref<!tpu.dma_semaphore, #tpu.memory_space<semaphore_mem>>)
      %dma_start3A_517 = arith.constant 2880 : i32
      %dma_start3A_518 = tpu.memref_slice %arg24[%dma_start3A_517] : memref<5760xf32, #tpu.memory_space<vmem>> -> memref<2880xf32, #tpu.memory_space<vmem>>
      %dma_start3A_519 = arith.constant 2880 : i32
      %dma_start3A_520 = tpu.memref_slice %arg16[%dma_start3A_519] : memref<5760xi32, #tpu.memory_space<vmem>> -> memref<2880xi32, #tpu.memory_space<vmem>>
      %dma_start3A_521 = arith.constant 0 : i32
      %dma_start3A_522 = tpu.memref_slice %arg7[%dma_start3A_521] : memref<262144xf32, #tpu.memory_space<vmem_shared>> -> memref<262144xf32, #tpu.memory_space<vmem_shared>>
      tpu.enqueue_indirect_dma source(%dma_start3A_522 : memref<262144xf32, #tpu.memory_space<vmem_shared>>) target(%dma_start3A_518 : memref<2880xf32, #tpu.memory_space<vmem>>) offsets(%dma_start3A_520 : memref<2880xi32, #tpu.memory_space<vmem>>) semaphore(%arg37 : memref<!tpu.dma_semaphore, #tpu.memory_space<semaphore_mem>>)
      %mul3A_523 = arith.constant 32 : i32
      %mul3A_524 = arith.muli %add3A_475, %mul3A_523 : i32
      %add3A_525 = arith.addi %mul3A_524, %add3A : i32
      %eq3A_526 = arith.constant 319 : i32
      %eq3A_527 = arith.cmpi eq, %add3A_525, %eq3A_526 : i32
      %convert_element_type3A_528 = arith.extui %eq3A_527 : i1 to i32
      %cond3A_529 = arith.constant 0 : i32
      %cond3A_530 = arith.cmpi ne, %convert_element_type3A_528, %cond3A_529 : i32
      scf.if %cond3A_530 {
        %iota3A = tpu.iota {dimensions = array<i32: 0>} : vector<16xi32>
        %lt3A_647 = arith.constant 7 : i32
        %lt3A_648 = vector.broadcast %lt3A_647 : i32 to vector<16xi32>
        %lt3A_649 = arith.cmpi slt, %iota3A, %lt3A_648 : vector<16xi32>
        %get3A = arith.constant 608 : index
        %get3A_650 = tpu.vector_load %arg19[%get3A] {strides = array<i32>} : memref<5760xf32, #tpu.memory_space<vmem>>, vector<16xf32>,
        %get3A_651 = vector.shape_cast %get3A_650 : vector<16xf32> to vector<16xf32>
        %jit3A = arith.constant 0.000000e+00 : f32
        %broadcast_in_dim3A_652 = vector.broadcast %jit3A : f32 to vector<16xf32>
        %select_n3A = arith.select %lt3A_649, %get3A_651, %broadcast_in_dim3A_652 : vector<16xi1>, vector<16xf32>
        %swap3A_653 = arith.constant 608 : index
        %swap3A_654 = tpu.vector_load %arg19[%swap3A_653] {strides = array<i32>} : memref<5760xf32, #tpu.memory_space<vmem>>, vector<16xf32>,
        %swap3A_655 = vector.shape_cast %swap3A_654 : vector<16xf32> to vector<16xf32>
        %swap3A_656 = vector.shape_cast %select_n3A : vector<16xf32> to vector<16xf32>
        tpu.vector_store %arg19[%swap3A_653], %swap3A_656 {strides = array<i32>} : memref<5760xf32, #tpu.memory_space<vmem>>, vector<16xf32>,
        %scan3A_657 = arith.constant 0 : i32
        %scan3A_658 = arith.constant 39 : i32
        %scan3A_659 = arith.constant 319 : i32
        %scan3A_660 = arith.addi %scan3A_658, %scan3A_659 : i32
        %scan3A_661 = arith.constant 1 : i32
        %scan3A_662 = scf.for %scan3A_664 = %scan3A_658 to %scan3A_660 step %scan3A_661 iter_args(%scan3A_665 = %scan3A_657) -> (i32)  : i32 {
          %broadcast_in_dim3A_666 = arith.constant 0.000000e+00 : f32
          %broadcast_in_dim3A_667 = vector.broadcast %broadcast_in_dim3A_666 : f32 to vector<16xf32>
          %mul3A_668 = arith.constant 16 : i32
          %mul3A_669 = arith.muli %scan3A_664, %mul3A_668 : i32
          %swap3A_670 = arith.index_cast %mul3A_669 : i32 to index
          %swap3A_671 = tpu.vector_load %arg19[%swap3A_670] {strides = array<i32>} : memref<5760xf32, #tpu.memory_space<vmem>>, vector<16xf32>,
          %swap3A_672 = vector.shape_cast %swap3A_671 : vector<16xf32> to vector<16xf32>
          %swap3A_673 = vector.shape_cast %broadcast_in_dim3A_667 : vector<16xf32> to vector<16xf32>
          tpu.vector_store %arg19[%swap3A_670], %swap3A_673 {strides = array<i32>} : memref<5760xf32, #tpu.memory_space<vmem>>, vector<16xf32>,
          %scan3A_674 = arith.constant 0 : i32
          scf.yield %scan3A_674 : i32
        }
        %scan3A_663 = arith.constant 319 : i32
      } else {
      }
      %dma_wait3A_531 = arith.constant 0 : i32
      %dma_wait3A_532 = tpu.memref_slice %arg23[%dma_wait3A_531] : memref<5760xf32, #tpu.memory_space<vmem>> -> memref<2880xf32, #tpu.memory_space<vmem>>
      %dma_wait3A_533 = arith.constant 0 : i32
      %dma_wait3A_534 = tpu.memref_slice %arg15[%dma_wait3A_533] : memref<5760xi32, #tpu.memory_space<vmem>> -> memref<2880xi32, #tpu.memory_space<vmem>>
      %dma_wait3A_535 = arith.constant 0 : i32
      %dma_wait3A_536 = tpu.memref_slice %arg7[%dma_wait3A_535] : memref<262144xf32, #tpu.memory_space<vmem_shared>> -> memref<262144xf32, #tpu.memory_space<vmem_shared>>
      tpu.wait_indirect_dma semaphore(%arg32 : memref<!tpu.dma_semaphore, #tpu.memory_space<semaphore_mem>>) src(%dma_wait3A_536 : memref<262144xf32, #tpu.memory_space<vmem_shared>>) dst(%dma_wait3A_532 : memref<2880xf32, #tpu.memory_space<vmem>>)
      %scan3A_537 = arith.constant 0 : i32
      %scan3A_538 = arith.constant 0 : i32
      %scan3A_539 = arith.constant 15 : i32
      %scan3A_540 = arith.addi %scan3A_538, %scan3A_539 : i32
      %scan3A_541 = arith.constant 1 : i32
      %scan3A_542 = scf.for %scan3A_647 = %scan3A_538 to %scan3A_540 step %scan3A_541 iter_args(%scan3A_648 = %scan3A_537) -> (i32)  : i32 {
        %mul3A_649 = arith.constant 192 : i32
        %mul3A_650 = arith.muli %scan3A_647, %mul3A_649 : i32
        %add3A_651 = arith.constant 0 : i32
        %add3A_652 = arith.addi %mul3A_650, %add3A_651 : i32
        %get3A = arith.index_cast %add3A_652 : i32 to index
        %get3A_653 = tpu.vector_load %arg23[%get3A] {strides = array<i32>} : memref<5760xf32, #tpu.memory_space<vmem>>, vector<16xf32>,
        %get3A_654 = vector.shape_cast %get3A_653 : vector<16xf32> to vector<16xf32>
        %get3A_655 = arith.index_cast %add3A_652 : i32 to index
        %get3A_656 = tpu.vector_load %arg19[%get3A_655] {strides = array<i32>} : memref<5760xf32, #tpu.memory_space<vmem>>, vector<16xf32>,
        %get3A_657 = vector.shape_cast %get3A_656 : vector<16xf32> to vector<16xf32>
        %mul3A_658 = arith.mulf %get3A_654, %get3A_657 : vector<16xf32>
        %swap3A_659 = arith.index_cast %add3A_652 : i32 to index
        %swap3A_660 = tpu.vector_load %arg23[%swap3A_659] {strides = array<i32>} : memref<5760xf32, #tpu.memory_space<vmem>>, vector<16xf32>,
        %swap3A_661 = vector.shape_cast %swap3A_660 : vector<16xf32> to vector<16xf32>
        %swap3A_662 = vector.shape_cast %mul3A_658 : vector<16xf32> to vector<16xf32>
        tpu.vector_store %arg23[%swap3A_659], %swap3A_662 {strides = array<i32>} : memref<5760xf32, #tpu.memory_space<vmem>>, vector<16xf32>,
        %mul3A_663 = arith.constant 192 : i32
        %mul3A_664 = arith.muli %scan3A_647, %mul3A_663 : i32
        %add3A_665 = arith.constant 16 : i32
        %add3A_666 = arith.addi %mul3A_664, %add3A_665 : i32
        %get3A_667 = arith.index_cast %add3A_666 : i32 to index
        %get3A_668 = tpu.vector_load %arg23[%get3A_667] {strides = array<i32>} : memref<5760xf32, #tpu.memory_space<vmem>>, vector<16xf32>,
        %get3A_669 = vector.shape_cast %get3A_668 : vector<16xf32> to vector<16xf32>
        %get3A_670 = arith.index_cast %add3A_666 : i32 to index
        %get3A_671 = tpu.vector_load %arg19[%get3A_670] {strides = array<i32>} : memref<5760xf32, #tpu.memory_space<vmem>>, vector<16xf32>,
        %get3A_672 = vector.shape_cast %get3A_671 : vector<16xf32> to vector<16xf32>
        %mul3A_673 = arith.mulf %get3A_669, %get3A_672 : vector<16xf32>
        %swap3A_674 = arith.index_cast %add3A_666 : i32 to index
        %swap3A_675 = tpu.vector_load %arg23[%swap3A_674] {strides = array<i32>} : memref<5760xf32, #tpu.memory_space<vmem>>, vector<16xf32>,
        %swap3A_676 = vector.shape_cast %swap3A_675 : vector<16xf32> to vector<16xf32>
        %swap3A_677 = vector.shape_cast %mul3A_673 : vector<16xf32> to vector<16xf32>
        tpu.vector_store %arg23[%swap3A_674], %swap3A_677 {strides = array<i32>} : memref<5760xf32, #tpu.memory_space<vmem>>, vector<16xf32>,
        %mul3A_678 = arith.constant 192 : i32
        %mul3A_679 = arith.muli %scan3A_647, %mul3A_678 : i32
        %add3A_680 = arith.constant 32 : i32
        %add3A_681 = arith.addi %mul3A_679, %add3A_680 : i32
        %get3A_682 = arith.index_cast %add3A_681 : i32 to index
        %get3A_683 = tpu.vector_load %arg23[%get3A_682] {strides = array<i32>} : memref<5760xf32, #tpu.memory_space<vmem>>, vector<16xf32>,
        %get3A_684 = vector.shape_cast %get3A_683 : vector<16xf32> to vector<16xf32>
        %get3A_685 = arith.index_cast %add3A_681 : i32 to index
        %get3A_686 = tpu.vector_load %arg19[%get3A_685] {strides = array<i32>} : memref<5760xf32, #tpu.memory_space<vmem>>, vector<16xf32>,
        %get3A_687 = vector.shape_cast %get3A_686 : vector<16xf32> to vector<16xf32>
        %mul3A_688 = arith.mulf %get3A_684, %get3A_687 : vector<16xf32>
        %swap3A_689 = arith.index_cast %add3A_681 : i32 to index
        %swap3A_690 = tpu.vector_load %arg23[%swap3A_689] {strides = array<i32>} : memref<5760xf32, #tpu.memory_space<vmem>>, vector<16xf32>,
        %swap3A_691 = vector.shape_cast %swap3A_690 : vector<16xf32> to vector<16xf32>
        %swap3A_692 = vector.shape_cast %mul3A_688 : vector<16xf32> to vector<16xf32>
        tpu.vector_store %arg23[%swap3A_689], %swap3A_692 {strides = array<i32>} : memref<5760xf32, #tpu.memory_space<vmem>>, vector<16xf32>,
        %mul3A_693 = arith.constant 192 : i32
        %mul3A_694 = arith.muli %scan3A_647, %mul3A_693 : i32
        %add3A_695 = arith.constant 48 : i32
        %add3A_696 = arith.addi %mul3A_694, %add3A_695 : i32
        %get3A_697 = arith.index_cast %add3A_696 : i32 to index
        %get3A_698 = tpu.vector_load %arg23[%get3A_697] {strides = array<i32>} : memref<5760xf32, #tpu.memory_space<vmem>>, vector<16xf32>,
        %get3A_699 = vector.shape_cast %get3A_698 : vector<16xf32> to vector<16xf32>
        %get3A_700 = arith.index_cast %add3A_696 : i32 to index
        %get3A_701 = tpu.vector_load %arg19[%get3A_700] {strides = array<i32>} : memref<5760xf32, #tpu.memory_space<vmem>>, vector<16xf32>,
        %get3A_702 = vector.shape_cast %get3A_701 : vector<16xf32> to vector<16xf32>
        %mul3A_703 = arith.mulf %get3A_699, %get3A_702 : vector<16xf32>
        %swap3A_704 = arith.index_cast %add3A_696 : i32 to index
        %swap3A_705 = tpu.vector_load %arg23[%swap3A_704] {strides = array<i32>} : memref<5760xf32, #tpu.memory_space<vmem>>, vector<16xf32>,
        %swap3A_706 = vector.shape_cast %swap3A_705 : vector<16xf32> to vector<16xf32>
        %swap3A_707 = vector.shape_cast %mul3A_703 : vector<16xf32> to vector<16xf32>
        tpu.vector_store %arg23[%swap3A_704], %swap3A_707 {strides = array<i32>} : memref<5760xf32, #tpu.memory_space<vmem>>, vector<16xf32>,
        %mul3A_708 = arith.constant 192 : i32
        %mul3A_709 = arith.muli %scan3A_647, %mul3A_708 : i32
        %add3A_710 = arith.constant 64 : i32
        %add3A_711 = arith.addi %mul3A_709, %add3A_710 : i32
        %get3A_712 = arith.index_cast %add3A_711 : i32 to index
        %get3A_713 = tpu.vector_load %arg23[%get3A_712] {strides = array<i32>} : memref<5760xf32, #tpu.memory_space<vmem>>, vector<16xf32>,
        %get3A_714 = vector.shape_cast %get3A_713 : vector<16xf32> to vector<16xf32>
        %get3A_715 = arith.index_cast %add3A_711 : i32 to index
        %get3A_716 = tpu.vector_load %arg19[%get3A_715] {strides = array<i32>} : memref<5760xf32, #tpu.memory_space<vmem>>, vector<16xf32>,
        %get3A_717 = vector.shape_cast %get3A_716 : vector<16xf32> to vector<16xf32>
        %mul3A_718 = arith.mulf %get3A_714, %get3A_717 : vector<16xf32>
        %swap3A_719 = arith.index_cast %add3A_711 : i32 to index
        %swap3A_720 = tpu.vector_load %arg23[%swap3A_719] {strides = array<i32>} : memref<5760xf32, #tpu.memory_space<vmem>>, vector<16xf32>,
        %swap3A_721 = vector.shape_cast %swap3A_720 : vector<16xf32> to vector<16xf32>
        %swap3A_722 = vector.shape_cast %mul3A_718 : vector<16xf32> to vector<16xf32>
        tpu.vector_store %arg23[%swap3A_719], %swap3A_722 {strides = array<i32>} : memref<5760xf32, #tpu.memory_space<vmem>>, vector<16xf32>,
        %mul3A_723 = arith.constant 192 : i32
        %mul3A_724 = arith.muli %scan3A_647, %mul3A_723 : i32
        %add3A_725 = arith.constant 80 : i32
        %add3A_726 = arith.addi %mul3A_724, %add3A_725 : i32
        %get3A_727 = arith.index_cast %add3A_726 : i32 to index
        %get3A_728 = tpu.vector_load %arg23[%get3A_727] {strides = array<i32>} : memref<5760xf32, #tpu.memory_space<vmem>>, vector<16xf32>,
        %get3A_729 = vector.shape_cast %get3A_728 : vector<16xf32> to vector<16xf32>
        %get3A_730 = arith.index_cast %add3A_726 : i32 to index
        %get3A_731 = tpu.vector_load %arg19[%get3A_730] {strides = array<i32>} : memref<5760xf32, #tpu.memory_space<vmem>>, vector<16xf32>,
        %get3A_732 = vector.shape_cast %get3A_731 : vector<16xf32> to vector<16xf32>
        %mul3A_733 = arith.mulf %get3A_729, %get3A_732 : vector<16xf32>
        %swap3A_734 = arith.index_cast %add3A_726 : i32 to index
        %swap3A_735 = tpu.vector_load %arg23[%swap3A_734] {strides = array<i32>} : memref<5760xf32, #tpu.memory_space<vmem>>, vector<16xf32>,
        %swap3A_736 = vector.shape_cast %swap3A_735 : vector<16xf32> to vector<16xf32>
        %swap3A_737 = vector.shape_cast %mul3A_733 : vector<16xf32> to vector<16xf32>
        tpu.vector_store %arg23[%swap3A_734], %swap3A_737 {strides = array<i32>} : memref<5760xf32, #tpu.memory_space<vmem>>, vector<16xf32>,
        %mul3A_738 = arith.constant 192 : i32
        %mul3A_739 = arith.muli %scan3A_647, %mul3A_738 : i32
        %add3A_740 = arith.constant 96 : i32
        %add3A_741 = arith.addi %mul3A_739, %add3A_740 : i32
        %get3A_742 = arith.index_cast %add3A_741 : i32 to index
        %get3A_743 = tpu.vector_load %arg23[%get3A_742] {strides = array<i32>} : memref<5760xf32, #tpu.memory_space<vmem>>, vector<16xf32>,
        %get3A_744 = vector.shape_cast %get3A_743 : vector<16xf32> to vector<16xf32>
        %get3A_745 = arith.index_cast %add3A_741 : i32 to index
        %get3A_746 = tpu.vector_load %arg19[%get3A_745] {strides = array<i32>} : memref<5760xf32, #tpu.memory_space<vmem>>, vector<16xf32>,
        %get3A_747 = vector.shape_cast %get3A_746 : vector<16xf32> to vector<16xf32>
        %mul3A_748 = arith.mulf %get3A_744, %get3A_747 : vector<16xf32>
        %swap3A_749 = arith.index_cast %add3A_741 : i32 to index
        %swap3A_750 = tpu.vector_load %arg23[%swap3A_749] {strides = array<i32>} : memref<5760xf32, #tpu.memory_space<vmem>>, vector<16xf32>,
        %swap3A_751 = vector.shape_cast %swap3A_750 : vector<16xf32> to vector<16xf32>
        %swap3A_752 = vector.shape_cast %mul3A_748 : vector<16xf32> to vector<16xf32>
        tpu.vector_store %arg23[%swap3A_749], %swap3A_752 {strides = array<i32>} : memref<5760xf32, #tpu.memory_space<vmem>>, vector<16xf32>,
        %mul3A_753 = arith.constant 192 : i32
        %mul3A_754 = arith.muli %scan3A_647, %mul3A_753 : i32
        %add3A_755 = arith.constant 112 : i32
        %add3A_756 = arith.addi %mul3A_754, %add3A_755 : i32
        %get3A_757 = arith.index_cast %add3A_756 : i32 to index
        %get3A_758 = tpu.vector_load %arg23[%get3A_757] {strides = array<i32>} : memref<5760xf32, #tpu.memory_space<vmem>>, vector<16xf32>,
        %get3A_759 = vector.shape_cast %get3A_758 : vector<16xf32> to vector<16xf32>
        %get3A_760 = arith.index_cast %add3A_756 : i32 to index
        %get3A_761 = tpu.vector_load %arg19[%get3A_760] {strides = array<i32>} : memref<5760xf32, #tpu.memory_space<vmem>>, vector<16xf32>,
        %get3A_762 = vector.shape_cast %get3A_761 : vector<16xf32> to vector<16xf32>
        %mul3A_763 = arith.mulf %get3A_759, %get3A_762 : vector<16xf32>
        %swap3A_764 = arith.index_cast %add3A_756 : i32 to index
        %swap3A_765 = tpu.vector_load %arg23[%swap3A_764] {strides = array<i32>} : memref<5760xf32, #tpu.memory_space<vmem>>, vector<16xf32>,
        %swap3A_766 = vector.shape_cast %swap3A_765 : vector<16xf32> to vector<16xf32>
        %swap3A_767 = vector.shape_cast %mul3A_763 : vector<16xf32> to vector<16xf32>
        tpu.vector_store %arg23[%swap3A_764], %swap3A_767 {strides = array<i32>} : memref<5760xf32, #tpu.memory_space<vmem>>, vector<16xf32>,
        %mul3A_768 = arith.constant 192 : i32
        %mul3A_769 = arith.muli %scan3A_647, %mul3A_768 : i32
        %add3A_770 = arith.constant 128 : i32
        %add3A_771 = arith.addi %mul3A_769, %add3A_770 : i32
        %get3A_772 = arith.index_cast %add3A_771 : i32 to index
        %get3A_773 = tpu.vector_load %arg23[%get3A_772] {strides = array<i32>} : memref<5760xf32, #tpu.memory_space<vmem>>, vector<16xf32>,
        %get3A_774 = vector.shape_cast %get3A_773 : vector<16xf32> to vector<16xf32>
        %get3A_775 = arith.index_cast %add3A_771 : i32 to index
        %get3A_776 = tpu.vector_load %arg19[%get3A_775] {strides = array<i32>} : memref<5760xf32, #tpu.memory_space<vmem>>, vector<16xf32>,
        %get3A_777 = vector.shape_cast %get3A_776 : vector<16xf32> to vector<16xf32>
        %mul3A_778 = arith.mulf %get3A_774, %get3A_777 : vector<16xf32>
        %swap3A_779 = arith.index_cast %add3A_771 : i32 to index
        %swap3A_780 = tpu.vector_load %arg23[%swap3A_779] {strides = array<i32>} : memref<5760xf32, #tpu.memory_space<vmem>>, vector<16xf32>,
        %swap3A_781 = vector.shape_cast %swap3A_780 : vector<16xf32> to vector<16xf32>
        %swap3A_782 = vector.shape_cast %mul3A_778 : vector<16xf32> to vector<16xf32>
        tpu.vector_store %arg23[%swap3A_779], %swap3A_782 {strides = array<i32>} : memref<5760xf32, #tpu.memory_space<vmem>>, vector<16xf32>,
        %mul3A_783 = arith.constant 192 : i32
        %mul3A_784 = arith.muli %scan3A_647, %mul3A_783 : i32
        %add3A_785 = arith.constant 144 : i32
        %add3A_786 = arith.addi %mul3A_784, %add3A_785 : i32
        %get3A_787 = arith.index_cast %add3A_786 : i32 to index
        %get3A_788 = tpu.vector_load %arg23[%get3A_787] {strides = array<i32>} : memref<5760xf32, #tpu.memory_space<vmem>>, vector<16xf32>,
        %get3A_789 = vector.shape_cast %get3A_788 : vector<16xf32> to vector<16xf32>
        %get3A_790 = arith.index_cast %add3A_786 : i32 to index
        %get3A_791 = tpu.vector_load %arg19[%get3A_790] {strides = array<i32>} : memref<5760xf32, #tpu.memory_space<vmem>>, vector<16xf32>,
        %get3A_792 = vector.shape_cast %get3A_791 : vector<16xf32> to vector<16xf32>
        %mul3A_793 = arith.mulf %get3A_789, %get3A_792 : vector<16xf32>
        %swap3A_794 = arith.index_cast %add3A_786 : i32 to index
        %swap3A_795 = tpu.vector_load %arg23[%swap3A_794] {strides = array<i32>} : memref<5760xf32, #tpu.memory_space<vmem>>, vector<16xf32>,
        %swap3A_796 = vector.shape_cast %swap3A_795 : vector<16xf32> to vector<16xf32>
        %swap3A_797 = vector.shape_cast %mul3A_793 : vector<16xf32> to vector<16xf32>
        tpu.vector_store %arg23[%swap3A_794], %swap3A_797 {strides = array<i32>} : memref<5760xf32, #tpu.memory_space<vmem>>, vector<16xf32>,
        %mul3A_798 = arith.constant 192 : i32
        %mul3A_799 = arith.muli %scan3A_647, %mul3A_798 : i32
        %add3A_800 = arith.constant 160 : i32
        %add3A_801 = arith.addi %mul3A_799, %add3A_800 : i32
        %get3A_802 = arith.index_cast %add3A_801 : i32 to index
        %get3A_803 = tpu.vector_load %arg23[%get3A_802] {strides = array<i32>} : memref<5760xf32, #tpu.memory_space<vmem>>, vector<16xf32>,
        %get3A_804 = vector.shape_cast %get3A_803 : vector<16xf32> to vector<16xf32>
        %get3A_805 = arith.index_cast %add3A_801 : i32 to index
        %get3A_806 = tpu.vector_load %arg19[%get3A_805] {strides = array<i32>} : memref<5760xf32, #tpu.memory_space<vmem>>, vector<16xf32>,
        %get3A_807 = vector.shape_cast %get3A_806 : vector<16xf32> to vector<16xf32>
        %mul3A_808 = arith.mulf %get3A_804, %get3A_807 : vector<16xf32>
        %swap3A_809 = arith.index_cast %add3A_801 : i32 to index
        %swap3A_810 = tpu.vector_load %arg23[%swap3A_809] {strides = array<i32>} : memref<5760xf32, #tpu.memory_space<vmem>>, vector<16xf32>,
        %swap3A_811 = vector.shape_cast %swap3A_810 : vector<16xf32> to vector<16xf32>
        %swap3A_812 = vector.shape_cast %mul3A_808 : vector<16xf32> to vector<16xf32>
        tpu.vector_store %arg23[%swap3A_809], %swap3A_812 {strides = array<i32>} : memref<5760xf32, #tpu.memory_space<vmem>>, vector<16xf32>,
        %mul3A_813 = arith.constant 192 : i32
        %mul3A_814 = arith.muli %scan3A_647, %mul3A_813 : i32
        %add3A_815 = arith.constant 176 : i32
        %add3A_816 = arith.addi %mul3A_814, %add3A_815 : i32
        %get3A_817 = arith.index_cast %add3A_816 : i32 to index
        %get3A_818 = tpu.vector_load %arg23[%get3A_817] {strides = array<i32>} : memref<5760xf32, #tpu.memory_space<vmem>>, vector<16xf32>,
        %get3A_819 = vector.shape_cast %get3A_818 : vector<16xf32> to vector<16xf32>
        %get3A_820 = arith.index_cast %add3A_816 : i32 to index
        %get3A_821 = tpu.vector_load %arg19[%get3A_820] {strides = array<i32>} : memref<5760xf32, #tpu.memory_space<vmem>>, vector<16xf32>,
        %get3A_822 = vector.shape_cast %get3A_821 : vector<16xf32> to vector<16xf32>
        %mul3A_823 = arith.mulf %get3A_819, %get3A_822 : vector<16xf32>
        %swap3A_824 = arith.index_cast %add3A_816 : i32 to index
        %swap3A_825 = tpu.vector_load %arg23[%swap3A_824] {strides = array<i32>} : memref<5760xf32, #tpu.memory_space<vmem>>, vector<16xf32>,
        %swap3A_826 = vector.shape_cast %swap3A_825 : vector<16xf32> to vector<16xf32>
        %swap3A_827 = vector.shape_cast %mul3A_823 : vector<16xf32> to vector<16xf32>
        tpu.vector_store %arg23[%swap3A_824], %swap3A_827 {strides = array<i32>} : memref<5760xf32, #tpu.memory_space<vmem>>, vector<16xf32>,
        %scan3A_828 = arith.constant 0 : i32
        scf.yield %scan3A_828 : i32
      }
      %scan3A_543 = arith.constant 15 : i32
      %dma_wait3A_544 = arith.constant 2880 : i32
      %dma_wait3A_545 = tpu.memref_slice %arg23[%dma_wait3A_544] : memref<5760xf32, #tpu.memory_space<vmem>> -> memref<2880xf32, #tpu.memory_space<vmem>>
      %dma_wait3A_546 = arith.constant 2880 : i32
      %dma_wait3A_547 = tpu.memref_slice %arg15[%dma_wait3A_546] : memref<5760xi32, #tpu.memory_space<vmem>> -> memref<2880xi32, #tpu.memory_space<vmem>>
      %dma_wait3A_548 = arith.constant 0 : i32
      %dma_wait3A_549 = tpu.memref_slice %arg7[%dma_wait3A_548] : memref<262144xf32, #tpu.memory_space<vmem_shared>> -> memref<262144xf32, #tpu.memory_space<vmem_shared>>
      tpu.wait_indirect_dma semaphore(%arg36 : memref<!tpu.dma_semaphore, #tpu.memory_space<semaphore_mem>>) src(%dma_wait3A_549 : memref<262144xf32, #tpu.memory_space<vmem_shared>>) dst(%dma_wait3A_545 : memref<2880xf32, #tpu.memory_space<vmem>>)
      %scan3A_550 = arith.constant 0 : i32
      %scan3A_551 = arith.constant 15 : i32
      %scan3A_552 = arith.constant 15 : i32
      %scan3A_553 = arith.addi %scan3A_551, %scan3A_552 : i32
      %scan3A_554 = arith.constant 1 : i32
      %scan3A_555 = scf.for %scan3A_647 = %scan3A_551 to %scan3A_553 step %scan3A_554 iter_args(%scan3A_648 = %scan3A_550) -> (i32)  : i32 {
        %mul3A_649 = arith.constant 192 : i32
        %mul3A_650 = arith.muli %scan3A_647, %mul3A_649 : i32
        %add3A_651 = arith.constant 0 : i32
        %add3A_652 = arith.addi %mul3A_650, %add3A_651 : i32
        %get3A = arith.index_cast %add3A_652 : i32 to index
        %get3A_653 = tpu.vector_load %arg23[%get3A] {strides = array<i32>} : memref<5760xf32, #tpu.memory_space<vmem>>, vector<16xf32>,
        %get3A_654 = vector.shape_cast %get3A_653 : vector<16xf32> to vector<16xf32>
        %get3A_655 = arith.index_cast %add3A_652 : i32 to index
        %get3A_656 = tpu.vector_load %arg19[%get3A_655] {strides = array<i32>} : memref<5760xf32, #tpu.memory_space<vmem>>, vector<16xf32>,
        %get3A_657 = vector.shape_cast %get3A_656 : vector<16xf32> to vector<16xf32>
        %mul3A_658 = arith.mulf %get3A_654, %get3A_657 : vector<16xf32>
        %swap3A_659 = arith.index_cast %add3A_652 : i32 to index
        %swap3A_660 = tpu.vector_load %arg23[%swap3A_659] {strides = array<i32>} : memref<5760xf32, #tpu.memory_space<vmem>>, vector<16xf32>,
        %swap3A_661 = vector.shape_cast %swap3A_660 : vector<16xf32> to vector<16xf32>
        %swap3A_662 = vector.shape_cast %mul3A_658 : vector<16xf32> to vector<16xf32>
        tpu.vector_store %arg23[%swap3A_659], %swap3A_662 {strides = array<i32>} : memref<5760xf32, #tpu.memory_space<vmem>>, vector<16xf32>,
        %mul3A_663 = arith.constant 192 : i32
        %mul3A_664 = arith.muli %scan3A_647, %mul3A_663 : i32
        %add3A_665 = arith.constant 16 : i32
        %add3A_666 = arith.addi %mul3A_664, %add3A_665 : i32
        %get3A_667 = arith.index_cast %add3A_666 : i32 to index
        %get3A_668 = tpu.vector_load %arg23[%get3A_667] {strides = array<i32>} : memref<5760xf32, #tpu.memory_space<vmem>>, vector<16xf32>,
        %get3A_669 = vector.shape_cast %get3A_668 : vector<16xf32> to vector<16xf32>
        %get3A_670 = arith.index_cast %add3A_666 : i32 to index
        %get3A_671 = tpu.vector_load %arg19[%get3A_670] {strides = array<i32>} : memref<5760xf32, #tpu.memory_space<vmem>>, vector<16xf32>,
        %get3A_672 = vector.shape_cast %get3A_671 : vector<16xf32> to vector<16xf32>
        %mul3A_673 = arith.mulf %get3A_669, %get3A_672 : vector<16xf32>
        %swap3A_674 = arith.index_cast %add3A_666 : i32 to index
        %swap3A_675 = tpu.vector_load %arg23[%swap3A_674] {strides = array<i32>} : memref<5760xf32, #tpu.memory_space<vmem>>, vector<16xf32>,
        %swap3A_676 = vector.shape_cast %swap3A_675 : vector<16xf32> to vector<16xf32>
        %swap3A_677 = vector.shape_cast %mul3A_673 : vector<16xf32> to vector<16xf32>
        tpu.vector_store %arg23[%swap3A_674], %swap3A_677 {strides = array<i32>} : memref<5760xf32, #tpu.memory_space<vmem>>, vector<16xf32>,
        %mul3A_678 = arith.constant 192 : i32
        %mul3A_679 = arith.muli %scan3A_647, %mul3A_678 : i32
        %add3A_680 = arith.constant 32 : i32
        %add3A_681 = arith.addi %mul3A_679, %add3A_680 : i32
        %get3A_682 = arith.index_cast %add3A_681 : i32 to index
        %get3A_683 = tpu.vector_load %arg23[%get3A_682] {strides = array<i32>} : memref<5760xf32, #tpu.memory_space<vmem>>, vector<16xf32>,
        %get3A_684 = vector.shape_cast %get3A_683 : vector<16xf32> to vector<16xf32>
        %get3A_685 = arith.index_cast %add3A_681 : i32 to index
        %get3A_686 = tpu.vector_load %arg19[%get3A_685] {strides = array<i32>} : memref<5760xf32, #tpu.memory_space<vmem>>, vector<16xf32>,
        %get3A_687 = vector.shape_cast %get3A_686 : vector<16xf32> to vector<16xf32>
        %mul3A_688 = arith.mulf %get3A_684, %get3A_687 : vector<16xf32>
        %swap3A_689 = arith.index_cast %add3A_681 : i32 to index
        %swap3A_690 = tpu.vector_load %arg23[%swap3A_689] {strides = array<i32>} : memref<5760xf32, #tpu.memory_space<vmem>>, vector<16xf32>,
        %swap3A_691 = vector.shape_cast %swap3A_690 : vector<16xf32> to vector<16xf32>
        %swap3A_692 = vector.shape_cast %mul3A_688 : vector<16xf32> to vector<16xf32>
        tpu.vector_store %arg23[%swap3A_689], %swap3A_692 {strides = array<i32>} : memref<5760xf32, #tpu.memory_space<vmem>>, vector<16xf32>,
        %mul3A_693 = arith.constant 192 : i32
        %mul3A_694 = arith.muli %scan3A_647, %mul3A_693 : i32
        %add3A_695 = arith.constant 48 : i32
        %add3A_696 = arith.addi %mul3A_694, %add3A_695 : i32
        %get3A_697 = arith.index_cast %add3A_696 : i32 to index
        %get3A_698 = tpu.vector_load %arg23[%get3A_697] {strides = array<i32>} : memref<5760xf32, #tpu.memory_space<vmem>>, vector<16xf32>,
        %get3A_699 = vector.shape_cast %get3A_698 : vector<16xf32> to vector<16xf32>
        %get3A_700 = arith.index_cast %add3A_696 : i32 to index
        %get3A_701 = tpu.vector_load %arg19[%get3A_700] {strides = array<i32>} : memref<5760xf32, #tpu.memory_space<vmem>>, vector<16xf32>,
        %get3A_702 = vector.shape_cast %get3A_701 : vector<16xf32> to vector<16xf32>
        %mul3A_703 = arith.mulf %get3A_699, %get3A_702 : vector<16xf32>
        %swap3A_704 = arith.index_cast %add3A_696 : i32 to index
        %swap3A_705 = tpu.vector_load %arg23[%swap3A_704] {strides = array<i32>} : memref<5760xf32, #tpu.memory_space<vmem>>, vector<16xf32>,
        %swap3A_706 = vector.shape_cast %swap3A_705 : vector<16xf32> to vector<16xf32>
        %swap3A_707 = vector.shape_cast %mul3A_703 : vector<16xf32> to vector<16xf32>
        tpu.vector_store %arg23[%swap3A_704], %swap3A_707 {strides = array<i32>} : memref<5760xf32, #tpu.memory_space<vmem>>, vector<16xf32>,
        %mul3A_708 = arith.constant 192 : i32
        %mul3A_709 = arith.muli %scan3A_647, %mul3A_708 : i32
        %add3A_710 = arith.constant 64 : i32
        %add3A_711 = arith.addi %mul3A_709, %add3A_710 : i32
        %get3A_712 = arith.index_cast %add3A_711 : i32 to index
        %get3A_713 = tpu.vector_load %arg23[%get3A_712] {strides = array<i32>} : memref<5760xf32, #tpu.memory_space<vmem>>, vector<16xf32>,
        %get3A_714 = vector.shape_cast %get3A_713 : vector<16xf32> to vector<16xf32>
        %get3A_715 = arith.index_cast %add3A_711 : i32 to index
        %get3A_716 = tpu.vector_load %arg19[%get3A_715] {strides = array<i32>} : memref<5760xf32, #tpu.memory_space<vmem>>, vector<16xf32>,
        %get3A_717 = vector.shape_cast %get3A_716 : vector<16xf32> to vector<16xf32>
        %mul3A_718 = arith.mulf %get3A_714, %get3A_717 : vector<16xf32>
        %swap3A_719 = arith.index_cast %add3A_711 : i32 to index
        %swap3A_720 = tpu.vector_load %arg23[%swap3A_719] {strides = array<i32>} : memref<5760xf32, #tpu.memory_space<vmem>>, vector<16xf32>,
        %swap3A_721 = vector.shape_cast %swap3A_720 : vector<16xf32> to vector<16xf32>
        %swap3A_722 = vector.shape_cast %mul3A_718 : vector<16xf32> to vector<16xf32>
        tpu.vector_store %arg23[%swap3A_719], %swap3A_722 {strides = array<i32>} : memref<5760xf32, #tpu.memory_space<vmem>>, vector<16xf32>,
        %mul3A_723 = arith.constant 192 : i32
        %mul3A_724 = arith.muli %scan3A_647, %mul3A_723 : i32
        %add3A_725 = arith.constant 80 : i32
        %add3A_726 = arith.addi %mul3A_724, %add3A_725 : i32
        %get3A_727 = arith.index_cast %add3A_726 : i32 to index
        %get3A_728 = tpu.vector_load %arg23[%get3A_727] {strides = array<i32>} : memref<5760xf32, #tpu.memory_space<vmem>>, vector<16xf32>,
        %get3A_729 = vector.shape_cast %get3A_728 : vector<16xf32> to vector<16xf32>
        %get3A_730 = arith.index_cast %add3A_726 : i32 to index
        %get3A_731 = tpu.vector_load %arg19[%get3A_730] {strides = array<i32>} : memref<5760xf32, #tpu.memory_space<vmem>>, vector<16xf32>,
        %get3A_732 = vector.shape_cast %get3A_731 : vector<16xf32> to vector<16xf32>
        %mul3A_733 = arith.mulf %get3A_729, %get3A_732 : vector<16xf32>
        %swap3A_734 = arith.index_cast %add3A_726 : i32 to index
        %swap3A_735 = tpu.vector_load %arg23[%swap3A_734] {strides = array<i32>} : memref<5760xf32, #tpu.memory_space<vmem>>, vector<16xf32>,
        %swap3A_736 = vector.shape_cast %swap3A_735 : vector<16xf32> to vector<16xf32>
        %swap3A_737 = vector.shape_cast %mul3A_733 : vector<16xf32> to vector<16xf32>
        tpu.vector_store %arg23[%swap3A_734], %swap3A_737 {strides = array<i32>} : memref<5760xf32, #tpu.memory_space<vmem>>, vector<16xf32>,
        %mul3A_738 = arith.constant 192 : i32
        %mul3A_739 = arith.muli %scan3A_647, %mul3A_738 : i32
        %add3A_740 = arith.constant 96 : i32
        %add3A_741 = arith.addi %mul3A_739, %add3A_740 : i32
        %get3A_742 = arith.index_cast %add3A_741 : i32 to index
        %get3A_743 = tpu.vector_load %arg23[%get3A_742] {strides = array<i32>} : memref<5760xf32, #tpu.memory_space<vmem>>, vector<16xf32>,
        %get3A_744 = vector.shape_cast %get3A_743 : vector<16xf32> to vector<16xf32>
        %get3A_745 = arith.index_cast %add3A_741 : i32 to index
        %get3A_746 = tpu.vector_load %arg19[%get3A_745] {strides = array<i32>} : memref<5760xf32, #tpu.memory_space<vmem>>, vector<16xf32>,
        %get3A_747 = vector.shape_cast %get3A_746 : vector<16xf32> to vector<16xf32>
        %mul3A_748 = arith.mulf %get3A_744, %get3A_747 : vector<16xf32>
        %swap3A_749 = arith.index_cast %add3A_741 : i32 to index
        %swap3A_750 = tpu.vector_load %arg23[%swap3A_749] {strides = array<i32>} : memref<5760xf32, #tpu.memory_space<vmem>>, vector<16xf32>,
        %swap3A_751 = vector.shape_cast %swap3A_750 : vector<16xf32> to vector<16xf32>
        %swap3A_752 = vector.shape_cast %mul3A_748 : vector<16xf32> to vector<16xf32>
        tpu.vector_store %arg23[%swap3A_749], %swap3A_752 {strides = array<i32>} : memref<5760xf32, #tpu.memory_space<vmem>>, vector<16xf32>,
        %mul3A_753 = arith.constant 192 : i32
        %mul3A_754 = arith.muli %scan3A_647, %mul3A_753 : i32
        %add3A_755 = arith.constant 112 : i32
        %add3A_756 = arith.addi %mul3A_754, %add3A_755 : i32
        %get3A_757 = arith.index_cast %add3A_756 : i32 to index
        %get3A_758 = tpu.vector_load %arg23[%get3A_757] {strides = array<i32>} : memref<5760xf32, #tpu.memory_space<vmem>>, vector<16xf32>,
        %get3A_759 = vector.shape_cast %get3A_758 : vector<16xf32> to vector<16xf32>
        %get3A_760 = arith.index_cast %add3A_756 : i32 to index
        %get3A_761 = tpu.vector_load %arg19[%get3A_760] {strides = array<i32>} : memref<5760xf32, #tpu.memory_space<vmem>>, vector<16xf32>,
        %get3A_762 = vector.shape_cast %get3A_761 : vector<16xf32> to vector<16xf32>
        %mul3A_763 = arith.mulf %get3A_759, %get3A_762 : vector<16xf32>
        %swap3A_764 = arith.index_cast %add3A_756 : i32 to index
        %swap3A_765 = tpu.vector_load %arg23[%swap3A_764] {strides = array<i32>} : memref<5760xf32, #tpu.memory_space<vmem>>, vector<16xf32>,
        %swap3A_766 = vector.shape_cast %swap3A_765 : vector<16xf32> to vector<16xf32>
        %swap3A_767 = vector.shape_cast %mul3A_763 : vector<16xf32> to vector<16xf32>
        tpu.vector_store %arg23[%swap3A_764], %swap3A_767 {strides = array<i32>} : memref<5760xf32, #tpu.memory_space<vmem>>, vector<16xf32>,
        %mul3A_768 = arith.constant 192 : i32
        %mul3A_769 = arith.muli %scan3A_647, %mul3A_768 : i32
        %add3A_770 = arith.constant 128 : i32
        %add3A_771 = arith.addi %mul3A_769, %add3A_770 : i32
        %get3A_772 = arith.index_cast %add3A_771 : i32 to index
        %get3A_773 = tpu.vector_load %arg23[%get3A_772] {strides = array<i32>} : memref<5760xf32, #tpu.memory_space<vmem>>, vector<16xf32>,
        %get3A_774 = vector.shape_cast %get3A_773 : vector<16xf32> to vector<16xf32>
        %get3A_775 = arith.index_cast %add3A_771 : i32 to index
        %get3A_776 = tpu.vector_load %arg19[%get3A_775] {strides = array<i32>} : memref<5760xf32, #tpu.memory_space<vmem>>, vector<16xf32>,
        %get3A_777 = vector.shape_cast %get3A_776 : vector<16xf32> to vector<16xf32>
        %mul3A_778 = arith.mulf %get3A_774, %get3A_777 : vector<16xf32>
        %swap3A_779 = arith.index_cast %add3A_771 : i32 to index
        %swap3A_780 = tpu.vector_load %arg23[%swap3A_779] {strides = array<i32>} : memref<5760xf32, #tpu.memory_space<vmem>>, vector<16xf32>,
        %swap3A_781 = vector.shape_cast %swap3A_780 : vector<16xf32> to vector<16xf32>
        %swap3A_782 = vector.shape_cast %mul3A_778 : vector<16xf32> to vector<16xf32>
        tpu.vector_store %arg23[%swap3A_779], %swap3A_782 {strides = array<i32>} : memref<5760xf32, #tpu.memory_space<vmem>>, vector<16xf32>,
        %mul3A_783 = arith.constant 192 : i32
        %mul3A_784 = arith.muli %scan3A_647, %mul3A_783 : i32
        %add3A_785 = arith.constant 144 : i32
        %add3A_786 = arith.addi %mul3A_784, %add3A_785 : i32
        %get3A_787 = arith.index_cast %add3A_786 : i32 to index
        %get3A_788 = tpu.vector_load %arg23[%get3A_787] {strides = array<i32>} : memref<5760xf32, #tpu.memory_space<vmem>>, vector<16xf32>,
        %get3A_789 = vector.shape_cast %get3A_788 : vector<16xf32> to vector<16xf32>
        %get3A_790 = arith.index_cast %add3A_786 : i32 to index
        %get3A_791 = tpu.vector_load %arg19[%get3A_790] {strides = array<i32>} : memref<5760xf32, #tpu.memory_space<vmem>>, vector<16xf32>,
        %get3A_792 = vector.shape_cast %get3A_791 : vector<16xf32> to vector<16xf32>
        %mul3A_793 = arith.mulf %get3A_789, %get3A_792 : vector<16xf32>
        %swap3A_794 = arith.index_cast %add3A_786 : i32 to index
        %swap3A_795 = tpu.vector_load %arg23[%swap3A_794] {strides = array<i32>} : memref<5760xf32, #tpu.memory_space<vmem>>, vector<16xf32>,
        %swap3A_796 = vector.shape_cast %swap3A_795 : vector<16xf32> to vector<16xf32>
        %swap3A_797 = vector.shape_cast %mul3A_793 : vector<16xf32> to vector<16xf32>
        tpu.vector_store %arg23[%swap3A_794], %swap3A_797 {strides = array<i32>} : memref<5760xf32, #tpu.memory_space<vmem>>, vector<16xf32>,
        %mul3A_798 = arith.constant 192 : i32
        %mul3A_799 = arith.muli %scan3A_647, %mul3A_798 : i32
        %add3A_800 = arith.constant 160 : i32
        %add3A_801 = arith.addi %mul3A_799, %add3A_800 : i32
        %get3A_802 = arith.index_cast %add3A_801 : i32 to index
        %get3A_803 = tpu.vector_load %arg23[%get3A_802] {strides = array<i32>} : memref<5760xf32, #tpu.memory_space<vmem>>, vector<16xf32>,
        %get3A_804 = vector.shape_cast %get3A_803 : vector<16xf32> to vector<16xf32>
        %get3A_805 = arith.index_cast %add3A_801 : i32 to index
        %get3A_806 = tpu.vector_load %arg19[%get3A_805] {strides = array<i32>} : memref<5760xf32, #tpu.memory_space<vmem>>, vector<16xf32>,
        %get3A_807 = vector.shape_cast %get3A_806 : vector<16xf32> to vector<16xf32>
        %mul3A_808 = arith.mulf %get3A_804, %get3A_807 : vector<16xf32>
        %swap3A_809 = arith.index_cast %add3A_801 : i32 to index
        %swap3A_810 = tpu.vector_load %arg23[%swap3A_809] {strides = array<i32>} : memref<5760xf32, #tpu.memory_space<vmem>>, vector<16xf32>,
        %swap3A_811 = vector.shape_cast %swap3A_810 : vector<16xf32> to vector<16xf32>
        %swap3A_812 = vector.shape_cast %mul3A_808 : vector<16xf32> to vector<16xf32>
        tpu.vector_store %arg23[%swap3A_809], %swap3A_812 {strides = array<i32>} : memref<5760xf32, #tpu.memory_space<vmem>>, vector<16xf32>,
        %mul3A_813 = arith.constant 192 : i32
        %mul3A_814 = arith.muli %scan3A_647, %mul3A_813 : i32
        %add3A_815 = arith.constant 176 : i32
        %add3A_816 = arith.addi %mul3A_814, %add3A_815 : i32
        %get3A_817 = arith.index_cast %add3A_816 : i32 to index
        %get3A_818 = tpu.vector_load %arg23[%get3A_817] {strides = array<i32>} : memref<5760xf32, #tpu.memory_space<vmem>>, vector<16xf32>,
        %get3A_819 = vector.shape_cast %get3A_818 : vector<16xf32> to vector<16xf32>
        %get3A_820 = arith.index_cast %add3A_816 : i32 to index
        %get3A_821 = tpu.vector_load %arg19[%get3A_820] {strides = array<i32>} : memref<5760xf32, #tpu.memory_space<vmem>>, vector<16xf32>,
        %get3A_822 = vector.shape_cast %get3A_821 : vector<16xf32> to vector<16xf32>
        %mul3A_823 = arith.mulf %get3A_819, %get3A_822 : vector<16xf32>
        %swap3A_824 = arith.index_cast %add3A_816 : i32 to index
        %swap3A_825 = tpu.vector_load %arg23[%swap3A_824] {strides = array<i32>} : memref<5760xf32, #tpu.memory_space<vmem>>, vector<16xf32>,
        %swap3A_826 = vector.shape_cast %swap3A_825 : vector<16xf32> to vector<16xf32>
        %swap3A_827 = vector.shape_cast %mul3A_823 : vector<16xf32> to vector<16xf32>
        tpu.vector_store %arg23[%swap3A_824], %swap3A_827 {strides = array<i32>} : memref<5760xf32, #tpu.memory_space<vmem>>, vector<16xf32>,
        %scan3A_828 = arith.constant 0 : i32
        scf.yield %scan3A_828 : i32
      }
      %scan3A_556 = arith.constant 15 : i32
      %dma_start3A_557 = arith.constant 0 : i32
      %dma_start3A_558 = tpu.memref_slice %arg8[%dma_start3A_557] : memref<262144xf32, #tpu.memory_space<vmem_shared>> -> memref<262144xf32, #tpu.memory_space<vmem_shared>>
      tpu.enqueue_indirect_dma source(%arg23 : memref<5760xf32, #tpu.memory_space<vmem>>) target(%dma_start3A_558 : memref<262144xf32, #tpu.memory_space<vmem_shared>>) offsets(%arg11 : memref<5760xi32, #tpu.memory_space<vmem>>) semaphore(%arg40 : memref<!tpu.dma_semaphore, #tpu.memory_space<semaphore_mem>>) {add = true}
      %mul3A_559 = arith.constant 4 : i32
      %mul3A_560 = arith.muli %scan3A_297, %mul3A_559 : i32
      %add3A_561 = arith.constant 3 : i32
      %add3A_562 = arith.addi %mul3A_560, %add3A_561 : i32
      %ge3A_563 = arith.constant 2 : i32
      %ge3A_564 = arith.cmpi sge, %add3A_562, %ge3A_563 : i32
      %convert_element_type3A_565 = arith.extui %ge3A_564 : i1 to i32
      %cond3A_566 = arith.constant 0 : i32
      %cond3A_567 = arith.cmpi ne, %convert_element_type3A_565, %cond3A_566 : i32
      scf.if %cond3A_567 {
        %dma_wait3A_647 = arith.constant 0 : i32
        %dma_wait3A_648 = tpu.memref_slice %arg8[%dma_wait3A_647] : memref<262144xf32, #tpu.memory_space<vmem_shared>> -> memref<262144xf32, #tpu.memory_space<vmem_shared>>
        tpu.wait_indirect_dma semaphore(%arg39 : memref<!tpu.dma_semaphore, #tpu.memory_space<semaphore_mem>>) src(%arg22 : memref<5760xf32, #tpu.memory_space<vmem>>) dst(%dma_wait3A_648 : memref<262144xf32, #tpu.memory_space<vmem_shared>>)
      } else {
      }
      %add3A_568 = arith.constant 2 : i32
      %add3A_569 = arith.addi %add3A_562, %add3A_568 : i32
      %mul3A_570 = arith.constant 32 : i32
      %mul3A_571 = arith.muli %add3A_569, %mul3A_570 : i32
      %add3A_572 = arith.addi %mul3A_571, %add3A : i32
      %lt3A_573 = arith.constant 319 : i32
      %lt3A_574 = arith.cmpi slt, %add3A_572, %lt3A_573 : i32
      %convert_element_type3A_575 = arith.extui %lt3A_574 : i1 to i32
      %cond3A_576 = arith.constant 0 : i32
      %cond3A_577 = arith.cmpi ne, %convert_element_type3A_575, %cond3A_576 : i32
      scf.if %cond3A_577 {
        %mul3A_647 = arith.constant 5728 : i32
        %mul3A_648 = arith.muli %add3A_572, %mul3A_647 : i32
        %dma_start3A_649 = arith.constant 0 : i32
        %dma_start3A_650 = tpu.memref_slice %arg10[%dma_start3A_649] : memref<5760xi32, #tpu.memory_space<vmem>> -> memref<5728xi32, #tpu.memory_space<vmem>>
        %dma_start3A_651 = tpu.memref_slice %arg3[%mul3A_648] : memref<1827847xi32, #tpu.memory_space<hbm>> -> memref<5728xi32, #tpu.memory_space<hbm>>
        %dma_start3A_652 = arith.constant 0 : i32
        %dma_start3A_653 = tpu.memref_slice %arg10[%dma_start3A_652] : memref<5760xi32, #tpu.memory_space<vmem>> -> memref<5728xi32, #tpu.memory_space<vmem>>
        %dma_start3A_654 = tpu.memref_slice %arg3[%mul3A_648] : memref<1827847xi32, #tpu.memory_space<hbm>> -> memref<5728xi32, #tpu.memory_space<hbm>>
        tpu.enqueue_dma source(%dma_start3A_654 : memref<5728xi32, #tpu.memory_space<hbm>>) target(%dma_start3A_653 : memref<5728xi32, #tpu.memory_space<vmem>>) target_semaphore(%arg27 : memref<!tpu.dma_semaphore, #tpu.memory_space<semaphore_mem>>)
        %dma_start3A_655 = arith.constant 0 : i32
        %dma_start3A_656 = tpu.memref_slice %arg14[%dma_start3A_655] : memref<5760xi32, #tpu.memory_space<vmem>> -> memref<5728xi32, #tpu.memory_space<vmem>>
        %dma_start3A_657 = tpu.memref_slice %arg4[%mul3A_648] : memref<1827847xi32, #tpu.memory_space<hbm>> -> memref<5728xi32, #tpu.memory_space<hbm>>
        %dma_start3A_658 = arith.constant 0 : i32
        %dma_start3A_659 = tpu.memref_slice %arg14[%dma_start3A_658] : memref<5760xi32, #tpu.memory_space<vmem>> -> memref<5728xi32, #tpu.memory_space<vmem>>
        %dma_start3A_660 = tpu.memref_slice %arg4[%mul3A_648] : memref<1827847xi32, #tpu.memory_space<hbm>> -> memref<5728xi32, #tpu.memory_space<hbm>>
        tpu.enqueue_dma source(%dma_start3A_660 : memref<5728xi32, #tpu.memory_space<hbm>>) target(%dma_start3A_659 : memref<5728xi32, #tpu.memory_space<vmem>>) target_semaphore(%arg27 : memref<!tpu.dma_semaphore, #tpu.memory_space<semaphore_mem>>)
        %dma_start3A_661 = arith.constant 0 : i32
        %dma_start3A_662 = tpu.memref_slice %arg18[%dma_start3A_661] : memref<5760xf32, #tpu.memory_space<vmem>> -> memref<5728xf32, #tpu.memory_space<vmem>>
        %dma_start3A_663 = tpu.memref_slice %arg5[%mul3A_648] : memref<1827847xf32, #tpu.memory_space<hbm>> -> memref<5728xf32, #tpu.memory_space<hbm>>
        %dma_start3A_664 = arith.constant 0 : i32
        %dma_start3A_665 = tpu.memref_slice %arg18[%dma_start3A_664] : memref<5760xf32, #tpu.memory_space<vmem>> -> memref<5728xf32, #tpu.memory_space<vmem>>
        %dma_start3A_666 = tpu.memref_slice %arg5[%mul3A_648] : memref<1827847xf32, #tpu.memory_space<hbm>> -> memref<5728xf32, #tpu.memory_space<hbm>>
        tpu.enqueue_dma source(%dma_start3A_666 : memref<5728xf32, #tpu.memory_space<hbm>>) target(%dma_start3A_665 : memref<5728xf32, #tpu.memory_space<vmem>>) target_semaphore(%arg27 : memref<!tpu.dma_semaphore, #tpu.memory_space<semaphore_mem>>)
      } else {
      }
      %eq3A_578 = arith.constant 319 : i32
      %eq3A_579 = arith.cmpi eq, %add3A_572, %eq3A_578 : i32
      %convert_element_type3A_580 = arith.extui %eq3A_579 : i1 to i32
      %cond3A_581 = arith.constant 0 : i32
      %cond3A_582 = arith.cmpi ne, %convert_element_type3A_580, %cond3A_581 : i32
      scf.if %cond3A_582 {
        %dma_start3A_647 = arith.constant 0 : i32
        %dma_start3A_648 = tpu.memref_slice %arg10[%dma_start3A_647] : memref<5760xi32, #tpu.memory_space<vmem>> -> memref<615xi32, #tpu.memory_space<vmem>>
        %dma_start3A_649 = arith.constant 1827232 : i32
        %dma_start3A_650 = tpu.memref_slice %arg3[%dma_start3A_649] : memref<1827847xi32, #tpu.memory_space<hbm>> -> memref<615xi32, #tpu.memory_space<hbm>>
        %dma_start3A_651 = arith.constant 0 : i32
        %dma_start3A_652 = tpu.memref_slice %arg10[%dma_start3A_651] : memref<5760xi32, #tpu.memory_space<vmem>> -> memref<615xi32, #tpu.memory_space<vmem>>
        %dma_start3A_653 = arith.constant 1827232 : i32
        %dma_start3A_654 = tpu.memref_slice %arg3[%dma_start3A_653] : memref<1827847xi32, #tpu.memory_space<hbm>> -> memref<615xi32, #tpu.memory_space<hbm>>
        tpu.enqueue_dma source(%dma_start3A_654 : memref<615xi32, #tpu.memory_space<hbm>>) target(%dma_start3A_652 : memref<615xi32, #tpu.memory_space<vmem>>) target_semaphore(%arg27 : memref<!tpu.dma_semaphore, #tpu.memory_space<semaphore_mem>>)
        %dma_start3A_655 = arith.constant 0 : i32
        %dma_start3A_656 = tpu.memref_slice %arg14[%dma_start3A_655] : memref<5760xi32, #tpu.memory_space<vmem>> -> memref<615xi32, #tpu.memory_space<vmem>>
        %dma_start3A_657 = arith.constant 1827232 : i32
        %dma_start3A_658 = tpu.memref_slice %arg4[%dma_start3A_657] : memref<1827847xi32, #tpu.memory_space<hbm>> -> memref<615xi32, #tpu.memory_space<hbm>>
        %dma_start3A_659 = arith.constant 0 : i32
        %dma_start3A_660 = tpu.memref_slice %arg14[%dma_start3A_659] : memref<5760xi32, #tpu.memory_space<vmem>> -> memref<615xi32, #tpu.memory_space<vmem>>
        %dma_start3A_661 = arith.constant 1827232 : i32
        %dma_start3A_662 = tpu.memref_slice %arg4[%dma_start3A_661] : memref<1827847xi32, #tpu.memory_space<hbm>> -> memref<615xi32, #tpu.memory_space<hbm>>
        tpu.enqueue_dma source(%dma_start3A_662 : memref<615xi32, #tpu.memory_space<hbm>>) target(%dma_start3A_660 : memref<615xi32, #tpu.memory_space<vmem>>) target_semaphore(%arg27 : memref<!tpu.dma_semaphore, #tpu.memory_space<semaphore_mem>>)
        %dma_start3A_663 = arith.constant 0 : i32
        %dma_start3A_664 = tpu.memref_slice %arg18[%dma_start3A_663] : memref<5760xf32, #tpu.memory_space<vmem>> -> memref<615xf32, #tpu.memory_space<vmem>>
        %dma_start3A_665 = arith.constant 1827232 : i32
        %dma_start3A_666 = tpu.memref_slice %arg5[%dma_start3A_665] : memref<1827847xf32, #tpu.memory_space<hbm>> -> memref<615xf32, #tpu.memory_space<hbm>>
        %dma_start3A_667 = arith.constant 0 : i32
        %dma_start3A_668 = tpu.memref_slice %arg18[%dma_start3A_667] : memref<5760xf32, #tpu.memory_space<vmem>> -> memref<615xf32, #tpu.memory_space<vmem>>
        %dma_start3A_669 = arith.constant 1827232 : i32
        %dma_start3A_670 = tpu.memref_slice %arg5[%dma_start3A_669] : memref<1827847xf32, #tpu.memory_space<hbm>> -> memref<615xf32, #tpu.memory_space<hbm>>
        tpu.enqueue_dma source(%dma_start3A_670 : memref<615xf32, #tpu.memory_space<hbm>>) target(%dma_start3A_668 : memref<615xf32, #tpu.memory_space<vmem>>) target_semaphore(%arg27 : memref<!tpu.dma_semaphore, #tpu.memory_space<semaphore_mem>>)
      } else {
      }
      %add3A_583 = arith.constant 1 : i32
      %add3A_584 = arith.addi %add3A_562, %add3A_583 : i32
      %mul3A_585 = arith.constant 32 : i32
      %mul3A_586 = arith.muli %add3A_584, %mul3A_585 : i32
      %add3A_587 = arith.addi %mul3A_586, %add3A : i32
      %lt3A_588 = arith.constant 319 : i32
      %lt3A_589 = arith.cmpi slt, %add3A_587, %lt3A_588 : i32
      %convert_element_type3A_590 = arith.extui %lt3A_589 : i1 to i32
      %cond3A_591 = arith.constant 0 : i32
      %cond3A_592 = arith.cmpi ne, %convert_element_type3A_590, %cond3A_591 : i32
      scf.if %cond3A_592 {
        %dma_wait3A_647 = arith.constant 0 : i32
        %dma_wait3A_648 = tpu.memref_slice %arg9[%dma_wait3A_647] : memref<5760xi32, #tpu.memory_space<vmem>> -> memref<5728xi32, #tpu.memory_space<vmem>>
        %dma_wait3A_649 = arith.constant 0 : i32
        %dma_wait3A_650 = tpu.memref_slice %arg3[%dma_wait3A_649] : memref<1827847xi32, #tpu.memory_space<hbm>> -> memref<5728xi32, #tpu.memory_space<hbm>>
        %dma_wait3A_651 = arith.constant 0 : i32
        %dma_wait3A_652 = tpu.memref_slice %arg9[%dma_wait3A_651] : memref<5760xi32, #tpu.memory_space<vmem>> -> memref<5728xi32, #tpu.memory_space<vmem>>
        %dma_wait3A_653 = arith.constant 0 : i32
        %dma_wait3A_654 = tpu.memref_slice %arg3[%dma_wait3A_653] : memref<1827847xi32, #tpu.memory_space<hbm>> -> memref<5728xi32, #tpu.memory_space<hbm>>
        tpu.wait_dma2 semaphore(%arg26 : memref<!tpu.dma_semaphore, #tpu.memory_space<semaphore_mem>>) src(%dma_wait3A_654 : memref<5728xi32, #tpu.memory_space<hbm>>) dst(%dma_wait3A_652 : memref<5728xi32, #tpu.memory_space<vmem>>)
        %dma_wait3A_655 = arith.constant 0 : i32
        %dma_wait3A_656 = tpu.memref_slice %arg13[%dma_wait3A_655] : memref<5760xi32, #tpu.memory_space<vmem>> -> memref<5728xi32, #tpu.memory_space<vmem>>
        %dma_wait3A_657 = arith.constant 0 : i32
        %dma_wait3A_658 = tpu.memref_slice %arg4[%dma_wait3A_657] : memref<1827847xi32, #tpu.memory_space<hbm>> -> memref<5728xi32, #tpu.memory_space<hbm>>
        %dma_wait3A_659 = arith.constant 0 : i32
        %dma_wait3A_660 = tpu.memref_slice %arg13[%dma_wait3A_659] : memref<5760xi32, #tpu.memory_space<vmem>> -> memref<5728xi32, #tpu.memory_space<vmem>>
        %dma_wait3A_661 = arith.constant 0 : i32
        %dma_wait3A_662 = tpu.memref_slice %arg4[%dma_wait3A_661] : memref<1827847xi32, #tpu.memory_space<hbm>> -> memref<5728xi32, #tpu.memory_space<hbm>>
        tpu.wait_dma2 semaphore(%arg26 : memref<!tpu.dma_semaphore, #tpu.memory_space<semaphore_mem>>) src(%dma_wait3A_662 : memref<5728xi32, #tpu.memory_space<hbm>>) dst(%dma_wait3A_660 : memref<5728xi32, #tpu.memory_space<vmem>>)
        %dma_wait3A_663 = arith.constant 0 : i32
        %dma_wait3A_664 = tpu.memref_slice %arg17[%dma_wait3A_663] : memref<5760xf32, #tpu.memory_space<vmem>> -> memref<5728xf32, #tpu.memory_space<vmem>>
        %dma_wait3A_665 = arith.constant 0 : i32
        %dma_wait3A_666 = tpu.memref_slice %arg5[%dma_wait3A_665] : memref<1827847xf32, #tpu.memory_space<hbm>> -> memref<5728xf32, #tpu.memory_space<hbm>>
        %dma_wait3A_667 = arith.constant 0 : i32
        %dma_wait3A_668 = tpu.memref_slice %arg17[%dma_wait3A_667] : memref<5760xf32, #tpu.memory_space<vmem>> -> memref<5728xf32, #tpu.memory_space<vmem>>
        %dma_wait3A_669 = arith.constant 0 : i32
        %dma_wait3A_670 = tpu.memref_slice %arg5[%dma_wait3A_669] : memref<1827847xf32, #tpu.memory_space<hbm>> -> memref<5728xf32, #tpu.memory_space<hbm>>
        tpu.wait_dma2 semaphore(%arg26 : memref<!tpu.dma_semaphore, #tpu.memory_space<semaphore_mem>>) src(%dma_wait3A_670 : memref<5728xf32, #tpu.memory_space<hbm>>) dst(%dma_wait3A_668 : memref<5728xf32, #tpu.memory_space<vmem>>)
      } else {
      }
      %eq3A_593 = arith.constant 319 : i32
      %eq3A_594 = arith.cmpi eq, %add3A_587, %eq3A_593 : i32
      %convert_element_type3A_595 = arith.extui %eq3A_594 : i1 to i32
      %cond3A_596 = arith.constant 0 : i32
      %cond3A_597 = arith.cmpi ne, %convert_element_type3A_595, %cond3A_596 : i32
      scf.if %cond3A_597 {
        %dma_wait3A_647 = arith.constant 0 : i32
        %dma_wait3A_648 = tpu.memref_slice %arg9[%dma_wait3A_647] : memref<5760xi32, #tpu.memory_space<vmem>> -> memref<615xi32, #tpu.memory_space<vmem>>
        %dma_wait3A_649 = arith.constant 0 : i32
        %dma_wait3A_650 = tpu.memref_slice %arg3[%dma_wait3A_649] : memref<1827847xi32, #tpu.memory_space<hbm>> -> memref<615xi32, #tpu.memory_space<hbm>>
        %dma_wait3A_651 = arith.constant 0 : i32
        %dma_wait3A_652 = tpu.memref_slice %arg9[%dma_wait3A_651] : memref<5760xi32, #tpu.memory_space<vmem>> -> memref<615xi32, #tpu.memory_space<vmem>>
        %dma_wait3A_653 = arith.constant 0 : i32
        %dma_wait3A_654 = tpu.memref_slice %arg3[%dma_wait3A_653] : memref<1827847xi32, #tpu.memory_space<hbm>> -> memref<615xi32, #tpu.memory_space<hbm>>
        tpu.wait_dma2 semaphore(%arg26 : memref<!tpu.dma_semaphore, #tpu.memory_space<semaphore_mem>>) src(%dma_wait3A_654 : memref<615xi32, #tpu.memory_space<hbm>>) dst(%dma_wait3A_652 : memref<615xi32, #tpu.memory_space<vmem>>)
        %dma_wait3A_655 = arith.constant 0 : i32
        %dma_wait3A_656 = tpu.memref_slice %arg13[%dma_wait3A_655] : memref<5760xi32, #tpu.memory_space<vmem>> -> memref<615xi32, #tpu.memory_space<vmem>>
        %dma_wait3A_657 = arith.constant 0 : i32
        %dma_wait3A_658 = tpu.memref_slice %arg4[%dma_wait3A_657] : memref<1827847xi32, #tpu.memory_space<hbm>> -> memref<615xi32, #tpu.memory_space<hbm>>
        %dma_wait3A_659 = arith.constant 0 : i32
        %dma_wait3A_660 = tpu.memref_slice %arg13[%dma_wait3A_659] : memref<5760xi32, #tpu.memory_space<vmem>> -> memref<615xi32, #tpu.memory_space<vmem>>
        %dma_wait3A_661 = arith.constant 0 : i32
        %dma_wait3A_662 = tpu.memref_slice %arg4[%dma_wait3A_661] : memref<1827847xi32, #tpu.memory_space<hbm>> -> memref<615xi32, #tpu.memory_space<hbm>>
        tpu.wait_dma2 semaphore(%arg26 : memref<!tpu.dma_semaphore, #tpu.memory_space<semaphore_mem>>) src(%dma_wait3A_662 : memref<615xi32, #tpu.memory_space<hbm>>) dst(%dma_wait3A_660 : memref<615xi32, #tpu.memory_space<vmem>>)
        %dma_wait3A_663 = arith.constant 0 : i32
        %dma_wait3A_664 = tpu.memref_slice %arg17[%dma_wait3A_663] : memref<5760xf32, #tpu.memory_space<vmem>> -> memref<615xf32, #tpu.memory_space<vmem>>
        %dma_wait3A_665 = arith.constant 0 : i32
        %dma_wait3A_666 = tpu.memref_slice %arg5[%dma_wait3A_665] : memref<1827847xf32, #tpu.memory_space<hbm>> -> memref<615xf32, #tpu.memory_space<hbm>>
        %dma_wait3A_667 = arith.constant 0 : i32
        %dma_wait3A_668 = tpu.memref_slice %arg17[%dma_wait3A_667] : memref<5760xf32, #tpu.memory_space<vmem>> -> memref<615xf32, #tpu.memory_space<vmem>>
        %dma_wait3A_669 = arith.constant 0 : i32
        %dma_wait3A_670 = tpu.memref_slice %arg5[%dma_wait3A_669] : memref<1827847xf32, #tpu.memory_space<hbm>> -> memref<615xf32, #tpu.memory_space<hbm>>
        tpu.wait_dma2 semaphore(%arg26 : memref<!tpu.dma_semaphore, #tpu.memory_space<semaphore_mem>>) src(%dma_wait3A_670 : memref<615xf32, #tpu.memory_space<hbm>>) dst(%dma_wait3A_668 : memref<615xf32, #tpu.memory_space<vmem>>)
      } else {
      }
      %dma_start3A_598 = arith.constant 0 : i32
      %dma_start3A_599 = tpu.memref_slice %arg21[%dma_start3A_598] : memref<5760xf32, #tpu.memory_space<vmem>> -> memref<2880xf32, #tpu.memory_space<vmem>>
      %dma_start3A_600 = arith.constant 0 : i32
      %dma_start3A_601 = tpu.memref_slice %arg13[%dma_start3A_600] : memref<5760xi32, #tpu.memory_space<vmem>> -> memref<2880xi32, #tpu.memory_space<vmem>>
      %dma_start3A_602 = arith.constant 0 : i32
      %dma_start3A_603 = tpu.memref_slice %arg7[%dma_start3A_602] : memref<262144xf32, #tpu.memory_space<vmem_shared>> -> memref<262144xf32, #tpu.memory_space<vmem_shared>>
      tpu.enqueue_indirect_dma source(%dma_start3A_603 : memref<262144xf32, #tpu.memory_space<vmem_shared>>) target(%dma_start3A_599 : memref<2880xf32, #tpu.memory_space<vmem>>) offsets(%dma_start3A_601 : memref<2880xi32, #tpu.memory_space<vmem>>) semaphore(%arg30 : memref<!tpu.dma_semaphore, #tpu.memory_space<semaphore_mem>>)
      %dma_start3A_604 = arith.constant 2880 : i32
      %dma_start3A_605 = tpu.memref_slice %arg21[%dma_start3A_604] : memref<5760xf32, #tpu.memory_space<vmem>> -> memref<2880xf32, #tpu.memory_space<vmem>>
      %dma_start3A_606 = arith.constant 2880 : i32
      %dma_start3A_607 = tpu.memref_slice %arg13[%dma_start3A_606] : memref<5760xi32, #tpu.memory_space<vmem>> -> memref<2880xi32, #tpu.memory_space<vmem>>
      %dma_start3A_608 = arith.constant 0 : i32
      %dma_start3A_609 = tpu.memref_slice %arg7[%dma_start3A_608] : memref<262144xf32, #tpu.memory_space<vmem_shared>> -> memref<262144xf32, #tpu.memory_space<vmem_shared>>
      tpu.enqueue_indirect_dma source(%dma_start3A_609 : memref<262144xf32, #tpu.memory_space<vmem_shared>>) target(%dma_start3A_605 : memref<2880xf32, #tpu.memory_space<vmem>>) offsets(%dma_start3A_607 : memref<2880xi32, #tpu.memory_space<vmem>>) semaphore(%arg34 : memref<!tpu.dma_semaphore, #tpu.memory_space<semaphore_mem>>)
      %mul3A_610 = arith.constant 32 : i32
      %mul3A_611 = arith.muli %add3A_562, %mul3A_610 : i32
      %add3A_612 = arith.addi %mul3A_611, %add3A : i32
      %eq3A_613 = arith.constant 319 : i32
      %eq3A_614 = arith.cmpi eq, %add3A_612, %eq3A_613 : i32
      %convert_element_type3A_615 = arith.extui %eq3A_614 : i1 to i32
      %cond3A_616 = arith.constant 0 : i32
      %cond3A_617 = arith.cmpi ne, %convert_element_type3A_615, %cond3A_616 : i32
      scf.if %cond3A_617 {
        %iota3A = tpu.iota {dimensions = array<i32: 0>} : vector<16xi32>
        %lt3A_647 = arith.constant 7 : i32
        %lt3A_648 = vector.broadcast %lt3A_647 : i32 to vector<16xi32>
        %lt3A_649 = arith.cmpi slt, %iota3A, %lt3A_648 : vector<16xi32>
        %get3A = arith.constant 608 : index
        %get3A_650 = tpu.vector_load %arg20[%get3A] {strides = array<i32>} : memref<5760xf32, #tpu.memory_space<vmem>>, vector<16xf32>,
        %get3A_651 = vector.shape_cast %get3A_650 : vector<16xf32> to vector<16xf32>
        %jit3A = arith.constant 0.000000e+00 : f32
        %broadcast_in_dim3A_652 = vector.broadcast %jit3A : f32 to vector<16xf32>
        %select_n3A = arith.select %lt3A_649, %get3A_651, %broadcast_in_dim3A_652 : vector<16xi1>, vector<16xf32>
        %swap3A_653 = arith.constant 608 : index
        %swap3A_654 = tpu.vector_load %arg20[%swap3A_653] {strides = array<i32>} : memref<5760xf32, #tpu.memory_space<vmem>>, vector<16xf32>,
        %swap3A_655 = vector.shape_cast %swap3A_654 : vector<16xf32> to vector<16xf32>
        %swap3A_656 = vector.shape_cast %select_n3A : vector<16xf32> to vector<16xf32>
        tpu.vector_store %arg20[%swap3A_653], %swap3A_656 {strides = array<i32>} : memref<5760xf32, #tpu.memory_space<vmem>>, vector<16xf32>,
        %scan3A_657 = arith.constant 0 : i32
        %scan3A_658 = arith.constant 39 : i32
        %scan3A_659 = arith.constant 319 : i32
        %scan3A_660 = arith.addi %scan3A_658, %scan3A_659 : i32
        %scan3A_661 = arith.constant 1 : i32
        %scan3A_662 = scf.for %scan3A_664 = %scan3A_658 to %scan3A_660 step %scan3A_661 iter_args(%scan3A_665 = %scan3A_657) -> (i32)  : i32 {
          %broadcast_in_dim3A_666 = arith.constant 0.000000e+00 : f32
          %broadcast_in_dim3A_667 = vector.broadcast %broadcast_in_dim3A_666 : f32 to vector<16xf32>
          %mul3A_668 = arith.constant 16 : i32
          %mul3A_669 = arith.muli %scan3A_664, %mul3A_668 : i32
          %swap3A_670 = arith.index_cast %mul3A_669 : i32 to index
          %swap3A_671 = tpu.vector_load %arg20[%swap3A_670] {strides = array<i32>} : memref<5760xf32, #tpu.memory_space<vmem>>, vector<16xf32>,
          %swap3A_672 = vector.shape_cast %swap3A_671 : vector<16xf32> to vector<16xf32>
          %swap3A_673 = vector.shape_cast %broadcast_in_dim3A_667 : vector<16xf32> to vector<16xf32>
          tpu.vector_store %arg20[%swap3A_670], %swap3A_673 {strides = array<i32>} : memref<5760xf32, #tpu.memory_space<vmem>>, vector<16xf32>,
          %scan3A_674 = arith.constant 0 : i32
          scf.yield %scan3A_674 : i32
        }
        %scan3A_663 = arith.constant 319 : i32
      } else {
      }
      %dma_wait3A_618 = arith.constant 0 : i32
      %dma_wait3A_619 = tpu.memref_slice %arg24[%dma_wait3A_618] : memref<5760xf32, #tpu.memory_space<vmem>> -> memref<2880xf32, #tpu.memory_space<vmem>>
      %dma_wait3A_620 = arith.constant 0 : i32
      %dma_wait3A_621 = tpu.memref_slice %arg16[%dma_wait3A_620] : memref<5760xi32, #tpu.memory_space<vmem>> -> memref<2880xi32, #tpu.memory_space<vmem>>
      %dma_wait3A_622 = arith.constant 0 : i32
      %dma_wait3A_623 = tpu.memref_slice %arg7[%dma_wait3A_622] : memref<262144xf32, #tpu.memory_space<vmem_shared>> -> memref<262144xf32, #tpu.memory_space<vmem_shared>>
      tpu.wait_indirect_dma semaphore(%arg33 : memref<!tpu.dma_semaphore, #tpu.memory_space<semaphore_mem>>) src(%dma_wait3A_623 : memref<262144xf32, #tpu.memory_space<vmem_shared>>) dst(%dma_wait3A_619 : memref<2880xf32, #tpu.memory_space<vmem>>)
      %scan3A_624 = arith.constant 0 : i32
      %scan3A_625 = arith.constant 0 : i32
      %scan3A_626 = arith.constant 15 : i32
      %scan3A_627 = arith.addi %scan3A_625, %scan3A_626 : i32
      %scan3A_628 = arith.constant 1 : i32
      %scan3A_629 = scf.for %scan3A_647 = %scan3A_625 to %scan3A_627 step %scan3A_628 iter_args(%scan3A_648 = %scan3A_624) -> (i32)  : i32 {
        %mul3A_649 = arith.constant 192 : i32
        %mul3A_650 = arith.muli %scan3A_647, %mul3A_649 : i32
        %add3A_651 = arith.constant 0 : i32
        %add3A_652 = arith.addi %mul3A_650, %add3A_651 : i32
        %get3A = arith.index_cast %add3A_652 : i32 to index
        %get3A_653 = tpu.vector_load %arg24[%get3A] {strides = array<i32>} : memref<5760xf32, #tpu.memory_space<vmem>>, vector<16xf32>,
        %get3A_654 = vector.shape_cast %get3A_653 : vector<16xf32> to vector<16xf32>
        %get3A_655 = arith.index_cast %add3A_652 : i32 to index
        %get3A_656 = tpu.vector_load %arg20[%get3A_655] {strides = array<i32>} : memref<5760xf32, #tpu.memory_space<vmem>>, vector<16xf32>,
        %get3A_657 = vector.shape_cast %get3A_656 : vector<16xf32> to vector<16xf32>
        %mul3A_658 = arith.mulf %get3A_654, %get3A_657 : vector<16xf32>
        %swap3A_659 = arith.index_cast %add3A_652 : i32 to index
        %swap3A_660 = tpu.vector_load %arg24[%swap3A_659] {strides = array<i32>} : memref<5760xf32, #tpu.memory_space<vmem>>, vector<16xf32>,
        %swap3A_661 = vector.shape_cast %swap3A_660 : vector<16xf32> to vector<16xf32>
        %swap3A_662 = vector.shape_cast %mul3A_658 : vector<16xf32> to vector<16xf32>
        tpu.vector_store %arg24[%swap3A_659], %swap3A_662 {strides = array<i32>} : memref<5760xf32, #tpu.memory_space<vmem>>, vector<16xf32>,
        %mul3A_663 = arith.constant 192 : i32
        %mul3A_664 = arith.muli %scan3A_647, %mul3A_663 : i32
        %add3A_665 = arith.constant 16 : i32
        %add3A_666 = arith.addi %mul3A_664, %add3A_665 : i32
        %get3A_667 = arith.index_cast %add3A_666 : i32 to index
        %get3A_668 = tpu.vector_load %arg24[%get3A_667] {strides = array<i32>} : memref<5760xf32, #tpu.memory_space<vmem>>, vector<16xf32>,
        %get3A_669 = vector.shape_cast %get3A_668 : vector<16xf32> to vector<16xf32>
        %get3A_670 = arith.index_cast %add3A_666 : i32 to index
        %get3A_671 = tpu.vector_load %arg20[%get3A_670] {strides = array<i32>} : memref<5760xf32, #tpu.memory_space<vmem>>, vector<16xf32>,
        %get3A_672 = vector.shape_cast %get3A_671 : vector<16xf32> to vector<16xf32>
        %mul3A_673 = arith.mulf %get3A_669, %get3A_672 : vector<16xf32>
        %swap3A_674 = arith.index_cast %add3A_666 : i32 to index
        %swap3A_675 = tpu.vector_load %arg24[%swap3A_674] {strides = array<i32>} : memref<5760xf32, #tpu.memory_space<vmem>>, vector<16xf32>,
        %swap3A_676 = vector.shape_cast %swap3A_675 : vector<16xf32> to vector<16xf32>
        %swap3A_677 = vector.shape_cast %mul3A_673 : vector<16xf32> to vector<16xf32>
        tpu.vector_store %arg24[%swap3A_674], %swap3A_677 {strides = array<i32>} : memref<5760xf32, #tpu.memory_space<vmem>>, vector<16xf32>,
        %mul3A_678 = arith.constant 192 : i32
        %mul3A_679 = arith.muli %scan3A_647, %mul3A_678 : i32
        %add3A_680 = arith.constant 32 : i32
        %add3A_681 = arith.addi %mul3A_679, %add3A_680 : i32
        %get3A_682 = arith.index_cast %add3A_681 : i32 to index
        %get3A_683 = tpu.vector_load %arg24[%get3A_682] {strides = array<i32>} : memref<5760xf32, #tpu.memory_space<vmem>>, vector<16xf32>,
        %get3A_684 = vector.shape_cast %get3A_683 : vector<16xf32> to vector<16xf32>
        %get3A_685 = arith.index_cast %add3A_681 : i32 to index
        %get3A_686 = tpu.vector_load %arg20[%get3A_685] {strides = array<i32>} : memref<5760xf32, #tpu.memory_space<vmem>>, vector<16xf32>,
        %get3A_687 = vector.shape_cast %get3A_686 : vector<16xf32> to vector<16xf32>
        %mul3A_688 = arith.mulf %get3A_684, %get3A_687 : vector<16xf32>
        %swap3A_689 = arith.index_cast %add3A_681 : i32 to index
        %swap3A_690 = tpu.vector_load %arg24[%swap3A_689] {strides = array<i32>} : memref<5760xf32, #tpu.memory_space<vmem>>, vector<16xf32>,
        %swap3A_691 = vector.shape_cast %swap3A_690 : vector<16xf32> to vector<16xf32>
        %swap3A_692 = vector.shape_cast %mul3A_688 : vector<16xf32> to vector<16xf32>
        tpu.vector_store %arg24[%swap3A_689], %swap3A_692 {strides = array<i32>} : memref<5760xf32, #tpu.memory_space<vmem>>, vector<16xf32>,
        %mul3A_693 = arith.constant 192 : i32
        %mul3A_694 = arith.muli %scan3A_647, %mul3A_693 : i32
        %add3A_695 = arith.constant 48 : i32
        %add3A_696 = arith.addi %mul3A_694, %add3A_695 : i32
        %get3A_697 = arith.index_cast %add3A_696 : i32 to index
        %get3A_698 = tpu.vector_load %arg24[%get3A_697] {strides = array<i32>} : memref<5760xf32, #tpu.memory_space<vmem>>, vector<16xf32>,
        %get3A_699 = vector.shape_cast %get3A_698 : vector<16xf32> to vector<16xf32>
        %get3A_700 = arith.index_cast %add3A_696 : i32 to index
        %get3A_701 = tpu.vector_load %arg20[%get3A_700] {strides = array<i32>} : memref<5760xf32, #tpu.memory_space<vmem>>, vector<16xf32>,
        %get3A_702 = vector.shape_cast %get3A_701 : vector<16xf32> to vector<16xf32>
        %mul3A_703 = arith.mulf %get3A_699, %get3A_702 : vector<16xf32>
        %swap3A_704 = arith.index_cast %add3A_696 : i32 to index
        %swap3A_705 = tpu.vector_load %arg24[%swap3A_704] {strides = array<i32>} : memref<5760xf32, #tpu.memory_space<vmem>>, vector<16xf32>,
        %swap3A_706 = vector.shape_cast %swap3A_705 : vector<16xf32> to vector<16xf32>
        %swap3A_707 = vector.shape_cast %mul3A_703 : vector<16xf32> to vector<16xf32>
        tpu.vector_store %arg24[%swap3A_704], %swap3A_707 {strides = array<i32>} : memref<5760xf32, #tpu.memory_space<vmem>>, vector<16xf32>,
        %mul3A_708 = arith.constant 192 : i32
        %mul3A_709 = arith.muli %scan3A_647, %mul3A_708 : i32
        %add3A_710 = arith.constant 64 : i32
        %add3A_711 = arith.addi %mul3A_709, %add3A_710 : i32
        %get3A_712 = arith.index_cast %add3A_711 : i32 to index
        %get3A_713 = tpu.vector_load %arg24[%get3A_712] {strides = array<i32>} : memref<5760xf32, #tpu.memory_space<vmem>>, vector<16xf32>,
        %get3A_714 = vector.shape_cast %get3A_713 : vector<16xf32> to vector<16xf32>
        %get3A_715 = arith.index_cast %add3A_711 : i32 to index
        %get3A_716 = tpu.vector_load %arg20[%get3A_715] {strides = array<i32>} : memref<5760xf32, #tpu.memory_space<vmem>>, vector<16xf32>,
        %get3A_717 = vector.shape_cast %get3A_716 : vector<16xf32> to vector<16xf32>
        %mul3A_718 = arith.mulf %get3A_714, %get3A_717 : vector<16xf32>
        %swap3A_719 = arith.index_cast %add3A_711 : i32 to index
        %swap3A_720 = tpu.vector_load %arg24[%swap3A_719] {strides = array<i32>} : memref<5760xf32, #tpu.memory_space<vmem>>, vector<16xf32>,
        %swap3A_721 = vector.shape_cast %swap3A_720 : vector<16xf32> to vector<16xf32>
        %swap3A_722 = vector.shape_cast %mul3A_718 : vector<16xf32> to vector<16xf32>
        tpu.vector_store %arg24[%swap3A_719], %swap3A_722 {strides = array<i32>} : memref<5760xf32, #tpu.memory_space<vmem>>, vector<16xf32>,
        %mul3A_723 = arith.constant 192 : i32
        %mul3A_724 = arith.muli %scan3A_647, %mul3A_723 : i32
        %add3A_725 = arith.constant 80 : i32
        %add3A_726 = arith.addi %mul3A_724, %add3A_725 : i32
        %get3A_727 = arith.index_cast %add3A_726 : i32 to index
        %get3A_728 = tpu.vector_load %arg24[%get3A_727] {strides = array<i32>} : memref<5760xf32, #tpu.memory_space<vmem>>, vector<16xf32>,
        %get3A_729 = vector.shape_cast %get3A_728 : vector<16xf32> to vector<16xf32>
        %get3A_730 = arith.index_cast %add3A_726 : i32 to index
        %get3A_731 = tpu.vector_load %arg20[%get3A_730] {strides = array<i32>} : memref<5760xf32, #tpu.memory_space<vmem>>, vector<16xf32>,
        %get3A_732 = vector.shape_cast %get3A_731 : vector<16xf32> to vector<16xf32>
        %mul3A_733 = arith.mulf %get3A_729, %get3A_732 : vector<16xf32>
        %swap3A_734 = arith.index_cast %add3A_726 : i32 to index
        %swap3A_735 = tpu.vector_load %arg24[%swap3A_734] {strides = array<i32>} : memref<5760xf32, #tpu.memory_space<vmem>>, vector<16xf32>,
        %swap3A_736 = vector.shape_cast %swap3A_735 : vector<16xf32> to vector<16xf32>
        %swap3A_737 = vector.shape_cast %mul3A_733 : vector<16xf32> to vector<16xf32>
        tpu.vector_store %arg24[%swap3A_734], %swap3A_737 {strides = array<i32>} : memref<5760xf32, #tpu.memory_space<vmem>>, vector<16xf32>,
        %mul3A_738 = arith.constant 192 : i32
        %mul3A_739 = arith.muli %scan3A_647, %mul3A_738 : i32
        %add3A_740 = arith.constant 96 : i32
        %add3A_741 = arith.addi %mul3A_739, %add3A_740 : i32
        %get3A_742 = arith.index_cast %add3A_741 : i32 to index
        %get3A_743 = tpu.vector_load %arg24[%get3A_742] {strides = array<i32>} : memref<5760xf32, #tpu.memory_space<vmem>>, vector<16xf32>,
        %get3A_744 = vector.shape_cast %get3A_743 : vector<16xf32> to vector<16xf32>
        %get3A_745 = arith.index_cast %add3A_741 : i32 to index
        %get3A_746 = tpu.vector_load %arg20[%get3A_745] {strides = array<i32>} : memref<5760xf32, #tpu.memory_space<vmem>>, vector<16xf32>,
        %get3A_747 = vector.shape_cast %get3A_746 : vector<16xf32> to vector<16xf32>
        %mul3A_748 = arith.mulf %get3A_744, %get3A_747 : vector<16xf32>
        %swap3A_749 = arith.index_cast %add3A_741 : i32 to index
        %swap3A_750 = tpu.vector_load %arg24[%swap3A_749] {strides = array<i32>} : memref<5760xf32, #tpu.memory_space<vmem>>, vector<16xf32>,
        %swap3A_751 = vector.shape_cast %swap3A_750 : vector<16xf32> to vector<16xf32>
        %swap3A_752 = vector.shape_cast %mul3A_748 : vector<16xf32> to vector<16xf32>
        tpu.vector_store %arg24[%swap3A_749], %swap3A_752 {strides = array<i32>} : memref<5760xf32, #tpu.memory_space<vmem>>, vector<16xf32>,
        %mul3A_753 = arith.constant 192 : i32
        %mul3A_754 = arith.muli %scan3A_647, %mul3A_753 : i32
        %add3A_755 = arith.constant 112 : i32
        %add3A_756 = arith.addi %mul3A_754, %add3A_755 : i32
        %get3A_757 = arith.index_cast %add3A_756 : i32 to index
        %get3A_758 = tpu.vector_load %arg24[%get3A_757] {strides = array<i32>} : memref<5760xf32, #tpu.memory_space<vmem>>, vector<16xf32>,
        %get3A_759 = vector.shape_cast %get3A_758 : vector<16xf32> to vector<16xf32>
        %get3A_760 = arith.index_cast %add3A_756 : i32 to index
        %get3A_761 = tpu.vector_load %arg20[%get3A_760] {strides = array<i32>} : memref<5760xf32, #tpu.memory_space<vmem>>, vector<16xf32>,
        %get3A_762 = vector.shape_cast %get3A_761 : vector<16xf32> to vector<16xf32>
        %mul3A_763 = arith.mulf %get3A_759, %get3A_762 : vector<16xf32>
        %swap3A_764 = arith.index_cast %add3A_756 : i32 to index
        %swap3A_765 = tpu.vector_load %arg24[%swap3A_764] {strides = array<i32>} : memref<5760xf32, #tpu.memory_space<vmem>>, vector<16xf32>,
        %swap3A_766 = vector.shape_cast %swap3A_765 : vector<16xf32> to vector<16xf32>
        %swap3A_767 = vector.shape_cast %mul3A_763 : vector<16xf32> to vector<16xf32>
        tpu.vector_store %arg24[%swap3A_764], %swap3A_767 {strides = array<i32>} : memref<5760xf32, #tpu.memory_space<vmem>>, vector<16xf32>,
        %mul3A_768 = arith.constant 192 : i32
        %mul3A_769 = arith.muli %scan3A_647, %mul3A_768 : i32
        %add3A_770 = arith.constant 128 : i32
        %add3A_771 = arith.addi %mul3A_769, %add3A_770 : i32
        %get3A_772 = arith.index_cast %add3A_771 : i32 to index
        %get3A_773 = tpu.vector_load %arg24[%get3A_772] {strides = array<i32>} : memref<5760xf32, #tpu.memory_space<vmem>>, vector<16xf32>,
        %get3A_774 = vector.shape_cast %get3A_773 : vector<16xf32> to vector<16xf32>
        %get3A_775 = arith.index_cast %add3A_771 : i32 to index
        %get3A_776 = tpu.vector_load %arg20[%get3A_775] {strides = array<i32>} : memref<5760xf32, #tpu.memory_space<vmem>>, vector<16xf32>,
        %get3A_777 = vector.shape_cast %get3A_776 : vector<16xf32> to vector<16xf32>
        %mul3A_778 = arith.mulf %get3A_774, %get3A_777 : vector<16xf32>
        %swap3A_779 = arith.index_cast %add3A_771 : i32 to index
        %swap3A_780 = tpu.vector_load %arg24[%swap3A_779] {strides = array<i32>} : memref<5760xf32, #tpu.memory_space<vmem>>, vector<16xf32>,
        %swap3A_781 = vector.shape_cast %swap3A_780 : vector<16xf32> to vector<16xf32>
        %swap3A_782 = vector.shape_cast %mul3A_778 : vector<16xf32> to vector<16xf32>
        tpu.vector_store %arg24[%swap3A_779], %swap3A_782 {strides = array<i32>} : memref<5760xf32, #tpu.memory_space<vmem>>, vector<16xf32>,
        %mul3A_783 = arith.constant 192 : i32
        %mul3A_784 = arith.muli %scan3A_647, %mul3A_783 : i32
        %add3A_785 = arith.constant 144 : i32
        %add3A_786 = arith.addi %mul3A_784, %add3A_785 : i32
        %get3A_787 = arith.index_cast %add3A_786 : i32 to index
        %get3A_788 = tpu.vector_load %arg24[%get3A_787] {strides = array<i32>} : memref<5760xf32, #tpu.memory_space<vmem>>, vector<16xf32>,
        %get3A_789 = vector.shape_cast %get3A_788 : vector<16xf32> to vector<16xf32>
        %get3A_790 = arith.index_cast %add3A_786 : i32 to index
        %get3A_791 = tpu.vector_load %arg20[%get3A_790] {strides = array<i32>} : memref<5760xf32, #tpu.memory_space<vmem>>, vector<16xf32>,
        %get3A_792 = vector.shape_cast %get3A_791 : vector<16xf32> to vector<16xf32>
        %mul3A_793 = arith.mulf %get3A_789, %get3A_792 : vector<16xf32>
        %swap3A_794 = arith.index_cast %add3A_786 : i32 to index
        %swap3A_795 = tpu.vector_load %arg24[%swap3A_794] {strides = array<i32>} : memref<5760xf32, #tpu.memory_space<vmem>>, vector<16xf32>,
        %swap3A_796 = vector.shape_cast %swap3A_795 : vector<16xf32> to vector<16xf32>
        %swap3A_797 = vector.shape_cast %mul3A_793 : vector<16xf32> to vector<16xf32>
        tpu.vector_store %arg24[%swap3A_794], %swap3A_797 {strides = array<i32>} : memref<5760xf32, #tpu.memory_space<vmem>>, vector<16xf32>,
        %mul3A_798 = arith.constant 192 : i32
        %mul3A_799 = arith.muli %scan3A_647, %mul3A_798 : i32
        %add3A_800 = arith.constant 160 : i32
        %add3A_801 = arith.addi %mul3A_799, %add3A_800 : i32
        %get3A_802 = arith.index_cast %add3A_801 : i32 to index
        %get3A_803 = tpu.vector_load %arg24[%get3A_802] {strides = array<i32>} : memref<5760xf32, #tpu.memory_space<vmem>>, vector<16xf32>,
        %get3A_804 = vector.shape_cast %get3A_803 : vector<16xf32> to vector<16xf32>
        %get3A_805 = arith.index_cast %add3A_801 : i32 to index
        %get3A_806 = tpu.vector_load %arg20[%get3A_805] {strides = array<i32>} : memref<5760xf32, #tpu.memory_space<vmem>>, vector<16xf32>,
        %get3A_807 = vector.shape_cast %get3A_806 : vector<16xf32> to vector<16xf32>
        %mul3A_808 = arith.mulf %get3A_804, %get3A_807 : vector<16xf32>
        %swap3A_809 = arith.index_cast %add3A_801 : i32 to index
        %swap3A_810 = tpu.vector_load %arg24[%swap3A_809] {strides = array<i32>} : memref<5760xf32, #tpu.memory_space<vmem>>, vector<16xf32>,
        %swap3A_811 = vector.shape_cast %swap3A_810 : vector<16xf32> to vector<16xf32>
        %swap3A_812 = vector.shape_cast %mul3A_808 : vector<16xf32> to vector<16xf32>
        tpu.vector_store %arg24[%swap3A_809], %swap3A_812 {strides = array<i32>} : memref<5760xf32, #tpu.memory_space<vmem>>, vector<16xf32>,
        %mul3A_813 = arith.constant 192 : i32
        %mul3A_814 = arith.muli %scan3A_647, %mul3A_813 : i32
        %add3A_815 = arith.constant 176 : i32
        %add3A_816 = arith.addi %mul3A_814, %add3A_815 : i32
        %get3A_817 = arith.index_cast %add3A_816 : i32 to index
        %get3A_818 = tpu.vector_load %arg24[%get3A_817] {strides = array<i32>} : memref<5760xf32, #tpu.memory_space<vmem>>, vector<16xf32>,
        %get3A_819 = vector.shape_cast %get3A_818 : vector<16xf32> to vector<16xf32>
        %get3A_820 = arith.index_cast %add3A_816 : i32 to index
        %get3A_821 = tpu.vector_load %arg20[%get3A_820] {strides = array<i32>} : memref<5760xf32, #tpu.memory_space<vmem>>, vector<16xf32>,
        %get3A_822 = vector.shape_cast %get3A_821 : vector<16xf32> to vector<16xf32>
        %mul3A_823 = arith.mulf %get3A_819, %get3A_822 : vector<16xf32>
        %swap3A_824 = arith.index_cast %add3A_816 : i32 to index
        %swap3A_825 = tpu.vector_load %arg24[%swap3A_824] {strides = array<i32>} : memref<5760xf32, #tpu.memory_space<vmem>>, vector<16xf32>,
        %swap3A_826 = vector.shape_cast %swap3A_825 : vector<16xf32> to vector<16xf32>
        %swap3A_827 = vector.shape_cast %mul3A_823 : vector<16xf32> to vector<16xf32>
        tpu.vector_store %arg24[%swap3A_824], %swap3A_827 {strides = array<i32>} : memref<5760xf32, #tpu.memory_space<vmem>>, vector<16xf32>,
        %scan3A_828 = arith.constant 0 : i32
        scf.yield %scan3A_828 : i32
      }
      %scan3A_630 = arith.constant 15 : i32
      %dma_wait3A_631 = arith.constant 2880 : i32
      %dma_wait3A_632 = tpu.memref_slice %arg24[%dma_wait3A_631] : memref<5760xf32, #tpu.memory_space<vmem>> -> memref<2880xf32, #tpu.memory_space<vmem>>
      %dma_wait3A_633 = arith.constant 2880 : i32
      %dma_wait3A_634 = tpu.memref_slice %arg16[%dma_wait3A_633] : memref<5760xi32, #tpu.memory_space<vmem>> -> memref<2880xi32, #tpu.memory_space<vmem>>
      %dma_wait3A_635 = arith.constant 0 : i32
      %dma_wait3A_636 = tpu.memref_slice %arg7[%dma_wait3A_635] : memref<262144xf32, #tpu.memory_space<vmem_shared>> -> memref<262144xf32, #tpu.memory_space<vmem_shared>>
      tpu.wait_indirect_dma semaphore(%arg37 : memref<!tpu.dma_semaphore, #tpu.memory_space<semaphore_mem>>) src(%dma_wait3A_636 : memref<262144xf32, #tpu.memory_space<vmem_shared>>) dst(%dma_wait3A_632 : memref<2880xf32, #tpu.memory_space<vmem>>)
      %scan3A_637 = arith.constant 0 : i32
      %scan3A_638 = arith.constant 15 : i32
      %scan3A_639 = arith.constant 15 : i32
      %scan3A_640 = arith.addi %scan3A_638, %scan3A_639 : i32
      %scan3A_641 = arith.constant 1 : i32
      %scan3A_642 = scf.for %scan3A_647 = %scan3A_638 to %scan3A_640 step %scan3A_641 iter_args(%scan3A_648 = %scan3A_637) -> (i32)  : i32 {
        %mul3A_649 = arith.constant 192 : i32
        %mul3A_650 = arith.muli %scan3A_647, %mul3A_649 : i32
        %add3A_651 = arith.constant 0 : i32
        %add3A_652 = arith.addi %mul3A_650, %add3A_651 : i32
        %get3A = arith.index_cast %add3A_652 : i32 to index
        %get3A_653 = tpu.vector_load %arg24[%get3A] {strides = array<i32>} : memref<5760xf32, #tpu.memory_space<vmem>>, vector<16xf32>,
        %get3A_654 = vector.shape_cast %get3A_653 : vector<16xf32> to vector<16xf32>
        %get3A_655 = arith.index_cast %add3A_652 : i32 to index
        %get3A_656 = tpu.vector_load %arg20[%get3A_655] {strides = array<i32>} : memref<5760xf32, #tpu.memory_space<vmem>>, vector<16xf32>,
        %get3A_657 = vector.shape_cast %get3A_656 : vector<16xf32> to vector<16xf32>
        %mul3A_658 = arith.mulf %get3A_654, %get3A_657 : vector<16xf32>
        %swap3A_659 = arith.index_cast %add3A_652 : i32 to index
        %swap3A_660 = tpu.vector_load %arg24[%swap3A_659] {strides = array<i32>} : memref<5760xf32, #tpu.memory_space<vmem>>, vector<16xf32>,
        %swap3A_661 = vector.shape_cast %swap3A_660 : vector<16xf32> to vector<16xf32>
        %swap3A_662 = vector.shape_cast %mul3A_658 : vector<16xf32> to vector<16xf32>
        tpu.vector_store %arg24[%swap3A_659], %swap3A_662 {strides = array<i32>} : memref<5760xf32, #tpu.memory_space<vmem>>, vector<16xf32>,
        %mul3A_663 = arith.constant 192 : i32
        %mul3A_664 = arith.muli %scan3A_647, %mul3A_663 : i32
        %add3A_665 = arith.constant 16 : i32
        %add3A_666 = arith.addi %mul3A_664, %add3A_665 : i32
        %get3A_667 = arith.index_cast %add3A_666 : i32 to index
        %get3A_668 = tpu.vector_load %arg24[%get3A_667] {strides = array<i32>} : memref<5760xf32, #tpu.memory_space<vmem>>, vector<16xf32>,
        %get3A_669 = vector.shape_cast %get3A_668 : vector<16xf32> to vector<16xf32>
        %get3A_670 = arith.index_cast %add3A_666 : i32 to index
        %get3A_671 = tpu.vector_load %arg20[%get3A_670] {strides = array<i32>} : memref<5760xf32, #tpu.memory_space<vmem>>, vector<16xf32>,
        %get3A_672 = vector.shape_cast %get3A_671 : vector<16xf32> to vector<16xf32>
        %mul3A_673 = arith.mulf %get3A_669, %get3A_672 : vector<16xf32>
        %swap3A_674 = arith.index_cast %add3A_666 : i32 to index
        %swap3A_675 = tpu.vector_load %arg24[%swap3A_674] {strides = array<i32>} : memref<5760xf32, #tpu.memory_space<vmem>>, vector<16xf32>,
        %swap3A_676 = vector.shape_cast %swap3A_675 : vector<16xf32> to vector<16xf32>
        %swap3A_677 = vector.shape_cast %mul3A_673 : vector<16xf32> to vector<16xf32>
        tpu.vector_store %arg24[%swap3A_674], %swap3A_677 {strides = array<i32>} : memref<5760xf32, #tpu.memory_space<vmem>>, vector<16xf32>,
        %mul3A_678 = arith.constant 192 : i32
        %mul3A_679 = arith.muli %scan3A_647, %mul3A_678 : i32
        %add3A_680 = arith.constant 32 : i32
        %add3A_681 = arith.addi %mul3A_679, %add3A_680 : i32
        %get3A_682 = arith.index_cast %add3A_681 : i32 to index
        %get3A_683 = tpu.vector_load %arg24[%get3A_682] {strides = array<i32>} : memref<5760xf32, #tpu.memory_space<vmem>>, vector<16xf32>,
        %get3A_684 = vector.shape_cast %get3A_683 : vector<16xf32> to vector<16xf32>
        %get3A_685 = arith.index_cast %add3A_681 : i32 to index
        %get3A_686 = tpu.vector_load %arg20[%get3A_685] {strides = array<i32>} : memref<5760xf32, #tpu.memory_space<vmem>>, vector<16xf32>,
        %get3A_687 = vector.shape_cast %get3A_686 : vector<16xf32> to vector<16xf32>
        %mul3A_688 = arith.mulf %get3A_684, %get3A_687 : vector<16xf32>
        %swap3A_689 = arith.index_cast %add3A_681 : i32 to index
        %swap3A_690 = tpu.vector_load %arg24[%swap3A_689] {strides = array<i32>} : memref<5760xf32, #tpu.memory_space<vmem>>, vector<16xf32>,
        %swap3A_691 = vector.shape_cast %swap3A_690 : vector<16xf32> to vector<16xf32>
        %swap3A_692 = vector.shape_cast %mul3A_688 : vector<16xf32> to vector<16xf32>
        tpu.vector_store %arg24[%swap3A_689], %swap3A_692 {strides = array<i32>} : memref<5760xf32, #tpu.memory_space<vmem>>, vector<16xf32>,
        %mul3A_693 = arith.constant 192 : i32
        %mul3A_694 = arith.muli %scan3A_647, %mul3A_693 : i32
        %add3A_695 = arith.constant 48 : i32
        %add3A_696 = arith.addi %mul3A_694, %add3A_695 : i32
        %get3A_697 = arith.index_cast %add3A_696 : i32 to index
        %get3A_698 = tpu.vector_load %arg24[%get3A_697] {strides = array<i32>} : memref<5760xf32, #tpu.memory_space<vmem>>, vector<16xf32>,
        %get3A_699 = vector.shape_cast %get3A_698 : vector<16xf32> to vector<16xf32>
        %get3A_700 = arith.index_cast %add3A_696 : i32 to index
        %get3A_701 = tpu.vector_load %arg20[%get3A_700] {strides = array<i32>} : memref<5760xf32, #tpu.memory_space<vmem>>, vector<16xf32>,
        %get3A_702 = vector.shape_cast %get3A_701 : vector<16xf32> to vector<16xf32>
        %mul3A_703 = arith.mulf %get3A_699, %get3A_702 : vector<16xf32>
        %swap3A_704 = arith.index_cast %add3A_696 : i32 to index
        %swap3A_705 = tpu.vector_load %arg24[%swap3A_704] {strides = array<i32>} : memref<5760xf32, #tpu.memory_space<vmem>>, vector<16xf32>,
        %swap3A_706 = vector.shape_cast %swap3A_705 : vector<16xf32> to vector<16xf32>
        %swap3A_707 = vector.shape_cast %mul3A_703 : vector<16xf32> to vector<16xf32>
        tpu.vector_store %arg24[%swap3A_704], %swap3A_707 {strides = array<i32>} : memref<5760xf32, #tpu.memory_space<vmem>>, vector<16xf32>,
        %mul3A_708 = arith.constant 192 : i32
        %mul3A_709 = arith.muli %scan3A_647, %mul3A_708 : i32
        %add3A_710 = arith.constant 64 : i32
        %add3A_711 = arith.addi %mul3A_709, %add3A_710 : i32
        %get3A_712 = arith.index_cast %add3A_711 : i32 to index
        %get3A_713 = tpu.vector_load %arg24[%get3A_712] {strides = array<i32>} : memref<5760xf32, #tpu.memory_space<vmem>>, vector<16xf32>,
        %get3A_714 = vector.shape_cast %get3A_713 : vector<16xf32> to vector<16xf32>
        %get3A_715 = arith.index_cast %add3A_711 : i32 to index
        %get3A_716 = tpu.vector_load %arg20[%get3A_715] {strides = array<i32>} : memref<5760xf32, #tpu.memory_space<vmem>>, vector<16xf32>,
        %get3A_717 = vector.shape_cast %get3A_716 : vector<16xf32> to vector<16xf32>
        %mul3A_718 = arith.mulf %get3A_714, %get3A_717 : vector<16xf32>
        %swap3A_719 = arith.index_cast %add3A_711 : i32 to index
        %swap3A_720 = tpu.vector_load %arg24[%swap3A_719] {strides = array<i32>} : memref<5760xf32, #tpu.memory_space<vmem>>, vector<16xf32>,
        %swap3A_721 = vector.shape_cast %swap3A_720 : vector<16xf32> to vector<16xf32>
        %swap3A_722 = vector.shape_cast %mul3A_718 : vector<16xf32> to vector<16xf32>
        tpu.vector_store %arg24[%swap3A_719], %swap3A_722 {strides = array<i32>} : memref<5760xf32, #tpu.memory_space<vmem>>, vector<16xf32>,
        %mul3A_723 = arith.constant 192 : i32
        %mul3A_724 = arith.muli %scan3A_647, %mul3A_723 : i32
        %add3A_725 = arith.constant 80 : i32
        %add3A_726 = arith.addi %mul3A_724, %add3A_725 : i32
        %get3A_727 = arith.index_cast %add3A_726 : i32 to index
        %get3A_728 = tpu.vector_load %arg24[%get3A_727] {strides = array<i32>} : memref<5760xf32, #tpu.memory_space<vmem>>, vector<16xf32>,
        %get3A_729 = vector.shape_cast %get3A_728 : vector<16xf32> to vector<16xf32>
        %get3A_730 = arith.index_cast %add3A_726 : i32 to index
        %get3A_731 = tpu.vector_load %arg20[%get3A_730] {strides = array<i32>} : memref<5760xf32, #tpu.memory_space<vmem>>, vector<16xf32>,
        %get3A_732 = vector.shape_cast %get3A_731 : vector<16xf32> to vector<16xf32>
        %mul3A_733 = arith.mulf %get3A_729, %get3A_732 : vector<16xf32>
        %swap3A_734 = arith.index_cast %add3A_726 : i32 to index
        %swap3A_735 = tpu.vector_load %arg24[%swap3A_734] {strides = array<i32>} : memref<5760xf32, #tpu.memory_space<vmem>>, vector<16xf32>,
        %swap3A_736 = vector.shape_cast %swap3A_735 : vector<16xf32> to vector<16xf32>
        %swap3A_737 = vector.shape_cast %mul3A_733 : vector<16xf32> to vector<16xf32>
        tpu.vector_store %arg24[%swap3A_734], %swap3A_737 {strides = array<i32>} : memref<5760xf32, #tpu.memory_space<vmem>>, vector<16xf32>,
        %mul3A_738 = arith.constant 192 : i32
        %mul3A_739 = arith.muli %scan3A_647, %mul3A_738 : i32
        %add3A_740 = arith.constant 96 : i32
        %add3A_741 = arith.addi %mul3A_739, %add3A_740 : i32
        %get3A_742 = arith.index_cast %add3A_741 : i32 to index
        %get3A_743 = tpu.vector_load %arg24[%get3A_742] {strides = array<i32>} : memref<5760xf32, #tpu.memory_space<vmem>>, vector<16xf32>,
        %get3A_744 = vector.shape_cast %get3A_743 : vector<16xf32> to vector<16xf32>
        %get3A_745 = arith.index_cast %add3A_741 : i32 to index
        %get3A_746 = tpu.vector_load %arg20[%get3A_745] {strides = array<i32>} : memref<5760xf32, #tpu.memory_space<vmem>>, vector<16xf32>,
        %get3A_747 = vector.shape_cast %get3A_746 : vector<16xf32> to vector<16xf32>
        %mul3A_748 = arith.mulf %get3A_744, %get3A_747 : vector<16xf32>
        %swap3A_749 = arith.index_cast %add3A_741 : i32 to index
        %swap3A_750 = tpu.vector_load %arg24[%swap3A_749] {strides = array<i32>} : memref<5760xf32, #tpu.memory_space<vmem>>, vector<16xf32>,
        %swap3A_751 = vector.shape_cast %swap3A_750 : vector<16xf32> to vector<16xf32>
        %swap3A_752 = vector.shape_cast %mul3A_748 : vector<16xf32> to vector<16xf32>
        tpu.vector_store %arg24[%swap3A_749], %swap3A_752 {strides = array<i32>} : memref<5760xf32, #tpu.memory_space<vmem>>, vector<16xf32>,
        %mul3A_753 = arith.constant 192 : i32
        %mul3A_754 = arith.muli %scan3A_647, %mul3A_753 : i32
        %add3A_755 = arith.constant 112 : i32
        %add3A_756 = arith.addi %mul3A_754, %add3A_755 : i32
        %get3A_757 = arith.index_cast %add3A_756 : i32 to index
        %get3A_758 = tpu.vector_load %arg24[%get3A_757] {strides = array<i32>} : memref<5760xf32, #tpu.memory_space<vmem>>, vector<16xf32>,
        %get3A_759 = vector.shape_cast %get3A_758 : vector<16xf32> to vector<16xf32>
        %get3A_760 = arith.index_cast %add3A_756 : i32 to index
        %get3A_761 = tpu.vector_load %arg20[%get3A_760] {strides = array<i32>} : memref<5760xf32, #tpu.memory_space<vmem>>, vector<16xf32>,
        %get3A_762 = vector.shape_cast %get3A_761 : vector<16xf32> to vector<16xf32>
        %mul3A_763 = arith.mulf %get3A_759, %get3A_762 : vector<16xf32>
        %swap3A_764 = arith.index_cast %add3A_756 : i32 to index
        %swap3A_765 = tpu.vector_load %arg24[%swap3A_764] {strides = array<i32>} : memref<5760xf32, #tpu.memory_space<vmem>>, vector<16xf32>,
        %swap3A_766 = vector.shape_cast %swap3A_765 : vector<16xf32> to vector<16xf32>
        %swap3A_767 = vector.shape_cast %mul3A_763 : vector<16xf32> to vector<16xf32>
        tpu.vector_store %arg24[%swap3A_764], %swap3A_767 {strides = array<i32>} : memref<5760xf32, #tpu.memory_space<vmem>>, vector<16xf32>,
        %mul3A_768 = arith.constant 192 : i32
        %mul3A_769 = arith.muli %scan3A_647, %mul3A_768 : i32
        %add3A_770 = arith.constant 128 : i32
        %add3A_771 = arith.addi %mul3A_769, %add3A_770 : i32
        %get3A_772 = arith.index_cast %add3A_771 : i32 to index
        %get3A_773 = tpu.vector_load %arg24[%get3A_772] {strides = array<i32>} : memref<5760xf32, #tpu.memory_space<vmem>>, vector<16xf32>,
        %get3A_774 = vector.shape_cast %get3A_773 : vector<16xf32> to vector<16xf32>
        %get3A_775 = arith.index_cast %add3A_771 : i32 to index
        %get3A_776 = tpu.vector_load %arg20[%get3A_775] {strides = array<i32>} : memref<5760xf32, #tpu.memory_space<vmem>>, vector<16xf32>,
        %get3A_777 = vector.shape_cast %get3A_776 : vector<16xf32> to vector<16xf32>
        %mul3A_778 = arith.mulf %get3A_774, %get3A_777 : vector<16xf32>
        %swap3A_779 = arith.index_cast %add3A_771 : i32 to index
        %swap3A_780 = tpu.vector_load %arg24[%swap3A_779] {strides = array<i32>} : memref<5760xf32, #tpu.memory_space<vmem>>, vector<16xf32>,
        %swap3A_781 = vector.shape_cast %swap3A_780 : vector<16xf32> to vector<16xf32>
        %swap3A_782 = vector.shape_cast %mul3A_778 : vector<16xf32> to vector<16xf32>
        tpu.vector_store %arg24[%swap3A_779], %swap3A_782 {strides = array<i32>} : memref<5760xf32, #tpu.memory_space<vmem>>, vector<16xf32>,
        %mul3A_783 = arith.constant 192 : i32
        %mul3A_784 = arith.muli %scan3A_647, %mul3A_783 : i32
        %add3A_785 = arith.constant 144 : i32
        %add3A_786 = arith.addi %mul3A_784, %add3A_785 : i32
        %get3A_787 = arith.index_cast %add3A_786 : i32 to index
        %get3A_788 = tpu.vector_load %arg24[%get3A_787] {strides = array<i32>} : memref<5760xf32, #tpu.memory_space<vmem>>, vector<16xf32>,
        %get3A_789 = vector.shape_cast %get3A_788 : vector<16xf32> to vector<16xf32>
        %get3A_790 = arith.index_cast %add3A_786 : i32 to index
        %get3A_791 = tpu.vector_load %arg20[%get3A_790] {strides = array<i32>} : memref<5760xf32, #tpu.memory_space<vmem>>, vector<16xf32>,
        %get3A_792 = vector.shape_cast %get3A_791 : vector<16xf32> to vector<16xf32>
        %mul3A_793 = arith.mulf %get3A_789, %get3A_792 : vector<16xf32>
        %swap3A_794 = arith.index_cast %add3A_786 : i32 to index
        %swap3A_795 = tpu.vector_load %arg24[%swap3A_794] {strides = array<i32>} : memref<5760xf32, #tpu.memory_space<vmem>>, vector<16xf32>,
        %swap3A_796 = vector.shape_cast %swap3A_795 : vector<16xf32> to vector<16xf32>
        %swap3A_797 = vector.shape_cast %mul3A_793 : vector<16xf32> to vector<16xf32>
        tpu.vector_store %arg24[%swap3A_794], %swap3A_797 {strides = array<i32>} : memref<5760xf32, #tpu.memory_space<vmem>>, vector<16xf32>,
        %mul3A_798 = arith.constant 192 : i32
        %mul3A_799 = arith.muli %scan3A_647, %mul3A_798 : i32
        %add3A_800 = arith.constant 160 : i32
        %add3A_801 = arith.addi %mul3A_799, %add3A_800 : i32
        %get3A_802 = arith.index_cast %add3A_801 : i32 to index
        %get3A_803 = tpu.vector_load %arg24[%get3A_802] {strides = array<i32>} : memref<5760xf32, #tpu.memory_space<vmem>>, vector<16xf32>,
        %get3A_804 = vector.shape_cast %get3A_803 : vector<16xf32> to vector<16xf32>
        %get3A_805 = arith.index_cast %add3A_801 : i32 to index
        %get3A_806 = tpu.vector_load %arg20[%get3A_805] {strides = array<i32>} : memref<5760xf32, #tpu.memory_space<vmem>>, vector<16xf32>,
        %get3A_807 = vector.shape_cast %get3A_806 : vector<16xf32> to vector<16xf32>
        %mul3A_808 = arith.mulf %get3A_804, %get3A_807 : vector<16xf32>
        %swap3A_809 = arith.index_cast %add3A_801 : i32 to index
        %swap3A_810 = tpu.vector_load %arg24[%swap3A_809] {strides = array<i32>} : memref<5760xf32, #tpu.memory_space<vmem>>, vector<16xf32>,
        %swap3A_811 = vector.shape_cast %swap3A_810 : vector<16xf32> to vector<16xf32>
        %swap3A_812 = vector.shape_cast %mul3A_808 : vector<16xf32> to vector<16xf32>
        tpu.vector_store %arg24[%swap3A_809], %swap3A_812 {strides = array<i32>} : memref<5760xf32, #tpu.memory_space<vmem>>, vector<16xf32>,
        %mul3A_813 = arith.constant 192 : i32
        %mul3A_814 = arith.muli %scan3A_647, %mul3A_813 : i32
        %add3A_815 = arith.constant 176 : i32
        %add3A_816 = arith.addi %mul3A_814, %add3A_815 : i32
        %get3A_817 = arith.index_cast %add3A_816 : i32 to index
        %get3A_818 = tpu.vector_load %arg24[%get3A_817] {strides = array<i32>} : memref<5760xf32, #tpu.memory_space<vmem>>, vector<16xf32>,
        %get3A_819 = vector.shape_cast %get3A_818 : vector<16xf32> to vector<16xf32>
        %get3A_820 = arith.index_cast %add3A_816 : i32 to index
        %get3A_821 = tpu.vector_load %arg20[%get3A_820] {strides = array<i32>} : memref<5760xf32, #tpu.memory_space<vmem>>, vector<16xf32>,
        %get3A_822 = vector.shape_cast %get3A_821 : vector<16xf32> to vector<16xf32>
        %mul3A_823 = arith.mulf %get3A_819, %get3A_822 : vector<16xf32>
        %swap3A_824 = arith.index_cast %add3A_816 : i32 to index
        %swap3A_825 = tpu.vector_load %arg24[%swap3A_824] {strides = array<i32>} : memref<5760xf32, #tpu.memory_space<vmem>>, vector<16xf32>,
        %swap3A_826 = vector.shape_cast %swap3A_825 : vector<16xf32> to vector<16xf32>
        %swap3A_827 = vector.shape_cast %mul3A_823 : vector<16xf32> to vector<16xf32>
        tpu.vector_store %arg24[%swap3A_824], %swap3A_827 {strides = array<i32>} : memref<5760xf32, #tpu.memory_space<vmem>>, vector<16xf32>,
        %scan3A_828 = arith.constant 0 : i32
        scf.yield %scan3A_828 : i32
      }
      %scan3A_643 = arith.constant 15 : i32
      %dma_start3A_644 = arith.constant 0 : i32
      %dma_start3A_645 = tpu.memref_slice %arg8[%dma_start3A_644] : memref<262144xf32, #tpu.memory_space<vmem_shared>> -> memref<262144xf32, #tpu.memory_space<vmem_shared>>
      tpu.enqueue_indirect_dma source(%arg24 : memref<5760xf32, #tpu.memory_space<vmem>>) target(%dma_start3A_645 : memref<262144xf32, #tpu.memory_space<vmem_shared>>) offsets(%arg12 : memref<5760xi32, #tpu.memory_space<vmem>>) semaphore(%arg41 : memref<!tpu.dma_semaphore, #tpu.memory_space<semaphore_mem>>) {add = true}
      %scan3A_646 = arith.constant 0 : i32
      scf.yield %scan3A_646 : i32
    }
    %scan3A_186 = arith.constant 2 : i32
    %dma_wait3A_187 = arith.constant 0 : i32
    %dma_wait3A_188 = tpu.memref_slice %arg8[%dma_wait3A_187] : memref<262144xf32, #tpu.memory_space<vmem_shared>> -> memref<262144xf32, #tpu.memory_space<vmem_shared>>
    tpu.wait_indirect_dma semaphore(%arg40 : memref<!tpu.dma_semaphore, #tpu.memory_space<semaphore_mem>>) src(%arg23 : memref<5760xf32, #tpu.memory_space<vmem>>) dst(%dma_wait3A_188 : memref<262144xf32, #tpu.memory_space<vmem_shared>>)
    %add3A_189 = arith.constant 288 : i32
    %add3A_190 = arith.addi %add3A_189, %add3A : i32
    %lt3A_191 = arith.constant 319 : i32
    %lt3A_192 = arith.cmpi slt, %add3A_190, %lt3A_191 : i32
    %convert_element_type3A_193 = arith.extui %lt3A_192 : i1 to i32
    %cond3A_194 = arith.constant 0 : i32
    %cond3A_195 = arith.cmpi ne, %convert_element_type3A_193, %cond3A_194 : i32
    scf.if %cond3A_195 {
      %dma_wait3A_297 = arith.constant 0 : i32
      %dma_wait3A_298 = tpu.memref_slice %arg10[%dma_wait3A_297] : memref<5760xi32, #tpu.memory_space<vmem>> -> memref<5728xi32, #tpu.memory_space<vmem>>
      %dma_wait3A_299 = arith.constant 0 : i32
      %dma_wait3A_300 = tpu.memref_slice %arg3[%dma_wait3A_299] : memref<1827847xi32, #tpu.memory_space<hbm>> -> memref<5728xi32, #tpu.memory_space<hbm>>
      %dma_wait3A_301 = arith.constant 0 : i32
      %dma_wait3A_302 = tpu.memref_slice %arg10[%dma_wait3A_301] : memref<5760xi32, #tpu.memory_space<vmem>> -> memref<5728xi32, #tpu.memory_space<vmem>>
      %dma_wait3A_303 = arith.constant 0 : i32
      %dma_wait3A_304 = tpu.memref_slice %arg3[%dma_wait3A_303] : memref<1827847xi32, #tpu.memory_space<hbm>> -> memref<5728xi32, #tpu.memory_space<hbm>>
      tpu.wait_dma2 semaphore(%arg27 : memref<!tpu.dma_semaphore, #tpu.memory_space<semaphore_mem>>) src(%dma_wait3A_304 : memref<5728xi32, #tpu.memory_space<hbm>>) dst(%dma_wait3A_302 : memref<5728xi32, #tpu.memory_space<vmem>>)
      %dma_wait3A_305 = arith.constant 0 : i32
      %dma_wait3A_306 = tpu.memref_slice %arg14[%dma_wait3A_305] : memref<5760xi32, #tpu.memory_space<vmem>> -> memref<5728xi32, #tpu.memory_space<vmem>>
      %dma_wait3A_307 = arith.constant 0 : i32
      %dma_wait3A_308 = tpu.memref_slice %arg4[%dma_wait3A_307] : memref<1827847xi32, #tpu.memory_space<hbm>> -> memref<5728xi32, #tpu.memory_space<hbm>>
      %dma_wait3A_309 = arith.constant 0 : i32
      %dma_wait3A_310 = tpu.memref_slice %arg14[%dma_wait3A_309] : memref<5760xi32, #tpu.memory_space<vmem>> -> memref<5728xi32, #tpu.memory_space<vmem>>
      %dma_wait3A_311 = arith.constant 0 : i32
      %dma_wait3A_312 = tpu.memref_slice %arg4[%dma_wait3A_311] : memref<1827847xi32, #tpu.memory_space<hbm>> -> memref<5728xi32, #tpu.memory_space<hbm>>
      tpu.wait_dma2 semaphore(%arg27 : memref<!tpu.dma_semaphore, #tpu.memory_space<semaphore_mem>>) src(%dma_wait3A_312 : memref<5728xi32, #tpu.memory_space<hbm>>) dst(%dma_wait3A_310 : memref<5728xi32, #tpu.memory_space<vmem>>)
      %dma_wait3A_313 = arith.constant 0 : i32
      %dma_wait3A_314 = tpu.memref_slice %arg18[%dma_wait3A_313] : memref<5760xf32, #tpu.memory_space<vmem>> -> memref<5728xf32, #tpu.memory_space<vmem>>
      %dma_wait3A_315 = arith.constant 0 : i32
      %dma_wait3A_316 = tpu.memref_slice %arg5[%dma_wait3A_315] : memref<1827847xf32, #tpu.memory_space<hbm>> -> memref<5728xf32, #tpu.memory_space<hbm>>
      %dma_wait3A_317 = arith.constant 0 : i32
      %dma_wait3A_318 = tpu.memref_slice %arg18[%dma_wait3A_317] : memref<5760xf32, #tpu.memory_space<vmem>> -> memref<5728xf32, #tpu.memory_space<vmem>>
      %dma_wait3A_319 = arith.constant 0 : i32
      %dma_wait3A_320 = tpu.memref_slice %arg5[%dma_wait3A_319] : memref<1827847xf32, #tpu.memory_space<hbm>> -> memref<5728xf32, #tpu.memory_space<hbm>>
      tpu.wait_dma2 semaphore(%arg27 : memref<!tpu.dma_semaphore, #tpu.memory_space<semaphore_mem>>) src(%dma_wait3A_320 : memref<5728xf32, #tpu.memory_space<hbm>>) dst(%dma_wait3A_318 : memref<5728xf32, #tpu.memory_space<vmem>>)
    } else {
    }
    %eq3A_196 = arith.constant 319 : i32
    %eq3A_197 = arith.cmpi eq, %add3A_190, %eq3A_196 : i32
    %convert_element_type3A_198 = arith.extui %eq3A_197 : i1 to i32
    %cond3A_199 = arith.constant 0 : i32
    %cond3A_200 = arith.cmpi ne, %convert_element_type3A_198, %cond3A_199 : i32
    scf.if %cond3A_200 {
      %dma_wait3A_297 = arith.constant 0 : i32
      %dma_wait3A_298 = tpu.memref_slice %arg10[%dma_wait3A_297] : memref<5760xi32, #tpu.memory_space<vmem>> -> memref<615xi32, #tpu.memory_space<vmem>>
      %dma_wait3A_299 = arith.constant 0 : i32
      %dma_wait3A_300 = tpu.memref_slice %arg3[%dma_wait3A_299] : memref<1827847xi32, #tpu.memory_space<hbm>> -> memref<615xi32, #tpu.memory_space<hbm>>
      %dma_wait3A_301 = arith.constant 0 : i32
      %dma_wait3A_302 = tpu.memref_slice %arg10[%dma_wait3A_301] : memref<5760xi32, #tpu.memory_space<vmem>> -> memref<615xi32, #tpu.memory_space<vmem>>
      %dma_wait3A_303 = arith.constant 0 : i32
      %dma_wait3A_304 = tpu.memref_slice %arg3[%dma_wait3A_303] : memref<1827847xi32, #tpu.memory_space<hbm>> -> memref<615xi32, #tpu.memory_space<hbm>>
      tpu.wait_dma2 semaphore(%arg27 : memref<!tpu.dma_semaphore, #tpu.memory_space<semaphore_mem>>) src(%dma_wait3A_304 : memref<615xi32, #tpu.memory_space<hbm>>) dst(%dma_wait3A_302 : memref<615xi32, #tpu.memory_space<vmem>>)
      %dma_wait3A_305 = arith.constant 0 : i32
      %dma_wait3A_306 = tpu.memref_slice %arg14[%dma_wait3A_305] : memref<5760xi32, #tpu.memory_space<vmem>> -> memref<615xi32, #tpu.memory_space<vmem>>
      %dma_wait3A_307 = arith.constant 0 : i32
      %dma_wait3A_308 = tpu.memref_slice %arg4[%dma_wait3A_307] : memref<1827847xi32, #tpu.memory_space<hbm>> -> memref<615xi32, #tpu.memory_space<hbm>>
      %dma_wait3A_309 = arith.constant 0 : i32
      %dma_wait3A_310 = tpu.memref_slice %arg14[%dma_wait3A_309] : memref<5760xi32, #tpu.memory_space<vmem>> -> memref<615xi32, #tpu.memory_space<vmem>>
      %dma_wait3A_311 = arith.constant 0 : i32
      %dma_wait3A_312 = tpu.memref_slice %arg4[%dma_wait3A_311] : memref<1827847xi32, #tpu.memory_space<hbm>> -> memref<615xi32, #tpu.memory_space<hbm>>
      tpu.wait_dma2 semaphore(%arg27 : memref<!tpu.dma_semaphore, #tpu.memory_space<semaphore_mem>>) src(%dma_wait3A_312 : memref<615xi32, #tpu.memory_space<hbm>>) dst(%dma_wait3A_310 : memref<615xi32, #tpu.memory_space<vmem>>)
      %dma_wait3A_313 = arith.constant 0 : i32
      %dma_wait3A_314 = tpu.memref_slice %arg18[%dma_wait3A_313] : memref<5760xf32, #tpu.memory_space<vmem>> -> memref<615xf32, #tpu.memory_space<vmem>>
      %dma_wait3A_315 = arith.constant 0 : i32
      %dma_wait3A_316 = tpu.memref_slice %arg5[%dma_wait3A_315] : memref<1827847xf32, #tpu.memory_space<hbm>> -> memref<615xf32, #tpu.memory_space<hbm>>
      %dma_wait3A_317 = arith.constant 0 : i32
      %dma_wait3A_318 = tpu.memref_slice %arg18[%dma_wait3A_317] : memref<5760xf32, #tpu.memory_space<vmem>> -> memref<615xf32, #tpu.memory_space<vmem>>
      %dma_wait3A_319 = arith.constant 0 : i32
      %dma_wait3A_320 = tpu.memref_slice %arg5[%dma_wait3A_319] : memref<1827847xf32, #tpu.memory_space<hbm>> -> memref<615xf32, #tpu.memory_space<hbm>>
      tpu.wait_dma2 semaphore(%arg27 : memref<!tpu.dma_semaphore, #tpu.memory_space<semaphore_mem>>) src(%dma_wait3A_320 : memref<615xf32, #tpu.memory_space<hbm>>) dst(%dma_wait3A_318 : memref<615xf32, #tpu.memory_space<vmem>>)
    } else {
    }
    %dma_start3A_201 = arith.constant 0 : i32
    %dma_start3A_202 = tpu.memref_slice %arg22[%dma_start3A_201] : memref<5760xf32, #tpu.memory_space<vmem>> -> memref<2880xf32, #tpu.memory_space<vmem>>
    %dma_start3A_203 = arith.constant 0 : i32
    %dma_start3A_204 = tpu.memref_slice %arg14[%dma_start3A_203] : memref<5760xi32, #tpu.memory_space<vmem>> -> memref<2880xi32, #tpu.memory_space<vmem>>
    %dma_start3A_205 = arith.constant 0 : i32
    %dma_start3A_206 = tpu.memref_slice %arg7[%dma_start3A_205] : memref<262144xf32, #tpu.memory_space<vmem_shared>> -> memref<262144xf32, #tpu.memory_space<vmem_shared>>
    tpu.enqueue_indirect_dma source(%dma_start3A_206 : memref<262144xf32, #tpu.memory_space<vmem_shared>>) target(%dma_start3A_202 : memref<2880xf32, #tpu.memory_space<vmem>>) offsets(%dma_start3A_204 : memref<2880xi32, #tpu.memory_space<vmem>>) semaphore(%arg31 : memref<!tpu.dma_semaphore, #tpu.memory_space<semaphore_mem>>)
    %dma_start3A_207 = arith.constant 2880 : i32
    %dma_start3A_208 = tpu.memref_slice %arg22[%dma_start3A_207] : memref<5760xf32, #tpu.memory_space<vmem>> -> memref<2880xf32, #tpu.memory_space<vmem>>
    %dma_start3A_209 = arith.constant 2880 : i32
    %dma_start3A_210 = tpu.memref_slice %arg14[%dma_start3A_209] : memref<5760xi32, #tpu.memory_space<vmem>> -> memref<2880xi32, #tpu.memory_space<vmem>>
    %dma_start3A_211 = arith.constant 0 : i32
    %dma_start3A_212 = tpu.memref_slice %arg7[%dma_start3A_211] : memref<262144xf32, #tpu.memory_space<vmem_shared>> -> memref<262144xf32, #tpu.memory_space<vmem_shared>>
    tpu.enqueue_indirect_dma source(%dma_start3A_212 : memref<262144xf32, #tpu.memory_space<vmem_shared>>) target(%dma_start3A_208 : memref<2880xf32, #tpu.memory_space<vmem>>) offsets(%dma_start3A_210 : memref<2880xi32, #tpu.memory_space<vmem>>) semaphore(%arg35 : memref<!tpu.dma_semaphore, #tpu.memory_space<semaphore_mem>>)
    %add3A_213 = arith.constant 256 : i32
    %add3A_214 = arith.addi %add3A_213, %add3A : i32
    %eq3A_215 = arith.constant 319 : i32
    %eq3A_216 = arith.cmpi eq, %add3A_214, %eq3A_215 : i32
    %convert_element_type3A_217 = arith.extui %eq3A_216 : i1 to i32
    %cond3A_218 = arith.constant 0 : i32
    %cond3A_219 = arith.cmpi ne, %convert_element_type3A_217, %cond3A_218 : i32
    scf.if %cond3A_219 {
      %iota3A = tpu.iota {dimensions = array<i32: 0>} : vector<16xi32>
      %lt3A_297 = arith.constant 7 : i32
      %lt3A_298 = vector.broadcast %lt3A_297 : i32 to vector<16xi32>
      %lt3A_299 = arith.cmpi slt, %iota3A, %lt3A_298 : vector<16xi32>
      %get3A = arith.constant 608 : index
      %get3A_300 = tpu.vector_load %arg17[%get3A] {strides = array<i32>} : memref<5760xf32, #tpu.memory_space<vmem>>, vector<16xf32>,
      %get3A_301 = vector.shape_cast %get3A_300 : vector<16xf32> to vector<16xf32>
      %jit3A = arith.constant 0.000000e+00 : f32
      %broadcast_in_dim3A_302 = vector.broadcast %jit3A : f32 to vector<16xf32>
      %select_n3A = arith.select %lt3A_299, %get3A_301, %broadcast_in_dim3A_302 : vector<16xi1>, vector<16xf32>
      %swap3A_303 = arith.constant 608 : index
      %swap3A_304 = tpu.vector_load %arg17[%swap3A_303] {strides = array<i32>} : memref<5760xf32, #tpu.memory_space<vmem>>, vector<16xf32>,
      %swap3A_305 = vector.shape_cast %swap3A_304 : vector<16xf32> to vector<16xf32>
      %swap3A_306 = vector.shape_cast %select_n3A : vector<16xf32> to vector<16xf32>
      tpu.vector_store %arg17[%swap3A_303], %swap3A_306 {strides = array<i32>} : memref<5760xf32, #tpu.memory_space<vmem>>, vector<16xf32>,
      %scan3A_307 = arith.constant 0 : i32
      %scan3A_308 = arith.constant 39 : i32
      %scan3A_309 = arith.constant 319 : i32
      %scan3A_310 = arith.addi %scan3A_308, %scan3A_309 : i32
      %scan3A_311 = arith.constant 1 : i32
      %scan3A_312 = scf.for %scan3A_314 = %scan3A_308 to %scan3A_310 step %scan3A_311 iter_args(%scan3A_315 = %scan3A_307) -> (i32)  : i32 {
        %broadcast_in_dim3A_316 = arith.constant 0.000000e+00 : f32
        %broadcast_in_dim3A_317 = vector.broadcast %broadcast_in_dim3A_316 : f32 to vector<16xf32>
        %mul3A_318 = arith.constant 16 : i32
        %mul3A_319 = arith.muli %scan3A_314, %mul3A_318 : i32
        %swap3A_320 = arith.index_cast %mul3A_319 : i32 to index
        %swap3A_321 = tpu.vector_load %arg17[%swap3A_320] {strides = array<i32>} : memref<5760xf32, #tpu.memory_space<vmem>>, vector<16xf32>,
        %swap3A_322 = vector.shape_cast %swap3A_321 : vector<16xf32> to vector<16xf32>
        %swap3A_323 = vector.shape_cast %broadcast_in_dim3A_317 : vector<16xf32> to vector<16xf32>
        tpu.vector_store %arg17[%swap3A_320], %swap3A_323 {strides = array<i32>} : memref<5760xf32, #tpu.memory_space<vmem>>, vector<16xf32>,
        %scan3A_324 = arith.constant 0 : i32
        scf.yield %scan3A_324 : i32
      }
      %scan3A_313 = arith.constant 319 : i32
    } else {
    }
    %dma_wait3A_220 = arith.constant 0 : i32
    %dma_wait3A_221 = tpu.memref_slice %arg21[%dma_wait3A_220] : memref<5760xf32, #tpu.memory_space<vmem>> -> memref<2880xf32, #tpu.memory_space<vmem>>
    %dma_wait3A_222 = arith.constant 0 : i32
    %dma_wait3A_223 = tpu.memref_slice %arg13[%dma_wait3A_222] : memref<5760xi32, #tpu.memory_space<vmem>> -> memref<2880xi32, #tpu.memory_space<vmem>>
    %dma_wait3A_224 = arith.constant 0 : i32
    %dma_wait3A_225 = tpu.memref_slice %arg7[%dma_wait3A_224] : memref<262144xf32, #tpu.memory_space<vmem_shared>> -> memref<262144xf32, #tpu.memory_space<vmem_shared>>
    tpu.wait_indirect_dma semaphore(%arg30 : memref<!tpu.dma_semaphore, #tpu.memory_space<semaphore_mem>>) src(%dma_wait3A_225 : memref<262144xf32, #tpu.memory_space<vmem_shared>>) dst(%dma_wait3A_221 : memref<2880xf32, #tpu.memory_space<vmem>>)
    %scan3A_226 = arith.constant 0 : i32
    %scan3A_227 = arith.constant 0 : i32
    %scan3A_228 = arith.constant 15 : i32
    %scan3A_229 = arith.addi %scan3A_227, %scan3A_228 : i32
    %scan3A_230 = arith.constant 1 : i32
    %scan3A_231 = scf.for %scan3A_297 = %scan3A_227 to %scan3A_229 step %scan3A_230 iter_args(%scan3A_298 = %scan3A_226) -> (i32)  : i32 {
      %mul3A_299 = arith.constant 192 : i32
      %mul3A_300 = arith.muli %scan3A_297, %mul3A_299 : i32
      %add3A_301 = arith.constant 0 : i32
      %add3A_302 = arith.addi %mul3A_300, %add3A_301 : i32
      %get3A = arith.index_cast %add3A_302 : i32 to index
      %get3A_303 = tpu.vector_load %arg21[%get3A] {strides = array<i32>} : memref<5760xf32, #tpu.memory_space<vmem>>, vector<16xf32>,
      %get3A_304 = vector.shape_cast %get3A_303 : vector<16xf32> to vector<16xf32>
      %get3A_305 = arith.index_cast %add3A_302 : i32 to index
      %get3A_306 = tpu.vector_load %arg17[%get3A_305] {strides = array<i32>} : memref<5760xf32, #tpu.memory_space<vmem>>, vector<16xf32>,
      %get3A_307 = vector.shape_cast %get3A_306 : vector<16xf32> to vector<16xf32>
      %mul3A_308 = arith.mulf %get3A_304, %get3A_307 : vector<16xf32>
      %swap3A_309 = arith.index_cast %add3A_302 : i32 to index
      %swap3A_310 = tpu.vector_load %arg21[%swap3A_309] {strides = array<i32>} : memref<5760xf32, #tpu.memory_space<vmem>>, vector<16xf32>,
      %swap3A_311 = vector.shape_cast %swap3A_310 : vector<16xf32> to vector<16xf32>
      %swap3A_312 = vector.shape_cast %mul3A_308 : vector<16xf32> to vector<16xf32>
      tpu.vector_store %arg21[%swap3A_309], %swap3A_312 {strides = array<i32>} : memref<5760xf32, #tpu.memory_space<vmem>>, vector<16xf32>,
      %mul3A_313 = arith.constant 192 : i32
      %mul3A_314 = arith.muli %scan3A_297, %mul3A_313 : i32
      %add3A_315 = arith.constant 16 : i32
      %add3A_316 = arith.addi %mul3A_314, %add3A_315 : i32
      %get3A_317 = arith.index_cast %add3A_316 : i32 to index
      %get3A_318 = tpu.vector_load %arg21[%get3A_317] {strides = array<i32>} : memref<5760xf32, #tpu.memory_space<vmem>>, vector<16xf32>,
      %get3A_319 = vector.shape_cast %get3A_318 : vector<16xf32> to vector<16xf32>
      %get3A_320 = arith.index_cast %add3A_316 : i32 to index
      %get3A_321 = tpu.vector_load %arg17[%get3A_320] {strides = array<i32>} : memref<5760xf32, #tpu.memory_space<vmem>>, vector<16xf32>,
      %get3A_322 = vector.shape_cast %get3A_321 : vector<16xf32> to vector<16xf32>
      %mul3A_323 = arith.mulf %get3A_319, %get3A_322 : vector<16xf32>
      %swap3A_324 = arith.index_cast %add3A_316 : i32 to index
      %swap3A_325 = tpu.vector_load %arg21[%swap3A_324] {strides = array<i32>} : memref<5760xf32, #tpu.memory_space<vmem>>, vector<16xf32>,
      %swap3A_326 = vector.shape_cast %swap3A_325 : vector<16xf32> to vector<16xf32>
      %swap3A_327 = vector.shape_cast %mul3A_323 : vector<16xf32> to vector<16xf32>
      tpu.vector_store %arg21[%swap3A_324], %swap3A_327 {strides = array<i32>} : memref<5760xf32, #tpu.memory_space<vmem>>, vector<16xf32>,
      %mul3A_328 = arith.constant 192 : i32
      %mul3A_329 = arith.muli %scan3A_297, %mul3A_328 : i32
      %add3A_330 = arith.constant 32 : i32
      %add3A_331 = arith.addi %mul3A_329, %add3A_330 : i32
      %get3A_332 = arith.index_cast %add3A_331 : i32 to index
      %get3A_333 = tpu.vector_load %arg21[%get3A_332] {strides = array<i32>} : memref<5760xf32, #tpu.memory_space<vmem>>, vector<16xf32>,
      %get3A_334 = vector.shape_cast %get3A_333 : vector<16xf32> to vector<16xf32>
      %get3A_335 = arith.index_cast %add3A_331 : i32 to index
      %get3A_336 = tpu.vector_load %arg17[%get3A_335] {strides = array<i32>} : memref<5760xf32, #tpu.memory_space<vmem>>, vector<16xf32>,
      %get3A_337 = vector.shape_cast %get3A_336 : vector<16xf32> to vector<16xf32>
      %mul3A_338 = arith.mulf %get3A_334, %get3A_337 : vector<16xf32>
      %swap3A_339 = arith.index_cast %add3A_331 : i32 to index
      %swap3A_340 = tpu.vector_load %arg21[%swap3A_339] {strides = array<i32>} : memref<5760xf32, #tpu.memory_space<vmem>>, vector<16xf32>,
      %swap3A_341 = vector.shape_cast %swap3A_340 : vector<16xf32> to vector<16xf32>
      %swap3A_342 = vector.shape_cast %mul3A_338 : vector<16xf32> to vector<16xf32>
      tpu.vector_store %arg21[%swap3A_339], %swap3A_342 {strides = array<i32>} : memref<5760xf32, #tpu.memory_space<vmem>>, vector<16xf32>,
      %mul3A_343 = arith.constant 192 : i32
      %mul3A_344 = arith.muli %scan3A_297, %mul3A_343 : i32
      %add3A_345 = arith.constant 48 : i32
      %add3A_346 = arith.addi %mul3A_344, %add3A_345 : i32
      %get3A_347 = arith.index_cast %add3A_346 : i32 to index
      %get3A_348 = tpu.vector_load %arg21[%get3A_347] {strides = array<i32>} : memref<5760xf32, #tpu.memory_space<vmem>>, vector<16xf32>,
      %get3A_349 = vector.shape_cast %get3A_348 : vector<16xf32> to vector<16xf32>
      %get3A_350 = arith.index_cast %add3A_346 : i32 to index
      %get3A_351 = tpu.vector_load %arg17[%get3A_350] {strides = array<i32>} : memref<5760xf32, #tpu.memory_space<vmem>>, vector<16xf32>,
      %get3A_352 = vector.shape_cast %get3A_351 : vector<16xf32> to vector<16xf32>
      %mul3A_353 = arith.mulf %get3A_349, %get3A_352 : vector<16xf32>
      %swap3A_354 = arith.index_cast %add3A_346 : i32 to index
      %swap3A_355 = tpu.vector_load %arg21[%swap3A_354] {strides = array<i32>} : memref<5760xf32, #tpu.memory_space<vmem>>, vector<16xf32>,
      %swap3A_356 = vector.shape_cast %swap3A_355 : vector<16xf32> to vector<16xf32>
      %swap3A_357 = vector.shape_cast %mul3A_353 : vector<16xf32> to vector<16xf32>
      tpu.vector_store %arg21[%swap3A_354], %swap3A_357 {strides = array<i32>} : memref<5760xf32, #tpu.memory_space<vmem>>, vector<16xf32>,
      %mul3A_358 = arith.constant 192 : i32
      %mul3A_359 = arith.muli %scan3A_297, %mul3A_358 : i32
      %add3A_360 = arith.constant 64 : i32
      %add3A_361 = arith.addi %mul3A_359, %add3A_360 : i32
      %get3A_362 = arith.index_cast %add3A_361 : i32 to index
      %get3A_363 = tpu.vector_load %arg21[%get3A_362] {strides = array<i32>} : memref<5760xf32, #tpu.memory_space<vmem>>, vector<16xf32>,
      %get3A_364 = vector.shape_cast %get3A_363 : vector<16xf32> to vector<16xf32>
      %get3A_365 = arith.index_cast %add3A_361 : i32 to index
      %get3A_366 = tpu.vector_load %arg17[%get3A_365] {strides = array<i32>} : memref<5760xf32, #tpu.memory_space<vmem>>, vector<16xf32>,
      %get3A_367 = vector.shape_cast %get3A_366 : vector<16xf32> to vector<16xf32>
      %mul3A_368 = arith.mulf %get3A_364, %get3A_367 : vector<16xf32>
      %swap3A_369 = arith.index_cast %add3A_361 : i32 to index
      %swap3A_370 = tpu.vector_load %arg21[%swap3A_369] {strides = array<i32>} : memref<5760xf32, #tpu.memory_space<vmem>>, vector<16xf32>,
      %swap3A_371 = vector.shape_cast %swap3A_370 : vector<16xf32> to vector<16xf32>
      %swap3A_372 = vector.shape_cast %mul3A_368 : vector<16xf32> to vector<16xf32>
      tpu.vector_store %arg21[%swap3A_369], %swap3A_372 {strides = array<i32>} : memref<5760xf32, #tpu.memory_space<vmem>>, vector<16xf32>,
      %mul3A_373 = arith.constant 192 : i32
      %mul3A_374 = arith.muli %scan3A_297, %mul3A_373 : i32
      %add3A_375 = arith.constant 80 : i32
      %add3A_376 = arith.addi %mul3A_374, %add3A_375 : i32
      %get3A_377 = arith.index_cast %add3A_376 : i32 to index
      %get3A_378 = tpu.vector_load %arg21[%get3A_377] {strides = array<i32>} : memref<5760xf32, #tpu.memory_space<vmem>>, vector<16xf32>,
      %get3A_379 = vector.shape_cast %get3A_378 : vector<16xf32> to vector<16xf32>
      %get3A_380 = arith.index_cast %add3A_376 : i32 to index
      %get3A_381 = tpu.vector_load %arg17[%get3A_380] {strides = array<i32>} : memref<5760xf32, #tpu.memory_space<vmem>>, vector<16xf32>,
      %get3A_382 = vector.shape_cast %get3A_381 : vector<16xf32> to vector<16xf32>
      %mul3A_383 = arith.mulf %get3A_379, %get3A_382 : vector<16xf32>
      %swap3A_384 = arith.index_cast %add3A_376 : i32 to index
      %swap3A_385 = tpu.vector_load %arg21[%swap3A_384] {strides = array<i32>} : memref<5760xf32, #tpu.memory_space<vmem>>, vector<16xf32>,
      %swap3A_386 = vector.shape_cast %swap3A_385 : vector<16xf32> to vector<16xf32>
      %swap3A_387 = vector.shape_cast %mul3A_383 : vector<16xf32> to vector<16xf32>
      tpu.vector_store %arg21[%swap3A_384], %swap3A_387 {strides = array<i32>} : memref<5760xf32, #tpu.memory_space<vmem>>, vector<16xf32>,
      %mul3A_388 = arith.constant 192 : i32
      %mul3A_389 = arith.muli %scan3A_297, %mul3A_388 : i32
      %add3A_390 = arith.constant 96 : i32
      %add3A_391 = arith.addi %mul3A_389, %add3A_390 : i32
      %get3A_392 = arith.index_cast %add3A_391 : i32 to index
      %get3A_393 = tpu.vector_load %arg21[%get3A_392] {strides = array<i32>} : memref<5760xf32, #tpu.memory_space<vmem>>, vector<16xf32>,
      %get3A_394 = vector.shape_cast %get3A_393 : vector<16xf32> to vector<16xf32>
      %get3A_395 = arith.index_cast %add3A_391 : i32 to index
      %get3A_396 = tpu.vector_load %arg17[%get3A_395] {strides = array<i32>} : memref<5760xf32, #tpu.memory_space<vmem>>, vector<16xf32>,
      %get3A_397 = vector.shape_cast %get3A_396 : vector<16xf32> to vector<16xf32>
      %mul3A_398 = arith.mulf %get3A_394, %get3A_397 : vector<16xf32>
      %swap3A_399 = arith.index_cast %add3A_391 : i32 to index
      %swap3A_400 = tpu.vector_load %arg21[%swap3A_399] {strides = array<i32>} : memref<5760xf32, #tpu.memory_space<vmem>>, vector<16xf32>,
      %swap3A_401 = vector.shape_cast %swap3A_400 : vector<16xf32> to vector<16xf32>
      %swap3A_402 = vector.shape_cast %mul3A_398 : vector<16xf32> to vector<16xf32>
      tpu.vector_store %arg21[%swap3A_399], %swap3A_402 {strides = array<i32>} : memref<5760xf32, #tpu.memory_space<vmem>>, vector<16xf32>,
      %mul3A_403 = arith.constant 192 : i32
      %mul3A_404 = arith.muli %scan3A_297, %mul3A_403 : i32
      %add3A_405 = arith.constant 112 : i32
      %add3A_406 = arith.addi %mul3A_404, %add3A_405 : i32
      %get3A_407 = arith.index_cast %add3A_406 : i32 to index
      %get3A_408 = tpu.vector_load %arg21[%get3A_407] {strides = array<i32>} : memref<5760xf32, #tpu.memory_space<vmem>>, vector<16xf32>,
      %get3A_409 = vector.shape_cast %get3A_408 : vector<16xf32> to vector<16xf32>
      %get3A_410 = arith.index_cast %add3A_406 : i32 to index
      %get3A_411 = tpu.vector_load %arg17[%get3A_410] {strides = array<i32>} : memref<5760xf32, #tpu.memory_space<vmem>>, vector<16xf32>,
      %get3A_412 = vector.shape_cast %get3A_411 : vector<16xf32> to vector<16xf32>
      %mul3A_413 = arith.mulf %get3A_409, %get3A_412 : vector<16xf32>
      %swap3A_414 = arith.index_cast %add3A_406 : i32 to index
      %swap3A_415 = tpu.vector_load %arg21[%swap3A_414] {strides = array<i32>} : memref<5760xf32, #tpu.memory_space<vmem>>, vector<16xf32>,
      %swap3A_416 = vector.shape_cast %swap3A_415 : vector<16xf32> to vector<16xf32>
      %swap3A_417 = vector.shape_cast %mul3A_413 : vector<16xf32> to vector<16xf32>
      tpu.vector_store %arg21[%swap3A_414], %swap3A_417 {strides = array<i32>} : memref<5760xf32, #tpu.memory_space<vmem>>, vector<16xf32>,
      %mul3A_418 = arith.constant 192 : i32
      %mul3A_419 = arith.muli %scan3A_297, %mul3A_418 : i32
      %add3A_420 = arith.constant 128 : i32
      %add3A_421 = arith.addi %mul3A_419, %add3A_420 : i32
      %get3A_422 = arith.index_cast %add3A_421 : i32 to index
      %get3A_423 = tpu.vector_load %arg21[%get3A_422] {strides = array<i32>} : memref<5760xf32, #tpu.memory_space<vmem>>, vector<16xf32>,
      %get3A_424 = vector.shape_cast %get3A_423 : vector<16xf32> to vector<16xf32>
      %get3A_425 = arith.index_cast %add3A_421 : i32 to index
      %get3A_426 = tpu.vector_load %arg17[%get3A_425] {strides = array<i32>} : memref<5760xf32, #tpu.memory_space<vmem>>, vector<16xf32>,
      %get3A_427 = vector.shape_cast %get3A_426 : vector<16xf32> to vector<16xf32>
      %mul3A_428 = arith.mulf %get3A_424, %get3A_427 : vector<16xf32>
      %swap3A_429 = arith.index_cast %add3A_421 : i32 to index
      %swap3A_430 = tpu.vector_load %arg21[%swap3A_429] {strides = array<i32>} : memref<5760xf32, #tpu.memory_space<vmem>>, vector<16xf32>,
      %swap3A_431 = vector.shape_cast %swap3A_430 : vector<16xf32> to vector<16xf32>
      %swap3A_432 = vector.shape_cast %mul3A_428 : vector<16xf32> to vector<16xf32>
      tpu.vector_store %arg21[%swap3A_429], %swap3A_432 {strides = array<i32>} : memref<5760xf32, #tpu.memory_space<vmem>>, vector<16xf32>,
      %mul3A_433 = arith.constant 192 : i32
      %mul3A_434 = arith.muli %scan3A_297, %mul3A_433 : i32
      %add3A_435 = arith.constant 144 : i32
      %add3A_436 = arith.addi %mul3A_434, %add3A_435 : i32
      %get3A_437 = arith.index_cast %add3A_436 : i32 to index
      %get3A_438 = tpu.vector_load %arg21[%get3A_437] {strides = array<i32>} : memref<5760xf32, #tpu.memory_space<vmem>>, vector<16xf32>,
      %get3A_439 = vector.shape_cast %get3A_438 : vector<16xf32> to vector<16xf32>
      %get3A_440 = arith.index_cast %add3A_436 : i32 to index
      %get3A_441 = tpu.vector_load %arg17[%get3A_440] {strides = array<i32>} : memref<5760xf32, #tpu.memory_space<vmem>>, vector<16xf32>,
      %get3A_442 = vector.shape_cast %get3A_441 : vector<16xf32> to vector<16xf32>
      %mul3A_443 = arith.mulf %get3A_439, %get3A_442 : vector<16xf32>
      %swap3A_444 = arith.index_cast %add3A_436 : i32 to index
      %swap3A_445 = tpu.vector_load %arg21[%swap3A_444] {strides = array<i32>} : memref<5760xf32, #tpu.memory_space<vmem>>, vector<16xf32>,
      %swap3A_446 = vector.shape_cast %swap3A_445 : vector<16xf32> to vector<16xf32>
      %swap3A_447 = vector.shape_cast %mul3A_443 : vector<16xf32> to vector<16xf32>
      tpu.vector_store %arg21[%swap3A_444], %swap3A_447 {strides = array<i32>} : memref<5760xf32, #tpu.memory_space<vmem>>, vector<16xf32>,
      %mul3A_448 = arith.constant 192 : i32
      %mul3A_449 = arith.muli %scan3A_297, %mul3A_448 : i32
      %add3A_450 = arith.constant 160 : i32
      %add3A_451 = arith.addi %mul3A_449, %add3A_450 : i32
      %get3A_452 = arith.index_cast %add3A_451 : i32 to index
      %get3A_453 = tpu.vector_load %arg21[%get3A_452] {strides = array<i32>} : memref<5760xf32, #tpu.memory_space<vmem>>, vector<16xf32>,
      %get3A_454 = vector.shape_cast %get3A_453 : vector<16xf32> to vector<16xf32>
      %get3A_455 = arith.index_cast %add3A_451 : i32 to index
      %get3A_456 = tpu.vector_load %arg17[%get3A_455] {strides = array<i32>} : memref<5760xf32, #tpu.memory_space<vmem>>, vector<16xf32>,
      %get3A_457 = vector.shape_cast %get3A_456 : vector<16xf32> to vector<16xf32>
      %mul3A_458 = arith.mulf %get3A_454, %get3A_457 : vector<16xf32>
      %swap3A_459 = arith.index_cast %add3A_451 : i32 to index
      %swap3A_460 = tpu.vector_load %arg21[%swap3A_459] {strides = array<i32>} : memref<5760xf32, #tpu.memory_space<vmem>>, vector<16xf32>,
      %swap3A_461 = vector.shape_cast %swap3A_460 : vector<16xf32> to vector<16xf32>
      %swap3A_462 = vector.shape_cast %mul3A_458 : vector<16xf32> to vector<16xf32>
      tpu.vector_store %arg21[%swap3A_459], %swap3A_462 {strides = array<i32>} : memref<5760xf32, #tpu.memory_space<vmem>>, vector<16xf32>,
      %mul3A_463 = arith.constant 192 : i32
      %mul3A_464 = arith.muli %scan3A_297, %mul3A_463 : i32
      %add3A_465 = arith.constant 176 : i32
      %add3A_466 = arith.addi %mul3A_464, %add3A_465 : i32
      %get3A_467 = arith.index_cast %add3A_466 : i32 to index
      %get3A_468 = tpu.vector_load %arg21[%get3A_467] {strides = array<i32>} : memref<5760xf32, #tpu.memory_space<vmem>>, vector<16xf32>,
      %get3A_469 = vector.shape_cast %get3A_468 : vector<16xf32> to vector<16xf32>
      %get3A_470 = arith.index_cast %add3A_466 : i32 to index
      %get3A_471 = tpu.vector_load %arg17[%get3A_470] {strides = array<i32>} : memref<5760xf32, #tpu.memory_space<vmem>>, vector<16xf32>,
      %get3A_472 = vector.shape_cast %get3A_471 : vector<16xf32> to vector<16xf32>
      %mul3A_473 = arith.mulf %get3A_469, %get3A_472 : vector<16xf32>
      %swap3A_474 = arith.index_cast %add3A_466 : i32 to index
      %swap3A_475 = tpu.vector_load %arg21[%swap3A_474] {strides = array<i32>} : memref<5760xf32, #tpu.memory_space<vmem>>, vector<16xf32>,
      %swap3A_476 = vector.shape_cast %swap3A_475 : vector<16xf32> to vector<16xf32>
      %swap3A_477 = vector.shape_cast %mul3A_473 : vector<16xf32> to vector<16xf32>
      tpu.vector_store %arg21[%swap3A_474], %swap3A_477 {strides = array<i32>} : memref<5760xf32, #tpu.memory_space<vmem>>, vector<16xf32>,
      %scan3A_478 = arith.constant 0 : i32
      scf.yield %scan3A_478 : i32
    }
    %scan3A_232 = arith.constant 15 : i32
    %dma_wait3A_233 = arith.constant 2880 : i32
    %dma_wait3A_234 = tpu.memref_slice %arg21[%dma_wait3A_233] : memref<5760xf32, #tpu.memory_space<vmem>> -> memref<2880xf32, #tpu.memory_space<vmem>>
    %dma_wait3A_235 = arith.constant 2880 : i32
    %dma_wait3A_236 = tpu.memref_slice %arg13[%dma_wait3A_235] : memref<5760xi32, #tpu.memory_space<vmem>> -> memref<2880xi32, #tpu.memory_space<vmem>>
    %dma_wait3A_237 = arith.constant 0 : i32
    %dma_wait3A_238 = tpu.memref_slice %arg7[%dma_wait3A_237] : memref<262144xf32, #tpu.memory_space<vmem_shared>> -> memref<262144xf32, #tpu.memory_space<vmem_shared>>
    tpu.wait_indirect_dma semaphore(%arg34 : memref<!tpu.dma_semaphore, #tpu.memory_space<semaphore_mem>>) src(%dma_wait3A_238 : memref<262144xf32, #tpu.memory_space<vmem_shared>>) dst(%dma_wait3A_234 : memref<2880xf32, #tpu.memory_space<vmem>>)
    %scan3A_239 = arith.constant 0 : i32
    %scan3A_240 = arith.constant 15 : i32
    %scan3A_241 = arith.constant 15 : i32
    %scan3A_242 = arith.addi %scan3A_240, %scan3A_241 : i32
    %scan3A_243 = arith.constant 1 : i32
    %scan3A_244 = scf.for %scan3A_297 = %scan3A_240 to %scan3A_242 step %scan3A_243 iter_args(%scan3A_298 = %scan3A_239) -> (i32)  : i32 {
      %mul3A_299 = arith.constant 192 : i32
      %mul3A_300 = arith.muli %scan3A_297, %mul3A_299 : i32
      %add3A_301 = arith.constant 0 : i32
      %add3A_302 = arith.addi %mul3A_300, %add3A_301 : i32
      %get3A = arith.index_cast %add3A_302 : i32 to index
      %get3A_303 = tpu.vector_load %arg21[%get3A] {strides = array<i32>} : memref<5760xf32, #tpu.memory_space<vmem>>, vector<16xf32>,
      %get3A_304 = vector.shape_cast %get3A_303 : vector<16xf32> to vector<16xf32>
      %get3A_305 = arith.index_cast %add3A_302 : i32 to index
      %get3A_306 = tpu.vector_load %arg17[%get3A_305] {strides = array<i32>} : memref<5760xf32, #tpu.memory_space<vmem>>, vector<16xf32>,
      %get3A_307 = vector.shape_cast %get3A_306 : vector<16xf32> to vector<16xf32>
      %mul3A_308 = arith.mulf %get3A_304, %get3A_307 : vector<16xf32>
      %swap3A_309 = arith.index_cast %add3A_302 : i32 to index
      %swap3A_310 = tpu.vector_load %arg21[%swap3A_309] {strides = array<i32>} : memref<5760xf32, #tpu.memory_space<vmem>>, vector<16xf32>,
      %swap3A_311 = vector.shape_cast %swap3A_310 : vector<16xf32> to vector<16xf32>
      %swap3A_312 = vector.shape_cast %mul3A_308 : vector<16xf32> to vector<16xf32>
      tpu.vector_store %arg21[%swap3A_309], %swap3A_312 {strides = array<i32>} : memref<5760xf32, #tpu.memory_space<vmem>>, vector<16xf32>,
      %mul3A_313 = arith.constant 192 : i32
      %mul3A_314 = arith.muli %scan3A_297, %mul3A_313 : i32
      %add3A_315 = arith.constant 16 : i32
      %add3A_316 = arith.addi %mul3A_314, %add3A_315 : i32
      %get3A_317 = arith.index_cast %add3A_316 : i32 to index
      %get3A_318 = tpu.vector_load %arg21[%get3A_317] {strides = array<i32>} : memref<5760xf32, #tpu.memory_space<vmem>>, vector<16xf32>,
      %get3A_319 = vector.shape_cast %get3A_318 : vector<16xf32> to vector<16xf32>
      %get3A_320 = arith.index_cast %add3A_316 : i32 to index
      %get3A_321 = tpu.vector_load %arg17[%get3A_320] {strides = array<i32>} : memref<5760xf32, #tpu.memory_space<vmem>>, vector<16xf32>,
      %get3A_322 = vector.shape_cast %get3A_321 : vector<16xf32> to vector<16xf32>
      %mul3A_323 = arith.mulf %get3A_319, %get3A_322 : vector<16xf32>
      %swap3A_324 = arith.index_cast %add3A_316 : i32 to index
      %swap3A_325 = tpu.vector_load %arg21[%swap3A_324] {strides = array<i32>} : memref<5760xf32, #tpu.memory_space<vmem>>, vector<16xf32>,
      %swap3A_326 = vector.shape_cast %swap3A_325 : vector<16xf32> to vector<16xf32>
      %swap3A_327 = vector.shape_cast %mul3A_323 : vector<16xf32> to vector<16xf32>
      tpu.vector_store %arg21[%swap3A_324], %swap3A_327 {strides = array<i32>} : memref<5760xf32, #tpu.memory_space<vmem>>, vector<16xf32>,
      %mul3A_328 = arith.constant 192 : i32
      %mul3A_329 = arith.muli %scan3A_297, %mul3A_328 : i32
      %add3A_330 = arith.constant 32 : i32
      %add3A_331 = arith.addi %mul3A_329, %add3A_330 : i32
      %get3A_332 = arith.index_cast %add3A_331 : i32 to index
      %get3A_333 = tpu.vector_load %arg21[%get3A_332] {strides = array<i32>} : memref<5760xf32, #tpu.memory_space<vmem>>, vector<16xf32>,
      %get3A_334 = vector.shape_cast %get3A_333 : vector<16xf32> to vector<16xf32>
      %get3A_335 = arith.index_cast %add3A_331 : i32 to index
      %get3A_336 = tpu.vector_load %arg17[%get3A_335] {strides = array<i32>} : memref<5760xf32, #tpu.memory_space<vmem>>, vector<16xf32>,
      %get3A_337 = vector.shape_cast %get3A_336 : vector<16xf32> to vector<16xf32>
      %mul3A_338 = arith.mulf %get3A_334, %get3A_337 : vector<16xf32>
      %swap3A_339 = arith.index_cast %add3A_331 : i32 to index
      %swap3A_340 = tpu.vector_load %arg21[%swap3A_339] {strides = array<i32>} : memref<5760xf32, #tpu.memory_space<vmem>>, vector<16xf32>,
      %swap3A_341 = vector.shape_cast %swap3A_340 : vector<16xf32> to vector<16xf32>
      %swap3A_342 = vector.shape_cast %mul3A_338 : vector<16xf32> to vector<16xf32>
      tpu.vector_store %arg21[%swap3A_339], %swap3A_342 {strides = array<i32>} : memref<5760xf32, #tpu.memory_space<vmem>>, vector<16xf32>,
      %mul3A_343 = arith.constant 192 : i32
      %mul3A_344 = arith.muli %scan3A_297, %mul3A_343 : i32
      %add3A_345 = arith.constant 48 : i32
      %add3A_346 = arith.addi %mul3A_344, %add3A_345 : i32
      %get3A_347 = arith.index_cast %add3A_346 : i32 to index
      %get3A_348 = tpu.vector_load %arg21[%get3A_347] {strides = array<i32>} : memref<5760xf32, #tpu.memory_space<vmem>>, vector<16xf32>,
      %get3A_349 = vector.shape_cast %get3A_348 : vector<16xf32> to vector<16xf32>
      %get3A_350 = arith.index_cast %add3A_346 : i32 to index
      %get3A_351 = tpu.vector_load %arg17[%get3A_350] {strides = array<i32>} : memref<5760xf32, #tpu.memory_space<vmem>>, vector<16xf32>,
      %get3A_352 = vector.shape_cast %get3A_351 : vector<16xf32> to vector<16xf32>
      %mul3A_353 = arith.mulf %get3A_349, %get3A_352 : vector<16xf32>
      %swap3A_354 = arith.index_cast %add3A_346 : i32 to index
      %swap3A_355 = tpu.vector_load %arg21[%swap3A_354] {strides = array<i32>} : memref<5760xf32, #tpu.memory_space<vmem>>, vector<16xf32>,
      %swap3A_356 = vector.shape_cast %swap3A_355 : vector<16xf32> to vector<16xf32>
      %swap3A_357 = vector.shape_cast %mul3A_353 : vector<16xf32> to vector<16xf32>
      tpu.vector_store %arg21[%swap3A_354], %swap3A_357 {strides = array<i32>} : memref<5760xf32, #tpu.memory_space<vmem>>, vector<16xf32>,
      %mul3A_358 = arith.constant 192 : i32
      %mul3A_359 = arith.muli %scan3A_297, %mul3A_358 : i32
      %add3A_360 = arith.constant 64 : i32
      %add3A_361 = arith.addi %mul3A_359, %add3A_360 : i32
      %get3A_362 = arith.index_cast %add3A_361 : i32 to index
      %get3A_363 = tpu.vector_load %arg21[%get3A_362] {strides = array<i32>} : memref<5760xf32, #tpu.memory_space<vmem>>, vector<16xf32>,
      %get3A_364 = vector.shape_cast %get3A_363 : vector<16xf32> to vector<16xf32>
      %get3A_365 = arith.index_cast %add3A_361 : i32 to index
      %get3A_366 = tpu.vector_load %arg17[%get3A_365] {strides = array<i32>} : memref<5760xf32, #tpu.memory_space<vmem>>, vector<16xf32>,
      %get3A_367 = vector.shape_cast %get3A_366 : vector<16xf32> to vector<16xf32>
      %mul3A_368 = arith.mulf %get3A_364, %get3A_367 : vector<16xf32>
      %swap3A_369 = arith.index_cast %add3A_361 : i32 to index
      %swap3A_370 = tpu.vector_load %arg21[%swap3A_369] {strides = array<i32>} : memref<5760xf32, #tpu.memory_space<vmem>>, vector<16xf32>,
      %swap3A_371 = vector.shape_cast %swap3A_370 : vector<16xf32> to vector<16xf32>
      %swap3A_372 = vector.shape_cast %mul3A_368 : vector<16xf32> to vector<16xf32>
      tpu.vector_store %arg21[%swap3A_369], %swap3A_372 {strides = array<i32>} : memref<5760xf32, #tpu.memory_space<vmem>>, vector<16xf32>,
      %mul3A_373 = arith.constant 192 : i32
      %mul3A_374 = arith.muli %scan3A_297, %mul3A_373 : i32
      %add3A_375 = arith.constant 80 : i32
      %add3A_376 = arith.addi %mul3A_374, %add3A_375 : i32
      %get3A_377 = arith.index_cast %add3A_376 : i32 to index
      %get3A_378 = tpu.vector_load %arg21[%get3A_377] {strides = array<i32>} : memref<5760xf32, #tpu.memory_space<vmem>>, vector<16xf32>,
      %get3A_379 = vector.shape_cast %get3A_378 : vector<16xf32> to vector<16xf32>
      %get3A_380 = arith.index_cast %add3A_376 : i32 to index
      %get3A_381 = tpu.vector_load %arg17[%get3A_380] {strides = array<i32>} : memref<5760xf32, #tpu.memory_space<vmem>>, vector<16xf32>,
      %get3A_382 = vector.shape_cast %get3A_381 : vector<16xf32> to vector<16xf32>
      %mul3A_383 = arith.mulf %get3A_379, %get3A_382 : vector<16xf32>
      %swap3A_384 = arith.index_cast %add3A_376 : i32 to index
      %swap3A_385 = tpu.vector_load %arg21[%swap3A_384] {strides = array<i32>} : memref<5760xf32, #tpu.memory_space<vmem>>, vector<16xf32>,
      %swap3A_386 = vector.shape_cast %swap3A_385 : vector<16xf32> to vector<16xf32>
      %swap3A_387 = vector.shape_cast %mul3A_383 : vector<16xf32> to vector<16xf32>
      tpu.vector_store %arg21[%swap3A_384], %swap3A_387 {strides = array<i32>} : memref<5760xf32, #tpu.memory_space<vmem>>, vector<16xf32>,
      %mul3A_388 = arith.constant 192 : i32
      %mul3A_389 = arith.muli %scan3A_297, %mul3A_388 : i32
      %add3A_390 = arith.constant 96 : i32
      %add3A_391 = arith.addi %mul3A_389, %add3A_390 : i32
      %get3A_392 = arith.index_cast %add3A_391 : i32 to index
      %get3A_393 = tpu.vector_load %arg21[%get3A_392] {strides = array<i32>} : memref<5760xf32, #tpu.memory_space<vmem>>, vector<16xf32>,
      %get3A_394 = vector.shape_cast %get3A_393 : vector<16xf32> to vector<16xf32>
      %get3A_395 = arith.index_cast %add3A_391 : i32 to index
      %get3A_396 = tpu.vector_load %arg17[%get3A_395] {strides = array<i32>} : memref<5760xf32, #tpu.memory_space<vmem>>, vector<16xf32>,
      %get3A_397 = vector.shape_cast %get3A_396 : vector<16xf32> to vector<16xf32>
      %mul3A_398 = arith.mulf %get3A_394, %get3A_397 : vector<16xf32>
      %swap3A_399 = arith.index_cast %add3A_391 : i32 to index
      %swap3A_400 = tpu.vector_load %arg21[%swap3A_399] {strides = array<i32>} : memref<5760xf32, #tpu.memory_space<vmem>>, vector<16xf32>,
      %swap3A_401 = vector.shape_cast %swap3A_400 : vector<16xf32> to vector<16xf32>
      %swap3A_402 = vector.shape_cast %mul3A_398 : vector<16xf32> to vector<16xf32>
      tpu.vector_store %arg21[%swap3A_399], %swap3A_402 {strides = array<i32>} : memref<5760xf32, #tpu.memory_space<vmem>>, vector<16xf32>,
      %mul3A_403 = arith.constant 192 : i32
      %mul3A_404 = arith.muli %scan3A_297, %mul3A_403 : i32
      %add3A_405 = arith.constant 112 : i32
      %add3A_406 = arith.addi %mul3A_404, %add3A_405 : i32
      %get3A_407 = arith.index_cast %add3A_406 : i32 to index
      %get3A_408 = tpu.vector_load %arg21[%get3A_407] {strides = array<i32>} : memref<5760xf32, #tpu.memory_space<vmem>>, vector<16xf32>,
      %get3A_409 = vector.shape_cast %get3A_408 : vector<16xf32> to vector<16xf32>
      %get3A_410 = arith.index_cast %add3A_406 : i32 to index
      %get3A_411 = tpu.vector_load %arg17[%get3A_410] {strides = array<i32>} : memref<5760xf32, #tpu.memory_space<vmem>>, vector<16xf32>,
      %get3A_412 = vector.shape_cast %get3A_411 : vector<16xf32> to vector<16xf32>
      %mul3A_413 = arith.mulf %get3A_409, %get3A_412 : vector<16xf32>
      %swap3A_414 = arith.index_cast %add3A_406 : i32 to index
      %swap3A_415 = tpu.vector_load %arg21[%swap3A_414] {strides = array<i32>} : memref<5760xf32, #tpu.memory_space<vmem>>, vector<16xf32>,
      %swap3A_416 = vector.shape_cast %swap3A_415 : vector<16xf32> to vector<16xf32>
      %swap3A_417 = vector.shape_cast %mul3A_413 : vector<16xf32> to vector<16xf32>
      tpu.vector_store %arg21[%swap3A_414], %swap3A_417 {strides = array<i32>} : memref<5760xf32, #tpu.memory_space<vmem>>, vector<16xf32>,
      %mul3A_418 = arith.constant 192 : i32
      %mul3A_419 = arith.muli %scan3A_297, %mul3A_418 : i32
      %add3A_420 = arith.constant 128 : i32
      %add3A_421 = arith.addi %mul3A_419, %add3A_420 : i32
      %get3A_422 = arith.index_cast %add3A_421 : i32 to index
      %get3A_423 = tpu.vector_load %arg21[%get3A_422] {strides = array<i32>} : memref<5760xf32, #tpu.memory_space<vmem>>, vector<16xf32>,
      %get3A_424 = vector.shape_cast %get3A_423 : vector<16xf32> to vector<16xf32>
      %get3A_425 = arith.index_cast %add3A_421 : i32 to index
      %get3A_426 = tpu.vector_load %arg17[%get3A_425] {strides = array<i32>} : memref<5760xf32, #tpu.memory_space<vmem>>, vector<16xf32>,
      %get3A_427 = vector.shape_cast %get3A_426 : vector<16xf32> to vector<16xf32>
      %mul3A_428 = arith.mulf %get3A_424, %get3A_427 : vector<16xf32>
      %swap3A_429 = arith.index_cast %add3A_421 : i32 to index
      %swap3A_430 = tpu.vector_load %arg21[%swap3A_429] {strides = array<i32>} : memref<5760xf32, #tpu.memory_space<vmem>>, vector<16xf32>,
      %swap3A_431 = vector.shape_cast %swap3A_430 : vector<16xf32> to vector<16xf32>
      %swap3A_432 = vector.shape_cast %mul3A_428 : vector<16xf32> to vector<16xf32>
      tpu.vector_store %arg21[%swap3A_429], %swap3A_432 {strides = array<i32>} : memref<5760xf32, #tpu.memory_space<vmem>>, vector<16xf32>,
      %mul3A_433 = arith.constant 192 : i32
      %mul3A_434 = arith.muli %scan3A_297, %mul3A_433 : i32
      %add3A_435 = arith.constant 144 : i32
      %add3A_436 = arith.addi %mul3A_434, %add3A_435 : i32
      %get3A_437 = arith.index_cast %add3A_436 : i32 to index
      %get3A_438 = tpu.vector_load %arg21[%get3A_437] {strides = array<i32>} : memref<5760xf32, #tpu.memory_space<vmem>>, vector<16xf32>,
      %get3A_439 = vector.shape_cast %get3A_438 : vector<16xf32> to vector<16xf32>
      %get3A_440 = arith.index_cast %add3A_436 : i32 to index
      %get3A_441 = tpu.vector_load %arg17[%get3A_440] {strides = array<i32>} : memref<5760xf32, #tpu.memory_space<vmem>>, vector<16xf32>,
      %get3A_442 = vector.shape_cast %get3A_441 : vector<16xf32> to vector<16xf32>
      %mul3A_443 = arith.mulf %get3A_439, %get3A_442 : vector<16xf32>
      %swap3A_444 = arith.index_cast %add3A_436 : i32 to index
      %swap3A_445 = tpu.vector_load %arg21[%swap3A_444] {strides = array<i32>} : memref<5760xf32, #tpu.memory_space<vmem>>, vector<16xf32>,
      %swap3A_446 = vector.shape_cast %swap3A_445 : vector<16xf32> to vector<16xf32>
      %swap3A_447 = vector.shape_cast %mul3A_443 : vector<16xf32> to vector<16xf32>
      tpu.vector_store %arg21[%swap3A_444], %swap3A_447 {strides = array<i32>} : memref<5760xf32, #tpu.memory_space<vmem>>, vector<16xf32>,
      %mul3A_448 = arith.constant 192 : i32
      %mul3A_449 = arith.muli %scan3A_297, %mul3A_448 : i32
      %add3A_450 = arith.constant 160 : i32
      %add3A_451 = arith.addi %mul3A_449, %add3A_450 : i32
      %get3A_452 = arith.index_cast %add3A_451 : i32 to index
      %get3A_453 = tpu.vector_load %arg21[%get3A_452] {strides = array<i32>} : memref<5760xf32, #tpu.memory_space<vmem>>, vector<16xf32>,
      %get3A_454 = vector.shape_cast %get3A_453 : vector<16xf32> to vector<16xf32>
      %get3A_455 = arith.index_cast %add3A_451 : i32 to index
      %get3A_456 = tpu.vector_load %arg17[%get3A_455] {strides = array<i32>} : memref<5760xf32, #tpu.memory_space<vmem>>, vector<16xf32>,
      %get3A_457 = vector.shape_cast %get3A_456 : vector<16xf32> to vector<16xf32>
      %mul3A_458 = arith.mulf %get3A_454, %get3A_457 : vector<16xf32>
      %swap3A_459 = arith.index_cast %add3A_451 : i32 to index
      %swap3A_460 = tpu.vector_load %arg21[%swap3A_459] {strides = array<i32>} : memref<5760xf32, #tpu.memory_space<vmem>>, vector<16xf32>,
      %swap3A_461 = vector.shape_cast %swap3A_460 : vector<16xf32> to vector<16xf32>
      %swap3A_462 = vector.shape_cast %mul3A_458 : vector<16xf32> to vector<16xf32>
      tpu.vector_store %arg21[%swap3A_459], %swap3A_462 {strides = array<i32>} : memref<5760xf32, #tpu.memory_space<vmem>>, vector<16xf32>,
      %mul3A_463 = arith.constant 192 : i32
      %mul3A_464 = arith.muli %scan3A_297, %mul3A_463 : i32
      %add3A_465 = arith.constant 176 : i32
      %add3A_466 = arith.addi %mul3A_464, %add3A_465 : i32
      %get3A_467 = arith.index_cast %add3A_466 : i32 to index
      %get3A_468 = tpu.vector_load %arg21[%get3A_467] {strides = array<i32>} : memref<5760xf32, #tpu.memory_space<vmem>>, vector<16xf32>,
      %get3A_469 = vector.shape_cast %get3A_468 : vector<16xf32> to vector<16xf32>
      %get3A_470 = arith.index_cast %add3A_466 : i32 to index
      %get3A_471 = tpu.vector_load %arg17[%get3A_470] {strides = array<i32>} : memref<5760xf32, #tpu.memory_space<vmem>>, vector<16xf32>,
      %get3A_472 = vector.shape_cast %get3A_471 : vector<16xf32> to vector<16xf32>
      %mul3A_473 = arith.mulf %get3A_469, %get3A_472 : vector<16xf32>
      %swap3A_474 = arith.index_cast %add3A_466 : i32 to index
      %swap3A_475 = tpu.vector_load %arg21[%swap3A_474] {strides = array<i32>} : memref<5760xf32, #tpu.memory_space<vmem>>, vector<16xf32>,
      %swap3A_476 = vector.shape_cast %swap3A_475 : vector<16xf32> to vector<16xf32>
      %swap3A_477 = vector.shape_cast %mul3A_473 : vector<16xf32> to vector<16xf32>
      tpu.vector_store %arg21[%swap3A_474], %swap3A_477 {strides = array<i32>} : memref<5760xf32, #tpu.memory_space<vmem>>, vector<16xf32>,
      %scan3A_478 = arith.constant 0 : i32
      scf.yield %scan3A_478 : i32
    }
    %scan3A_245 = arith.constant 15 : i32
    %dma_start3A_246 = arith.constant 0 : i32
    %dma_start3A_247 = tpu.memref_slice %arg8[%dma_start3A_246] : memref<262144xf32, #tpu.memory_space<vmem_shared>> -> memref<262144xf32, #tpu.memory_space<vmem_shared>>
    tpu.enqueue_indirect_dma source(%arg21 : memref<5760xf32, #tpu.memory_space<vmem>>) target(%dma_start3A_247 : memref<262144xf32, #tpu.memory_space<vmem_shared>>) offsets(%arg9 : memref<5760xi32, #tpu.memory_space<vmem>>) semaphore(%arg38 : memref<!tpu.dma_semaphore, #tpu.memory_space<semaphore_mem>>) {add = true}
    %dma_wait3A_248 = arith.constant 0 : i32
    %dma_wait3A_249 = tpu.memref_slice %arg8[%dma_wait3A_248] : memref<262144xf32, #tpu.memory_space<vmem_shared>> -> memref<262144xf32, #tpu.memory_space<vmem_shared>>
    tpu.wait_indirect_dma semaphore(%arg41 : memref<!tpu.dma_semaphore, #tpu.memory_space<semaphore_mem>>) src(%arg24 : memref<5760xf32, #tpu.memory_space<vmem>>) dst(%dma_wait3A_249 : memref<262144xf32, #tpu.memory_space<vmem_shared>>)
    %add3A_250 = arith.constant 288 : i32
    %add3A_251 = arith.addi %add3A_250, %add3A : i32
    %eq3A_252 = arith.constant 319 : i32
    %eq3A_253 = arith.cmpi eq, %add3A_251, %eq3A_252 : i32
    %convert_element_type3A_254 = arith.extui %eq3A_253 : i1 to i32
    %cond3A_255 = arith.constant 0 : i32
    %cond3A_256 = arith.cmpi ne, %convert_element_type3A_254, %cond3A_255 : i32
    scf.if %cond3A_256 {
      %iota3A = tpu.iota {dimensions = array<i32: 0>} : vector<16xi32>
      %lt3A_297 = arith.constant 7 : i32
      %lt3A_298 = vector.broadcast %lt3A_297 : i32 to vector<16xi32>
      %lt3A_299 = arith.cmpi slt, %iota3A, %lt3A_298 : vector<16xi32>
      %get3A = arith.constant 608 : index
      %get3A_300 = tpu.vector_load %arg18[%get3A] {strides = array<i32>} : memref<5760xf32, #tpu.memory_space<vmem>>, vector<16xf32>,
      %get3A_301 = vector.shape_cast %get3A_300 : vector<16xf32> to vector<16xf32>
      %jit3A = arith.constant 0.000000e+00 : f32
      %broadcast_in_dim3A_302 = vector.broadcast %jit3A : f32 to vector<16xf32>
      %select_n3A = arith.select %lt3A_299, %get3A_301, %broadcast_in_dim3A_302 : vector<16xi1>, vector<16xf32>
      %swap3A_303 = arith.constant 608 : index
      %swap3A_304 = tpu.vector_load %arg18[%swap3A_303] {strides = array<i32>} : memref<5760xf32, #tpu.memory_space<vmem>>, vector<16xf32>,
      %swap3A_305 = vector.shape_cast %swap3A_304 : vector<16xf32> to vector<16xf32>
      %swap3A_306 = vector.shape_cast %select_n3A : vector<16xf32> to vector<16xf32>
      tpu.vector_store %arg18[%swap3A_303], %swap3A_306 {strides = array<i32>} : memref<5760xf32, #tpu.memory_space<vmem>>, vector<16xf32>,
      %scan3A_307 = arith.constant 0 : i32
      %scan3A_308 = arith.constant 39 : i32
      %scan3A_309 = arith.constant 319 : i32
      %scan3A_310 = arith.addi %scan3A_308, %scan3A_309 : i32
      %scan3A_311 = arith.constant 1 : i32
      %scan3A_312 = scf.for %scan3A_314 = %scan3A_308 to %scan3A_310 step %scan3A_311 iter_args(%scan3A_315 = %scan3A_307) -> (i32)  : i32 {
        %broadcast_in_dim3A_316 = arith.constant 0.000000e+00 : f32
        %broadcast_in_dim3A_317 = vector.broadcast %broadcast_in_dim3A_316 : f32 to vector<16xf32>
        %mul3A_318 = arith.constant 16 : i32
        %mul3A_319 = arith.muli %scan3A_314, %mul3A_318 : i32
        %swap3A_320 = arith.index_cast %mul3A_319 : i32 to index
        %swap3A_321 = tpu.vector_load %arg18[%swap3A_320] {strides = array<i32>} : memref<5760xf32, #tpu.memory_space<vmem>>, vector<16xf32>,
        %swap3A_322 = vector.shape_cast %swap3A_321 : vector<16xf32> to vector<16xf32>
        %swap3A_323 = vector.shape_cast %broadcast_in_dim3A_317 : vector<16xf32> to vector<16xf32>
        tpu.vector_store %arg18[%swap3A_320], %swap3A_323 {strides = array<i32>} : memref<5760xf32, #tpu.memory_space<vmem>>, vector<16xf32>,
        %scan3A_324 = arith.constant 0 : i32
        scf.yield %scan3A_324 : i32
      }
      %scan3A_313 = arith.constant 319 : i32
    } else {
    }
    %dma_wait3A_257 = arith.constant 0 : i32
    %dma_wait3A_258 = tpu.memref_slice %arg22[%dma_wait3A_257] : memref<5760xf32, #tpu.memory_space<vmem>> -> memref<2880xf32, #tpu.memory_space<vmem>>
    %dma_wait3A_259 = arith.constant 0 : i32
    %dma_wait3A_260 = tpu.memref_slice %arg14[%dma_wait3A_259] : memref<5760xi32, #tpu.memory_space<vmem>> -> memref<2880xi32, #tpu.memory_space<vmem>>
    %dma_wait3A_261 = arith.constant 0 : i32
    %dma_wait3A_262 = tpu.memref_slice %arg7[%dma_wait3A_261] : memref<262144xf32, #tpu.memory_space<vmem_shared>> -> memref<262144xf32, #tpu.memory_space<vmem_shared>>
    tpu.wait_indirect_dma semaphore(%arg31 : memref<!tpu.dma_semaphore, #tpu.memory_space<semaphore_mem>>) src(%dma_wait3A_262 : memref<262144xf32, #tpu.memory_space<vmem_shared>>) dst(%dma_wait3A_258 : memref<2880xf32, #tpu.memory_space<vmem>>)
    %scan3A_263 = arith.constant 0 : i32
    %scan3A_264 = arith.constant 0 : i32
    %scan3A_265 = arith.constant 15 : i32
    %scan3A_266 = arith.addi %scan3A_264, %scan3A_265 : i32
    %scan3A_267 = arith.constant 1 : i32
    %scan3A_268 = scf.for %scan3A_297 = %scan3A_264 to %scan3A_266 step %scan3A_267 iter_args(%scan3A_298 = %scan3A_263) -> (i32)  : i32 {
      %mul3A_299 = arith.constant 192 : i32
      %mul3A_300 = arith.muli %scan3A_297, %mul3A_299 : i32
      %add3A_301 = arith.constant 0 : i32
      %add3A_302 = arith.addi %mul3A_300, %add3A_301 : i32
      %get3A = arith.index_cast %add3A_302 : i32 to index
      %get3A_303 = tpu.vector_load %arg22[%get3A] {strides = array<i32>} : memref<5760xf32, #tpu.memory_space<vmem>>, vector<16xf32>,
      %get3A_304 = vector.shape_cast %get3A_303 : vector<16xf32> to vector<16xf32>
      %get3A_305 = arith.index_cast %add3A_302 : i32 to index
      %get3A_306 = tpu.vector_load %arg18[%get3A_305] {strides = array<i32>} : memref<5760xf32, #tpu.memory_space<vmem>>, vector<16xf32>,
      %get3A_307 = vector.shape_cast %get3A_306 : vector<16xf32> to vector<16xf32>
      %mul3A_308 = arith.mulf %get3A_304, %get3A_307 : vector<16xf32>
      %swap3A_309 = arith.index_cast %add3A_302 : i32 to index
      %swap3A_310 = tpu.vector_load %arg22[%swap3A_309] {strides = array<i32>} : memref<5760xf32, #tpu.memory_space<vmem>>, vector<16xf32>,
      %swap3A_311 = vector.shape_cast %swap3A_310 : vector<16xf32> to vector<16xf32>
      %swap3A_312 = vector.shape_cast %mul3A_308 : vector<16xf32> to vector<16xf32>
      tpu.vector_store %arg22[%swap3A_309], %swap3A_312 {strides = array<i32>} : memref<5760xf32, #tpu.memory_space<vmem>>, vector<16xf32>,
      %mul3A_313 = arith.constant 192 : i32
      %mul3A_314 = arith.muli %scan3A_297, %mul3A_313 : i32
      %add3A_315 = arith.constant 16 : i32
      %add3A_316 = arith.addi %mul3A_314, %add3A_315 : i32
      %get3A_317 = arith.index_cast %add3A_316 : i32 to index
      %get3A_318 = tpu.vector_load %arg22[%get3A_317] {strides = array<i32>} : memref<5760xf32, #tpu.memory_space<vmem>>, vector<16xf32>,
      %get3A_319 = vector.shape_cast %get3A_318 : vector<16xf32> to vector<16xf32>
      %get3A_320 = arith.index_cast %add3A_316 : i32 to index
      %get3A_321 = tpu.vector_load %arg18[%get3A_320] {strides = array<i32>} : memref<5760xf32, #tpu.memory_space<vmem>>, vector<16xf32>,
      %get3A_322 = vector.shape_cast %get3A_321 : vector<16xf32> to vector<16xf32>
      %mul3A_323 = arith.mulf %get3A_319, %get3A_322 : vector<16xf32>
      %swap3A_324 = arith.index_cast %add3A_316 : i32 to index
      %swap3A_325 = tpu.vector_load %arg22[%swap3A_324] {strides = array<i32>} : memref<5760xf32, #tpu.memory_space<vmem>>, vector<16xf32>,
      %swap3A_326 = vector.shape_cast %swap3A_325 : vector<16xf32> to vector<16xf32>
      %swap3A_327 = vector.shape_cast %mul3A_323 : vector<16xf32> to vector<16xf32>
      tpu.vector_store %arg22[%swap3A_324], %swap3A_327 {strides = array<i32>} : memref<5760xf32, #tpu.memory_space<vmem>>, vector<16xf32>,
      %mul3A_328 = arith.constant 192 : i32
      %mul3A_329 = arith.muli %scan3A_297, %mul3A_328 : i32
      %add3A_330 = arith.constant 32 : i32
      %add3A_331 = arith.addi %mul3A_329, %add3A_330 : i32
      %get3A_332 = arith.index_cast %add3A_331 : i32 to index
      %get3A_333 = tpu.vector_load %arg22[%get3A_332] {strides = array<i32>} : memref<5760xf32, #tpu.memory_space<vmem>>, vector<16xf32>,
      %get3A_334 = vector.shape_cast %get3A_333 : vector<16xf32> to vector<16xf32>
      %get3A_335 = arith.index_cast %add3A_331 : i32 to index
      %get3A_336 = tpu.vector_load %arg18[%get3A_335] {strides = array<i32>} : memref<5760xf32, #tpu.memory_space<vmem>>, vector<16xf32>,
      %get3A_337 = vector.shape_cast %get3A_336 : vector<16xf32> to vector<16xf32>
      %mul3A_338 = arith.mulf %get3A_334, %get3A_337 : vector<16xf32>
      %swap3A_339 = arith.index_cast %add3A_331 : i32 to index
      %swap3A_340 = tpu.vector_load %arg22[%swap3A_339] {strides = array<i32>} : memref<5760xf32, #tpu.memory_space<vmem>>, vector<16xf32>,
      %swap3A_341 = vector.shape_cast %swap3A_340 : vector<16xf32> to vector<16xf32>
      %swap3A_342 = vector.shape_cast %mul3A_338 : vector<16xf32> to vector<16xf32>
      tpu.vector_store %arg22[%swap3A_339], %swap3A_342 {strides = array<i32>} : memref<5760xf32, #tpu.memory_space<vmem>>, vector<16xf32>,
      %mul3A_343 = arith.constant 192 : i32
      %mul3A_344 = arith.muli %scan3A_297, %mul3A_343 : i32
      %add3A_345 = arith.constant 48 : i32
      %add3A_346 = arith.addi %mul3A_344, %add3A_345 : i32
      %get3A_347 = arith.index_cast %add3A_346 : i32 to index
      %get3A_348 = tpu.vector_load %arg22[%get3A_347] {strides = array<i32>} : memref<5760xf32, #tpu.memory_space<vmem>>, vector<16xf32>,
      %get3A_349 = vector.shape_cast %get3A_348 : vector<16xf32> to vector<16xf32>
      %get3A_350 = arith.index_cast %add3A_346 : i32 to index
      %get3A_351 = tpu.vector_load %arg18[%get3A_350] {strides = array<i32>} : memref<5760xf32, #tpu.memory_space<vmem>>, vector<16xf32>,
      %get3A_352 = vector.shape_cast %get3A_351 : vector<16xf32> to vector<16xf32>
      %mul3A_353 = arith.mulf %get3A_349, %get3A_352 : vector<16xf32>
      %swap3A_354 = arith.index_cast %add3A_346 : i32 to index
      %swap3A_355 = tpu.vector_load %arg22[%swap3A_354] {strides = array<i32>} : memref<5760xf32, #tpu.memory_space<vmem>>, vector<16xf32>,
      %swap3A_356 = vector.shape_cast %swap3A_355 : vector<16xf32> to vector<16xf32>
      %swap3A_357 = vector.shape_cast %mul3A_353 : vector<16xf32> to vector<16xf32>
      tpu.vector_store %arg22[%swap3A_354], %swap3A_357 {strides = array<i32>} : memref<5760xf32, #tpu.memory_space<vmem>>, vector<16xf32>,
      %mul3A_358 = arith.constant 192 : i32
      %mul3A_359 = arith.muli %scan3A_297, %mul3A_358 : i32
      %add3A_360 = arith.constant 64 : i32
      %add3A_361 = arith.addi %mul3A_359, %add3A_360 : i32
      %get3A_362 = arith.index_cast %add3A_361 : i32 to index
      %get3A_363 = tpu.vector_load %arg22[%get3A_362] {strides = array<i32>} : memref<5760xf32, #tpu.memory_space<vmem>>, vector<16xf32>,
      %get3A_364 = vector.shape_cast %get3A_363 : vector<16xf32> to vector<16xf32>
      %get3A_365 = arith.index_cast %add3A_361 : i32 to index
      %get3A_366 = tpu.vector_load %arg18[%get3A_365] {strides = array<i32>} : memref<5760xf32, #tpu.memory_space<vmem>>, vector<16xf32>,
      %get3A_367 = vector.shape_cast %get3A_366 : vector<16xf32> to vector<16xf32>
      %mul3A_368 = arith.mulf %get3A_364, %get3A_367 : vector<16xf32>
      %swap3A_369 = arith.index_cast %add3A_361 : i32 to index
      %swap3A_370 = tpu.vector_load %arg22[%swap3A_369] {strides = array<i32>} : memref<5760xf32, #tpu.memory_space<vmem>>, vector<16xf32>,
      %swap3A_371 = vector.shape_cast %swap3A_370 : vector<16xf32> to vector<16xf32>
      %swap3A_372 = vector.shape_cast %mul3A_368 : vector<16xf32> to vector<16xf32>
      tpu.vector_store %arg22[%swap3A_369], %swap3A_372 {strides = array<i32>} : memref<5760xf32, #tpu.memory_space<vmem>>, vector<16xf32>,
      %mul3A_373 = arith.constant 192 : i32
      %mul3A_374 = arith.muli %scan3A_297, %mul3A_373 : i32
      %add3A_375 = arith.constant 80 : i32
      %add3A_376 = arith.addi %mul3A_374, %add3A_375 : i32
      %get3A_377 = arith.index_cast %add3A_376 : i32 to index
      %get3A_378 = tpu.vector_load %arg22[%get3A_377] {strides = array<i32>} : memref<5760xf32, #tpu.memory_space<vmem>>, vector<16xf32>,
      %get3A_379 = vector.shape_cast %get3A_378 : vector<16xf32> to vector<16xf32>
      %get3A_380 = arith.index_cast %add3A_376 : i32 to index
      %get3A_381 = tpu.vector_load %arg18[%get3A_380] {strides = array<i32>} : memref<5760xf32, #tpu.memory_space<vmem>>, vector<16xf32>,
      %get3A_382 = vector.shape_cast %get3A_381 : vector<16xf32> to vector<16xf32>
      %mul3A_383 = arith.mulf %get3A_379, %get3A_382 : vector<16xf32>
      %swap3A_384 = arith.index_cast %add3A_376 : i32 to index
      %swap3A_385 = tpu.vector_load %arg22[%swap3A_384] {strides = array<i32>} : memref<5760xf32, #tpu.memory_space<vmem>>, vector<16xf32>,
      %swap3A_386 = vector.shape_cast %swap3A_385 : vector<16xf32> to vector<16xf32>
      %swap3A_387 = vector.shape_cast %mul3A_383 : vector<16xf32> to vector<16xf32>
      tpu.vector_store %arg22[%swap3A_384], %swap3A_387 {strides = array<i32>} : memref<5760xf32, #tpu.memory_space<vmem>>, vector<16xf32>,
      %mul3A_388 = arith.constant 192 : i32
      %mul3A_389 = arith.muli %scan3A_297, %mul3A_388 : i32
      %add3A_390 = arith.constant 96 : i32
      %add3A_391 = arith.addi %mul3A_389, %add3A_390 : i32
      %get3A_392 = arith.index_cast %add3A_391 : i32 to index
      %get3A_393 = tpu.vector_load %arg22[%get3A_392] {strides = array<i32>} : memref<5760xf32, #tpu.memory_space<vmem>>, vector<16xf32>,
      %get3A_394 = vector.shape_cast %get3A_393 : vector<16xf32> to vector<16xf32>
      %get3A_395 = arith.index_cast %add3A_391 : i32 to index
      %get3A_396 = tpu.vector_load %arg18[%get3A_395] {strides = array<i32>} : memref<5760xf32, #tpu.memory_space<vmem>>, vector<16xf32>,
      %get3A_397 = vector.shape_cast %get3A_396 : vector<16xf32> to vector<16xf32>
      %mul3A_398 = arith.mulf %get3A_394, %get3A_397 : vector<16xf32>
      %swap3A_399 = arith.index_cast %add3A_391 : i32 to index
      %swap3A_400 = tpu.vector_load %arg22[%swap3A_399] {strides = array<i32>} : memref<5760xf32, #tpu.memory_space<vmem>>, vector<16xf32>,
      %swap3A_401 = vector.shape_cast %swap3A_400 : vector<16xf32> to vector<16xf32>
      %swap3A_402 = vector.shape_cast %mul3A_398 : vector<16xf32> to vector<16xf32>
      tpu.vector_store %arg22[%swap3A_399], %swap3A_402 {strides = array<i32>} : memref<5760xf32, #tpu.memory_space<vmem>>, vector<16xf32>,
      %mul3A_403 = arith.constant 192 : i32
      %mul3A_404 = arith.muli %scan3A_297, %mul3A_403 : i32
      %add3A_405 = arith.constant 112 : i32
      %add3A_406 = arith.addi %mul3A_404, %add3A_405 : i32
      %get3A_407 = arith.index_cast %add3A_406 : i32 to index
      %get3A_408 = tpu.vector_load %arg22[%get3A_407] {strides = array<i32>} : memref<5760xf32, #tpu.memory_space<vmem>>, vector<16xf32>,
      %get3A_409 = vector.shape_cast %get3A_408 : vector<16xf32> to vector<16xf32>
      %get3A_410 = arith.index_cast %add3A_406 : i32 to index
      %get3A_411 = tpu.vector_load %arg18[%get3A_410] {strides = array<i32>} : memref<5760xf32, #tpu.memory_space<vmem>>, vector<16xf32>,
      %get3A_412 = vector.shape_cast %get3A_411 : vector<16xf32> to vector<16xf32>
      %mul3A_413 = arith.mulf %get3A_409, %get3A_412 : vector<16xf32>
      %swap3A_414 = arith.index_cast %add3A_406 : i32 to index
      %swap3A_415 = tpu.vector_load %arg22[%swap3A_414] {strides = array<i32>} : memref<5760xf32, #tpu.memory_space<vmem>>, vector<16xf32>,
      %swap3A_416 = vector.shape_cast %swap3A_415 : vector<16xf32> to vector<16xf32>
      %swap3A_417 = vector.shape_cast %mul3A_413 : vector<16xf32> to vector<16xf32>
      tpu.vector_store %arg22[%swap3A_414], %swap3A_417 {strides = array<i32>} : memref<5760xf32, #tpu.memory_space<vmem>>, vector<16xf32>,
      %mul3A_418 = arith.constant 192 : i32
      %mul3A_419 = arith.muli %scan3A_297, %mul3A_418 : i32
      %add3A_420 = arith.constant 128 : i32
      %add3A_421 = arith.addi %mul3A_419, %add3A_420 : i32
      %get3A_422 = arith.index_cast %add3A_421 : i32 to index
      %get3A_423 = tpu.vector_load %arg22[%get3A_422] {strides = array<i32>} : memref<5760xf32, #tpu.memory_space<vmem>>, vector<16xf32>,
      %get3A_424 = vector.shape_cast %get3A_423 : vector<16xf32> to vector<16xf32>
      %get3A_425 = arith.index_cast %add3A_421 : i32 to index
      %get3A_426 = tpu.vector_load %arg18[%get3A_425] {strides = array<i32>} : memref<5760xf32, #tpu.memory_space<vmem>>, vector<16xf32>,
      %get3A_427 = vector.shape_cast %get3A_426 : vector<16xf32> to vector<16xf32>
      %mul3A_428 = arith.mulf %get3A_424, %get3A_427 : vector<16xf32>
      %swap3A_429 = arith.index_cast %add3A_421 : i32 to index
      %swap3A_430 = tpu.vector_load %arg22[%swap3A_429] {strides = array<i32>} : memref<5760xf32, #tpu.memory_space<vmem>>, vector<16xf32>,
      %swap3A_431 = vector.shape_cast %swap3A_430 : vector<16xf32> to vector<16xf32>
      %swap3A_432 = vector.shape_cast %mul3A_428 : vector<16xf32> to vector<16xf32>
      tpu.vector_store %arg22[%swap3A_429], %swap3A_432 {strides = array<i32>} : memref<5760xf32, #tpu.memory_space<vmem>>, vector<16xf32>,
      %mul3A_433 = arith.constant 192 : i32
      %mul3A_434 = arith.muli %scan3A_297, %mul3A_433 : i32
      %add3A_435 = arith.constant 144 : i32
      %add3A_436 = arith.addi %mul3A_434, %add3A_435 : i32
      %get3A_437 = arith.index_cast %add3A_436 : i32 to index
      %get3A_438 = tpu.vector_load %arg22[%get3A_437] {strides = array<i32>} : memref<5760xf32, #tpu.memory_space<vmem>>, vector<16xf32>,
      %get3A_439 = vector.shape_cast %get3A_438 : vector<16xf32> to vector<16xf32>
      %get3A_440 = arith.index_cast %add3A_436 : i32 to index
      %get3A_441 = tpu.vector_load %arg18[%get3A_440] {strides = array<i32>} : memref<5760xf32, #tpu.memory_space<vmem>>, vector<16xf32>,
      %get3A_442 = vector.shape_cast %get3A_441 : vector<16xf32> to vector<16xf32>
      %mul3A_443 = arith.mulf %get3A_439, %get3A_442 : vector<16xf32>
      %swap3A_444 = arith.index_cast %add3A_436 : i32 to index
      %swap3A_445 = tpu.vector_load %arg22[%swap3A_444] {strides = array<i32>} : memref<5760xf32, #tpu.memory_space<vmem>>, vector<16xf32>,
      %swap3A_446 = vector.shape_cast %swap3A_445 : vector<16xf32> to vector<16xf32>
      %swap3A_447 = vector.shape_cast %mul3A_443 : vector<16xf32> to vector<16xf32>
      tpu.vector_store %arg22[%swap3A_444], %swap3A_447 {strides = array<i32>} : memref<5760xf32, #tpu.memory_space<vmem>>, vector<16xf32>,
      %mul3A_448 = arith.constant 192 : i32
      %mul3A_449 = arith.muli %scan3A_297, %mul3A_448 : i32
      %add3A_450 = arith.constant 160 : i32
      %add3A_451 = arith.addi %mul3A_449, %add3A_450 : i32
      %get3A_452 = arith.index_cast %add3A_451 : i32 to index
      %get3A_453 = tpu.vector_load %arg22[%get3A_452] {strides = array<i32>} : memref<5760xf32, #tpu.memory_space<vmem>>, vector<16xf32>,
      %get3A_454 = vector.shape_cast %get3A_453 : vector<16xf32> to vector<16xf32>
      %get3A_455 = arith.index_cast %add3A_451 : i32 to index
      %get3A_456 = tpu.vector_load %arg18[%get3A_455] {strides = array<i32>} : memref<5760xf32, #tpu.memory_space<vmem>>, vector<16xf32>,
      %get3A_457 = vector.shape_cast %get3A_456 : vector<16xf32> to vector<16xf32>
      %mul3A_458 = arith.mulf %get3A_454, %get3A_457 : vector<16xf32>
      %swap3A_459 = arith.index_cast %add3A_451 : i32 to index
      %swap3A_460 = tpu.vector_load %arg22[%swap3A_459] {strides = array<i32>} : memref<5760xf32, #tpu.memory_space<vmem>>, vector<16xf32>,
      %swap3A_461 = vector.shape_cast %swap3A_460 : vector<16xf32> to vector<16xf32>
      %swap3A_462 = vector.shape_cast %mul3A_458 : vector<16xf32> to vector<16xf32>
      tpu.vector_store %arg22[%swap3A_459], %swap3A_462 {strides = array<i32>} : memref<5760xf32, #tpu.memory_space<vmem>>, vector<16xf32>,
      %mul3A_463 = arith.constant 192 : i32
      %mul3A_464 = arith.muli %scan3A_297, %mul3A_463 : i32
      %add3A_465 = arith.constant 176 : i32
      %add3A_466 = arith.addi %mul3A_464, %add3A_465 : i32
      %get3A_467 = arith.index_cast %add3A_466 : i32 to index
      %get3A_468 = tpu.vector_load %arg22[%get3A_467] {strides = array<i32>} : memref<5760xf32, #tpu.memory_space<vmem>>, vector<16xf32>,
      %get3A_469 = vector.shape_cast %get3A_468 : vector<16xf32> to vector<16xf32>
      %get3A_470 = arith.index_cast %add3A_466 : i32 to index
      %get3A_471 = tpu.vector_load %arg18[%get3A_470] {strides = array<i32>} : memref<5760xf32, #tpu.memory_space<vmem>>, vector<16xf32>,
      %get3A_472 = vector.shape_cast %get3A_471 : vector<16xf32> to vector<16xf32>
      %mul3A_473 = arith.mulf %get3A_469, %get3A_472 : vector<16xf32>
      %swap3A_474 = arith.index_cast %add3A_466 : i32 to index
      %swap3A_475 = tpu.vector_load %arg22[%swap3A_474] {strides = array<i32>} : memref<5760xf32, #tpu.memory_space<vmem>>, vector<16xf32>,
      %swap3A_476 = vector.shape_cast %swap3A_475 : vector<16xf32> to vector<16xf32>
      %swap3A_477 = vector.shape_cast %mul3A_473 : vector<16xf32> to vector<16xf32>
      tpu.vector_store %arg22[%swap3A_474], %swap3A_477 {strides = array<i32>} : memref<5760xf32, #tpu.memory_space<vmem>>, vector<16xf32>,
      %scan3A_478 = arith.constant 0 : i32
      scf.yield %scan3A_478 : i32
    }
    %scan3A_269 = arith.constant 15 : i32
    %dma_wait3A_270 = arith.constant 2880 : i32
    %dma_wait3A_271 = tpu.memref_slice %arg22[%dma_wait3A_270] : memref<5760xf32, #tpu.memory_space<vmem>> -> memref<2880xf32, #tpu.memory_space<vmem>>
    %dma_wait3A_272 = arith.constant 2880 : i32
    %dma_wait3A_273 = tpu.memref_slice %arg14[%dma_wait3A_272] : memref<5760xi32, #tpu.memory_space<vmem>> -> memref<2880xi32, #tpu.memory_space<vmem>>
    %dma_wait3A_274 = arith.constant 0 : i32
    %dma_wait3A_275 = tpu.memref_slice %arg7[%dma_wait3A_274] : memref<262144xf32, #tpu.memory_space<vmem_shared>> -> memref<262144xf32, #tpu.memory_space<vmem_shared>>
    tpu.wait_indirect_dma semaphore(%arg35 : memref<!tpu.dma_semaphore, #tpu.memory_space<semaphore_mem>>) src(%dma_wait3A_275 : memref<262144xf32, #tpu.memory_space<vmem_shared>>) dst(%dma_wait3A_271 : memref<2880xf32, #tpu.memory_space<vmem>>)
    %scan3A_276 = arith.constant 0 : i32
    %scan3A_277 = arith.constant 15 : i32
    %scan3A_278 = arith.constant 15 : i32
    %scan3A_279 = arith.addi %scan3A_277, %scan3A_278 : i32
    %scan3A_280 = arith.constant 1 : i32
    %scan3A_281 = scf.for %scan3A_297 = %scan3A_277 to %scan3A_279 step %scan3A_280 iter_args(%scan3A_298 = %scan3A_276) -> (i32)  : i32 {
      %mul3A_299 = arith.constant 192 : i32
      %mul3A_300 = arith.muli %scan3A_297, %mul3A_299 : i32
      %add3A_301 = arith.constant 0 : i32
      %add3A_302 = arith.addi %mul3A_300, %add3A_301 : i32
      %get3A = arith.index_cast %add3A_302 : i32 to index
      %get3A_303 = tpu.vector_load %arg22[%get3A] {strides = array<i32>} : memref<5760xf32, #tpu.memory_space<vmem>>, vector<16xf32>,
      %get3A_304 = vector.shape_cast %get3A_303 : vector<16xf32> to vector<16xf32>
      %get3A_305 = arith.index_cast %add3A_302 : i32 to index
      %get3A_306 = tpu.vector_load %arg18[%get3A_305] {strides = array<i32>} : memref<5760xf32, #tpu.memory_space<vmem>>, vector<16xf32>,
      %get3A_307 = vector.shape_cast %get3A_306 : vector<16xf32> to vector<16xf32>
      %mul3A_308 = arith.mulf %get3A_304, %get3A_307 : vector<16xf32>
      %swap3A_309 = arith.index_cast %add3A_302 : i32 to index
      %swap3A_310 = tpu.vector_load %arg22[%swap3A_309] {strides = array<i32>} : memref<5760xf32, #tpu.memory_space<vmem>>, vector<16xf32>,
      %swap3A_311 = vector.shape_cast %swap3A_310 : vector<16xf32> to vector<16xf32>
      %swap3A_312 = vector.shape_cast %mul3A_308 : vector<16xf32> to vector<16xf32>
      tpu.vector_store %arg22[%swap3A_309], %swap3A_312 {strides = array<i32>} : memref<5760xf32, #tpu.memory_space<vmem>>, vector<16xf32>,
      %mul3A_313 = arith.constant 192 : i32
      %mul3A_314 = arith.muli %scan3A_297, %mul3A_313 : i32
      %add3A_315 = arith.constant 16 : i32
      %add3A_316 = arith.addi %mul3A_314, %add3A_315 : i32
      %get3A_317 = arith.index_cast %add3A_316 : i32 to index
      %get3A_318 = tpu.vector_load %arg22[%get3A_317] {strides = array<i32>} : memref<5760xf32, #tpu.memory_space<vmem>>, vector<16xf32>,
      %get3A_319 = vector.shape_cast %get3A_318 : vector<16xf32> to vector<16xf32>
      %get3A_320 = arith.index_cast %add3A_316 : i32 to index
      %get3A_321 = tpu.vector_load %arg18[%get3A_320] {strides = array<i32>} : memref<5760xf32, #tpu.memory_space<vmem>>, vector<16xf32>,
      %get3A_322 = vector.shape_cast %get3A_321 : vector<16xf32> to vector<16xf32>
      %mul3A_323 = arith.mulf %get3A_319, %get3A_322 : vector<16xf32>
      %swap3A_324 = arith.index_cast %add3A_316 : i32 to index
      %swap3A_325 = tpu.vector_load %arg22[%swap3A_324] {strides = array<i32>} : memref<5760xf32, #tpu.memory_space<vmem>>, vector<16xf32>,
      %swap3A_326 = vector.shape_cast %swap3A_325 : vector<16xf32> to vector<16xf32>
      %swap3A_327 = vector.shape_cast %mul3A_323 : vector<16xf32> to vector<16xf32>
      tpu.vector_store %arg22[%swap3A_324], %swap3A_327 {strides = array<i32>} : memref<5760xf32, #tpu.memory_space<vmem>>, vector<16xf32>,
      %mul3A_328 = arith.constant 192 : i32
      %mul3A_329 = arith.muli %scan3A_297, %mul3A_328 : i32
      %add3A_330 = arith.constant 32 : i32
      %add3A_331 = arith.addi %mul3A_329, %add3A_330 : i32
      %get3A_332 = arith.index_cast %add3A_331 : i32 to index
      %get3A_333 = tpu.vector_load %arg22[%get3A_332] {strides = array<i32>} : memref<5760xf32, #tpu.memory_space<vmem>>, vector<16xf32>,
      %get3A_334 = vector.shape_cast %get3A_333 : vector<16xf32> to vector<16xf32>
      %get3A_335 = arith.index_cast %add3A_331 : i32 to index
      %get3A_336 = tpu.vector_load %arg18[%get3A_335] {strides = array<i32>} : memref<5760xf32, #tpu.memory_space<vmem>>, vector<16xf32>,
      %get3A_337 = vector.shape_cast %get3A_336 : vector<16xf32> to vector<16xf32>
      %mul3A_338 = arith.mulf %get3A_334, %get3A_337 : vector<16xf32>
      %swap3A_339 = arith.index_cast %add3A_331 : i32 to index
      %swap3A_340 = tpu.vector_load %arg22[%swap3A_339] {strides = array<i32>} : memref<5760xf32, #tpu.memory_space<vmem>>, vector<16xf32>,
      %swap3A_341 = vector.shape_cast %swap3A_340 : vector<16xf32> to vector<16xf32>
      %swap3A_342 = vector.shape_cast %mul3A_338 : vector<16xf32> to vector<16xf32>
      tpu.vector_store %arg22[%swap3A_339], %swap3A_342 {strides = array<i32>} : memref<5760xf32, #tpu.memory_space<vmem>>, vector<16xf32>,
      %mul3A_343 = arith.constant 192 : i32
      %mul3A_344 = arith.muli %scan3A_297, %mul3A_343 : i32
      %add3A_345 = arith.constant 48 : i32
      %add3A_346 = arith.addi %mul3A_344, %add3A_345 : i32
      %get3A_347 = arith.index_cast %add3A_346 : i32 to index
      %get3A_348 = tpu.vector_load %arg22[%get3A_347] {strides = array<i32>} : memref<5760xf32, #tpu.memory_space<vmem>>, vector<16xf32>,
      %get3A_349 = vector.shape_cast %get3A_348 : vector<16xf32> to vector<16xf32>
      %get3A_350 = arith.index_cast %add3A_346 : i32 to index
      %get3A_351 = tpu.vector_load %arg18[%get3A_350] {strides = array<i32>} : memref<5760xf32, #tpu.memory_space<vmem>>, vector<16xf32>,
      %get3A_352 = vector.shape_cast %get3A_351 : vector<16xf32> to vector<16xf32>
      %mul3A_353 = arith.mulf %get3A_349, %get3A_352 : vector<16xf32>
      %swap3A_354 = arith.index_cast %add3A_346 : i32 to index
      %swap3A_355 = tpu.vector_load %arg22[%swap3A_354] {strides = array<i32>} : memref<5760xf32, #tpu.memory_space<vmem>>, vector<16xf32>,
      %swap3A_356 = vector.shape_cast %swap3A_355 : vector<16xf32> to vector<16xf32>
      %swap3A_357 = vector.shape_cast %mul3A_353 : vector<16xf32> to vector<16xf32>
      tpu.vector_store %arg22[%swap3A_354], %swap3A_357 {strides = array<i32>} : memref<5760xf32, #tpu.memory_space<vmem>>, vector<16xf32>,
      %mul3A_358 = arith.constant 192 : i32
      %mul3A_359 = arith.muli %scan3A_297, %mul3A_358 : i32
      %add3A_360 = arith.constant 64 : i32
      %add3A_361 = arith.addi %mul3A_359, %add3A_360 : i32
      %get3A_362 = arith.index_cast %add3A_361 : i32 to index
      %get3A_363 = tpu.vector_load %arg22[%get3A_362] {strides = array<i32>} : memref<5760xf32, #tpu.memory_space<vmem>>, vector<16xf32>,
      %get3A_364 = vector.shape_cast %get3A_363 : vector<16xf32> to vector<16xf32>
      %get3A_365 = arith.index_cast %add3A_361 : i32 to index
      %get3A_366 = tpu.vector_load %arg18[%get3A_365] {strides = array<i32>} : memref<5760xf32, #tpu.memory_space<vmem>>, vector<16xf32>,
      %get3A_367 = vector.shape_cast %get3A_366 : vector<16xf32> to vector<16xf32>
      %mul3A_368 = arith.mulf %get3A_364, %get3A_367 : vector<16xf32>
      %swap3A_369 = arith.index_cast %add3A_361 : i32 to index
      %swap3A_370 = tpu.vector_load %arg22[%swap3A_369] {strides = array<i32>} : memref<5760xf32, #tpu.memory_space<vmem>>, vector<16xf32>,
      %swap3A_371 = vector.shape_cast %swap3A_370 : vector<16xf32> to vector<16xf32>
      %swap3A_372 = vector.shape_cast %mul3A_368 : vector<16xf32> to vector<16xf32>
      tpu.vector_store %arg22[%swap3A_369], %swap3A_372 {strides = array<i32>} : memref<5760xf32, #tpu.memory_space<vmem>>, vector<16xf32>,
      %mul3A_373 = arith.constant 192 : i32
      %mul3A_374 = arith.muli %scan3A_297, %mul3A_373 : i32
      %add3A_375 = arith.constant 80 : i32
      %add3A_376 = arith.addi %mul3A_374, %add3A_375 : i32
      %get3A_377 = arith.index_cast %add3A_376 : i32 to index
      %get3A_378 = tpu.vector_load %arg22[%get3A_377] {strides = array<i32>} : memref<5760xf32, #tpu.memory_space<vmem>>, vector<16xf32>,
      %get3A_379 = vector.shape_cast %get3A_378 : vector<16xf32> to vector<16xf32>
      %get3A_380 = arith.index_cast %add3A_376 : i32 to index
      %get3A_381 = tpu.vector_load %arg18[%get3A_380] {strides = array<i32>} : memref<5760xf32, #tpu.memory_space<vmem>>, vector<16xf32>,
      %get3A_382 = vector.shape_cast %get3A_381 : vector<16xf32> to vector<16xf32>
      %mul3A_383 = arith.mulf %get3A_379, %get3A_382 : vector<16xf32>
      %swap3A_384 = arith.index_cast %add3A_376 : i32 to index
      %swap3A_385 = tpu.vector_load %arg22[%swap3A_384] {strides = array<i32>} : memref<5760xf32, #tpu.memory_space<vmem>>, vector<16xf32>,
      %swap3A_386 = vector.shape_cast %swap3A_385 : vector<16xf32> to vector<16xf32>
      %swap3A_387 = vector.shape_cast %mul3A_383 : vector<16xf32> to vector<16xf32>
      tpu.vector_store %arg22[%swap3A_384], %swap3A_387 {strides = array<i32>} : memref<5760xf32, #tpu.memory_space<vmem>>, vector<16xf32>,
      %mul3A_388 = arith.constant 192 : i32
      %mul3A_389 = arith.muli %scan3A_297, %mul3A_388 : i32
      %add3A_390 = arith.constant 96 : i32
      %add3A_391 = arith.addi %mul3A_389, %add3A_390 : i32
      %get3A_392 = arith.index_cast %add3A_391 : i32 to index
      %get3A_393 = tpu.vector_load %arg22[%get3A_392] {strides = array<i32>} : memref<5760xf32, #tpu.memory_space<vmem>>, vector<16xf32>,
      %get3A_394 = vector.shape_cast %get3A_393 : vector<16xf32> to vector<16xf32>
      %get3A_395 = arith.index_cast %add3A_391 : i32 to index
      %get3A_396 = tpu.vector_load %arg18[%get3A_395] {strides = array<i32>} : memref<5760xf32, #tpu.memory_space<vmem>>, vector<16xf32>,
      %get3A_397 = vector.shape_cast %get3A_396 : vector<16xf32> to vector<16xf32>
      %mul3A_398 = arith.mulf %get3A_394, %get3A_397 : vector<16xf32>
      %swap3A_399 = arith.index_cast %add3A_391 : i32 to index
      %swap3A_400 = tpu.vector_load %arg22[%swap3A_399] {strides = array<i32>} : memref<5760xf32, #tpu.memory_space<vmem>>, vector<16xf32>,
      %swap3A_401 = vector.shape_cast %swap3A_400 : vector<16xf32> to vector<16xf32>
      %swap3A_402 = vector.shape_cast %mul3A_398 : vector<16xf32> to vector<16xf32>
      tpu.vector_store %arg22[%swap3A_399], %swap3A_402 {strides = array<i32>} : memref<5760xf32, #tpu.memory_space<vmem>>, vector<16xf32>,
      %mul3A_403 = arith.constant 192 : i32
      %mul3A_404 = arith.muli %scan3A_297, %mul3A_403 : i32
      %add3A_405 = arith.constant 112 : i32
      %add3A_406 = arith.addi %mul3A_404, %add3A_405 : i32
      %get3A_407 = arith.index_cast %add3A_406 : i32 to index
      %get3A_408 = tpu.vector_load %arg22[%get3A_407] {strides = array<i32>} : memref<5760xf32, #tpu.memory_space<vmem>>, vector<16xf32>,
      %get3A_409 = vector.shape_cast %get3A_408 : vector<16xf32> to vector<16xf32>
      %get3A_410 = arith.index_cast %add3A_406 : i32 to index
      %get3A_411 = tpu.vector_load %arg18[%get3A_410] {strides = array<i32>} : memref<5760xf32, #tpu.memory_space<vmem>>, vector<16xf32>,
      %get3A_412 = vector.shape_cast %get3A_411 : vector<16xf32> to vector<16xf32>
      %mul3A_413 = arith.mulf %get3A_409, %get3A_412 : vector<16xf32>
      %swap3A_414 = arith.index_cast %add3A_406 : i32 to index
      %swap3A_415 = tpu.vector_load %arg22[%swap3A_414] {strides = array<i32>} : memref<5760xf32, #tpu.memory_space<vmem>>, vector<16xf32>,
      %swap3A_416 = vector.shape_cast %swap3A_415 : vector<16xf32> to vector<16xf32>
      %swap3A_417 = vector.shape_cast %mul3A_413 : vector<16xf32> to vector<16xf32>
      tpu.vector_store %arg22[%swap3A_414], %swap3A_417 {strides = array<i32>} : memref<5760xf32, #tpu.memory_space<vmem>>, vector<16xf32>,
      %mul3A_418 = arith.constant 192 : i32
      %mul3A_419 = arith.muli %scan3A_297, %mul3A_418 : i32
      %add3A_420 = arith.constant 128 : i32
      %add3A_421 = arith.addi %mul3A_419, %add3A_420 : i32
      %get3A_422 = arith.index_cast %add3A_421 : i32 to index
      %get3A_423 = tpu.vector_load %arg22[%get3A_422] {strides = array<i32>} : memref<5760xf32, #tpu.memory_space<vmem>>, vector<16xf32>,
      %get3A_424 = vector.shape_cast %get3A_423 : vector<16xf32> to vector<16xf32>
      %get3A_425 = arith.index_cast %add3A_421 : i32 to index
      %get3A_426 = tpu.vector_load %arg18[%get3A_425] {strides = array<i32>} : memref<5760xf32, #tpu.memory_space<vmem>>, vector<16xf32>,
      %get3A_427 = vector.shape_cast %get3A_426 : vector<16xf32> to vector<16xf32>
      %mul3A_428 = arith.mulf %get3A_424, %get3A_427 : vector<16xf32>
      %swap3A_429 = arith.index_cast %add3A_421 : i32 to index
      %swap3A_430 = tpu.vector_load %arg22[%swap3A_429] {strides = array<i32>} : memref<5760xf32, #tpu.memory_space<vmem>>, vector<16xf32>,
      %swap3A_431 = vector.shape_cast %swap3A_430 : vector<16xf32> to vector<16xf32>
      %swap3A_432 = vector.shape_cast %mul3A_428 : vector<16xf32> to vector<16xf32>
      tpu.vector_store %arg22[%swap3A_429], %swap3A_432 {strides = array<i32>} : memref<5760xf32, #tpu.memory_space<vmem>>, vector<16xf32>,
      %mul3A_433 = arith.constant 192 : i32
      %mul3A_434 = arith.muli %scan3A_297, %mul3A_433 : i32
      %add3A_435 = arith.constant 144 : i32
      %add3A_436 = arith.addi %mul3A_434, %add3A_435 : i32
      %get3A_437 = arith.index_cast %add3A_436 : i32 to index
      %get3A_438 = tpu.vector_load %arg22[%get3A_437] {strides = array<i32>} : memref<5760xf32, #tpu.memory_space<vmem>>, vector<16xf32>,
      %get3A_439 = vector.shape_cast %get3A_438 : vector<16xf32> to vector<16xf32>
      %get3A_440 = arith.index_cast %add3A_436 : i32 to index
      %get3A_441 = tpu.vector_load %arg18[%get3A_440] {strides = array<i32>} : memref<5760xf32, #tpu.memory_space<vmem>>, vector<16xf32>,
      %get3A_442 = vector.shape_cast %get3A_441 : vector<16xf32> to vector<16xf32>
      %mul3A_443 = arith.mulf %get3A_439, %get3A_442 : vector<16xf32>
      %swap3A_444 = arith.index_cast %add3A_436 : i32 to index
      %swap3A_445 = tpu.vector_load %arg22[%swap3A_444] {strides = array<i32>} : memref<5760xf32, #tpu.memory_space<vmem>>, vector<16xf32>,
      %swap3A_446 = vector.shape_cast %swap3A_445 : vector<16xf32> to vector<16xf32>
      %swap3A_447 = vector.shape_cast %mul3A_443 : vector<16xf32> to vector<16xf32>
      tpu.vector_store %arg22[%swap3A_444], %swap3A_447 {strides = array<i32>} : memref<5760xf32, #tpu.memory_space<vmem>>, vector<16xf32>,
      %mul3A_448 = arith.constant 192 : i32
      %mul3A_449 = arith.muli %scan3A_297, %mul3A_448 : i32
      %add3A_450 = arith.constant 160 : i32
      %add3A_451 = arith.addi %mul3A_449, %add3A_450 : i32
      %get3A_452 = arith.index_cast %add3A_451 : i32 to index
      %get3A_453 = tpu.vector_load %arg22[%get3A_452] {strides = array<i32>} : memref<5760xf32, #tpu.memory_space<vmem>>, vector<16xf32>,
      %get3A_454 = vector.shape_cast %get3A_453 : vector<16xf32> to vector<16xf32>
      %get3A_455 = arith.index_cast %add3A_451 : i32 to index
      %get3A_456 = tpu.vector_load %arg18[%get3A_455] {strides = array<i32>} : memref<5760xf32, #tpu.memory_space<vmem>>, vector<16xf32>,
      %get3A_457 = vector.shape_cast %get3A_456 : vector<16xf32> to vector<16xf32>
      %mul3A_458 = arith.mulf %get3A_454, %get3A_457 : vector<16xf32>
      %swap3A_459 = arith.index_cast %add3A_451 : i32 to index
      %swap3A_460 = tpu.vector_load %arg22[%swap3A_459] {strides = array<i32>} : memref<5760xf32, #tpu.memory_space<vmem>>, vector<16xf32>,
      %swap3A_461 = vector.shape_cast %swap3A_460 : vector<16xf32> to vector<16xf32>
      %swap3A_462 = vector.shape_cast %mul3A_458 : vector<16xf32> to vector<16xf32>
      tpu.vector_store %arg22[%swap3A_459], %swap3A_462 {strides = array<i32>} : memref<5760xf32, #tpu.memory_space<vmem>>, vector<16xf32>,
      %mul3A_463 = arith.constant 192 : i32
      %mul3A_464 = arith.muli %scan3A_297, %mul3A_463 : i32
      %add3A_465 = arith.constant 176 : i32
      %add3A_466 = arith.addi %mul3A_464, %add3A_465 : i32
      %get3A_467 = arith.index_cast %add3A_466 : i32 to index
      %get3A_468 = tpu.vector_load %arg22[%get3A_467] {strides = array<i32>} : memref<5760xf32, #tpu.memory_space<vmem>>, vector<16xf32>,
      %get3A_469 = vector.shape_cast %get3A_468 : vector<16xf32> to vector<16xf32>
      %get3A_470 = arith.index_cast %add3A_466 : i32 to index
      %get3A_471 = tpu.vector_load %arg18[%get3A_470] {strides = array<i32>} : memref<5760xf32, #tpu.memory_space<vmem>>, vector<16xf32>,
      %get3A_472 = vector.shape_cast %get3A_471 : vector<16xf32> to vector<16xf32>
      %mul3A_473 = arith.mulf %get3A_469, %get3A_472 : vector<16xf32>
      %swap3A_474 = arith.index_cast %add3A_466 : i32 to index
      %swap3A_475 = tpu.vector_load %arg22[%swap3A_474] {strides = array<i32>} : memref<5760xf32, #tpu.memory_space<vmem>>, vector<16xf32>,
      %swap3A_476 = vector.shape_cast %swap3A_475 : vector<16xf32> to vector<16xf32>
      %swap3A_477 = vector.shape_cast %mul3A_473 : vector<16xf32> to vector<16xf32>
      tpu.vector_store %arg22[%swap3A_474], %swap3A_477 {strides = array<i32>} : memref<5760xf32, #tpu.memory_space<vmem>>, vector<16xf32>,
      %scan3A_478 = arith.constant 0 : i32
      scf.yield %scan3A_478 : i32
    }
    %scan3A_282 = arith.constant 15 : i32
    %dma_start3A_283 = arith.constant 0 : i32
    %dma_start3A_284 = tpu.memref_slice %arg8[%dma_start3A_283] : memref<262144xf32, #tpu.memory_space<vmem_shared>> -> memref<262144xf32, #tpu.memory_space<vmem_shared>>
    tpu.enqueue_indirect_dma source(%arg22 : memref<5760xf32, #tpu.memory_space<vmem>>) target(%dma_start3A_284 : memref<262144xf32, #tpu.memory_space<vmem_shared>>) offsets(%arg10 : memref<5760xi32, #tpu.memory_space<vmem>>) semaphore(%arg39 : memref<!tpu.dma_semaphore, #tpu.memory_space<semaphore_mem>>) {add = true}
    %dma_wait3A_285 = arith.constant 0 : i32
    %dma_wait3A_286 = tpu.memref_slice %arg8[%dma_wait3A_285] : memref<262144xf32, #tpu.memory_space<vmem_shared>> -> memref<262144xf32, #tpu.memory_space<vmem_shared>>
    tpu.wait_indirect_dma semaphore(%arg38 : memref<!tpu.dma_semaphore, #tpu.memory_space<semaphore_mem>>) src(%arg21 : memref<5760xf32, #tpu.memory_space<vmem>>) dst(%dma_wait3A_286 : memref<262144xf32, #tpu.memory_space<vmem_shared>>)
    %dma_wait3A_287 = arith.constant 0 : i32
    %dma_wait3A_288 = tpu.memref_slice %arg8[%dma_wait3A_287] : memref<262144xf32, #tpu.memory_space<vmem_shared>> -> memref<262144xf32, #tpu.memory_space<vmem_shared>>
    tpu.wait_indirect_dma semaphore(%arg39 : memref<!tpu.dma_semaphore, #tpu.memory_space<semaphore_mem>>) src(%arg22 : memref<5760xf32, #tpu.memory_space<vmem>>) dst(%dma_wait3A_288 : memref<262144xf32, #tpu.memory_space<vmem_shared>>)
    %barrier3A_289 = arith.constant 0 : index
    tpu.barrier barrier_id(%barrier3A_289)
    %mul3A_290 = arith.constant 16384 : i32
    %mul3A_291 = arith.muli %arg1, %mul3A_290 : i32
    %mul3A_292 = arith.constant 262144 : i32
    %mul3A_293 = arith.muli %arg0, %mul3A_292 : i32
    %mul3A_294 = arith.constant 16384 : i32
    %mul3A_295 = arith.muli %arg1, %mul3A_294 : i32
    %add3A_296 = arith.addi %mul3A_293, %mul3A_295 : i32
    "tpu.region"() ({
      %run_scoped3A = tpu.sem_alloc : memref<!tpu.dma_semaphore, #tpu.memory_space<semaphore_mem>>
      %dma_start3A_297 = tpu.memref_slice %arg6[%add3A_296] : memref<524288xf32, #tpu.memory_space<hbm>> -> memref<16384xf32, #tpu.memory_space<hbm>>
      %dma_start3A_298 = tpu.memref_slice %arg8[%mul3A_291] : memref<262144xf32, #tpu.memory_space<vmem_shared>> -> memref<16384xf32, #tpu.memory_space<vmem_shared>>
      tpu.enqueue_dma source(%dma_start3A_298 : memref<16384xf32, #tpu.memory_space<vmem_shared>>) target(%dma_start3A_297 : memref<16384xf32, #tpu.memory_space<hbm>>) target_semaphore(%run_scoped3A : memref<!tpu.dma_semaphore, #tpu.memory_space<semaphore_mem>>)
      %dma_wait3A_299 = tpu.memref_slice %arg6[%add3A_296] : memref<524288xf32, #tpu.memory_space<hbm>> -> memref<16384xf32, #tpu.memory_space<hbm>>
      %dma_wait3A_300 = tpu.memref_slice %arg8[%mul3A_291] : memref<262144xf32, #tpu.memory_space<vmem_shared>> -> memref<16384xf32, #tpu.memory_space<vmem_shared>>
      tpu.wait_dma2 semaphore(%run_scoped3A : memref<!tpu.dma_semaphore, #tpu.memory_space<semaphore_mem>>) src(%dma_wait3A_300 : memref<16384xf32, #tpu.memory_space<vmem_shared>>) dst(%dma_wait3A_299 : memref<16384xf32, #tpu.memory_space<hbm>>)
      tpu.yield
    }) : () -> ()
    return
  }
}

module attributes {stable_mosaic.version = 14 : i64} {
  func.func @_add_body(%arg0: memref<524288xf32, #tpu.memory_space<vmem>>, %arg1: memref<262144xf32, #tpu.memory_space<vmem>>) attributes {dimension_semantics = [], scalar_prefetch = 0 : i64, scratch_operands = 0 : i64, tpu.core_type = #tpu.core_type<tc>} {
    %get3A = arith.constant 0 : index
    %get3A_0 = vector.load %arg0[%get3A] : memref<524288xf32, #tpu.memory_space<vmem>>, vector<262144xf32>
    %get3A_1 = arith.constant 262144 : index
    %get3A_2 = vector.load %arg0[%get3A_1] : memref<524288xf32, #tpu.memory_space<vmem>>, vector<262144xf32>
    %add3A = arith.addf %get3A_0, %get3A_2 : vector<262144xf32>
    %swap3A = arith.constant 0 : index
    %swap3A_3 = vector.load %arg1[%swap3A] : memref<262144xf32, #tpu.memory_space<vmem>>, vector<262144xf32>
    tpu.vector_store %arg1[%swap3A], %add3A {strides = array<i32>} : memref<262144xf32, #tpu.memory_space<vmem>>, vector<262144xf32>,
    return
  }
}

</mosaic_0001>

<sc_bundles>
// kernel: kernel.4.cloned.1.call-start
scs
__scs_entry_jumppad:
0x0: {  	(pc) =	sbr.rel $0x88, $3  }
0x1: {  	(tag) =	ssettag $0x0;
	lr =	simm.s32 $0x1  }
0x2: {  	[smem:$0x3F9D] =	sst lr;
	_ =	strace $0xD0000000  }
0x3: {  	_ = 	snop  }
0x4: {  	_ = 	snop  }
0x5: {  	_ = 	snop  }
0x6: {  	_ = 	snop  }
0x7: {  	_ = 	snop  }
__scs_overlays_trampoline_lowered:
0x8: {  	[smem:$0x3FAC] =	sst s0  }
0x9: {  	[smem:$0x3FAD] =	sst s1  }
0xa: {  	[smem:$0x3FAE] =	sst s2  }
0xb: {  	[smem:$0x3FAF] =	sst s3  }
0xc: {  	[smem:$0x3FB0] =	sst s4  }
0xd: {  	[smem:$0x3FB1] =	sst s5  }
0xe: {  	[smem:$0x3FB2] =	sst s6  }
0xf: {  	[smem:$0x3FB3] =	sst s7  }
0x10: {  	[smem:$0x3FB4] =	sst s8  }
0x11: {  	[smem:$0x3FB5] =	sst s9;
	s0 =	simm.s32 @!p0 $0x0  }
0x12: {  	s1 =	sld [smem:$0x3F9B];
	s0 =	simm.s32 @p0 $0x1  }
0x13: {  	[smem:$0x3FB6] =	sst s0;
	s0 =	simm.s32 @!p1 $0x0  }
0x14: {  	s2 =	sld [smem:$0x3F9A];
	s0 =	simm.s32 @p1 $0x1  }
0x15: {  	[smem:$0x3FB7] =	sst s0;
	s0 =	simm.s32 @!p2 $0x0  }
0x16: {  	s3 =	sld [smem:$0x3FDB];
	s0 =	simm.s32 @p2 $0x1  }
0x17: {  	s4 =	simm.s32 $0x1BF5;
	[smem:$0x3FB9] =	sst s0  }
0x18: {  	s0 =	sld [smem:$0x3F9C];
	_ =	swait.ge [sflag:s4], $0x0  }
0x19: {  	s7 =	sld [smem:$0x3F9D]  }
0x1a: {  	s8 =	sadd.s32 $0xFFFFE003, lr  }
0x1b: {  	s9 =	sadd.s32 $0xFFFFFEF7, lr;
	s5 =	simm.s32 $0xFFFFFFFF;
	p2 =	slt.u32 s8, $0xFFFFF086  }
0x1c: {  	p1 =	slt.u32 s9, $0xF7A;
	s5 =	simm.s32 @!p2 $0x0  }
0x1d: {  	s5 =	simm.s32 @p1 $0x1;
	p0 =	seq.s32 s7, s2  }
0x1e: {  	s7 =	smul.u32 @!p0 $0xF7A, s2;
	p2 =	seq.s32 @!p0 s5, $0x0  }
0x1f: {  	s9 =	smul.u32 $0xF7A, s1;
	s8 =	simm.s32 @!p0 $0x1BF5;
	p2 =	por !p2, p0  }
0x20: {  	[sflag:s8] =	ssyncset.s32 @!p0 $0xFFFFF086;
	s6 =	sadd.s32 @!p0 s3, s7;
	s7 =	simm.s32 @!p0 $0x108  }
0x21: {  	s3 =	sadd.s32 s3, s9;
	s6 =	sadd.s32 @!p0 $0x88, s6;
	s7 =	simm.s32 @p2 $0x1082  }
0x22: {  	[simem:s7], [sflag:s8] =	dma.local @!p0 [hbm:s6], $0xF7A  }
0x23: {  	s9 =	sor.u32 $0xD0000000, s2;
	s6 =	simm.s32 $0x108;
	_ =	swait.ge @!p0 [sflag:s8], $0x0  }
0x24: {  	s3 =	sadd.s32 $0x88, s3;
	s6 =	simm.s32 @!p1 $0x1082;
	[sflag:s4] =	ssyncset.s32 $0xFFFFF086  }
0x25: {  	[simem:s6], [sflag:s4] =	dma.local [hbm:s3], $0xF7A  }
0x26: {  	[smem:$0x3F9D] =	sst s1;
	(tag) =	ssettag s2;
	_ =	strace s9  }
0x27: {  	s1 =	sld [smem:$0x3FAD]  }
0x28: {  	s2 =	sld [smem:$0x3FAE]  }
0x29: {  	s4 =	sld [smem:$0x3FB0]  }
0x2a: {  	p0 =	seq.s32 s5, $0x0;
	s5 =	sld [smem:$0x3FB1]  }
0x2b: {  	s6 =	sld [smem:$0x3FB2]  }
0x2c: {  	s7 =	sld [smem:$0x3FB3]  }
0x2d: {  	s3 =	simm.s32 $0x108;
	s8 =	sld [smem:$0x3FB4]  }
0x2e: {  	s3 =	simm.s32 @!p0 $0x1082;
	s9 =	sld [smem:$0x3FB5]  }
0x2f: {  	lr =	sadd.s32 s0, s3;
	s0 =	sld [smem:$0x3FAC]  }
0x30: {  	s3 =	sld [smem:$0x3FAF]  }
0x31: {  	[smem:$0x3FB8] =	sst s10  }
0x32: {  	s10 =	sld [smem:$0x3FB6];
	_ =	sdelay $0x3  }
0x33: {  	p0 =	seq.s32 s10, $0x1;
	s10 =	sld [smem:$0x3FB8];
	_ =	sdelay $0x3  }
0x34: {  	[smem:$0x3FB8] =	sst s10  }
0x35: {  	s10 =	sld [smem:$0x3FB7];
	_ =	sdelay $0x3  }
0x36: {  	p1 =	seq.s32 s10, $0x1;
	s10 =	sld [smem:$0x3FB8];
	_ =	sdelay $0x3  }
0x37: {  	[smem:$0x3FB8] =	sst s10  }
0x38: {  	s10 =	sld [smem:$0x3FB9]  }
0x39: {  	_ = 	snop;
	(pc) =	sbr.ind lr, $3  }
0x3a: {  	_ = 	snop  }
0x3b: {  	_ = 	snop  }
0x3c: {  	p2 =	seq.s32 s10, $0x1;
	s10 =	sld [smem:$0x3FB8]  }
0x3d: {  	_ =	shalt  }
0x3e: {  	_ =	shalt  }
0x3f: {  	_ =	shalt  }
0x40: {  	_ =	shalt  }
0x41: {  	_ =	shalt  }
0x42: {  	_ =	shalt  }
0x43: {  	_ =	shalt  }
0x44: {  	_ =	shalt  }
0x45: {  	_ =	shalt  }
0x46: {  	_ =	shalt  }
0x47: {  	_ =	shalt  }
0x48: {  	_ =	shalt  }
0x49: {  	_ =	shalt  }
0x4a: {  	_ =	shalt  }
0x4b: {  	_ =	shalt  }
0x4c: {  	_ =	shalt  }
0x4d: {  	_ =	shalt  }
0x4e: {  	_ =	shalt  }
0x4f: {  	_ =	shalt  }
0x50: {  	_ =	shalt  }
0x51: {  	_ =	shalt  }
0x52: {  	_ =	shalt  }
0x53: {  	_ =	shalt  }
0x54: {  	_ =	shalt  }
0x55: {  	_ =	shalt  }
0x56: {  	_ =	shalt  }
0x57: {  	_ =	shalt  }
0x58: {  	_ =	shalt  }
0x59: {  	_ =	shalt  }
0x5a: {  	_ =	shalt  }
0x5b: {  	_ =	shalt  }
0x5c: {  	_ =	shalt  }
0x5d: {  	_ =	shalt  }
0x5e: {  	_ =	shalt  }
0x5f: {  	_ =	shalt  }
0x60: {  	_ =	shalt  }
0x61: {  	_ =	shalt  }
0x62: {  	_ =	shalt  }
0x63: {  	_ =	shalt  }
0x64: {  	_ =	shalt  }
0x65: {  	_ =	shalt  }
0x66: {  	_ =	shalt  }
0x67: {  	_ =	shalt  }
0x68: {  	_ =	shalt  }
0x69: {  	_ =	shalt  }
0x6a: {  	_ =	shalt  }
0x6b: {  	_ =	shalt  }
0x6c: {  	_ =	shalt  }
0x6d: {  	_ =	shalt  }
0x6e: {  	_ =	shalt  }
0x6f: {  	_ =	shalt  }
0x70: {  	_ =	shalt  }
0x71: {  	_ =	shalt  }
0x72: {  	_ =	shalt  }
0x73: {  	_ =	shalt  }
0x74: {  	_ =	shalt  }
0x75: {  	_ =	shalt  }
0x76: {  	_ =	shalt  }
0x77: {  	_ =	shalt  }
0x78: {  	_ =	shalt  }
0x79: {  	_ =	shalt  }
0x7a: {  	_ =	shalt  }
0x7b: {  	_ =	shalt  }
0x7c: {  	_ =	shalt  }
0x7d: {  	_ =	shalt  }
0x7e: {  	_ =	shalt  }
0x7f: {  	_ =	shalt  }
0x80: {  	_ =	shalt  }
0x81: {  	_ =	shalt  }
0x82: {  	_ =	shalt  }
0x83: {  	_ =	shalt  }
0x84: {  	_ =	shalt  }
0x85: {  	_ =	shalt  }
0x86: {  	_ =	shalt  }
0x87: {  	_ =	shalt  }
.Lfunc_end0:
.L_simem_size_0:
called_computation_lowered:
.L_overlay_start_0:
0x88: {  	s2 =	sld [smem:$0x3FD9]  }
0x89: {  	s3 =	sld [smem:$0x3FFE];
	_ =	sdelay $0x1  }
0x8a: {  	s1 =	srdreg.scid  }
0x8b: {  	s0 =	sand.u32 $0x1, s1  }
0x8c: {  	s17 =	sshll.u32 s0, $0xA;
	s2 =	sadd.s32 s3, s2  }
0x8d: {  	s2 =	sadd.s32 s2, s17  }
0x8e: {  	[smem:$0x3FC4] =	sst s2  }
0x8f: {  	_ = 	snop  }
0x90: {  	s2 =	sld [smem:$0x3FC8]  }
0x91: {  	s18 =	sld [smem:$0x3FC7]  }
0x92: {  	s4 =	sld [smem:$0x3FC6];
	(tm) =	ssettm $0x1  }
0x93: {  	s5 =	sld [smem:$0x3FFB];
	_ =	sdelay $0x3  }
0x94: {  	_ =	strace s5  }
0x95: {  	s5 =	sld [smem:$0x3FFC];
	_ =	sdelay $0x3  }
0x96: {  	_ =	strace s5  }
0x97: {  	s5 =	sld [smem:$0x3FFD];
	_ =	sdelay $0x3  }
0x98: {  	_ =	strace s5  }
0x99: {  	_ =	strace $0x8FFFFFFF  }
0x9a: {  	s19 =	sld [smem:$0x3FDB];
	_ =	sdelay $0x1  }
0x9b: {  	s6 =	simm.s32 $_scs_section_size  }
0x9c: {  	s7 =	simm.s32 $_size__tile_overlayer_lowered;
	s8 =	simm.s32 $_tile_overlayer_lowered  }
0x9d: {  	s22 =	simm.s32 $0x1BFF;
	s21 =	sshll.u32 s8, $0x1;
	s5 =	sadd.s32 s6, s19  }
0x9e: {  	s9 =	simm.s32 $0x0;
	s20 =	sshll.u32 s7, $0x1;
	s7 =	sadd.s32 s21, s5  }
0x9f: {  	[timem:s9], [sflag:s22] =	dma.local [hbm:s7], s20  }
0xa0: {  	_ =	swait.ge [sflag:s22], s20  }
0xa1: {  	s6 =	ssub.s32 $0x0, s20;
	[sflag:s22] =	ssyncset.done $0x0  }
0xa2: {  	[sflag:s22] =	ssyncadd.s32 s6;
	_ =	sdelay $0x1  }
0xa3: {  	s23 =	simm.s32 $0x1B8B  }
0xa4: {  	_ =	swait.ge [sflag:s23], $0x1  }
0xa5: {  	[sflag:s23] =	ssyncset.done $0x0  }
0xa6: {  	s25 =	simm.s32 $0x1B8E;
	s24 =	sld [smem:$0x3FFE];
	[sflag:s23] =	ssyncadd.s32 $0xFFFFFFFF  }
0xa7: {  	s26 =	simm.s32 $execute0_lowered;
	[smem:$0x3FD2] =	sst s25  }
0xa8: {  	s7 =	sshll.u32 s26, $0x1;
	_ =	strace $0x80000046;
	[dreg:$0x1] =	wrdreg $0xFFFFFFFF  }
0xa9: {  	s28 =	simm.s32 $_size_execute0_lowered;
	s5 =	sadd.s32 s5, s7;
	[dreg:$0x0] =	wrdreg $0x0  }
0xaa: {  	s7 =	sshll.u32 s28, $0x1;
	[dreg:$0x2] =	wrdreg s5  }
0xab: {  	[dreg:$0x3] =	wrdreg s7  }
0xac: {  	[dreg:$0x4] =	wrdreg $0xC0  }
0xad: {  	_ =	task [dreg:s9], $0x5FFFF  }
0xae: {  	[dreg:$0x1] =	wrdreg $0xFFFFFFFF  }
0xaf: {  	[dreg:$0x0] =	wrdreg $0x60  }
0xb0: {  	[dreg:$0x2] =	wrdreg s24  }
0xb1: {  	[dreg:$0x3] =	wrdreg s2  }
0xb2: {  	[dreg:$0x4] =	wrdreg s18  }
0xb3: {  	[dreg:$0x5] =	wrdreg s4  }
0xb4: {  	[dreg:$0x6] =	wrdreg $0x0  }
0xb5: {  	[dreg:$0x7] =	wrdreg $0x40000  }
0xb6: {  	[dreg:$0x8] =	wrdreg $0x9  }
0xb7: {  	_ =	task.clear_ibuf [dreg:s9], $0x9FFFF;
	_ =	strace $0x90000046  }
0xb8: {  	s29 =	simm.s32 $0x9;
	_ =	strace $0x80000048  }
0xb9: {  	_ =	swait.ge [sflag:s29], $0x1  }
0xba: {  	[sflag:s29] =	ssyncadd.s32 $0xFFFFFFFF  }
0xbb: {  	_ =	strace $0x90000048  }
0xbc: {  	_ =	sfence  }
0xbd: {  	s30 =	sld [smem:$0x0];
	_ =	sdelay $0x2  }
0xbe: {  	s31 =	sshll.u32 s1, $0xD;
	s1 =	sshrl.u32 s1, $0x2  }
0xbf: {  	s3 =	sand.u32 $0x4000, s31;
	s1 =	sadd.s32 s1, s30  }
0xc0: {  	s0 =	sor.u32 s3, s0;
	s1 =	sshll.u32 s1, $0x11  }
0xc1: {  	s0 =	sor.u32 s1, s0  }
0xc2: {  	s0 =	sadd.s32 $0x8F2B, s0  }
0xc3: {  	[sflag:s0] =	ssyncadd.remote.s32 $0x1  }
0xc4: {  	_ =	sfence.sel $0xFFFF  }
0xc5: {  	[dreg:$0x0] =	wrdreg $0xFFFFFFFF;
	(pc) =	sbr.abs _section_cstart, $3  }
0xc6: {  	[dreg:$0x1] =	wrdreg $0xFFFFFFFF  }
0xc7: {  	_ =	task.clear_ibuf [dreg:s9], $0x2FFFF;
	_ =	strace $0x9FFFFFFF  }
0xc8: {  	(tm) =	ssettm $0x7FFFFFFF  }
0xc9: {  	_ =	shalt  }
tec
execute0_lowered:
.L_overlay_start_1:
0x0: {  	(tag) =	ssettag $0x1  }
0x1: {  	s0 =	rddreg [dreg:$0x0]  }
0x2: {  	s1 =	rddreg [dreg:$0x1]  }
0x3: {  	s2 =	rddreg [dreg:$0x2]  }
0x4: {  	s3 =	rddreg [dreg:$0x3]  }
0x5: {  	s4 =	rddreg [dreg:$0x4]  }
0x6: {  	s6 =	rddreg [dreg:$0x5];
	s5 =	simm.s32 $0x0  }
0x7: {  	s12 =	stileid.u32;
	s22 =	srdreg.scid;
	s31 =	simm.s32 $0x8000  }
0x8: {  	s28 =	simm.s32 $0x9680;
	s30 =	simm.s32 $0x2;
	[smem:$0x7FF] =	sst s5  }
0x9: {  	s5 =	sand.u32 $0x1, s22;
	s7 =	sshll.u32 s12, $0x1;
	s8 =	sshll.u32 s12, $0xE  }
0xa: {  	s23 =	sshll.u32 s12, $0xB;
	s16 =	sshll.u32 s12, $0x6;
	s20 =	sadd.s32 $0x37C34, s1  }
0xb: {  	s21 =	sadd.s32 $0x37C34, s2;
	s12 =	simm.s32 $0x1;
	_ =	strace $0x80000047  }
0xc: {  	s9 =	sshll.u32 s5, $0x12;
	s17 =	sor.u32 s5, s7;
	[dreg:$0xf] =	wrdreg s16  }
0xd: {  	s5 =	ssub.s32 $0x2, s5;
	s7 =	sadd.s32 s23, s0;
	[dreg:$0x14] =	wrdreg s20  }
0xe: {  	s15 =	sadd.s32 s8, s4;
	[dreg:$0x15] =	wrdreg s21;
	s20 =	simm.s32 $0xB  }
0xf: {  	s21 =	simm.s32 $0xE;
	s9 =	sor.u32 s8, s9;
	s10 =	smul.u32 $0x2CC, s17  }
0x10: {  	s11 =	smul.u32 $0x1660, s17;
	s7 =	sadd.s32 $0x600, s7;
	[dreg:$0x7] =	wrdreg s17  }
0x11: {  	s24 =	sshrl.u32 s5, $0x1;
	s18 =	sor.u32 $0x80, s17;
	[dreg:$0xe] =	wrdreg s7  }
0x12: {  	s8 =	sadd.s32 s8, s6;
	s19 =	sor.u32 $0xA0, s17;
	[dreg:$0x12] =	wrdreg s18  }
0x13: {  	s23 =	sshrl.u32 s15, $0x3;
	p0 =	seq.s32 s17, $0x1F;
	[dreg:$0x13] =	wrdreg s19  }
0x14: {  	p1 =	sne.s32 s17, $0x1F;
	s15 =	simm.s32 $0x3;
	[dreg:$0x18] =	wrdreg s23  }
0x15: {  	s9 =	sshrl.u32 s9, $0x3;
	s7 =	sor.u32 $0x1C05, s16;
	[dreg:$0x11] =	wrdreg s8  }
0x16: {  	s5 =	ssub.s32 s5, s24;
	s24 =	sadd.s32 $0x37C34, s3;
	[dreg:$0x10] =	wrdreg s7  }
0x17: {  	s16 =	simm.s32 $0x1A480;
	s25 =	sadd.s32 s1, s10;
	[dreg:$0x19] =	wrdreg s24  }
0x18: {  	s23 =	simm.s32 $0x6;
	s29 =	sadd.s32 s2, s10;
	[dreg:$0x8] =	wrdreg s25  }
0x19: {  	s18 =	simm.s32 $0xA;
	s10 =	sadd.s32 s3, s10;
	[dreg:$0x9] =	wrdreg s29  }
0x1a: {  	s0 =	sadd.s32 s9, s0;
	s22 =	smax.u32 s5, $0x1;
	[dreg:$0xa] =	wrdreg s10  }
0x1b: {  	s19 =	simm.s32 $0x7;
	s0 =	sadd.s32 $0x8600, s0;
	[dreg:$0x17] =	wrdreg s22  }
0x1c: {  	s26 =	sshrl.u32 s11, $0x3;
	s25 =	sadd.s32 $0x1000, s8;
	[dreg:$0x16] =	wrdreg s0  }
0x1d: {  	s9 =	sadd.s32 $0x5980, s26;
	s26 =	sadd.s32 $0x2000, s8;
	[dreg:$0x1a] =	wrdreg s25  }
0x1e: {  	s11 =	simm.s32 $0x5;
	s29 =	sadd.s32 $0x3000, s8;
	[dreg:$0x1b] =	wrdreg s26  }
0x1f: {  	s7 =	simm.s32 $0x9;
	s13 =	sadd.s32 s1, s9;
	[dreg:$0x1c] =	wrdreg s29  }
0x20: {  	s24 =	simm.s32 $0x1680;
	s14 =	sadd.s32 s2, s9;
	[dreg:$0xb] =	wrdreg s13  }
0x21: {  	s10 =	simm.s32 $0x4;
	s9 =	sadd.s32 s3, s9;
	[dreg:$0xc] =	wrdreg s14  }
0x22: {  	s22 =	simm.s32 $0x8;
	s26 =	simm.s32 $0xC;
	[dreg:$0xd] =	wrdreg s9  }
0x23: {  	v1 =	vimm.f32 $0.0e+00;
	vm0 =	vmmov $0x7f;
	v0 =	vmov s17;
	s13 =	simm.s32 $0xB40;
	s9 =	simm.s32 $0xD;
	s14 =	simm.s32 $0x0  }
.LBB2_1:
0x24: {  	[dreg:$0x1d] =	wrdreg s14  }
0x25: {  	s5 =	rddreg [dreg:$0x8]  }
0x26: {  	s17 =	rddreg [dreg:$0x9]  }
0x27: {  	s29 =	rddreg [dreg:$0xa]  }
0x28: {  	s0 =	simm.s32 $0x0;
	s14 =	rddreg [dreg:$0xb]  }
0x29: {  	[tilespmem:s31], [sflag:$0x1] =	stream.linear.gather [hbm4b:s5+s0], $0x1660, $0x38;
	[tilespmem:$0x1F800] =	vst v63  }
0x2a: {  	s25 =	simm.s32 $0xDA00;
	s5 =	rddreg [dreg:$0xe]  }
0x2b: {  	[tilespmem:s25], [sflag:$0x1] =	stream.linear.gather [hbm4b:s17+s0], $0x1660, $0x38;
	[tilespmem:$0x1F800] =	vst v63  }
0x2c: {  	s31 =	simm.s32 $0x13400;
	s17 =	rddreg [dreg:$0xc]  }
0x2d: {  	[tilespmem:s31], [sflag:$0x1] =	stream.linear.gather [hbm4b:s29+s0], $0x1660, $0x38;
	[tilespmem:$0x1F800] =	vst v63  }
0x2e: {  	s29 =	rddreg [dreg:$0xd]  }
0x2f: {  	[tilespmem:s28], [sflag:$0x2] =	stream.linear.gather [hbm4b:s14+s0], $0x1660, $0x38;
	[tilespmem:$0x1F800] =	vst v63  }
0x30: {  	s28 =	simm.s32 $0xF080;
	s14 =	rddreg [dreg:$0x10]  }
0x31: {  	[tilespmem:s28], [sflag:$0x2] =	stream.linear.gather [hbm4b:s17+s0], $0x1660, $0x38;
	[tilespmem:$0x1F800] =	vst v63  }
0x32: {  	s31 =	simm.s32 $0x14A80;
	s17 =	rddreg [dreg:$0x18]  }
0x33: {  	[tilespmem:s31], [sflag:$0x2] =	stream.linear.gather [hbm4b:s29+s0], $0x1660, $0x38;
	[tilespmem:$0x1F800] =	vst v63  }
0x34: {  	[spmem:s17], [sflag:s14] =	dma.local [hbm:s5], $0x800;
	[tilespmem:$0x9660] =	vst v0  }
0x35: {  	[tilespmem:$0xF060] =	vst v0  }
0x36: {  	[tilespmem:$0x14A60] =	vst v1  }
0x37: {  	[tilespmem:$0x9670] =	vst v0  }
0x38: {  	[tilespmem:$0xF070] =	vst v0  }
0x39: {  	[tilespmem:$0x14A70] =	vst v1  }
0x3a: {  	[tilespmem:$0xACE0] =	vst v0  }
0x3b: {  	[tilespmem:$0x106E0] =	vst v0  }
0x3c: {  	[tilespmem:$0x160E0] =	vst v1  }
0x3d: {  	[tilespmem:$0xACF0] =	vst v0  }
0x3e: {  	[tilespmem:$0x106F0] =	vst v0  }
0x3f: {  	[tilespmem:$0x160F0] =	vst v1  }
0x40: {  	[tilespmem:$0xC360] =	vst v0  }
0x41: {  	[tilespmem:$0x11D60] =	vst v0  }
0x42: {  	[tilespmem:$0x17760] =	vst v1  }
0x43: {  	[tilespmem:$0xC370] =	vst v0  }
0x44: {  	[tilespmem:$0x11D70] =	vst v0  }
0x45: {  	[tilespmem:$0x17770] =	vst v1  }
0x46: {  	[tilespmem:$0xD9E0] =	vst v0  }
0x47: {  	[tilespmem:$0x133E0] =	vst v0  }
0x48: {  	[tilespmem:$0x18DE0] =	vst v1  }
0x49: {  	[tilespmem:$0xD9F0] =	vst v0  }
0x4a: {  	[tilespmem:$0x133F0] =	vst v0  }
0x4b: {  	[tilespmem:$0x18DF0] =	vst v1  }
0x4c: {  	_ =	swait.ge [sflag:s11], $0x800  }
0x4d: {  	[sflag:s11] =	ssyncset.done $0x0  }
0x4e: {  	[sflag:s11] =	ssyncadd.s32 $0xFFFFF800  }
0x4f: {  	[bflag:$0x0] =	sbarrier.arrive $0xFFFF  }
0x50: {  	_ =	swait.ge [sflag:s12], $0x1660  }
0x51: {  	[sflag:s12] =	ssyncset.done $0x0  }
0x52: {  	[sflag:s12] =	ssyncadd.s32 $0xFFFFE9A0  }
0x53: {  	_ =	swait.ge [sflag:s12], $0x1660  }
0x54: {  	[sflag:s12] =	ssyncset.done $0x0  }
0x55: {  	[sflag:s12] =	ssyncadd.s32 $0xFFFFE9A0  }
0x56: {  	_ =	swait.ge [sflag:s12], $0x1660  }
0x57: {  	s28 =	simm.s32 $0x18E00;
	[sflag:s12] =	ssyncset.done $0x0  }
0x58: {  	s29 =	simm.s32 $0xE540;
	s31 =	simm.s32 $0x19940;
	[sflag:s12] =	ssyncadd.s32 $0xFFFFE9A0  }
0x59: {  	[tilespmem:s28], [sflag:$0x5] =	stream.indirect.gather [spmem:s4], $0x1, s25, s13, $0xb8;
	[tilespmem:$0x1F800] =	vst v63  }
0x5a: {  	s0 =	simm.s32 $0x40;
	s14 =	simm.s32 $0xDA00;
	s5 =	simm.s32 $0x0  }
0x5b: {  	[tilespmem:s31], [sflag:$0x9] =	stream.indirect.gather [spmem:s4], $0x1, s29, s13, $0xb8;
	[tilespmem:$0x1F800] =	vst v63  }
.LBB2_2:
0x5c: {  	p2 =	seq.s32 s0, $0x3FC0;
	[tilespmem:s5+$0x1E800] =	vst v1;
	s5 =	smov.u32 s0;
	s0 =	sadd.s32 $0x40, s0  }
.Ltmp0:
0x5d: {  	(pc) =	sbr.rel @!p2 .LBB2_2-.Ltmp0, $2  }
0x5e: {  	_ =	sdelay $0x2  }
0x5f: {  	s5 =	sshra.s32 s5, $0x2  }
0x60: {  	[tilespmem:s5+$0x1E800] =	vst v1;
	s17 =	simm.s32 $0x1E800;
	s25 =	simm.s32 $0x11  }
0x61: {  	[spmem:s8] =	stream.linear.scatter [tilespmem:s17], [sflag:$0x11], $0x1000, $0x38;
	[tilespmem:$0x1F800] =	vst v63  }
0x62: {  	_ =	swait.ge [sflag:s25], $0x1000  }
0x63: {  	[sflag:s25] =	ssyncset.done $0x0  }
0x64: {  	s0 =	rddreg [dreg:$0x1a];
	[sflag:s25] =	ssyncadd.s32 $0xFFFFF000  }
0x65: {  	[spmem:s0] =	stream.linear.scatter [tilespmem:s17], [sflag:$0x11], $0x1000, $0x38;
	[tilespmem:$0x1F800] =	vst v63  }
0x66: {  	_ =	swait.ge [sflag:s25], $0x1000  }
0x67: {  	[sflag:s25] =	ssyncset.done $0x0  }
0x68: {  	s29 =	rddreg [dreg:$0x1b];
	[sflag:s25] =	ssyncadd.s32 $0xFFFFF000  }
0x69: {  	[spmem:s29] =	stream.linear.scatter [tilespmem:s17], [sflag:$0x11], $0x1000, $0x38;
	[tilespmem:$0x1F800] =	vst v63  }
0x6a: {  	_ =	swait.ge [sflag:s25], $0x1000  }
0x6b: {  	[sflag:s25] =	ssyncset.done $0x0  }
0x6c: {  	s31 =	rddreg [dreg:$0x1c];
	[sflag:s25] =	ssyncadd.s32 $0xFFFFF000  }
0x6d: {  	[spmem:s31] =	stream.linear.scatter [tilespmem:s17], [sflag:$0x11], $0x1000, $0x38;
	[tilespmem:$0x1F800] =	vst v63  }
0x6e: {  	_ =	swait.ge [sflag:s25], $0x1000  }
0x6f: {  	[sflag:s25] =	ssyncset.done $0x0  }
0x70: {  	p3 =	por $0x1, $0x1;
	[sflag:s25] =	ssyncadd.s32 $0xFFFFF000  }
0x71: {  	s28 =	simm.s32 $0x0;
	s25 =	simm.s32 $0x0;
	[bflag:$0x0] =	sbarrier.arrive $0xFFFF  }
.LBB2_4:
0x72: {  	s0 =	rddreg [dreg:$0x7]  }
0x73: {  	s0 =	sor.u32 s0, s28  }
0x74: {  	s0 =	smul.u32 $0x1660, s0  }
0x75: {  	s5 =	simm.s32 @!p3 $0xF  }
0x76: {  	_ =	swait.ge @!p3 [sflag:s5], $0x1680;
	s29 =	sshrl.u32 s0, $0x3  }
0x77: {  	[sflag:s5] =	ssyncset.done @!p3 $0x0;
	s0 =	sadd.s32 $0xB300, s29  }
0x78: {  	s8 =	simm.s32 $0xAD00;
	[sflag:s5] =	ssyncadd.s32 @!p3 $0xFFFFE980;
	s17 =	sadd.s32 s1, s0  }
0x79: {  	[tilespmem:s8], [sflag:$0x3] =	stream.linear.gather [hbm4b:s17+s25], $0x1660, $0x38;
	[tilespmem:$0x1F800] =	vst v63  }
0x7a: {  	s8 =	sadd.s32 s2, s0;
	s17 =	simm.s32 $0x10700  }
0x7b: {  	[tilespmem:s17], [sflag:$0x3] =	stream.linear.gather [hbm4b:s8+s25], $0x1660, $0x38;
	[tilespmem:$0x1F800] =	vst v63  }
0x7c: {  	s0 =	sadd.s32 s3, s0;
	s17 =	simm.s32 $0x16100  }
0x7d: {  	[tilespmem:s17], [sflag:$0x3] =	stream.linear.gather [hbm4b:s0+s25], $0x1660, $0x38;
	[tilespmem:$0x1F800] =	vst v63  }
0x7e: {  	_ =	swait.ge [sflag:s30], $0x1660  }
0x7f: {  	[sflag:s30] =	ssyncset.done $0x0  }
0x80: {  	[sflag:s30] =	ssyncadd.s32 $0xFFFFE9A0  }
0x81: {  	_ =	swait.ge [sflag:s30], $0x1660  }
0x82: {  	[sflag:s30] =	ssyncset.done $0x0  }
0x83: {  	[sflag:s30] =	ssyncadd.s32 $0xFFFFE9A0  }
0x84: {  	_ =	swait.ge [sflag:s30], $0x1660  }
0x85: {  	[sflag:s30] =	ssyncset.done $0x0  }
0x86: {  	s5 =	simm.s32 $0xF080;
	[sflag:s30] =	ssyncadd.s32 $0xFFFFE9A0  }
0x87: {  	[tilespmem:s16], [sflag:$0x6] =	stream.indirect.gather [spmem:s4], $0x1, s5, s13, $0xb8;
	[tilespmem:$0x1F800] =	vst v63  }
0x88: {  	s8 =	simm.s32 $0xFBC0;
	s17 =	simm.s32 $0x1AFC0  }
0x89: {  	[tilespmem:s17], [sflag:$0xA] =	stream.indirect.gather [spmem:s4], $0x1, s8, s13, $0xb8;
	[tilespmem:$0x1F800] =	vst v63  }
0x8a: {  	_ =	swait.ge [sflag:s11], $0xB40  }
0x8b: {  	[sflag:s11] =	ssyncset.done $0x0  }
0x8c: {  	s5 =	simm.s32 $0x18E60;
	[sflag:s11] =	ssyncadd.s32 $0xFFFFF4C0  }
0x8d: {  	s17 =	simm.s32 $0x13460;
	v2 =	vld [tilespmem:s5+$0xFFFFFFA0]  }
0x8e: {  	v3 =	vld [tilespmem:s17+$0xFFFFFFA0];
	_ =	sdelay $0x4  }
0x8f: {  	v2 =	vmul.f32 v3, v2;
	_ =	sdelay $0x1  }
0x90: {  	[tilespmem:s5+$0xFFFFFFA0] =	vst v2;
	v2 =	vld [tilespmem:s5+$0xFFFFFFB0]  }
0x91: {  	v3 =	vld [tilespmem:s17+$0xFFFFFFB0];
	_ =	sdelay $0x4  }
0x92: {  	v2 =	vmul.f32 v3, v2;
	_ =	sdelay $0x1  }
0x93: {  	[tilespmem:s5+$0xFFFFFFB0] =	vst v2;
	v2 =	vld [tilespmem:s5+$0xFFFFFFC0]  }
0x94: {  	v3 =	vld [tilespmem:s17+$0xFFFFFFC0];
	_ =	sdelay $0x4  }
0x95: {  	v2 =	vmul.f32 v3, v2;
	_ =	sdelay $0x1  }
0x96: {  	[tilespmem:s5+$0xFFFFFFC0] =	vst v2;
	v2 =	vld [tilespmem:s5+$0xFFFFFFD0]  }
0x97: {  	v3 =	vld [tilespmem:s17+$0xFFFFFFD0];
	_ =	sdelay $0x4  }
0x98: {  	v2 =	vmul.f32 v3, v2;
	_ =	sdelay $0x1  }
0x99: {  	[tilespmem:s5+$0xFFFFFFD0] =	vst v2;
	v2 =	vld [tilespmem:s5+$0xFFFFFFE0]  }
0x9a: {  	v3 =	vld [tilespmem:s17+$0xFFFFFFE0];
	_ =	sdelay $0x4  }
0x9b: {  	v2 =	vmul.f32 v3, v2;
	_ =	sdelay $0x1  }
0x9c: {  	[tilespmem:s5+$0xFFFFFFE0] =	vst v2;
	v2 =	vld [tilespmem:s5+$0xFFFFFFF0]  }
0x9d: {  	v3 =	vld [tilespmem:s17+$0xFFFFFFF0];
	_ =	sdelay $0x4  }
0x9e: {  	v2 =	vmul.f32 v3, v2;
	_ =	sdelay $0x1  }
0x9f: {  	[tilespmem:s5+$0xFFFFFFF0] =	vst v2;
	v2 =	vld [tilespmem:s5+$0x0]  }
0xa0: {  	v3 =	vld [tilespmem:s17+$0x0];
	_ =	sdelay $0x4  }
0xa1: {  	v2 =	vmul.f32 v3, v2;
	_ =	sdelay $0x1  }
0xa2: {  	[tilespmem:s5+$0x0] =	vst v2;
	v2 =	vld [tilespmem:s5+$0x10]  }
0xa3: {  	v3 =	vld [tilespmem:s17+$0x10];
	_ =	sdelay $0x4  }
0xa4: {  	v2 =	vmul.f32 v3, v2;
	_ =	sdelay $0x1  }
0xa5: {  	s8 =	sand.u32 $0xFC0, s25;
	[tilespmem:s5+$0x10] =	vst v2  }
0xa6: {  	v2 =	vld [tilespmem:s8+$0x18E80]  }
0xa7: {  	v3 =	vld [tilespmem:s8+$0x13480];
	_ =	sdelay $0x4  }
0xa8: {  	v2 =	vmul.f32 v3, v2;
	_ =	sdelay $0x1  }
0xa9: {  	[tilespmem:s8+$0x18E80] =	vst v2  }
0xaa: {  	v2 =	vld [tilespmem:s5+$0x30]  }
0xab: {  	v3 =	vld [tilespmem:s17+$0x30];
	_ =	sdelay $0x4  }
0xac: {  	v2 =	vmul.f32 v3, v2;
	_ =	sdelay $0x1  }
0xad: {  	v3 =	vld [tilespmem:s5+$0x40];
	[tilespmem:s5+$0x30] =	vst v2  }
0xae: {  	v2 =	vld [tilespmem:s17+$0x40];
	_ =	sdelay $0x4  }
0xaf: {  	v3 =	vmul.f32 v2, v3;
	_ =	sdelay $0x1  }
0xb0: {  	v2 =	vld [tilespmem:s5+$0x50];
	[tilespmem:s5+$0x40] =	vst v3  }
0xb1: {  	p2 =	por p3, p3;
	s31 =	simm.s32 $0x18E60;
	s8 =	simm.s32 $0xC0;
	v3 =	vld [tilespmem:s17+$0x50]  }
.LBB2_5:
0xb2: {  	_ =	sdelay $0x3  }
0xb3: {  	p3 =	sne.s32 s8, $0xA80;
	s17 =	sadd.s32 $0xC0, s17;
	s5 =	sadd.s32 $0xC0, s5;
	v2 =	vmul.f32 v3, v2  }
0xb4: {  	s0 =	smov.u32 s8;
	s8 =	sadd.s32 $0xC0, s8  }
0xb5: {  	v3 =	vld [tilespmem:s5+$0xFFFFFFA0];
	[tilespmem:s31+$0x50] =	vst v2;
	s31 =	smov.u32 s5  }
0xb6: {  	v2 =	vld [tilespmem:s17+$0xFFFFFFA0];
	_ =	sdelay $0x4  }
0xb7: {  	v2 =	vmul.f32 v2, v3;
	_ =	sdelay $0x1  }
0xb8: {  	[tilespmem:s5+$0xFFFFFFA0] =	vst v2;
	v2 =	vld [tilespmem:s5+$0xFFFFFFB0]  }
0xb9: {  	v3 =	vld [tilespmem:s17+$0xFFFFFFB0];
	_ =	sdelay $0x4  }
0xba: {  	v2 =	vmul.f32 v3, v2;
	_ =	sdelay $0x1  }
0xbb: {  	[tilespmem:s5+$0xFFFFFFB0] =	vst v2;
	v2 =	vld [tilespmem:s5+$0xFFFFFFC0]  }
0xbc: {  	v3 =	vld [tilespmem:s17+$0xFFFFFFC0];
	_ =	sdelay $0x4  }
0xbd: {  	v2 =	vmul.f32 v3, v2;
	_ =	sdelay $0x1  }
0xbe: {  	[tilespmem:s5+$0xFFFFFFC0] =	vst v2;
	v2 =	vld [tilespmem:s5+$0xFFFFFFD0]  }
0xbf: {  	v3 =	vld [tilespmem:s17+$0xFFFFFFD0];
	_ =	sdelay $0x4  }
0xc0: {  	v2 =	vmul.f32 v3, v2;
	_ =	sdelay $0x1  }
0xc1: {  	[tilespmem:s5+$0xFFFFFFD0] =	vst v2;
	v2 =	vld [tilespmem:s5+$0xFFFFFFE0]  }
0xc2: {  	v3 =	vld [tilespmem:s17+$0xFFFFFFE0];
	_ =	sdelay $0x4  }
0xc3: {  	v2 =	vmul.f32 v3, v2;
	_ =	sdelay $0x1  }
0xc4: {  	[tilespmem:s5+$0xFFFFFFE0] =	vst v2;
	v2 =	vld [tilespmem:s5+$0xFFFFFFF0]  }
0xc5: {  	v3 =	vld [tilespmem:s17+$0xFFFFFFF0];
	_ =	sdelay $0x4  }
0xc6: {  	v2 =	vmul.f32 v3, v2;
	_ =	sdelay $0x1  }
0xc7: {  	[tilespmem:s5+$0xFFFFFFF0] =	vst v2;
	v2 =	vld [tilespmem:s5+$0x0]  }
0xc8: {  	v3 =	vld [tilespmem:s17+$0x0];
	_ =	sdelay $0x4  }
0xc9: {  	v2 =	vmul.f32 v3, v2;
	_ =	sdelay $0x1  }
0xca: {  	[tilespmem:s5+$0x0] =	vst v2;
	v2 =	vld [tilespmem:s5+$0x10]  }
0xcb: {  	v3 =	vld [tilespmem:s17+$0x10];
	_ =	sdelay $0x4  }
0xcc: {  	v2 =	vmul.f32 v3, v2;
	_ =	sdelay $0x1  }
0xcd: {  	s0 =	sand.u32 $0xFC0, s0;
	[tilespmem:s5+$0x10] =	vst v2  }
0xce: {  	v2 =	vld [tilespmem:s0+$0x18E80]  }
0xcf: {  	v3 =	vld [tilespmem:s0+$0x13480];
	_ =	sdelay $0x4  }
0xd0: {  	v2 =	vmul.f32 v3, v2;
	_ =	sdelay $0x1  }
0xd1: {  	[tilespmem:s0+$0x18E80] =	vst v2  }
0xd2: {  	v2 =	vld [tilespmem:s5+$0x30]  }
0xd3: {  	v3 =	vld [tilespmem:s17+$0x30];
	_ =	sdelay $0x4  }
0xd4: {  	v2 =	vmul.f32 v3, v2  }
0xd5: {  	v3 =	vld [tilespmem:s5+$0x40]  }
0xd6: {  	[tilespmem:s5+$0x30] =	vst v2  }
0xd7: {  	v2 =	vld [tilespmem:s17+$0x40];
	_ =	sdelay $0x3  }
.Ltmp1:
0xd8: {  	(pc) =	sbr.rel @p3 .LBB2_5-.Ltmp1, $4  }
0xd9: {  	v3 =	vmul.f32 v2, v3  }
0xda: {  	v2 =	vld [tilespmem:s5+$0x50]  }
0xdb: {  	[tilespmem:s5+$0x40] =	vst v3  }
0xdc: {  	v3 =	vld [tilespmem:s17+$0x50]  }
0xdd: {  	_ =	sdelay $0x3  }
0xde: {  	v2 =	vmul.f32 v3, v2;
	_ =	sdelay $0x1  }
0xdf: {  	[tilespmem:s31+$0x50] =	vst v2  }
0xe0: {  	_ =	swait.ge [sflag:s7], $0xB40  }
0xe1: {  	[sflag:s7] =	ssyncset.done $0x0  }
0xe2: {  	s5 =	simm.s32 $0x199F0;
	[sflag:s7] =	ssyncadd.s32 $0xFFFFF4C0  }
0xe3: {  	s17 =	simm.s32 $0x13FF0;
	v2 =	vld [tilespmem:s5+$0xFFFFFF50]  }
0xe4: {  	v3 =	vld [tilespmem:s17+$0xFFFFFF50];
	_ =	sdelay $0x4  }
0xe5: {  	v2 =	vmul.f32 v3, v2;
	_ =	sdelay $0x1  }
0xe6: {  	[tilespmem:s5+$0xFFFFFF50] =	vst v2;
	v2 =	vld [tilespmem:s5+$0xFFFFFF60]  }
0xe7: {  	v3 =	vld [tilespmem:s17+$0xFFFFFF60];
	_ =	sdelay $0x4  }
0xe8: {  	v2 =	vmul.f32 v3, v2;
	_ =	sdelay $0x1  }
0xe9: {  	[tilespmem:s5+$0xFFFFFF60] =	vst v2;
	v2 =	vld [tilespmem:s5+$0xFFFFFF70]  }
0xea: {  	v3 =	vld [tilespmem:s17+$0xFFFFFF70];
	_ =	sdelay $0x4  }
0xeb: {  	v2 =	vmul.f32 v3, v2;
	_ =	sdelay $0x1  }
0xec: {  	[tilespmem:s5+$0xFFFFFF70] =	vst v2;
	v2 =	vld [tilespmem:s5+$0xFFFFFF80]  }
0xed: {  	v3 =	vld [tilespmem:s17+$0xFFFFFF80];
	_ =	sdelay $0x4  }
0xee: {  	v2 =	vmul.f32 v3, v2;
	_ =	sdelay $0x1  }
0xef: {  	[tilespmem:s5+$0xFFFFFF80] =	vst v2;
	v2 =	vld [tilespmem:s5+$0xFFFFFF90]  }
0xf0: {  	v3 =	vld [tilespmem:s17+$0xFFFFFF90];
	_ =	sdelay $0x4  }
0xf1: {  	v2 =	vmul.f32 v3, v2;
	_ =	sdelay $0x1  }
0xf2: {  	[tilespmem:s5+$0xFFFFFF90] =	vst v2;
	v2 =	vld [tilespmem:s5+$0xFFFFFFA0]  }
0xf3: {  	v3 =	vld [tilespmem:s17+$0xFFFFFFA0];
	_ =	sdelay $0x4  }
0xf4: {  	v2 =	vmul.f32 v3, v2;
	_ =	sdelay $0x1  }
0xf5: {  	[tilespmem:s5+$0xFFFFFFA0] =	vst v2;
	v2 =	vld [tilespmem:s5+$0xFFFFFFB0]  }
0xf6: {  	v3 =	vld [tilespmem:s17+$0xFFFFFFB0];
	_ =	sdelay $0x4  }
0xf7: {  	v2 =	vmul.f32 v3, v2;
	_ =	sdelay $0x1  }
0xf8: {  	[tilespmem:s5+$0xFFFFFFB0] =	vst v2;
	v2 =	vld [tilespmem:s5+$0xFFFFFFC0]  }
0xf9: {  	v3 =	vld [tilespmem:s17+$0xFFFFFFC0];
	_ =	sdelay $0x4  }
0xfa: {  	v2 =	vmul.f32 v3, v2  }
0xfb: {  	s0 =	simm.s32 $0xB40  }
0xfc: {  	s0 =	sand.u32 $0x1FC0, s0;
	[tilespmem:s5+$0xFFFFFFC0] =	vst v2  }
0xfd: {  	v2 =	vld [tilespmem:s0+$0x18E80]  }
0xfe: {  	v3 =	vld [tilespmem:s0+$0x13480];
	_ =	sdelay $0x4  }
0xff: {  	v2 =	vmul.f32 v3, v2;
	_ =	sdelay $0x1  }
0x100: {  	[tilespmem:s0+$0x18E80] =	vst v2  }
0x101: {  	v2 =	vld [tilespmem:s5+$0xFFFFFFE0]  }
0x102: {  	v3 =	vld [tilespmem:s17+$0xFFFFFFE0];
	_ =	sdelay $0x4  }
0x103: {  	v2 =	vmul.f32 v3, v2;
	_ =	sdelay $0x1  }
0x104: {  	v3 =	vld [tilespmem:s5+$0xFFFFFFF0];
	[tilespmem:s5+$0xFFFFFFE0] =	vst v2  }
0x105: {  	v2 =	vld [tilespmem:s17+$0xFFFFFFF0];
	_ =	sdelay $0x4  }
0x106: {  	v3 =	vmul.f32 v2, v3;
	_ =	sdelay $0x1  }
0x107: {  	v2 =	vld [tilespmem:s5+$0x0];
	[tilespmem:s5+$0xFFFFFFF0] =	vst v3  }
0x108: {  	s8 =	simm.s32 $0xC00;
	s31 =	simm.s32 $0x199F0;
	v3 =	vld [tilespmem:s17+$0x0]  }
.LBB2_7:
0x109: {  	_ =	sdelay $0x3  }
0x10a: {  	p3 =	sne.s32 s8, $0x15C0;
	s17 =	sadd.s32 $0xC0, s17;
	s5 =	sadd.s32 $0xC0, s5;
	v2 =	vmul.f32 v3, v2  }
0x10b: {  	s0 =	smov.u32 s8;
	s8 =	sadd.s32 $0xC0, s8  }
0x10c: {  	v3 =	vld [tilespmem:s5+$0xFFFFFF50];
	[tilespmem:s31+$0x0] =	vst v2;
	s31 =	smov.u32 s5  }
0x10d: {  	v2 =	vld [tilespmem:s17+$0xFFFFFF50];
	_ =	sdelay $0x4  }
0x10e: {  	v2 =	vmul.f32 v2, v3;
	_ =	sdelay $0x1  }
0x10f: {  	[tilespmem:s5+$0xFFFFFF50] =	vst v2;
	v2 =	vld [tilespmem:s5+$0xFFFFFF60]  }
0x110: {  	v3 =	vld [tilespmem:s17+$0xFFFFFF60];
	_ =	sdelay $0x4  }
0x111: {  	v2 =	vmul.f32 v3, v2;
	_ =	sdelay $0x1  }
0x112: {  	[tilespmem:s5+$0xFFFFFF60] =	vst v2;
	v2 =	vld [tilespmem:s5+$0xFFFFFF70]  }
0x113: {  	v3 =	vld [tilespmem:s17+$0xFFFFFF70];
	_ =	sdelay $0x4  }
0x114: {  	v2 =	vmul.f32 v3, v2;
	_ =	sdelay $0x1  }
0x115: {  	[tilespmem:s5+$0xFFFFFF70] =	vst v2;
	v2 =	vld [tilespmem:s5+$0xFFFFFF80]  }
0x116: {  	v3 =	vld [tilespmem:s17+$0xFFFFFF80];
	_ =	sdelay $0x4  }
0x117: {  	v2 =	vmul.f32 v3, v2;
	_ =	sdelay $0x1  }
0x118: {  	[tilespmem:s5+$0xFFFFFF80] =	vst v2;
	v2 =	vld [tilespmem:s5+$0xFFFFFF90]  }
0x119: {  	v3 =	vld [tilespmem:s17+$0xFFFFFF90];
	_ =	sdelay $0x4  }
0x11a: {  	v2 =	vmul.f32 v3, v2;
	_ =	sdelay $0x1  }
0x11b: {  	[tilespmem:s5+$0xFFFFFF90] =	vst v2;
	v2 =	vld [tilespmem:s5+$0xFFFFFFA0]  }
0x11c: {  	v3 =	vld [tilespmem:s17+$0xFFFFFFA0];
	_ =	sdelay $0x4  }
0x11d: {  	v2 =	vmul.f32 v3, v2;
	_ =	sdelay $0x1  }
0x11e: {  	[tilespmem:s5+$0xFFFFFFA0] =	vst v2;
	v2 =	vld [tilespmem:s5+$0xFFFFFFB0]  }
0x11f: {  	v3 =	vld [tilespmem:s17+$0xFFFFFFB0];
	_ =	sdelay $0x4  }
0x120: {  	v2 =	vmul.f32 v3, v2;
	_ =	sdelay $0x1  }
0x121: {  	[tilespmem:s5+$0xFFFFFFB0] =	vst v2;
	v2 =	vld [tilespmem:s5+$0xFFFFFFC0]  }
0x122: {  	v3 =	vld [tilespmem:s17+$0xFFFFFFC0];
	_ =	sdelay $0x4  }
0x123: {  	v2 =	vmul.f32 v3, v2;
	_ =	sdelay $0x1  }
0x124: {  	s0 =	sand.u32 $0x1FC0, s0;
	[tilespmem:s5+$0xFFFFFFC0] =	vst v2  }
0x125: {  	v2 =	vld [tilespmem:s0+$0x18E80]  }
0x126: {  	v3 =	vld [tilespmem:s0+$0x13480];
	_ =	sdelay $0x4  }
0x127: {  	v2 =	vmul.f32 v3, v2;
	_ =	sdelay $0x1  }
0x128: {  	[tilespmem:s0+$0x18E80] =	vst v2  }
0x129: {  	v2 =	vld [tilespmem:s5+$0xFFFFFFE0]  }
0x12a: {  	v3 =	vld [tilespmem:s17+$0xFFFFFFE0];
	_ =	sdelay $0x4  }
0x12b: {  	v2 =	vmul.f32 v3, v2  }
0x12c: {  	v3 =	vld [tilespmem:s5+$0xFFFFFFF0]  }
0x12d: {  	[tilespmem:s5+$0xFFFFFFE0] =	vst v2  }
0x12e: {  	v2 =	vld [tilespmem:s17+$0xFFFFFFF0];
	_ =	sdelay $0x3  }
.Ltmp2:
0x12f: {  	(pc) =	sbr.rel @p3 .LBB2_7-.Ltmp2, $4  }
0x130: {  	v3 =	vmul.f32 v2, v3  }
0x131: {  	v2 =	vld [tilespmem:s5+$0x0]  }
0x132: {  	[tilespmem:s5+$0xFFFFFFF0] =	vst v3  }
0x133: {  	v3 =	vld [tilespmem:s17+$0x0]  }
0x134: {  	_ =	sdelay $0x3  }
0x135: {  	v2 =	vmul.f32 v3, v2;
	_ =	sdelay $0x1  }
0x136: {  	s0 =	simm.s32 $0x18E00;
	[tilespmem:s31+$0x0] =	vst v2;
	s31 =	simm.s32 $0x8000  }
0x137: {  	[spmem:s6] =	stream.indirect.scatter.add.f32 [tilespmem:s0], [sflag:$0xD], $0x1, s31, s24, $0xb8;
	[tilespmem:$0x1F800] =	vst v63  }
0x138: {  	s0 =	simm.s32 @!p2 $0x10  }
0x139: {  	_ =	swait.ge @!p2 [sflag:s0], $0x1680  }
0x13a: {  	s5 =	sadd.s32 $0x10C80, s29;
	s8 =	simm.s32 $0x0;
	[sflag:s0] =	ssyncset.done @!p2 $0x0  }
0x13b: {  	s17 =	simm.s32 $0xC380;
	[sflag:s0] =	ssyncadd.s32 @!p2 $0xFFFFE980;
	s0 =	sadd.s32 s1, s5  }
0x13c: {  	[tilespmem:s17], [sflag:$0x4] =	stream.linear.gather [hbm4b:s0+s8], $0x1660, $0x38;
	[tilespmem:$0x1F800] =	vst v63  }
0x13d: {  	s0 =	sadd.s32 s2, s5;
	s17 =	simm.s32 $0x11D80  }
0x13e: {  	[tilespmem:s17], [sflag:$0x4] =	stream.linear.gather [hbm4b:s0+s8], $0x1660, $0x38;
	[tilespmem:$0x1F800] =	vst v63  }
0x13f: {  	s5 =	sadd.s32 s3, s5;
	s17 =	simm.s32 $0x17780  }
0x140: {  	[tilespmem:s17], [sflag:$0x4] =	stream.linear.gather [hbm4b:s5+s8], $0x1660, $0x38;
	[tilespmem:$0x1F800] =	vst v63  }
0x141: {  	_ =	swait.ge [sflag:s15], $0x1660  }
0x142: {  	[sflag:s15] =	ssyncset.done $0x0  }
0x143: {  	[sflag:s15] =	ssyncadd.s32 $0xFFFFE9A0  }
0x144: {  	_ =	swait.ge [sflag:s15], $0x1660  }
0x145: {  	[sflag:s15] =	ssyncset.done $0x0  }
0x146: {  	[sflag:s15] =	ssyncadd.s32 $0xFFFFE9A0  }
0x147: {  	_ =	swait.ge [sflag:s15], $0x1660  }
0x148: {  	[sflag:s15] =	ssyncset.done $0x0  }
0x149: {  	s5 =	simm.s32 $0x10700;
	s17 =	simm.s32 $0x1BB00;
	[sflag:s15] =	ssyncadd.s32 $0xFFFFE9A0  }
0x14a: {  	[tilespmem:s17], [sflag:$0x7] =	stream.indirect.gather [spmem:s4], $0x1, s5, s13, $0xb8;
	[tilespmem:$0x1F800] =	vst v63  }
0x14b: {  	s5 =	simm.s32 $0x11240;
	s17 =	simm.s32 $0x1C640  }
0x14c: {  	[tilespmem:s17], [sflag:$0xB] =	stream.indirect.gather [spmem:s4], $0x1, s5, s13, $0xb8;
	[tilespmem:$0x1F800] =	vst v63  }
0x14d: {  	_ =	swait.ge [sflag:s23], $0xB40  }
0x14e: {  	[sflag:s23] =	ssyncset.done $0x0  }
0x14f: {  	s5 =	simm.s32 $0x1A4E0;
	[sflag:s23] =	ssyncadd.s32 $0xFFFFF4C0  }
0x150: {  	s17 =	simm.s32 $0x14AE0;
	v2 =	vld [tilespmem:s5+$0xFFFFFFA0]  }
0x151: {  	v3 =	vld [tilespmem:s17+$0xFFFFFFA0];
	_ =	sdelay $0x4  }
0x152: {  	v2 =	vmul.f32 v3, v2;
	_ =	sdelay $0x1  }
0x153: {  	[tilespmem:s5+$0xFFFFFFA0] =	vst v2;
	v2 =	vld [tilespmem:s5+$0xFFFFFFB0]  }
0x154: {  	v3 =	vld [tilespmem:s17+$0xFFFFFFB0];
	_ =	sdelay $0x4  }
0x155: {  	v2 =	vmul.f32 v3, v2;
	_ =	sdelay $0x1  }
0x156: {  	[tilespmem:s5+$0xFFFFFFB0] =	vst v2;
	v2 =	vld [tilespmem:s5+$0xFFFFFFC0]  }
0x157: {  	v3 =	vld [tilespmem:s17+$0xFFFFFFC0];
	_ =	sdelay $0x4  }
0x158: {  	v2 =	vmul.f32 v3, v2;
	_ =	sdelay $0x1  }
0x159: {  	[tilespmem:s5+$0xFFFFFFC0] =	vst v2;
	v2 =	vld [tilespmem:s5+$0xFFFFFFD0]  }
0x15a: {  	v3 =	vld [tilespmem:s17+$0xFFFFFFD0];
	_ =	sdelay $0x4  }
0x15b: {  	v2 =	vmul.f32 v3, v2;
	_ =	sdelay $0x1  }
0x15c: {  	[tilespmem:s5+$0xFFFFFFD0] =	vst v2;
	v2 =	vld [tilespmem:s5+$0xFFFFFFE0]  }
0x15d: {  	v3 =	vld [tilespmem:s17+$0xFFFFFFE0];
	_ =	sdelay $0x4  }
0x15e: {  	v2 =	vmul.f32 v3, v2;
	_ =	sdelay $0x1  }
0x15f: {  	[tilespmem:s5+$0xFFFFFFE0] =	vst v2;
	v2 =	vld [tilespmem:s5+$0xFFFFFFF0]  }
0x160: {  	v3 =	vld [tilespmem:s17+$0xFFFFFFF0];
	_ =	sdelay $0x4  }
0x161: {  	v2 =	vmul.f32 v3, v2;
	_ =	sdelay $0x1  }
0x162: {  	[tilespmem:s5+$0xFFFFFFF0] =	vst v2;
	v2 =	vld [tilespmem:s5+$0x0]  }
0x163: {  	v3 =	vld [tilespmem:s17+$0x0];
	_ =	sdelay $0x4  }
0x164: {  	v2 =	vmul.f32 v3, v2;
	_ =	sdelay $0x1  }
0x165: {  	[tilespmem:s5+$0x0] =	vst v2;
	v2 =	vld [tilespmem:s5+$0x10]  }
0x166: {  	v3 =	vld [tilespmem:s17+$0x10];
	_ =	sdelay $0x4  }
0x167: {  	v2 =	vmul.f32 v3, v2;
	_ =	sdelay $0x1  }
0x168: {  	s8 =	sand.u32 $0xFC0, s8;
	[tilespmem:s5+$0x10] =	vst v2  }
0x169: {  	v2 =	vld [tilespmem:s8+$0x1A500]  }
0x16a: {  	v3 =	vld [tilespmem:s8+$0x14B00];
	_ =	sdelay $0x4  }
0x16b: {  	v2 =	vmul.f32 v3, v2;
	_ =	sdelay $0x1  }
0x16c: {  	[tilespmem:s8+$0x1A500] =	vst v2  }
0x16d: {  	v2 =	vld [tilespmem:s5+$0x30]  }
0x16e: {  	v3 =	vld [tilespmem:s17+$0x30];
	_ =	sdelay $0x4  }
0x16f: {  	v2 =	vmul.f32 v3, v2;
	_ =	sdelay $0x1  }
0x170: {  	v3 =	vld [tilespmem:s5+$0x40];
	[tilespmem:s5+$0x30] =	vst v2  }
0x171: {  	v2 =	vld [tilespmem:s17+$0x40];
	_ =	sdelay $0x4  }
0x172: {  	v3 =	vmul.f32 v2, v3;
	_ =	sdelay $0x1  }
0x173: {  	v2 =	vld [tilespmem:s5+$0x50];
	[tilespmem:s5+$0x40] =	vst v3  }
0x174: {  	s29 =	simm.s32 $0x1A4E0;
	s8 =	simm.s32 $0xC0;
	v3 =	vld [tilespmem:s17+$0x50]  }
.LBB2_9:
0x175: {  	_ =	sdelay $0x3  }
0x176: {  	p3 =	sne.s32 s8, $0xA80;
	s17 =	sadd.s32 $0xC0, s17;
	s5 =	sadd.s32 $0xC0, s5;
	v2 =	vmul.f32 v3, v2  }
0x177: {  	s0 =	smov.u32 s8;
	s8 =	sadd.s32 $0xC0, s8  }
0x178: {  	v3 =	vld [tilespmem:s5+$0xFFFFFFA0];
	[tilespmem:s29+$0x50] =	vst v2;
	s29 =	smov.u32 s5  }
0x179: {  	v2 =	vld [tilespmem:s17+$0xFFFFFFA0];
	_ =	sdelay $0x4  }
0x17a: {  	v2 =	vmul.f32 v2, v3;
	_ =	sdelay $0x1  }
0x17b: {  	[tilespmem:s5+$0xFFFFFFA0] =	vst v2;
	v2 =	vld [tilespmem:s5+$0xFFFFFFB0]  }
0x17c: {  	v3 =	vld [tilespmem:s17+$0xFFFFFFB0];
	_ =	sdelay $0x4  }
0x17d: {  	v2 =	vmul.f32 v3, v2;
	_ =	sdelay $0x1  }
0x17e: {  	[tilespmem:s5+$0xFFFFFFB0] =	vst v2;
	v2 =	vld [tilespmem:s5+$0xFFFFFFC0]  }
0x17f: {  	v3 =	vld [tilespmem:s17+$0xFFFFFFC0];
	_ =	sdelay $0x4  }
0x180: {  	v2 =	vmul.f32 v3, v2;
	_ =	sdelay $0x1  }
0x181: {  	[tilespmem:s5+$0xFFFFFFC0] =	vst v2;
	v2 =	vld [tilespmem:s5+$0xFFFFFFD0]  }
0x182: {  	v3 =	vld [tilespmem:s17+$0xFFFFFFD0];
	_ =	sdelay $0x4  }
0x183: {  	v2 =	vmul.f32 v3, v2;
	_ =	sdelay $0x1  }
0x184: {  	[tilespmem:s5+$0xFFFFFFD0] =	vst v2;
	v2 =	vld [tilespmem:s5+$0xFFFFFFE0]  }
0x185: {  	v3 =	vld [tilespmem:s17+$0xFFFFFFE0];
	_ =	sdelay $0x4  }
0x186: {  	v2 =	vmul.f32 v3, v2;
	_ =	sdelay $0x1  }
0x187: {  	[tilespmem:s5+$0xFFFFFFE0] =	vst v2;
	v2 =	vld [tilespmem:s5+$0xFFFFFFF0]  }
0x188: {  	v3 =	vld [tilespmem:s17+$0xFFFFFFF0];
	_ =	sdelay $0x4  }
0x189: {  	v2 =	vmul.f32 v3, v2;
	_ =	sdelay $0x1  }
0x18a: {  	[tilespmem:s5+$0xFFFFFFF0] =	vst v2;
	v2 =	vld [tilespmem:s5+$0x0]  }
0x18b: {  	v3 =	vld [tilespmem:s17+$0x0];
	_ =	sdelay $0x4  }
0x18c: {  	v2 =	vmul.f32 v3, v2;
	_ =	sdelay $0x1  }
0x18d: {  	[tilespmem:s5+$0x0] =	vst v2;
	v2 =	vld [tilespmem:s5+$0x10]  }
0x18e: {  	v3 =	vld [tilespmem:s17+$0x10];
	_ =	sdelay $0x4  }
0x18f: {  	v2 =	vmul.f32 v3, v2;
	_ =	sdelay $0x1  }
0x190: {  	s0 =	sand.u32 $0xFC0, s0;
	[tilespmem:s5+$0x10] =	vst v2  }
0x191: {  	v2 =	vld [tilespmem:s0+$0x1A500]  }
0x192: {  	v3 =	vld [tilespmem:s0+$0x14B00];
	_ =	sdelay $0x4  }
0x193: {  	v2 =	vmul.f32 v3, v2;
	_ =	sdelay $0x1  }
0x194: {  	[tilespmem:s0+$0x1A500] =	vst v2  }
0x195: {  	v2 =	vld [tilespmem:s5+$0x30]  }
0x196: {  	v3 =	vld [tilespmem:s17+$0x30];
	_ =	sdelay $0x4  }
0x197: {  	v2 =	vmul.f32 v3, v2  }
0x198: {  	v3 =	vld [tilespmem:s5+$0x40]  }
0x199: {  	[tilespmem:s5+$0x30] =	vst v2  }
0x19a: {  	v2 =	vld [tilespmem:s17+$0x40];
	_ =	sdelay $0x3  }
.Ltmp3:
0x19b: {  	(pc) =	sbr.rel @p3 .LBB2_9-.Ltmp3, $4  }
0x19c: {  	v3 =	vmul.f32 v2, v3  }
0x19d: {  	v2 =	vld [tilespmem:s5+$0x50]  }
0x19e: {  	[tilespmem:s5+$0x40] =	vst v3  }
0x19f: {  	v3 =	vld [tilespmem:s17+$0x50]  }
0x1a0: {  	_ =	sdelay $0x3  }
0x1a1: {  	v2 =	vmul.f32 v3, v2;
	_ =	sdelay $0x1  }
0x1a2: {  	[tilespmem:s29+$0x50] =	vst v2  }
0x1a3: {  	_ =	swait.ge [sflag:s18], $0xB40  }
0x1a4: {  	[sflag:s18] =	ssyncset.done $0x0  }
0x1a5: {  	s5 =	simm.s32 $0x1B070;
	[sflag:s18] =	ssyncadd.s32 $0xFFFFF4C0  }
0x1a6: {  	s17 =	simm.s32 $0x15670;
	v2 =	vld [tilespmem:s5+$0xFFFFFF50]  }
0x1a7: {  	v3 =	vld [tilespmem:s17+$0xFFFFFF50];
	_ =	sdelay $0x4  }
0x1a8: {  	v2 =	vmul.f32 v3, v2;
	_ =	sdelay $0x1  }
0x1a9: {  	[tilespmem:s5+$0xFFFFFF50] =	vst v2;
	v2 =	vld [tilespmem:s5+$0xFFFFFF60]  }
0x1aa: {  	v3 =	vld [tilespmem:s17+$0xFFFFFF60];
	_ =	sdelay $0x4  }
0x1ab: {  	v2 =	vmul.f32 v3, v2;
	_ =	sdelay $0x1  }
0x1ac: {  	[tilespmem:s5+$0xFFFFFF60] =	vst v2;
	v2 =	vld [tilespmem:s5+$0xFFFFFF70]  }
0x1ad: {  	v3 =	vld [tilespmem:s17+$0xFFFFFF70];
	_ =	sdelay $0x4  }
0x1ae: {  	v2 =	vmul.f32 v3, v2;
	_ =	sdelay $0x1  }
0x1af: {  	[tilespmem:s5+$0xFFFFFF70] =	vst v2;
	v2 =	vld [tilespmem:s5+$0xFFFFFF80]  }
0x1b0: {  	v3 =	vld [tilespmem:s17+$0xFFFFFF80];
	_ =	sdelay $0x4  }
0x1b1: {  	v2 =	vmul.f32 v3, v2;
	_ =	sdelay $0x1  }
0x1b2: {  	[tilespmem:s5+$0xFFFFFF80] =	vst v2;
	v2 =	vld [tilespmem:s5+$0xFFFFFF90]  }
0x1b3: {  	v3 =	vld [tilespmem:s17+$0xFFFFFF90];
	_ =	sdelay $0x4  }
0x1b4: {  	v2 =	vmul.f32 v3, v2;
	_ =	sdelay $0x1  }
0x1b5: {  	[tilespmem:s5+$0xFFFFFF90] =	vst v2;
	v2 =	vld [tilespmem:s5+$0xFFFFFFA0]  }
0x1b6: {  	v3 =	vld [tilespmem:s17+$0xFFFFFFA0];
	_ =	sdelay $0x4  }
0x1b7: {  	v2 =	vmul.f32 v3, v2;
	_ =	sdelay $0x1  }
0x1b8: {  	[tilespmem:s5+$0xFFFFFFA0] =	vst v2;
	v2 =	vld [tilespmem:s5+$0xFFFFFFB0]  }
0x1b9: {  	v3 =	vld [tilespmem:s17+$0xFFFFFFB0];
	_ =	sdelay $0x4  }
0x1ba: {  	v2 =	vmul.f32 v3, v2;
	_ =	sdelay $0x1  }
0x1bb: {  	[tilespmem:s5+$0xFFFFFFB0] =	vst v2;
	v2 =	vld [tilespmem:s5+$0xFFFFFFC0]  }
0x1bc: {  	v3 =	vld [tilespmem:s17+$0xFFFFFFC0];
	_ =	sdelay $0x4  }
0x1bd: {  	v2 =	vmul.f32 v3, v2  }
0x1be: {  	s0 =	simm.s32 $0xB40  }
0x1bf: {  	s0 =	sand.u32 $0x1FC0, s0;
	[tilespmem:s5+$0xFFFFFFC0] =	vst v2  }
0x1c0: {  	v2 =	vld [tilespmem:s0+$0x1A500]  }
0x1c1: {  	v3 =	vld [tilespmem:s0+$0x14B00];
	_ =	sdelay $0x4  }
0x1c2: {  	v2 =	vmul.f32 v3, v2;
	_ =	sdelay $0x1  }
0x1c3: {  	[tilespmem:s0+$0x1A500] =	vst v2  }
0x1c4: {  	v2 =	vld [tilespmem:s5+$0xFFFFFFE0]  }
0x1c5: {  	v3 =	vld [tilespmem:s17+$0xFFFFFFE0];
	_ =	sdelay $0x4  }
0x1c6: {  	v2 =	vmul.f32 v3, v2;
	_ =	sdelay $0x1  }
0x1c7: {  	v3 =	vld [tilespmem:s5+$0xFFFFFFF0];
	[tilespmem:s5+$0xFFFFFFE0] =	vst v2  }
0x1c8: {  	v2 =	vld [tilespmem:s17+$0xFFFFFFF0];
	_ =	sdelay $0x4  }
0x1c9: {  	v3 =	vmul.f32 v2, v3;
	_ =	sdelay $0x1  }
0x1ca: {  	v2 =	vld [tilespmem:s5+$0x0];
	[tilespmem:s5+$0xFFFFFFF0] =	vst v3  }
0x1cb: {  	s8 =	simm.s32 $0xC00;
	s29 =	simm.s32 $0x1B070;
	v3 =	vld [tilespmem:s17+$0x0]  }
.LBB2_11:
0x1cc: {  	_ =	sdelay $0x3  }
0x1cd: {  	p3 =	sne.s32 s8, $0x15C0;
	s17 =	sadd.s32 $0xC0, s17;
	s5 =	sadd.s32 $0xC0, s5;
	v2 =	vmul.f32 v3, v2  }
0x1ce: {  	s0 =	smov.u32 s8;
	s8 =	sadd.s32 $0xC0, s8  }
0x1cf: {  	v3 =	vld [tilespmem:s5+$0xFFFFFF50];
	[tilespmem:s29+$0x0] =	vst v2;
	s29 =	smov.u32 s5  }
0x1d0: {  	v2 =	vld [tilespmem:s17+$0xFFFFFF50];
	_ =	sdelay $0x4  }
0x1d1: {  	v2 =	vmul.f32 v2, v3;
	_ =	sdelay $0x1  }
0x1d2: {  	[tilespmem:s5+$0xFFFFFF50] =	vst v2;
	v2 =	vld [tilespmem:s5+$0xFFFFFF60]  }
0x1d3: {  	v3 =	vld [tilespmem:s17+$0xFFFFFF60];
	_ =	sdelay $0x4  }
0x1d4: {  	v2 =	vmul.f32 v3, v2;
	_ =	sdelay $0x1  }
0x1d5: {  	[tilespmem:s5+$0xFFFFFF60] =	vst v2;
	v2 =	vld [tilespmem:s5+$0xFFFFFF70]  }
0x1d6: {  	v3 =	vld [tilespmem:s17+$0xFFFFFF70];
	_ =	sdelay $0x4  }
0x1d7: {  	v2 =	vmul.f32 v3, v2;
	_ =	sdelay $0x1  }
0x1d8: {  	[tilespmem:s5+$0xFFFFFF70] =	vst v2;
	v2 =	vld [tilespmem:s5+$0xFFFFFF80]  }
0x1d9: {  	v3 =	vld [tilespmem:s17+$0xFFFFFF80];
	_ =	sdelay $0x4  }
0x1da: {  	v2 =	vmul.f32 v3, v2;
	_ =	sdelay $0x1  }
0x1db: {  	[tilespmem:s5+$0xFFFFFF80] =	vst v2;
	v2 =	vld [tilespmem:s5+$0xFFFFFF90]  }
0x1dc: {  	v3 =	vld [tilespmem:s17+$0xFFFFFF90];
	_ =	sdelay $0x4  }
0x1dd: {  	v2 =	vmul.f32 v3, v2;
	_ =	sdelay $0x1  }
0x1de: {  	[tilespmem:s5+$0xFFFFFF90] =	vst v2;
	v2 =	vld [tilespmem:s5+$0xFFFFFFA0]  }
0x1df: {  	v3 =	vld [tilespmem:s17+$0xFFFFFFA0];
	_ =	sdelay $0x4  }
0x1e0: {  	v2 =	vmul.f32 v3, v2;
	_ =	sdelay $0x1  }
0x1e1: {  	[tilespmem:s5+$0xFFFFFFA0] =	vst v2;
	v2 =	vld [tilespmem:s5+$0xFFFFFFB0]  }
0x1e2: {  	v3 =	vld [tilespmem:s17+$0xFFFFFFB0];
	_ =	sdelay $0x4  }
0x1e3: {  	v2 =	vmul.f32 v3, v2;
	_ =	sdelay $0x1  }
0x1e4: {  	[tilespmem:s5+$0xFFFFFFB0] =	vst v2;
	v2 =	vld [tilespmem:s5+$0xFFFFFFC0]  }
0x1e5: {  	v3 =	vld [tilespmem:s17+$0xFFFFFFC0];
	_ =	sdelay $0x4  }
0x1e6: {  	v2 =	vmul.f32 v3, v2;
	_ =	sdelay $0x1  }
0x1e7: {  	s0 =	sand.u32 $0x1FC0, s0;
	[tilespmem:s5+$0xFFFFFFC0] =	vst v2  }
0x1e8: {  	v2 =	vld [tilespmem:s0+$0x1A500]  }
0x1e9: {  	v3 =	vld [tilespmem:s0+$0x14B00];
	_ =	sdelay $0x4  }
0x1ea: {  	v2 =	vmul.f32 v3, v2;
	_ =	sdelay $0x1  }
0x1eb: {  	[tilespmem:s0+$0x1A500] =	vst v2  }
0x1ec: {  	v2 =	vld [tilespmem:s5+$0xFFFFFFE0]  }
0x1ed: {  	v3 =	vld [tilespmem:s17+$0xFFFFFFE0];
	_ =	sdelay $0x4  }
0x1ee: {  	v2 =	vmul.f32 v3, v2  }
0x1ef: {  	v3 =	vld [tilespmem:s5+$0xFFFFFFF0]  }
0x1f0: {  	[tilespmem:s5+$0xFFFFFFE0] =	vst v2  }
0x1f1: {  	v2 =	vld [tilespmem:s17+$0xFFFFFFF0];
	_ =	sdelay $0x3  }
.Ltmp4:
0x1f2: {  	(pc) =	sbr.rel @p3 .LBB2_11-.Ltmp4, $4  }
0x1f3: {  	v3 =	vmul.f32 v2, v3  }
0x1f4: {  	v2 =	vld [tilespmem:s5+$0x0]  }
0x1f5: {  	[tilespmem:s5+$0xFFFFFFF0] =	vst v3  }
0x1f6: {  	v3 =	vld [tilespmem:s17+$0x0]  }
0x1f7: {  	_ =	sdelay $0x3  }
0x1f8: {  	v2 =	vmul.f32 v3, v2;
	_ =	sdelay $0x1  }
0x1f9: {  	s0 =	simm.s32 $0x9680;
	s8 =	rddreg [dreg:$0x12];
	[tilespmem:s29+$0x0] =	vst v2  }
0x1fa: {  	[spmem:s6] =	stream.indirect.scatter.add.f32 [tilespmem:s16], [sflag:$0xE], $0x1, s0, s24, $0xb8;
	[tilespmem:$0x1F800] =	vst v63  }
0x1fb: {  	s0 =	sadd.s32 s8, s28  }
0x1fc: {  	_ =	swait.ge [sflag:s9], $0x1680;
	s0 =	smul.u32 $0x2CC, s0  }
0x1fd: {  	[sflag:s9] =	ssyncset.done $0x0  }
0x1fe: {  	s8 =	simm.s32 $0x0;
	[sflag:s9] =	ssyncadd.s32 $0xFFFFE980;
	s5 =	sadd.s32 s1, s0  }
0x1ff: {  	[tilespmem:s31], [sflag:$0x1] =	stream.linear.gather [hbm4b:s5+s8], $0x1660, $0x38;
	[tilespmem:$0x1F800] =	vst v63  }
0x200: {  	s17 =	sadd.s32 s2, s0  }
0x201: {  	[tilespmem:s14], [sflag:$0x1] =	stream.linear.gather [hbm4b:s17+s8], $0x1660, $0x38;
	[tilespmem:$0x1F800] =	vst v63  }
0x202: {  	s0 =	sadd.s32 s3, s0;
	s17 =	simm.s32 $0x13400  }
0x203: {  	[tilespmem:s17], [sflag:$0x1] =	stream.linear.gather [hbm4b:s0+s8], $0x1660, $0x38;
	[tilespmem:$0x1F800] =	vst v63  }
0x204: {  	_ =	swait.ge [sflag:s10], $0x1660  }
0x205: {  	[sflag:s10] =	ssyncset.done $0x0  }
0x206: {  	[sflag:s10] =	ssyncadd.s32 $0xFFFFE9A0  }
0x207: {  	_ =	swait.ge [sflag:s10], $0x1660  }
0x208: {  	[sflag:s10] =	ssyncset.done $0x0  }
0x209: {  	[sflag:s10] =	ssyncadd.s32 $0xFFFFE9A0  }
0x20a: {  	_ =	swait.ge [sflag:s10], $0x1660  }
0x20b: {  	[sflag:s10] =	ssyncset.done $0x0  }
0x20c: {  	s5 =	simm.s32 $0x11D80;
	s17 =	simm.s32 $0x1D180;
	[sflag:s10] =	ssyncadd.s32 $0xFFFFE9A0  }
0x20d: {  	[tilespmem:s17], [sflag:$0x8] =	stream.indirect.gather [spmem:s4], $0x1, s5, s13, $0xb8;
	[tilespmem:$0x1F800] =	vst v63  }
0x20e: {  	s5 =	simm.s32 $0x128C0;
	s17 =	simm.s32 $0x1DCC0  }
0x20f: {  	[tilespmem:s17], [sflag:$0xC] =	stream.indirect.gather [spmem:s4], $0x1, s5, s13, $0xb8;
	[tilespmem:$0x1F800] =	vst v63  }
0x210: {  	_ =	swait.ge [sflag:s19], $0xB40  }
0x211: {  	[sflag:s19] =	ssyncset.done $0x0  }
0x212: {  	s5 =	simm.s32 $0x1BB60;
	[sflag:s19] =	ssyncadd.s32 $0xFFFFF4C0  }
0x213: {  	s17 =	simm.s32 $0x16160;
	v2 =	vld [tilespmem:s5+$0xFFFFFFA0]  }
0x214: {  	v3 =	vld [tilespmem:s17+$0xFFFFFFA0];
	_ =	sdelay $0x4  }
0x215: {  	v2 =	vmul.f32 v3, v2;
	_ =	sdelay $0x1  }
0x216: {  	[tilespmem:s5+$0xFFFFFFA0] =	vst v2;
	v2 =	vld [tilespmem:s5+$0xFFFFFFB0]  }
0x217: {  	v3 =	vld [tilespmem:s17+$0xFFFFFFB0];
	_ =	sdelay $0x4  }
0x218: {  	v2 =	vmul.f32 v3, v2;
	_ =	sdelay $0x1  }
0x219: {  	[tilespmem:s5+$0xFFFFFFB0] =	vst v2;
	v2 =	vld [tilespmem:s5+$0xFFFFFFC0]  }
0x21a: {  	v3 =	vld [tilespmem:s17+$0xFFFFFFC0];
	_ =	sdelay $0x4  }
0x21b: {  	v2 =	vmul.f32 v3, v2;
	_ =	sdelay $0x1  }
0x21c: {  	[tilespmem:s5+$0xFFFFFFC0] =	vst v2;
	v2 =	vld [tilespmem:s5+$0xFFFFFFD0]  }
0x21d: {  	v3 =	vld [tilespmem:s17+$0xFFFFFFD0];
	_ =	sdelay $0x4  }
0x21e: {  	v2 =	vmul.f32 v3, v2;
	_ =	sdelay $0x1  }
0x21f: {  	[tilespmem:s5+$0xFFFFFFD0] =	vst v2;
	v2 =	vld [tilespmem:s5+$0xFFFFFFE0]  }
0x220: {  	v3 =	vld [tilespmem:s17+$0xFFFFFFE0];
	_ =	sdelay $0x4  }
0x221: {  	v2 =	vmul.f32 v3, v2;
	_ =	sdelay $0x1  }
0x222: {  	[tilespmem:s5+$0xFFFFFFE0] =	vst v2;
	v2 =	vld [tilespmem:s5+$0xFFFFFFF0]  }
0x223: {  	v3 =	vld [tilespmem:s17+$0xFFFFFFF0];
	_ =	sdelay $0x4  }
0x224: {  	v2 =	vmul.f32 v3, v2;
	_ =	sdelay $0x1  }
0x225: {  	[tilespmem:s5+$0xFFFFFFF0] =	vst v2;
	v2 =	vld [tilespmem:s5+$0x0]  }
0x226: {  	v3 =	vld [tilespmem:s17+$0x0];
	_ =	sdelay $0x4  }
0x227: {  	v2 =	vmul.f32 v3, v2;
	_ =	sdelay $0x1  }
0x228: {  	[tilespmem:s5+$0x0] =	vst v2;
	v2 =	vld [tilespmem:s5+$0x10]  }
0x229: {  	v3 =	vld [tilespmem:s17+$0x10];
	_ =	sdelay $0x4  }
0x22a: {  	v2 =	vmul.f32 v3, v2;
	_ =	sdelay $0x1  }
0x22b: {  	s8 =	sand.u32 $0xFC0, s8;
	[tilespmem:s5+$0x10] =	vst v2  }
0x22c: {  	v2 =	vld [tilespmem:s8+$0x1BB80]  }
0x22d: {  	v3 =	vld [tilespmem:s8+$0x16180];
	_ =	sdelay $0x4  }
0x22e: {  	v2 =	vmul.f32 v3, v2;
	_ =	sdelay $0x1  }
0x22f: {  	[tilespmem:s8+$0x1BB80] =	vst v2  }
0x230: {  	v2 =	vld [tilespmem:s5+$0x30]  }
0x231: {  	v3 =	vld [tilespmem:s17+$0x30];
	_ =	sdelay $0x4  }
0x232: {  	v2 =	vmul.f32 v3, v2;
	_ =	sdelay $0x1  }
0x233: {  	v3 =	vld [tilespmem:s5+$0x40];
	[tilespmem:s5+$0x30] =	vst v2  }
0x234: {  	v2 =	vld [tilespmem:s17+$0x40];
	_ =	sdelay $0x4  }
0x235: {  	v3 =	vmul.f32 v2, v3;
	_ =	sdelay $0x1  }
0x236: {  	v2 =	vld [tilespmem:s5+$0x50];
	[tilespmem:s5+$0x40] =	vst v3  }
0x237: {  	s29 =	simm.s32 $0x1BB60;
	s8 =	simm.s32 $0xC0;
	v3 =	vld [tilespmem:s17+$0x50]  }
.LBB2_13:
0x238: {  	_ =	sdelay $0x3  }
0x239: {  	p3 =	sne.s32 s8, $0xA80;
	s17 =	sadd.s32 $0xC0, s17;
	s5 =	sadd.s32 $0xC0, s5;
	v2 =	vmul.f32 v3, v2  }
0x23a: {  	s0 =	smov.u32 s8;
	s8 =	sadd.s32 $0xC0, s8  }
0x23b: {  	v3 =	vld [tilespmem:s5+$0xFFFFFFA0];
	[tilespmem:s29+$0x50] =	vst v2;
	s29 =	smov.u32 s5  }
0x23c: {  	v2 =	vld [tilespmem:s17+$0xFFFFFFA0];
	_ =	sdelay $0x4  }
0x23d: {  	v2 =	vmul.f32 v2, v3;
	_ =	sdelay $0x1  }
0x23e: {  	[tilespmem:s5+$0xFFFFFFA0] =	vst v2;
	v2 =	vld [tilespmem:s5+$0xFFFFFFB0]  }
0x23f: {  	v3 =	vld [tilespmem:s17+$0xFFFFFFB0];
	_ =	sdelay $0x4  }
0x240: {  	v2 =	vmul.f32 v3, v2;
	_ =	sdelay $0x1  }
0x241: {  	[tilespmem:s5+$0xFFFFFFB0] =	vst v2;
	v2 =	vld [tilespmem:s5+$0xFFFFFFC0]  }
0x242: {  	v3 =	vld [tilespmem:s17+$0xFFFFFFC0];
	_ =	sdelay $0x4  }
0x243: {  	v2 =	vmul.f32 v3, v2;
	_ =	sdelay $0x1  }
0x244: {  	[tilespmem:s5+$0xFFFFFFC0] =	vst v2;
	v2 =	vld [tilespmem:s5+$0xFFFFFFD0]  }
0x245: {  	v3 =	vld [tilespmem:s17+$0xFFFFFFD0];
	_ =	sdelay $0x4  }
0x246: {  	v2 =	vmul.f32 v3, v2;
	_ =	sdelay $0x1  }
0x247: {  	[tilespmem:s5+$0xFFFFFFD0] =	vst v2;
	v2 =	vld [tilespmem:s5+$0xFFFFFFE0]  }
0x248: {  	v3 =	vld [tilespmem:s17+$0xFFFFFFE0];
	_ =	sdelay $0x4  }
0x249: {  	v2 =	vmul.f32 v3, v2;
	_ =	sdelay $0x1  }
0x24a: {  	[tilespmem:s5+$0xFFFFFFE0] =	vst v2;
	v2 =	vld [tilespmem:s5+$0xFFFFFFF0]  }
0x24b: {  	v3 =	vld [tilespmem:s17+$0xFFFFFFF0];
	_ =	sdelay $0x4  }
0x24c: {  	v2 =	vmul.f32 v3, v2;
	_ =	sdelay $0x1  }
0x24d: {  	[tilespmem:s5+$0xFFFFFFF0] =	vst v2;
	v2 =	vld [tilespmem:s5+$0x0]  }
0x24e: {  	v3 =	vld [tilespmem:s17+$0x0];
	_ =	sdelay $0x4  }
0x24f: {  	v2 =	vmul.f32 v3, v2;
	_ =	sdelay $0x1  }
0x250: {  	[tilespmem:s5+$0x0] =	vst v2;
	v2 =	vld [tilespmem:s5+$0x10]  }
0x251: {  	v3 =	vld [tilespmem:s17+$0x10];
	_ =	sdelay $0x4  }
0x252: {  	v2 =	vmul.f32 v3, v2;
	_ =	sdelay $0x1  }
0x253: {  	s0 =	sand.u32 $0xFC0, s0;
	[tilespmem:s5+$0x10] =	vst v2  }
0x254: {  	v2 =	vld [tilespmem:s0+$0x1BB80]  }
0x255: {  	v3 =	vld [tilespmem:s0+$0x16180];
	_ =	sdelay $0x4  }
0x256: {  	v2 =	vmul.f32 v3, v2;
	_ =	sdelay $0x1  }
0x257: {  	[tilespmem:s0+$0x1BB80] =	vst v2  }
0x258: {  	v2 =	vld [tilespmem:s5+$0x30]  }
0x259: {  	v3 =	vld [tilespmem:s17+$0x30];
	_ =	sdelay $0x4  }
0x25a: {  	v2 =	vmul.f32 v3, v2  }
0x25b: {  	v3 =	vld [tilespmem:s5+$0x40]  }
0x25c: {  	[tilespmem:s5+$0x30] =	vst v2  }
0x25d: {  	v2 =	vld [tilespmem:s17+$0x40];
	_ =	sdelay $0x3  }
.Ltmp5:
0x25e: {  	(pc) =	sbr.rel @p3 .LBB2_13-.Ltmp5, $4  }
0x25f: {  	v3 =	vmul.f32 v2, v3  }
0x260: {  	v2 =	vld [tilespmem:s5+$0x50]  }
0x261: {  	[tilespmem:s5+$0x40] =	vst v3  }
0x262: {  	v3 =	vld [tilespmem:s17+$0x50]  }
0x263: {  	_ =	sdelay $0x3  }
0x264: {  	v2 =	vmul.f32 v3, v2;
	_ =	sdelay $0x1  }
0x265: {  	[tilespmem:s29+$0x50] =	vst v2  }
0x266: {  	_ =	swait.ge [sflag:s20], $0xB40  }
0x267: {  	[sflag:s20] =	ssyncset.done $0x0  }
0x268: {  	s5 =	simm.s32 $0x1C6F0;
	[sflag:s20] =	ssyncadd.s32 $0xFFFFF4C0  }
0x269: {  	s17 =	simm.s32 $0x16CF0;
	v2 =	vld [tilespmem:s5+$0xFFFFFF50]  }
0x26a: {  	v3 =	vld [tilespmem:s17+$0xFFFFFF50];
	_ =	sdelay $0x4  }
0x26b: {  	v2 =	vmul.f32 v3, v2;
	_ =	sdelay $0x1  }
0x26c: {  	[tilespmem:s5+$0xFFFFFF50] =	vst v2;
	v2 =	vld [tilespmem:s5+$0xFFFFFF60]  }
0x26d: {  	v3 =	vld [tilespmem:s17+$0xFFFFFF60];
	_ =	sdelay $0x4  }
0x26e: {  	v2 =	vmul.f32 v3, v2;
	_ =	sdelay $0x1  }
0x26f: {  	[tilespmem:s5+$0xFFFFFF60] =	vst v2;
	v2 =	vld [tilespmem:s5+$0xFFFFFF70]  }
0x270: {  	v3 =	vld [tilespmem:s17+$0xFFFFFF70];
	_ =	sdelay $0x4  }
0x271: {  	v2 =	vmul.f32 v3, v2;
	_ =	sdelay $0x1  }
0x272: {  	[tilespmem:s5+$0xFFFFFF70] =	vst v2;
	v2 =	vld [tilespmem:s5+$0xFFFFFF80]  }
0x273: {  	v3 =	vld [tilespmem:s17+$0xFFFFFF80];
	_ =	sdelay $0x4  }
0x274: {  	v2 =	vmul.f32 v3, v2;
	_ =	sdelay $0x1  }
0x275: {  	[tilespmem:s5+$0xFFFFFF80] =	vst v2;
	v2 =	vld [tilespmem:s5+$0xFFFFFF90]  }
0x276: {  	v3 =	vld [tilespmem:s17+$0xFFFFFF90];
	_ =	sdelay $0x4  }
0x277: {  	v2 =	vmul.f32 v3, v2;
	_ =	sdelay $0x1  }
0x278: {  	[tilespmem:s5+$0xFFFFFF90] =	vst v2;
	v2 =	vld [tilespmem:s5+$0xFFFFFFA0]  }
0x279: {  	v3 =	vld [tilespmem:s17+$0xFFFFFFA0];
	_ =	sdelay $0x4  }
0x27a: {  	v2 =	vmul.f32 v3, v2;
	_ =	sdelay $0x1  }
0x27b: {  	[tilespmem:s5+$0xFFFFFFA0] =	vst v2;
	v2 =	vld [tilespmem:s5+$0xFFFFFFB0]  }
0x27c: {  	v3 =	vld [tilespmem:s17+$0xFFFFFFB0];
	_ =	sdelay $0x4  }
0x27d: {  	v2 =	vmul.f32 v3, v2;
	_ =	sdelay $0x1  }
0x27e: {  	[tilespmem:s5+$0xFFFFFFB0] =	vst v2;
	v2 =	vld [tilespmem:s5+$0xFFFFFFC0]  }
0x27f: {  	v3 =	vld [tilespmem:s17+$0xFFFFFFC0];
	_ =	sdelay $0x4  }
0x280: {  	v2 =	vmul.f32 v3, v2  }
0x281: {  	s0 =	simm.s32 $0xB40  }
0x282: {  	s0 =	sand.u32 $0x1FC0, s0;
	[tilespmem:s5+$0xFFFFFFC0] =	vst v2  }
0x283: {  	v2 =	vld [tilespmem:s0+$0x1BB80]  }
0x284: {  	v3 =	vld [tilespmem:s0+$0x16180];
	_ =	sdelay $0x4  }
0x285: {  	v2 =	vmul.f32 v3, v2;
	_ =	sdelay $0x1  }
0x286: {  	[tilespmem:s0+$0x1BB80] =	vst v2  }
0x287: {  	v2 =	vld [tilespmem:s5+$0xFFFFFFE0]  }
0x288: {  	v3 =	vld [tilespmem:s17+$0xFFFFFFE0];
	_ =	sdelay $0x4  }
0x289: {  	v2 =	vmul.f32 v3, v2;
	_ =	sdelay $0x1  }
0x28a: {  	v3 =	vld [tilespmem:s5+$0xFFFFFFF0];
	[tilespmem:s5+$0xFFFFFFE0] =	vst v2  }
0x28b: {  	v2 =	vld [tilespmem:s17+$0xFFFFFFF0];
	_ =	sdelay $0x4  }
0x28c: {  	v3 =	vmul.f32 v2, v3;
	_ =	sdelay $0x1  }
0x28d: {  	v2 =	vld [tilespmem:s5+$0x0];
	[tilespmem:s5+$0xFFFFFFF0] =	vst v3  }
0x28e: {  	s8 =	simm.s32 $0xC00;
	s29 =	simm.s32 $0x1C6F0;
	v3 =	vld [tilespmem:s17+$0x0]  }
.LBB2_15:
0x28f: {  	_ =	sdelay $0x3  }
0x290: {  	p3 =	sne.s32 s8, $0x15C0;
	s17 =	sadd.s32 $0xC0, s17;
	s5 =	sadd.s32 $0xC0, s5;
	v2 =	vmul.f32 v3, v2  }
0x291: {  	s0 =	smov.u32 s8;
	s8 =	sadd.s32 $0xC0, s8  }
0x292: {  	v3 =	vld [tilespmem:s5+$0xFFFFFF50];
	[tilespmem:s29+$0x0] =	vst v2;
	s29 =	smov.u32 s5  }
0x293: {  	v2 =	vld [tilespmem:s17+$0xFFFFFF50];
	_ =	sdelay $0x4  }
0x294: {  	v2 =	vmul.f32 v2, v3;
	_ =	sdelay $0x1  }
0x295: {  	[tilespmem:s5+$0xFFFFFF50] =	vst v2;
	v2 =	vld [tilespmem:s5+$0xFFFFFF60]  }
0x296: {  	v3 =	vld [tilespmem:s17+$0xFFFFFF60];
	_ =	sdelay $0x4  }
0x297: {  	v2 =	vmul.f32 v3, v2;
	_ =	sdelay $0x1  }
0x298: {  	[tilespmem:s5+$0xFFFFFF60] =	vst v2;
	v2 =	vld [tilespmem:s5+$0xFFFFFF70]  }
0x299: {  	v3 =	vld [tilespmem:s17+$0xFFFFFF70];
	_ =	sdelay $0x4  }
0x29a: {  	v2 =	vmul.f32 v3, v2;
	_ =	sdelay $0x1  }
0x29b: {  	[tilespmem:s5+$0xFFFFFF70] =	vst v2;
	v2 =	vld [tilespmem:s5+$0xFFFFFF80]  }
0x29c: {  	v3 =	vld [tilespmem:s17+$0xFFFFFF80];
	_ =	sdelay $0x4  }
0x29d: {  	v2 =	vmul.f32 v3, v2;
	_ =	sdelay $0x1  }
0x29e: {  	[tilespmem:s5+$0xFFFFFF80] =	vst v2;
	v2 =	vld [tilespmem:s5+$0xFFFFFF90]  }
0x29f: {  	v3 =	vld [tilespmem:s17+$0xFFFFFF90];
	_ =	sdelay $0x4  }
0x2a0: {  	v2 =	vmul.f32 v3, v2;
	_ =	sdelay $0x1  }
0x2a1: {  	[tilespmem:s5+$0xFFFFFF90] =	vst v2;
	v2 =	vld [tilespmem:s5+$0xFFFFFFA0]  }
0x2a2: {  	v3 =	vld [tilespmem:s17+$0xFFFFFFA0];
	_ =	sdelay $0x4  }
0x2a3: {  	v2 =	vmul.f32 v3, v2;
	_ =	sdelay $0x1  }
0x2a4: {  	[tilespmem:s5+$0xFFFFFFA0] =	vst v2;
	v2 =	vld [tilespmem:s5+$0xFFFFFFB0]  }
0x2a5: {  	v3 =	vld [tilespmem:s17+$0xFFFFFFB0];
	_ =	sdelay $0x4  }
0x2a6: {  	v2 =	vmul.f32 v3, v2;
	_ =	sdelay $0x1  }
0x2a7: {  	[tilespmem:s5+$0xFFFFFFB0] =	vst v2;
	v2 =	vld [tilespmem:s5+$0xFFFFFFC0]  }
0x2a8: {  	v3 =	vld [tilespmem:s17+$0xFFFFFFC0];
	_ =	sdelay $0x4  }
0x2a9: {  	v2 =	vmul.f32 v3, v2;
	_ =	sdelay $0x1  }
0x2aa: {  	s0 =	sand.u32 $0x1FC0, s0;
	[tilespmem:s5+$0xFFFFFFC0] =	vst v2  }
0x2ab: {  	v2 =	vld [tilespmem:s0+$0x1BB80]  }
0x2ac: {  	v3 =	vld [tilespmem:s0+$0x16180];
	_ =	sdelay $0x4  }
0x2ad: {  	v2 =	vmul.f32 v3, v2;
	_ =	sdelay $0x1  }
0x2ae: {  	[tilespmem:s0+$0x1BB80] =	vst v2  }
0x2af: {  	v2 =	vld [tilespmem:s5+$0xFFFFFFE0]  }
0x2b0: {  	v3 =	vld [tilespmem:s17+$0xFFFFFFE0];
	_ =	sdelay $0x4  }
0x2b1: {  	v2 =	vmul.f32 v3, v2  }
0x2b2: {  	v3 =	vld [tilespmem:s5+$0xFFFFFFF0]  }
0x2b3: {  	[tilespmem:s5+$0xFFFFFFE0] =	vst v2  }
0x2b4: {  	v2 =	vld [tilespmem:s17+$0xFFFFFFF0];
	_ =	sdelay $0x3  }
.Ltmp6:
0x2b5: {  	(pc) =	sbr.rel @p3 .LBB2_15-.Ltmp6, $4  }
0x2b6: {  	v3 =	vmul.f32 v2, v3  }
0x2b7: {  	v2 =	vld [tilespmem:s5+$0x0]  }
0x2b8: {  	[tilespmem:s5+$0xFFFFFFF0] =	vst v3  }
0x2b9: {  	v3 =	vld [tilespmem:s17+$0x0]  }
0x2ba: {  	_ =	sdelay $0x3  }
0x2bb: {  	v2 =	vmul.f32 v3, v2;
	_ =	sdelay $0x1  }
0x2bc: {  	s0 =	simm.s32 $0xAD00;
	s5 =	simm.s32 $0x1BB00;
	[tilespmem:s29+$0x0] =	vst v2;
	s29 =	rddreg [dreg:$0x13]  }
0x2bd: {  	[spmem:s6] =	stream.indirect.scatter.add.f32 [tilespmem:s5], [sflag:$0xF], $0x1, s0, s24, $0xb8;
	[tilespmem:$0x1F800] =	vst v63  }
0x2be: {  	s0 =	sadd.s32 s29, s28  }
0x2bf: {  	p3 =	sgt.u32 s0, $0x13E  }
0x2c0: {  	_ =	swait.ge [sflag:s21], $0x1680;
	p4 =	sne.s32 @p3 s0, $0x13F  }
0x2c1: {  	[sflag:s21] =	ssyncset.done $0x0;
	s17 =	rddreg [dreg:$0x14];
	p4 =	por p4, !p3  }
0x2c2: {  	[sflag:s21] =	ssyncadd.s32 $0xFFFFE980;
	s5 =	simm.s32 @!p4 $0x0;
	s8 =	simm.s32 @!p4 $0x9680  }
0x2c3: {  	[tilespmem:s8], [sflag:$0x2] =	stream.linear.gather @!p4 [hbm4b:s17+s5], $0x267, $0x38;
	[tilespmem:$0x1F800] =	vst v63  }
0x2c4: {  	s8 =	simm.s32 @!p4 $0xF080;
	s17 =	rddreg [dreg:$0x15]  }
0x2c5: {  	[tilespmem:s8], [sflag:$0x2] =	stream.linear.gather @!p4 [hbm4b:s17+s5], $0x267, $0x38;
	[tilespmem:$0x1F800] =	vst v63  }
0x2c6: {  	s0 =	smul.u32 @!p3 $0x2CC, s0;
	s8 =	simm.s32 @!p4 $0x14A80;
	s17 =	rddreg [dreg:$0x19]  }
0x2c7: {  	[tilespmem:s8], [sflag:$0x2] =	stream.linear.gather @!p4 [hbm4b:s17+s5], $0x267, $0x38;
	[tilespmem:$0x1F800] =	vst v63  }
0x2c8: {  	s5 =	sadd.s32 @!p3 s1, s0;
	s8 =	simm.s32 @!p3 $0x0;
	s17 =	simm.s32 @!p3 $0x9680  }
0x2c9: {  	[tilespmem:s17], [sflag:$0x2] =	stream.linear.gather @!p3 [hbm4b:s5+s8], $0x1660, $0x38;
	[tilespmem:$0x1F800] =	vst v63  }
0x2ca: {  	s5 =	sadd.s32 @!p3 s2, s0;
	s17 =	simm.s32 @!p3 $0xF080  }
0x2cb: {  	[tilespmem:s17], [sflag:$0x2] =	stream.linear.gather @!p3 [hbm4b:s5+s8], $0x1660, $0x38;
	[tilespmem:$0x1F800] =	vst v63  }
0x2cc: {  	s0 =	sadd.s32 @!p3 s3, s0;
	s5 =	simm.s32 @!p3 $0x14A80  }
0x2cd: {  	[tilespmem:s5], [sflag:$0x2] =	stream.linear.gather @!p3 [hbm4b:s0+s8], $0x1660, $0x38;
	[tilespmem:$0x1F800] =	vst v63  }
0x2ce: {  	_ =	swait.ge [sflag:s12], $0x1660  }
0x2cf: {  	[sflag:s12] =	ssyncset.done $0x0  }
0x2d0: {  	[sflag:s12] =	ssyncadd.s32 $0xFFFFE9A0  }
0x2d1: {  	_ =	swait.ge [sflag:s12], $0x1660  }
0x2d2: {  	[sflag:s12] =	ssyncset.done $0x0  }
0x2d3: {  	[sflag:s12] =	ssyncadd.s32 $0xFFFFE9A0  }
0x2d4: {  	_ =	swait.ge [sflag:s12], $0x1660  }
0x2d5: {  	[sflag:s12] =	ssyncset.done $0x0  }
0x2d6: {  	s5 =	simm.s32 $0x18E00;
	[sflag:s12] =	ssyncadd.s32 $0xFFFFE9A0  }
0x2d7: {  	[tilespmem:s5], [sflag:$0x5] =	stream.indirect.gather [spmem:s4], $0x1, s14, s13, $0xb8;
	[tilespmem:$0x1F800] =	vst v63  }
0x2d8: {  	s17 =	simm.s32 $0x19940;
	s8 =	simm.s32 $0xE540  }
0x2d9: {  	[tilespmem:s17], [sflag:$0x9] =	stream.indirect.gather [spmem:s4], $0x1, s8, s13, $0xb8;
	[tilespmem:$0x1F800] =	vst v63  }
0x2da: {  	_ =	swait.ge [sflag:s22], $0xB40  }
0x2db: {  	[sflag:s22] =	ssyncset.done $0x0  }
0x2dc: {  	s5 =	simm.s32 $0x1D1E0;
	[sflag:s22] =	ssyncadd.s32 $0xFFFFF4C0  }
0x2dd: {  	s17 =	simm.s32 $0x177E0;
	v2 =	vld [tilespmem:s5+$0xFFFFFFA0]  }
0x2de: {  	v3 =	vld [tilespmem:s17+$0xFFFFFFA0];
	_ =	sdelay $0x4  }
0x2df: {  	v2 =	vmul.f32 v3, v2;
	_ =	sdelay $0x1  }
0x2e0: {  	[tilespmem:s5+$0xFFFFFFA0] =	vst v2;
	v2 =	vld [tilespmem:s5+$0xFFFFFFB0]  }
0x2e1: {  	v3 =	vld [tilespmem:s17+$0xFFFFFFB0];
	_ =	sdelay $0x4  }
0x2e2: {  	v2 =	vmul.f32 v3, v2;
	_ =	sdelay $0x1  }
0x2e3: {  	[tilespmem:s5+$0xFFFFFFB0] =	vst v2;
	v2 =	vld [tilespmem:s5+$0xFFFFFFC0]  }
0x2e4: {  	v3 =	vld [tilespmem:s17+$0xFFFFFFC0];
	_ =	sdelay $0x4  }
0x2e5: {  	v2 =	vmul.f32 v3, v2;
	_ =	sdelay $0x1  }
0x2e6: {  	[tilespmem:s5+$0xFFFFFFC0] =	vst v2;
	v2 =	vld [tilespmem:s5+$0xFFFFFFD0]  }
0x2e7: {  	v3 =	vld [tilespmem:s17+$0xFFFFFFD0];
	_ =	sdelay $0x4  }
0x2e8: {  	v2 =	vmul.f32 v3, v2;
	_ =	sdelay $0x1  }
0x2e9: {  	[tilespmem:s5+$0xFFFFFFD0] =	vst v2;
	v2 =	vld [tilespmem:s5+$0xFFFFFFE0]  }
0x2ea: {  	v3 =	vld [tilespmem:s17+$0xFFFFFFE0];
	_ =	sdelay $0x4  }
0x2eb: {  	v2 =	vmul.f32 v3, v2;
	_ =	sdelay $0x1  }
0x2ec: {  	[tilespmem:s5+$0xFFFFFFE0] =	vst v2;
	v2 =	vld [tilespmem:s5+$0xFFFFFFF0]  }
0x2ed: {  	v3 =	vld [tilespmem:s17+$0xFFFFFFF0];
	_ =	sdelay $0x4  }
0x2ee: {  	v2 =	vmul.f32 v3, v2;
	_ =	sdelay $0x1  }
0x2ef: {  	[tilespmem:s5+$0xFFFFFFF0] =	vst v2;
	v2 =	vld [tilespmem:s5+$0x0]  }
0x2f0: {  	v3 =	vld [tilespmem:s17+$0x0];
	_ =	sdelay $0x4  }
0x2f1: {  	v2 =	vmul.f32 v3, v2;
	_ =	sdelay $0x1  }
0x2f2: {  	[tilespmem:s5+$0x0] =	vst v2;
	v2 =	vld [tilespmem:s5+$0x10]  }
0x2f3: {  	v3 =	vld [tilespmem:s17+$0x10];
	_ =	sdelay $0x4  }
0x2f4: {  	v2 =	vmul.f32 v3, v2  }
0x2f5: {  	s29 =	simm.s32 $0x0  }
0x2f6: {  	s0 =	sand.u32 $0xFC0, s29;
	[tilespmem:s5+$0x10] =	vst v2  }
0x2f7: {  	v2 =	vld [tilespmem:s0+$0x1D200]  }
0x2f8: {  	v3 =	vld [tilespmem:s0+$0x17800];
	_ =	sdelay $0x4  }
0x2f9: {  	v2 =	vmul.f32 v3, v2;
	_ =	sdelay $0x1  }
0x2fa: {  	[tilespmem:s0+$0x1D200] =	vst v2  }
0x2fb: {  	v2 =	vld [tilespmem:s5+$0x30]  }
0x2fc: {  	v3 =	vld [tilespmem:s17+$0x30];
	_ =	sdelay $0x4  }
0x2fd: {  	v2 =	vmul.f32 v3, v2;
	_ =	sdelay $0x1  }
0x2fe: {  	v3 =	vld [tilespmem:s5+$0x40];
	[tilespmem:s5+$0x30] =	vst v2  }
0x2ff: {  	v2 =	vld [tilespmem:s17+$0x40];
	_ =	sdelay $0x4  }
0x300: {  	v3 =	vmul.f32 v2, v3;
	_ =	sdelay $0x1  }
0x301: {  	v2 =	vld [tilespmem:s5+$0x50];
	[tilespmem:s5+$0x40] =	vst v3  }
0x302: {  	s28 =	simm.s32 $0x1D1E0;
	s8 =	simm.s32 $0xC0;
	v3 =	vld [tilespmem:s17+$0x50]  }
.LBB2_17:
0x303: {  	_ =	sdelay $0x3  }
0x304: {  	p3 =	sne.s32 s8, $0xA80;
	s17 =	sadd.s32 $0xC0, s17;
	s5 =	sadd.s32 $0xC0, s5;
	v2 =	vmul.f32 v3, v2  }
0x305: {  	s0 =	smov.u32 s8;
	s8 =	sadd.s32 $0xC0, s8  }
0x306: {  	v3 =	vld [tilespmem:s5+$0xFFFFFFA0];
	[tilespmem:s28+$0x50] =	vst v2;
	s28 =	smov.u32 s5  }
0x307: {  	v2 =	vld [tilespmem:s17+$0xFFFFFFA0];
	_ =	sdelay $0x4  }
0x308: {  	v2 =	vmul.f32 v2, v3;
	_ =	sdelay $0x1  }
0x309: {  	[tilespmem:s5+$0xFFFFFFA0] =	vst v2;
	v2 =	vld [tilespmem:s5+$0xFFFFFFB0]  }
0x30a: {  	v3 =	vld [tilespmem:s17+$0xFFFFFFB0];
	_ =	sdelay $0x4  }
0x30b: {  	v2 =	vmul.f32 v3, v2;
	_ =	sdelay $0x1  }
0x30c: {  	[tilespmem:s5+$0xFFFFFFB0] =	vst v2;
	v2 =	vld [tilespmem:s5+$0xFFFFFFC0]  }
0x30d: {  	v3 =	vld [tilespmem:s17+$0xFFFFFFC0];
	_ =	sdelay $0x4  }
0x30e: {  	v2 =	vmul.f32 v3, v2;
	_ =	sdelay $0x1  }
0x30f: {  	[tilespmem:s5+$0xFFFFFFC0] =	vst v2;
	v2 =	vld [tilespmem:s5+$0xFFFFFFD0]  }
0x310: {  	v3 =	vld [tilespmem:s17+$0xFFFFFFD0];
	_ =	sdelay $0x4  }
0x311: {  	v2 =	vmul.f32 v3, v2;
	_ =	sdelay $0x1  }
0x312: {  	[tilespmem:s5+$0xFFFFFFD0] =	vst v2;
	v2 =	vld [tilespmem:s5+$0xFFFFFFE0]  }
0x313: {  	v3 =	vld [tilespmem:s17+$0xFFFFFFE0];
	_ =	sdelay $0x4  }
0x314: {  	v2 =	vmul.f32 v3, v2;
	_ =	sdelay $0x1  }
0x315: {  	[tilespmem:s5+$0xFFFFFFE0] =	vst v2;
	v2 =	vld [tilespmem:s5+$0xFFFFFFF0]  }
0x316: {  	v3 =	vld [tilespmem:s17+$0xFFFFFFF0];
	_ =	sdelay $0x4  }
0x317: {  	v2 =	vmul.f32 v3, v2;
	_ =	sdelay $0x1  }
0x318: {  	[tilespmem:s5+$0xFFFFFFF0] =	vst v2;
	v2 =	vld [tilespmem:s5+$0x0]  }
0x319: {  	v3 =	vld [tilespmem:s17+$0x0];
	_ =	sdelay $0x4  }
0x31a: {  	v2 =	vmul.f32 v3, v2;
	_ =	sdelay $0x1  }
0x31b: {  	[tilespmem:s5+$0x0] =	vst v2;
	v2 =	vld [tilespmem:s5+$0x10]  }
0x31c: {  	v3 =	vld [tilespmem:s17+$0x10];
	_ =	sdelay $0x4  }
0x31d: {  	v2 =	vmul.f32 v3, v2;
	_ =	sdelay $0x1  }
0x31e: {  	s0 =	sand.u32 $0xFC0, s0;
	[tilespmem:s5+$0x10] =	vst v2  }
0x31f: {  	v2 =	vld [tilespmem:s0+$0x1D200]  }
0x320: {  	v3 =	vld [tilespmem:s0+$0x17800];
	_ =	sdelay $0x4  }
0x321: {  	v2 =	vmul.f32 v3, v2;
	_ =	sdelay $0x1  }
0x322: {  	[tilespmem:s0+$0x1D200] =	vst v2  }
0x323: {  	v2 =	vld [tilespmem:s5+$0x30]  }
0x324: {  	v3 =	vld [tilespmem:s17+$0x30];
	_ =	sdelay $0x4  }
0x325: {  	v2 =	vmul.f32 v3, v2  }
0x326: {  	v3 =	vld [tilespmem:s5+$0x40]  }
0x327: {  	[tilespmem:s5+$0x30] =	vst v2  }
0x328: {  	v2 =	vld [tilespmem:s17+$0x40];
	_ =	sdelay $0x3  }
.Ltmp7:
0x329: {  	(pc) =	sbr.rel @p3 .LBB2_17-.Ltmp7, $4  }
0x32a: {  	v3 =	vmul.f32 v2, v3  }
0x32b: {  	v2 =	vld [tilespmem:s5+$0x50]  }
0x32c: {  	[tilespmem:s5+$0x40] =	vst v3  }
0x32d: {  	v3 =	vld [tilespmem:s17+$0x50]  }
0x32e: {  	_ =	sdelay $0x3  }
0x32f: {  	v2 =	vmul.f32 v3, v2;
	_ =	sdelay $0x1  }
0x330: {  	[tilespmem:s28+$0x50] =	vst v2  }
0x331: {  	_ =	swait.ge [sflag:s26], $0xB40  }
0x332: {  	[sflag:s26] =	ssyncset.done $0x0  }
0x333: {  	s5 =	simm.s32 $0x1DD70;
	[sflag:s26] =	ssyncadd.s32 $0xFFFFF4C0  }
0x334: {  	s17 =	simm.s32 $0x18370;
	v2 =	vld [tilespmem:s5+$0xFFFFFF50]  }
0x335: {  	v3 =	vld [tilespmem:s17+$0xFFFFFF50];
	_ =	sdelay $0x4  }
0x336: {  	v2 =	vmul.f32 v3, v2;
	_ =	sdelay $0x1  }
0x337: {  	[tilespmem:s5+$0xFFFFFF50] =	vst v2;
	v2 =	vld [tilespmem:s5+$0xFFFFFF60]  }
0x338: {  	v3 =	vld [tilespmem:s17+$0xFFFFFF60];
	_ =	sdelay $0x4  }
0x339: {  	v2 =	vmul.f32 v3, v2;
	_ =	sdelay $0x1  }
0x33a: {  	[tilespmem:s5+$0xFFFFFF60] =	vst v2;
	v2 =	vld [tilespmem:s5+$0xFFFFFF70]  }
0x33b: {  	v3 =	vld [tilespmem:s17+$0xFFFFFF70];
	_ =	sdelay $0x4  }
0x33c: {  	v2 =	vmul.f32 v3, v2;
	_ =	sdelay $0x1  }
0x33d: {  	[tilespmem:s5+$0xFFFFFF70] =	vst v2;
	v2 =	vld [tilespmem:s5+$0xFFFFFF80]  }
0x33e: {  	v3 =	vld [tilespmem:s17+$0xFFFFFF80];
	_ =	sdelay $0x4  }
0x33f: {  	v2 =	vmul.f32 v3, v2;
	_ =	sdelay $0x1  }
0x340: {  	[tilespmem:s5+$0xFFFFFF80] =	vst v2;
	v2 =	vld [tilespmem:s5+$0xFFFFFF90]  }
0x341: {  	v3 =	vld [tilespmem:s17+$0xFFFFFF90];
	_ =	sdelay $0x4  }
0x342: {  	v2 =	vmul.f32 v3, v2;
	_ =	sdelay $0x1  }
0x343: {  	[tilespmem:s5+$0xFFFFFF90] =	vst v2;
	v2 =	vld [tilespmem:s5+$0xFFFFFFA0]  }
0x344: {  	v3 =	vld [tilespmem:s17+$0xFFFFFFA0];
	_ =	sdelay $0x4  }
0x345: {  	v2 =	vmul.f32 v3, v2;
	_ =	sdelay $0x1  }
0x346: {  	[tilespmem:s5+$0xFFFFFFA0] =	vst v2;
	v2 =	vld [tilespmem:s5+$0xFFFFFFB0]  }
0x347: {  	v3 =	vld [tilespmem:s17+$0xFFFFFFB0];
	_ =	sdelay $0x4  }
0x348: {  	v2 =	vmul.f32 v3, v2;
	_ =	sdelay $0x1  }
0x349: {  	[tilespmem:s5+$0xFFFFFFB0] =	vst v2;
	v2 =	vld [tilespmem:s5+$0xFFFFFFC0]  }
0x34a: {  	v3 =	vld [tilespmem:s17+$0xFFFFFFC0];
	_ =	sdelay $0x4  }
0x34b: {  	v2 =	vmul.f32 v3, v2  }
0x34c: {  	s0 =	simm.s32 $0xB40  }
0x34d: {  	s0 =	sand.u32 $0x1FC0, s0;
	[tilespmem:s5+$0xFFFFFFC0] =	vst v2  }
0x34e: {  	v2 =	vld [tilespmem:s0+$0x1D200]  }
0x34f: {  	v3 =	vld [tilespmem:s0+$0x17800];
	_ =	sdelay $0x4  }
0x350: {  	v2 =	vmul.f32 v3, v2;
	_ =	sdelay $0x1  }
0x351: {  	[tilespmem:s0+$0x1D200] =	vst v2  }
0x352: {  	v2 =	vld [tilespmem:s5+$0xFFFFFFE0]  }
0x353: {  	v3 =	vld [tilespmem:s17+$0xFFFFFFE0];
	_ =	sdelay $0x4  }
0x354: {  	v2 =	vmul.f32 v3, v2;
	_ =	sdelay $0x1  }
0x355: {  	v3 =	vld [tilespmem:s5+$0xFFFFFFF0];
	[tilespmem:s5+$0xFFFFFFE0] =	vst v2  }
0x356: {  	v2 =	vld [tilespmem:s17+$0xFFFFFFF0];
	_ =	sdelay $0x4  }
0x357: {  	v3 =	vmul.f32 v2, v3;
	_ =	sdelay $0x1  }
0x358: {  	v2 =	vld [tilespmem:s5+$0x0];
	[tilespmem:s5+$0xFFFFFFF0] =	vst v3  }
0x359: {  	s8 =	simm.s32 $0xC00;
	s28 =	simm.s32 $0x1DD70;
	v3 =	vld [tilespmem:s17+$0x0]  }
.LBB2_19:
0x35a: {  	_ =	sdelay $0x3  }
0x35b: {  	p3 =	sne.s32 s8, $0x15C0;
	s17 =	sadd.s32 $0xC0, s17;
	s5 =	sadd.s32 $0xC0, s5;
	v2 =	vmul.f32 v3, v2  }
0x35c: {  	s0 =	smov.u32 s8;
	s8 =	sadd.s32 $0xC0, s8  }
0x35d: {  	v3 =	vld [tilespmem:s5+$0xFFFFFF50];
	[tilespmem:s28+$0x0] =	vst v2;
	s28 =	smov.u32 s5  }
0x35e: {  	v2 =	vld [tilespmem:s17+$0xFFFFFF50];
	_ =	sdelay $0x4  }
0x35f: {  	v2 =	vmul.f32 v2, v3;
	_ =	sdelay $0x1  }
0x360: {  	[tilespmem:s5+$0xFFFFFF50] =	vst v2;
	v2 =	vld [tilespmem:s5+$0xFFFFFF60]  }
0x361: {  	v3 =	vld [tilespmem:s17+$0xFFFFFF60];
	_ =	sdelay $0x4  }
0x362: {  	v2 =	vmul.f32 v3, v2;
	_ =	sdelay $0x1  }
0x363: {  	[tilespmem:s5+$0xFFFFFF60] =	vst v2;
	v2 =	vld [tilespmem:s5+$0xFFFFFF70]  }
0x364: {  	v3 =	vld [tilespmem:s17+$0xFFFFFF70];
	_ =	sdelay $0x4  }
0x365: {  	v2 =	vmul.f32 v3, v2;
	_ =	sdelay $0x1  }
0x366: {  	[tilespmem:s5+$0xFFFFFF70] =	vst v2;
	v2 =	vld [tilespmem:s5+$0xFFFFFF80]  }
0x367: {  	v3 =	vld [tilespmem:s17+$0xFFFFFF80];
	_ =	sdelay $0x4  }
0x368: {  	v2 =	vmul.f32 v3, v2;
	_ =	sdelay $0x1  }
0x369: {  	[tilespmem:s5+$0xFFFFFF80] =	vst v2;
	v2 =	vld [tilespmem:s5+$0xFFFFFF90]  }
0x36a: {  	v3 =	vld [tilespmem:s17+$0xFFFFFF90];
	_ =	sdelay $0x4  }
0x36b: {  	v2 =	vmul.f32 v3, v2;
	_ =	sdelay $0x1  }
0x36c: {  	[tilespmem:s5+$0xFFFFFF90] =	vst v2;
	v2 =	vld [tilespmem:s5+$0xFFFFFFA0]  }
0x36d: {  	v3 =	vld [tilespmem:s17+$0xFFFFFFA0];
	_ =	sdelay $0x4  }
0x36e: {  	v2 =	vmul.f32 v3, v2;
	_ =	sdelay $0x1  }
0x36f: {  	[tilespmem:s5+$0xFFFFFFA0] =	vst v2;
	v2 =	vld [tilespmem:s5+$0xFFFFFFB0]  }
0x370: {  	v3 =	vld [tilespmem:s17+$0xFFFFFFB0];
	_ =	sdelay $0x4  }
0x371: {  	v2 =	vmul.f32 v3, v2;
	_ =	sdelay $0x1  }
0x372: {  	[tilespmem:s5+$0xFFFFFFB0] =	vst v2;
	v2 =	vld [tilespmem:s5+$0xFFFFFFC0]  }
0x373: {  	v3 =	vld [tilespmem:s17+$0xFFFFFFC0];
	_ =	sdelay $0x4  }
0x374: {  	v2 =	vmul.f32 v3, v2;
	_ =	sdelay $0x1  }
0x375: {  	s0 =	sand.u32 $0x1FC0, s0;
	[tilespmem:s5+$0xFFFFFFC0] =	vst v2  }
0x376: {  	v2 =	vld [tilespmem:s0+$0x1D200]  }
0x377: {  	v3 =	vld [tilespmem:s0+$0x17800];
	_ =	sdelay $0x4  }
0x378: {  	v2 =	vmul.f32 v3, v2;
	_ =	sdelay $0x1  }
0x379: {  	[tilespmem:s0+$0x1D200] =	vst v2  }
0x37a: {  	v2 =	vld [tilespmem:s5+$0xFFFFFFE0]  }
0x37b: {  	v3 =	vld [tilespmem:s17+$0xFFFFFFE0];
	_ =	sdelay $0x4  }
0x37c: {  	v2 =	vmul.f32 v3, v2  }
0x37d: {  	v3 =	vld [tilespmem:s5+$0xFFFFFFF0]  }
0x37e: {  	[tilespmem:s5+$0xFFFFFFE0] =	vst v2  }
0x37f: {  	v2 =	vld [tilespmem:s17+$0xFFFFFFF0];
	_ =	sdelay $0x3  }
.Ltmp8:
0x380: {  	(pc) =	sbr.rel @p3 .LBB2_19-.Ltmp8, $4  }
0x381: {  	v3 =	vmul.f32 v2, v3  }
0x382: {  	v2 =	vld [tilespmem:s5+$0x0]  }
0x383: {  	[tilespmem:s5+$0xFFFFFFF0] =	vst v3  }
0x384: {  	v3 =	vld [tilespmem:s17+$0x0]  }
0x385: {  	_ =	sdelay $0x2  }
.Ltmp9:
0x386: {  	_ = 	snop;
	(pc) =	sbr.rel @p2 .LBB2_4-.Ltmp9, $4  }
0x387: {  	v2 =	vmul.f32 v3, v2  }
0x388: {  	s0 =	simm.s32 $0xC380  }
0x389: {  	s5 =	simm.s32 $0x1D180;
	p3 =	por $0x0, $0x0;
	[tilespmem:s28+$0x0] =	vst v2;
	s28 =	simm.s32 $0x80  }
0x38a: {  	[spmem:s6] =	stream.indirect.scatter.add.f32 [tilespmem:s5], [sflag:$0x10], $0x1, s0, s24, $0xb8;
	[tilespmem:$0x1F800] =	vst v63  }
0x38b: {  	s0 =	simm.s32 $0xF  }
0x38c: {  	_ =	swait.ge [sflag:s0], $0x1680  }
0x38d: {  	[sflag:s0] =	ssyncset.done $0x0  }
0x38e: {  	[sflag:s0] =	ssyncadd.s32 $0xFFFFE980;
	s0 =	simm.s32 @p0 $0x2  }
0x38f: {  	_ =	swait.ge @p0 [sflag:s0], $0x267  }
0x390: {  	[sflag:s0] =	ssyncset.done @p0 $0x0  }
0x391: {  	[sflag:s0] =	ssyncadd.s32 @p0 $0xFFFFFD99  }
0x392: {  	_ =	swait.ge @p0 [sflag:s0], $0x267  }
0x393: {  	[sflag:s0] =	ssyncset.done @p0 $0x0  }
0x394: {  	[sflag:s0] =	ssyncadd.s32 @p0 $0xFFFFFD99  }
0x395: {  	_ =	swait.ge @p0 [sflag:s0], $0x267  }
0x396: {  	[sflag:s0] =	ssyncset.done @p0 $0x0  }
0x397: {  	[sflag:s0] =	ssyncadd.s32 @p0 $0xFFFFFD99;
	s0 =	simm.s32 @!p0 $0x2  }
0x398: {  	_ =	swait.ge @!p0 [sflag:s0], $0x1660  }
0x399: {  	[sflag:s0] =	ssyncset.done @!p0 $0x0  }
0x39a: {  	[sflag:s0] =	ssyncadd.s32 @!p0 $0xFFFFE9A0  }
0x39b: {  	_ =	swait.ge @!p0 [sflag:s0], $0x1660  }
0x39c: {  	[sflag:s0] =	ssyncset.done @!p0 $0x0  }
0x39d: {  	[sflag:s0] =	ssyncadd.s32 @!p0 $0xFFFFE9A0  }
0x39e: {  	_ =	swait.ge @!p0 [sflag:s0], $0x1660  }
0x39f: {  	[sflag:s0] =	ssyncset.done @!p0 $0x0  }
0x3a0: {  	s25 =	simm.s32 $0xF080;
	[sflag:s0] =	ssyncadd.s32 @!p0 $0xFFFFE9A0  }
0x3a1: {  	[tilespmem:s16], [sflag:$0x6] =	stream.indirect.gather [spmem:s4], $0x1, s25, s13, $0xb8;
	[tilespmem:$0x1F800] =	vst v63  }
0x3a2: {  	s28 =	simm.s32 $0xFBC0;
	s5 =	simm.s32 $0x1AFC0  }
0x3a3: {  	[tilespmem:s5], [sflag:$0xA] =	stream.indirect.gather [spmem:s4], $0x1, s28, s13, $0xb8;
	[tilespmem:$0x1F800] =	vst v63  }
0x3a4: {  	_ =	swait.ge [sflag:s11], $0xB40  }
0x3a5: {  	[sflag:s11] =	ssyncset.done $0x0  }
0x3a6: {  	s5 =	simm.s32 $0x18E60;
	[sflag:s11] =	ssyncadd.s32 $0xFFFFF4C0  }
0x3a7: {  	s17 =	simm.s32 $0x13460;
	v2 =	vld [tilespmem:s5+$0xFFFFFFA0]  }
0x3a8: {  	v3 =	vld [tilespmem:s17+$0xFFFFFFA0];
	_ =	sdelay $0x4  }
0x3a9: {  	v2 =	vmul.f32 v3, v2;
	_ =	sdelay $0x1  }
0x3aa: {  	[tilespmem:s5+$0xFFFFFFA0] =	vst v2;
	v2 =	vld [tilespmem:s5+$0xFFFFFFB0]  }
0x3ab: {  	v3 =	vld [tilespmem:s17+$0xFFFFFFB0];
	_ =	sdelay $0x4  }
0x3ac: {  	v2 =	vmul.f32 v3, v2;
	_ =	sdelay $0x1  }
0x3ad: {  	[tilespmem:s5+$0xFFFFFFB0] =	vst v2;
	v2 =	vld [tilespmem:s5+$0xFFFFFFC0]  }
0x3ae: {  	v3 =	vld [tilespmem:s17+$0xFFFFFFC0];
	_ =	sdelay $0x4  }
0x3af: {  	v2 =	vmul.f32 v3, v2;
	_ =	sdelay $0x1  }
0x3b0: {  	[tilespmem:s5+$0xFFFFFFC0] =	vst v2;
	v2 =	vld [tilespmem:s5+$0xFFFFFFD0]  }
0x3b1: {  	v3 =	vld [tilespmem:s17+$0xFFFFFFD0];
	_ =	sdelay $0x4  }
0x3b2: {  	v2 =	vmul.f32 v3, v2;
	_ =	sdelay $0x1  }
0x3b3: {  	[tilespmem:s5+$0xFFFFFFD0] =	vst v2;
	v2 =	vld [tilespmem:s5+$0xFFFFFFE0]  }
0x3b4: {  	v3 =	vld [tilespmem:s17+$0xFFFFFFE0];
	_ =	sdelay $0x4  }
0x3b5: {  	v2 =	vmul.f32 v3, v2;
	_ =	sdelay $0x1  }
0x3b6: {  	[tilespmem:s5+$0xFFFFFFE0] =	vst v2;
	v2 =	vld [tilespmem:s5+$0xFFFFFFF0]  }
0x3b7: {  	v3 =	vld [tilespmem:s17+$0xFFFFFFF0];
	_ =	sdelay $0x4  }
0x3b8: {  	v2 =	vmul.f32 v3, v2;
	_ =	sdelay $0x1  }
0x3b9: {  	[tilespmem:s5+$0xFFFFFFF0] =	vst v2;
	v2 =	vld [tilespmem:s5+$0x0]  }
0x3ba: {  	v3 =	vld [tilespmem:s17+$0x0];
	_ =	sdelay $0x4  }
0x3bb: {  	v2 =	vmul.f32 v3, v2;
	_ =	sdelay $0x1  }
0x3bc: {  	[tilespmem:s5+$0x0] =	vst v2;
	v2 =	vld [tilespmem:s5+$0x10]  }
0x3bd: {  	v3 =	vld [tilespmem:s17+$0x10];
	_ =	sdelay $0x4  }
0x3be: {  	v2 =	vmul.f32 v3, v2  }
0x3bf: {  	s29 =	simm.s32 $0x0  }
0x3c0: {  	s0 =	sand.u32 $0xFC0, s29;
	[tilespmem:s5+$0x10] =	vst v2  }
0x3c1: {  	v2 =	vld [tilespmem:s0+$0x18E80]  }
0x3c2: {  	v3 =	vld [tilespmem:s0+$0x13480];
	_ =	sdelay $0x4  }
0x3c3: {  	v2 =	vmul.f32 v3, v2;
	_ =	sdelay $0x1  }
0x3c4: {  	[tilespmem:s0+$0x18E80] =	vst v2  }
0x3c5: {  	v2 =	vld [tilespmem:s5+$0x30]  }
0x3c6: {  	v3 =	vld [tilespmem:s17+$0x30];
	_ =	sdelay $0x4  }
0x3c7: {  	v2 =	vmul.f32 v3, v2;
	_ =	sdelay $0x1  }
0x3c8: {  	v3 =	vld [tilespmem:s5+$0x40];
	[tilespmem:s5+$0x30] =	vst v2  }
0x3c9: {  	v2 =	vld [tilespmem:s17+$0x40];
	_ =	sdelay $0x4  }
0x3ca: {  	v3 =	vmul.f32 v2, v3;
	_ =	sdelay $0x1  }
0x3cb: {  	v2 =	vld [tilespmem:s5+$0x50];
	[tilespmem:s5+$0x40] =	vst v3  }
0x3cc: {  	s8 =	simm.s32 $0xC0;
	s25 =	simm.s32 $0x18E60;
	v3 =	vld [tilespmem:s17+$0x50]  }
.LBB2_22:
0x3cd: {  	_ =	sdelay $0x3  }
0x3ce: {  	p2 =	sne.s32 s8, $0xA80;
	s17 =	sadd.s32 $0xC0, s17;
	s5 =	sadd.s32 $0xC0, s5;
	v2 =	vmul.f32 v3, v2  }
0x3cf: {  	s0 =	smov.u32 s8;
	s8 =	sadd.s32 $0xC0, s8  }
0x3d0: {  	v3 =	vld [tilespmem:s5+$0xFFFFFFA0];
	[tilespmem:s25+$0x50] =	vst v2;
	s25 =	smov.u32 s5  }
0x3d1: {  	v2 =	vld [tilespmem:s17+$0xFFFFFFA0];
	_ =	sdelay $0x4  }
0x3d2: {  	v2 =	vmul.f32 v2, v3;
	_ =	sdelay $0x1  }
0x3d3: {  	[tilespmem:s5+$0xFFFFFFA0] =	vst v2;
	v2 =	vld [tilespmem:s5+$0xFFFFFFB0]  }
0x3d4: {  	v3 =	vld [tilespmem:s17+$0xFFFFFFB0];
	_ =	sdelay $0x4  }
0x3d5: {  	v2 =	vmul.f32 v3, v2;
	_ =	sdelay $0x1  }
0x3d6: {  	[tilespmem:s5+$0xFFFFFFB0] =	vst v2;
	v2 =	vld [tilespmem:s5+$0xFFFFFFC0]  }
0x3d7: {  	v3 =	vld [tilespmem:s17+$0xFFFFFFC0];
	_ =	sdelay $0x4  }
0x3d8: {  	v2 =	vmul.f32 v3, v2;
	_ =	sdelay $0x1  }
0x3d9: {  	[tilespmem:s5+$0xFFFFFFC0] =	vst v2;
	v2 =	vld [tilespmem:s5+$0xFFFFFFD0]  }
0x3da: {  	v3 =	vld [tilespmem:s17+$0xFFFFFFD0];
	_ =	sdelay $0x4  }
0x3db: {  	v2 =	vmul.f32 v3, v2;
	_ =	sdelay $0x1  }
0x3dc: {  	[tilespmem:s5+$0xFFFFFFD0] =	vst v2;
	v2 =	vld [tilespmem:s5+$0xFFFFFFE0]  }
0x3dd: {  	v3 =	vld [tilespmem:s17+$0xFFFFFFE0];
	_ =	sdelay $0x4  }
0x3de: {  	v2 =	vmul.f32 v3, v2;
	_ =	sdelay $0x1  }
0x3df: {  	[tilespmem:s5+$0xFFFFFFE0] =	vst v2;
	v2 =	vld [tilespmem:s5+$0xFFFFFFF0]  }
0x3e0: {  	v3 =	vld [tilespmem:s17+$0xFFFFFFF0];
	_ =	sdelay $0x4  }
0x3e1: {  	v2 =	vmul.f32 v3, v2;
	_ =	sdelay $0x1  }
0x3e2: {  	[tilespmem:s5+$0xFFFFFFF0] =	vst v2;
	v2 =	vld [tilespmem:s5+$0x0]  }
0x3e3: {  	v3 =	vld [tilespmem:s17+$0x0];
	_ =	sdelay $0x4  }
0x3e4: {  	v2 =	vmul.f32 v3, v2;
	_ =	sdelay $0x1  }
0x3e5: {  	[tilespmem:s5+$0x0] =	vst v2;
	v2 =	vld [tilespmem:s5+$0x10]  }
0x3e6: {  	v3 =	vld [tilespmem:s17+$0x10];
	_ =	sdelay $0x4  }
0x3e7: {  	v2 =	vmul.f32 v3, v2;
	_ =	sdelay $0x1  }
0x3e8: {  	s0 =	sand.u32 $0xFC0, s0;
	[tilespmem:s5+$0x10] =	vst v2  }
0x3e9: {  	v2 =	vld [tilespmem:s0+$0x18E80]  }
0x3ea: {  	v3 =	vld [tilespmem:s0+$0x13480];
	_ =	sdelay $0x4  }
0x3eb: {  	v2 =	vmul.f32 v3, v2;
	_ =	sdelay $0x1  }
0x3ec: {  	[tilespmem:s0+$0x18E80] =	vst v2  }
0x3ed: {  	v2 =	vld [tilespmem:s5+$0x30]  }
0x3ee: {  	v3 =	vld [tilespmem:s17+$0x30];
	_ =	sdelay $0x4  }
0x3ef: {  	v2 =	vmul.f32 v3, v2  }
0x3f0: {  	v3 =	vld [tilespmem:s5+$0x40]  }
0x3f1: {  	[tilespmem:s5+$0x30] =	vst v2  }
0x3f2: {  	v2 =	vld [tilespmem:s17+$0x40];
	_ =	sdelay $0x3  }
.Ltmp10:
0x3f3: {  	(pc) =	sbr.rel @p2 .LBB2_22-.Ltmp10, $4  }
0x3f4: {  	v3 =	vmul.f32 v2, v3  }
0x3f5: {  	v2 =	vld [tilespmem:s5+$0x50]  }
0x3f6: {  	[tilespmem:s5+$0x40] =	vst v3  }
0x3f7: {  	v3 =	vld [tilespmem:s17+$0x50]  }
0x3f8: {  	_ =	sdelay $0x3  }
0x3f9: {  	v2 =	vmul.f32 v3, v2;
	_ =	sdelay $0x1  }
0x3fa: {  	[tilespmem:s25+$0x50] =	vst v2  }
0x3fb: {  	_ =	swait.ge [sflag:s7], $0xB40  }
0x3fc: {  	[sflag:s7] =	ssyncset.done $0x0  }
0x3fd: {  	s5 =	simm.s32 $0x199F0;
	[sflag:s7] =	ssyncadd.s32 $0xFFFFF4C0  }
0x3fe: {  	s17 =	simm.s32 $0x13FF0;
	v2 =	vld [tilespmem:s5+$0xFFFFFF50]  }
0x3ff: {  	v3 =	vld [tilespmem:s17+$0xFFFFFF50];
	_ =	sdelay $0x4  }
0x400: {  	v2 =	vmul.f32 v3, v2;
	_ =	sdelay $0x1  }
0x401: {  	[tilespmem:s5+$0xFFFFFF50] =	vst v2;
	v2 =	vld [tilespmem:s5+$0xFFFFFF60]  }
0x402: {  	v3 =	vld [tilespmem:s17+$0xFFFFFF60];
	_ =	sdelay $0x4  }
0x403: {  	v2 =	vmul.f32 v3, v2;
	_ =	sdelay $0x1  }
0x404: {  	[tilespmem:s5+$0xFFFFFF60] =	vst v2;
	v2 =	vld [tilespmem:s5+$0xFFFFFF70]  }
0x405: {  	v3 =	vld [tilespmem:s17+$0xFFFFFF70];
	_ =	sdelay $0x4  }
0x406: {  	v2 =	vmul.f32 v3, v2;
	_ =	sdelay $0x1  }
0x407: {  	[tilespmem:s5+$0xFFFFFF70] =	vst v2;
	v2 =	vld [tilespmem:s5+$0xFFFFFF80]  }
0x408: {  	v3 =	vld [tilespmem:s17+$0xFFFFFF80];
	_ =	sdelay $0x4  }
0x409: {  	v2 =	vmul.f32 v3, v2;
	_ =	sdelay $0x1  }
0x40a: {  	[tilespmem:s5+$0xFFFFFF80] =	vst v2;
	v2 =	vld [tilespmem:s5+$0xFFFFFF90]  }
0x40b: {  	v3 =	vld [tilespmem:s17+$0xFFFFFF90];
	_ =	sdelay $0x4  }
0x40c: {  	v2 =	vmul.f32 v3, v2;
	_ =	sdelay $0x1  }
0x40d: {  	[tilespmem:s5+$0xFFFFFF90] =	vst v2;
	v2 =	vld [tilespmem:s5+$0xFFFFFFA0]  }
0x40e: {  	v3 =	vld [tilespmem:s17+$0xFFFFFFA0];
	_ =	sdelay $0x4  }
0x40f: {  	v2 =	vmul.f32 v3, v2;
	_ =	sdelay $0x1  }
0x410: {  	[tilespmem:s5+$0xFFFFFFA0] =	vst v2;
	v2 =	vld [tilespmem:s5+$0xFFFFFFB0]  }
0x411: {  	v3 =	vld [tilespmem:s17+$0xFFFFFFB0];
	_ =	sdelay $0x4  }
0x412: {  	v2 =	vmul.f32 v3, v2;
	_ =	sdelay $0x1  }
0x413: {  	[tilespmem:s5+$0xFFFFFFB0] =	vst v2;
	v2 =	vld [tilespmem:s5+$0xFFFFFFC0]  }
0x414: {  	v3 =	vld [tilespmem:s17+$0xFFFFFFC0];
	_ =	sdelay $0x4  }
0x415: {  	v2 =	vmul.f32 v3, v2  }
0x416: {  	s0 =	simm.s32 $0xB40  }
0x417: {  	s0 =	sand.u32 $0x1FC0, s0;
	[tilespmem:s5+$0xFFFFFFC0] =	vst v2  }
0x418: {  	v2 =	vld [tilespmem:s0+$0x18E80]  }
0x419: {  	v3 =	vld [tilespmem:s0+$0x13480];
	_ =	sdelay $0x4  }
0x41a: {  	v2 =	vmul.f32 v3, v2;
	_ =	sdelay $0x1  }
0x41b: {  	[tilespmem:s0+$0x18E80] =	vst v2  }
0x41c: {  	v2 =	vld [tilespmem:s5+$0xFFFFFFE0]  }
0x41d: {  	v3 =	vld [tilespmem:s17+$0xFFFFFFE0];
	_ =	sdelay $0x4  }
0x41e: {  	v2 =	vmul.f32 v3, v2;
	_ =	sdelay $0x1  }
0x41f: {  	v3 =	vld [tilespmem:s5+$0xFFFFFFF0];
	[tilespmem:s5+$0xFFFFFFE0] =	vst v2  }
0x420: {  	v2 =	vld [tilespmem:s17+$0xFFFFFFF0];
	_ =	sdelay $0x4  }
0x421: {  	v3 =	vmul.f32 v2, v3;
	_ =	sdelay $0x1  }
0x422: {  	s8 =	simm.s32 $0xC00;
	v2 =	vld [tilespmem:s5+$0x0];
	[tilespmem:s5+$0xFFFFFFF0] =	vst v3  }
0x423: {  	s28 =	simm.s32 $0x9680;
	s25 =	simm.s32 $0x199F0;
	s14 =	rddreg [dreg:$0x1d];
	v3 =	vld [tilespmem:s17+$0x0]  }
.LBB2_24:
0x424: {  	_ =	sdelay $0x3  }
0x425: {  	p2 =	sne.s32 s8, $0x15C0;
	s17 =	sadd.s32 $0xC0, s17;
	s5 =	sadd.s32 $0xC0, s5;
	v2 =	vmul.f32 v3, v2  }
0x426: {  	s0 =	smov.u32 s8;
	s8 =	sadd.s32 $0xC0, s8  }
0x427: {  	v3 =	vld [tilespmem:s5+$0xFFFFFF50];
	[tilespmem:s25+$0x0] =	vst v2;
	s25 =	smov.u32 s5  }
0x428: {  	v2 =	vld [tilespmem:s17+$0xFFFFFF50];
	_ =	sdelay $0x4  }
0x429: {  	v2 =	vmul.f32 v2, v3;
	_ =	sdelay $0x1  }
0x42a: {  	[tilespmem:s5+$0xFFFFFF50] =	vst v2;
	v2 =	vld [tilespmem:s5+$0xFFFFFF60]  }
0x42b: {  	v3 =	vld [tilespmem:s17+$0xFFFFFF60];
	_ =	sdelay $0x4  }
0x42c: {  	v2 =	vmul.f32 v3, v2;
	_ =	sdelay $0x1  }
0x42d: {  	[tilespmem:s5+$0xFFFFFF60] =	vst v2;
	v2 =	vld [tilespmem:s5+$0xFFFFFF70]  }
0x42e: {  	v3 =	vld [tilespmem:s17+$0xFFFFFF70];
	_ =	sdelay $0x4  }
0x42f: {  	v2 =	vmul.f32 v3, v2;
	_ =	sdelay $0x1  }
0x430: {  	[tilespmem:s5+$0xFFFFFF70] =	vst v2;
	v2 =	vld [tilespmem:s5+$0xFFFFFF80]  }
0x431: {  	v3 =	vld [tilespmem:s17+$0xFFFFFF80];
	_ =	sdelay $0x4  }
0x432: {  	v2 =	vmul.f32 v3, v2;
	_ =	sdelay $0x1  }
0x433: {  	[tilespmem:s5+$0xFFFFFF80] =	vst v2;
	v2 =	vld [tilespmem:s5+$0xFFFFFF90]  }
0x434: {  	v3 =	vld [tilespmem:s17+$0xFFFFFF90];
	_ =	sdelay $0x4  }
0x435: {  	v2 =	vmul.f32 v3, v2;
	_ =	sdelay $0x1  }
0x436: {  	[tilespmem:s5+$0xFFFFFF90] =	vst v2;
	v2 =	vld [tilespmem:s5+$0xFFFFFFA0]  }
0x437: {  	v3 =	vld [tilespmem:s17+$0xFFFFFFA0];
	_ =	sdelay $0x4  }
0x438: {  	v2 =	vmul.f32 v3, v2;
	_ =	sdelay $0x1  }
0x439: {  	[tilespmem:s5+$0xFFFFFFA0] =	vst v2;
	v2 =	vld [tilespmem:s5+$0xFFFFFFB0]  }
0x43a: {  	v3 =	vld [tilespmem:s17+$0xFFFFFFB0];
	_ =	sdelay $0x4  }
0x43b: {  	v2 =	vmul.f32 v3, v2;
	_ =	sdelay $0x1  }
0x43c: {  	[tilespmem:s5+$0xFFFFFFB0] =	vst v2;
	v2 =	vld [tilespmem:s5+$0xFFFFFFC0]  }
0x43d: {  	v3 =	vld [tilespmem:s17+$0xFFFFFFC0];
	_ =	sdelay $0x4  }
0x43e: {  	v2 =	vmul.f32 v3, v2;
	_ =	sdelay $0x1  }
0x43f: {  	s0 =	sand.u32 $0x1FC0, s0;
	[tilespmem:s5+$0xFFFFFFC0] =	vst v2  }
0x440: {  	v2 =	vld [tilespmem:s0+$0x18E80]  }
0x441: {  	v3 =	vld [tilespmem:s0+$0x13480];
	_ =	sdelay $0x4  }
0x442: {  	v2 =	vmul.f32 v3, v2;
	_ =	sdelay $0x1  }
0x443: {  	[tilespmem:s0+$0x18E80] =	vst v2  }
0x444: {  	v2 =	vld [tilespmem:s5+$0xFFFFFFE0]  }
0x445: {  	v3 =	vld [tilespmem:s17+$0xFFFFFFE0];
	_ =	sdelay $0x4  }
0x446: {  	v2 =	vmul.f32 v3, v2  }
0x447: {  	v3 =	vld [tilespmem:s5+$0xFFFFFFF0]  }
0x448: {  	[tilespmem:s5+$0xFFFFFFE0] =	vst v2  }
0x449: {  	v2 =	vld [tilespmem:s17+$0xFFFFFFF0];
	_ =	sdelay $0x3  }
.Ltmp11:
0x44a: {  	(pc) =	sbr.rel @p2 .LBB2_24-.Ltmp11, $4  }
0x44b: {  	v3 =	vmul.f32 v2, v3  }
0x44c: {  	v2 =	vld [tilespmem:s5+$0x0]  }
0x44d: {  	[tilespmem:s5+$0xFFFFFFF0] =	vst v3  }
0x44e: {  	v3 =	vld [tilespmem:s17+$0x0]  }
0x44f: {  	_ =	sdelay $0x3  }
0x450: {  	v2 =	vmul.f32 v3, v2;
	_ =	sdelay $0x1  }
.Ltmp12:
0x451: {  	s0 =	simm.s32 $0x18E00;
	s29 =	simm.s32 $0x10;
	[tilespmem:s25+$0x0] =	vst v2;
	(pc) =	sbr.rel @p1 .LBB2_29-.Ltmp12, $4  }
0x452: {  	[spmem:s6] =	stream.indirect.scatter.add.f32 [tilespmem:s0], [sflag:$0xD], $0x1, s31, s24, $0xb8;
	[tilespmem:$0x1F800] =	vst v63  }
0x453: {  	_ =	swait.ge [sflag:s29], $0x1680  }
0x454: {  	[sflag:s29] =	ssyncset.done $0x0  }
0x455: {  	[sflag:s29] =	ssyncadd.s32 $0xFFFFE980  }
0x456: {  	v2 =	vld [tilespmem:$0x14CE0];
	_ =	sdelay $0x4  }
0x457: {  	v2 =	vnsel vm0, $0x0, v2  }
0x458: {  	s0 =	simm.s32 $0xA00;
	s5 =	simm.s32 $0x270;
	[tilespmem:$0x14CE0] =	vst v2  }
.LBB2_27:
0x459: {  	p2 =	sne.s32 s0, $0x5940;
	[tilespmem:s5+$0x14A80] =	vst v1;
	s5 =	smov.u32 s0;
	s0 =	sadd.s32 $0x40, s0  }
.Ltmp13:
0x45a: {  	(pc) =	sbr.rel @p2 .LBB2_27-.Ltmp13, $2  }
0x45b: {  	_ =	sdelay $0x2  }
0x45c: {  	s5 =	sshra.s32 s5, $0x2  }
0x45d: {  	[tilespmem:s5+$0x14A80] =	vst v1  }
.LBB2_29:
0x45e: {  	_ =	swait.ge [sflag:s23], $0xB40  }
0x45f: {  	[sflag:s23] =	ssyncset.done $0x0  }
0x460: {  	s5 =	simm.s32 $0x1A4E0;
	[sflag:s23] =	ssyncadd.s32 $0xFFFFF4C0  }
0x461: {  	s17 =	simm.s32 $0x14AE0;
	v2 =	vld [tilespmem:s5+$0xFFFFFFA0]  }
0x462: {  	v3 =	vld [tilespmem:s17+$0xFFFFFFA0];
	_ =	sdelay $0x4  }
0x463: {  	v2 =	vmul.f32 v3, v2;
	_ =	sdelay $0x1  }
0x464: {  	[tilespmem:s5+$0xFFFFFFA0] =	vst v2;
	v2 =	vld [tilespmem:s5+$0xFFFFFFB0]  }
0x465: {  	v3 =	vld [tilespmem:s17+$0xFFFFFFB0];
	_ =	sdelay $0x4  }
0x466: {  	v2 =	vmul.f32 v3, v2;
	_ =	sdelay $0x1  }
0x467: {  	[tilespmem:s5+$0xFFFFFFB0] =	vst v2;
	v2 =	vld [tilespmem:s5+$0xFFFFFFC0]  }
0x468: {  	v3 =	vld [tilespmem:s17+$0xFFFFFFC0];
	_ =	sdelay $0x4  }
0x469: {  	v2 =	vmul.f32 v3, v2;
	_ =	sdelay $0x1  }
0x46a: {  	[tilespmem:s5+$0xFFFFFFC0] =	vst v2;
	v2 =	vld [tilespmem:s5+$0xFFFFFFD0]  }
0x46b: {  	v3 =	vld [tilespmem:s17+$0xFFFFFFD0];
	_ =	sdelay $0x4  }
0x46c: {  	v2 =	vmul.f32 v3, v2;
	_ =	sdelay $0x1  }
0x46d: {  	[tilespmem:s5+$0xFFFFFFD0] =	vst v2;
	v2 =	vld [tilespmem:s5+$0xFFFFFFE0]  }
0x46e: {  	v3 =	vld [tilespmem:s17+$0xFFFFFFE0];
	_ =	sdelay $0x4  }
0x46f: {  	v2 =	vmul.f32 v3, v2;
	_ =	sdelay $0x1  }
0x470: {  	[tilespmem:s5+$0xFFFFFFE0] =	vst v2;
	v2 =	vld [tilespmem:s5+$0xFFFFFFF0]  }
0x471: {  	v3 =	vld [tilespmem:s17+$0xFFFFFFF0];
	_ =	sdelay $0x4  }
0x472: {  	v2 =	vmul.f32 v3, v2;
	_ =	sdelay $0x1  }
0x473: {  	[tilespmem:s5+$0xFFFFFFF0] =	vst v2;
	v2 =	vld [tilespmem:s5+$0x0]  }
0x474: {  	v3 =	vld [tilespmem:s17+$0x0];
	_ =	sdelay $0x4  }
0x475: {  	v2 =	vmul.f32 v3, v2;
	_ =	sdelay $0x1  }
0x476: {  	[tilespmem:s5+$0x0] =	vst v2;
	v2 =	vld [tilespmem:s5+$0x10]  }
0x477: {  	v3 =	vld [tilespmem:s17+$0x10];
	_ =	sdelay $0x4  }
0x478: {  	v2 =	vmul.f32 v3, v2  }
0x479: {  	s0 =	simm.s32 $0x0  }
0x47a: {  	s0 =	sand.u32 $0xFC0, s0;
	[tilespmem:s5+$0x10] =	vst v2  }
0x47b: {  	v2 =	vld [tilespmem:s0+$0x1A500]  }
0x47c: {  	v3 =	vld [tilespmem:s0+$0x14B00];
	_ =	sdelay $0x4  }
0x47d: {  	v2 =	vmul.f32 v3, v2;
	_ =	sdelay $0x1  }
0x47e: {  	[tilespmem:s0+$0x1A500] =	vst v2  }
0x47f: {  	v2 =	vld [tilespmem:s5+$0x30]  }
0x480: {  	v3 =	vld [tilespmem:s17+$0x30];
	_ =	sdelay $0x4  }
0x481: {  	v2 =	vmul.f32 v3, v2;
	_ =	sdelay $0x1  }
0x482: {  	v3 =	vld [tilespmem:s5+$0x40];
	[tilespmem:s5+$0x30] =	vst v2  }
0x483: {  	v2 =	vld [tilespmem:s17+$0x40];
	_ =	sdelay $0x4  }
0x484: {  	v3 =	vmul.f32 v2, v3;
	_ =	sdelay $0x1  }
0x485: {  	v2 =	vld [tilespmem:s5+$0x50];
	[tilespmem:s5+$0x40] =	vst v3  }
0x486: {  	s8 =	simm.s32 $0xC0;
	s25 =	simm.s32 $0x1A4E0;
	v3 =	vld [tilespmem:s17+$0x50]  }
.LBB2_30:
0x487: {  	_ =	sdelay $0x3  }
0x488: {  	p2 =	sne.s32 s8, $0xA80;
	s17 =	sadd.s32 $0xC0, s17;
	s5 =	sadd.s32 $0xC0, s5;
	v2 =	vmul.f32 v3, v2  }
0x489: {  	s0 =	smov.u32 s8;
	s8 =	sadd.s32 $0xC0, s8  }
0x48a: {  	v3 =	vld [tilespmem:s5+$0xFFFFFFA0];
	[tilespmem:s25+$0x50] =	vst v2;
	s25 =	smov.u32 s5  }
0x48b: {  	v2 =	vld [tilespmem:s17+$0xFFFFFFA0];
	_ =	sdelay $0x4  }
0x48c: {  	v2 =	vmul.f32 v2, v3;
	_ =	sdelay $0x1  }
0x48d: {  	[tilespmem:s5+$0xFFFFFFA0] =	vst v2;
	v2 =	vld [tilespmem:s5+$0xFFFFFFB0]  }
0x48e: {  	v3 =	vld [tilespmem:s17+$0xFFFFFFB0];
	_ =	sdelay $0x4  }
0x48f: {  	v2 =	vmul.f32 v3, v2;
	_ =	sdelay $0x1  }
0x490: {  	[tilespmem:s5+$0xFFFFFFB0] =	vst v2;
	v2 =	vld [tilespmem:s5+$0xFFFFFFC0]  }
0x491: {  	v3 =	vld [tilespmem:s17+$0xFFFFFFC0];
	_ =	sdelay $0x4  }
0x492: {  	v2 =	vmul.f32 v3, v2;
	_ =	sdelay $0x1  }
0x493: {  	[tilespmem:s5+$0xFFFFFFC0] =	vst v2;
	v2 =	vld [tilespmem:s5+$0xFFFFFFD0]  }
0x494: {  	v3 =	vld [tilespmem:s17+$0xFFFFFFD0];
	_ =	sdelay $0x4  }
0x495: {  	v2 =	vmul.f32 v3, v2;
	_ =	sdelay $0x1  }
0x496: {  	[tilespmem:s5+$0xFFFFFFD0] =	vst v2;
	v2 =	vld [tilespmem:s5+$0xFFFFFFE0]  }
0x497: {  	v3 =	vld [tilespmem:s17+$0xFFFFFFE0];
	_ =	sdelay $0x4  }
0x498: {  	v2 =	vmul.f32 v3, v2;
	_ =	sdelay $0x1  }
0x499: {  	[tilespmem:s5+$0xFFFFFFE0] =	vst v2;
	v2 =	vld [tilespmem:s5+$0xFFFFFFF0]  }
0x49a: {  	v3 =	vld [tilespmem:s17+$0xFFFFFFF0];
	_ =	sdelay $0x4  }
0x49b: {  	v2 =	vmul.f32 v3, v2;
	_ =	sdelay $0x1  }
0x49c: {  	[tilespmem:s5+$0xFFFFFFF0] =	vst v2;
	v2 =	vld [tilespmem:s5+$0x0]  }
0x49d: {  	v3 =	vld [tilespmem:s17+$0x0];
	_ =	sdelay $0x4  }
0x49e: {  	v2 =	vmul.f32 v3, v2;
	_ =	sdelay $0x1  }
0x49f: {  	[tilespmem:s5+$0x0] =	vst v2;
	v2 =	vld [tilespmem:s5+$0x10]  }
0x4a0: {  	v3 =	vld [tilespmem:s17+$0x10];
	_ =	sdelay $0x4  }
0x4a1: {  	v2 =	vmul.f32 v3, v2;
	_ =	sdelay $0x1  }
0x4a2: {  	s0 =	sand.u32 $0xFC0, s0;
	[tilespmem:s5+$0x10] =	vst v2  }
0x4a3: {  	v2 =	vld [tilespmem:s0+$0x1A500]  }
0x4a4: {  	v3 =	vld [tilespmem:s0+$0x14B00];
	_ =	sdelay $0x4  }
0x4a5: {  	v2 =	vmul.f32 v3, v2;
	_ =	sdelay $0x1  }
0x4a6: {  	[tilespmem:s0+$0x1A500] =	vst v2  }
0x4a7: {  	v2 =	vld [tilespmem:s5+$0x30]  }
0x4a8: {  	v3 =	vld [tilespmem:s17+$0x30];
	_ =	sdelay $0x4  }
0x4a9: {  	v2 =	vmul.f32 v3, v2  }
0x4aa: {  	v3 =	vld [tilespmem:s5+$0x40]  }
0x4ab: {  	[tilespmem:s5+$0x30] =	vst v2  }
0x4ac: {  	v2 =	vld [tilespmem:s17+$0x40];
	_ =	sdelay $0x3  }
.Ltmp14:
0x4ad: {  	(pc) =	sbr.rel @p2 .LBB2_30-.Ltmp14, $4  }
0x4ae: {  	v3 =	vmul.f32 v2, v3  }
0x4af: {  	v2 =	vld [tilespmem:s5+$0x50]  }
0x4b0: {  	[tilespmem:s5+$0x40] =	vst v3  }
0x4b1: {  	v3 =	vld [tilespmem:s17+$0x50]  }
0x4b2: {  	_ =	sdelay $0x3  }
0x4b3: {  	v2 =	vmul.f32 v3, v2;
	_ =	sdelay $0x1  }
0x4b4: {  	[tilespmem:s25+$0x50] =	vst v2  }
0x4b5: {  	_ =	swait.ge [sflag:s18], $0xB40  }
0x4b6: {  	[sflag:s18] =	ssyncset.done $0x0  }
0x4b7: {  	s5 =	simm.s32 $0x1B070;
	[sflag:s18] =	ssyncadd.s32 $0xFFFFF4C0  }
0x4b8: {  	s17 =	simm.s32 $0x15670;
	v2 =	vld [tilespmem:s5+$0xFFFFFF50]  }
0x4b9: {  	v3 =	vld [tilespmem:s17+$0xFFFFFF50];
	_ =	sdelay $0x4  }
0x4ba: {  	v2 =	vmul.f32 v3, v2;
	_ =	sdelay $0x1  }
0x4bb: {  	[tilespmem:s5+$0xFFFFFF50] =	vst v2;
	v2 =	vld [tilespmem:s5+$0xFFFFFF60]  }
0x4bc: {  	v3 =	vld [tilespmem:s17+$0xFFFFFF60];
	_ =	sdelay $0x4  }
0x4bd: {  	v2 =	vmul.f32 v3, v2;
	_ =	sdelay $0x1  }
0x4be: {  	[tilespmem:s5+$0xFFFFFF60] =	vst v2;
	v2 =	vld [tilespmem:s5+$0xFFFFFF70]  }
0x4bf: {  	v3 =	vld [tilespmem:s17+$0xFFFFFF70];
	_ =	sdelay $0x4  }
0x4c0: {  	v2 =	vmul.f32 v3, v2;
	_ =	sdelay $0x1  }
0x4c1: {  	[tilespmem:s5+$0xFFFFFF70] =	vst v2;
	v2 =	vld [tilespmem:s5+$0xFFFFFF80]  }
0x4c2: {  	v3 =	vld [tilespmem:s17+$0xFFFFFF80];
	_ =	sdelay $0x4  }
0x4c3: {  	v2 =	vmul.f32 v3, v2;
	_ =	sdelay $0x1  }
0x4c4: {  	[tilespmem:s5+$0xFFFFFF80] =	vst v2;
	v2 =	vld [tilespmem:s5+$0xFFFFFF90]  }
0x4c5: {  	v3 =	vld [tilespmem:s17+$0xFFFFFF90];
	_ =	sdelay $0x4  }
0x4c6: {  	v2 =	vmul.f32 v3, v2;
	_ =	sdelay $0x1  }
0x4c7: {  	[tilespmem:s5+$0xFFFFFF90] =	vst v2;
	v2 =	vld [tilespmem:s5+$0xFFFFFFA0]  }
0x4c8: {  	v3 =	vld [tilespmem:s17+$0xFFFFFFA0];
	_ =	sdelay $0x4  }
0x4c9: {  	v2 =	vmul.f32 v3, v2;
	_ =	sdelay $0x1  }
0x4ca: {  	[tilespmem:s5+$0xFFFFFFA0] =	vst v2;
	v2 =	vld [tilespmem:s5+$0xFFFFFFB0]  }
0x4cb: {  	v3 =	vld [tilespmem:s17+$0xFFFFFFB0];
	_ =	sdelay $0x4  }
0x4cc: {  	v2 =	vmul.f32 v3, v2;
	_ =	sdelay $0x1  }
0x4cd: {  	[tilespmem:s5+$0xFFFFFFB0] =	vst v2;
	v2 =	vld [tilespmem:s5+$0xFFFFFFC0]  }
0x4ce: {  	v3 =	vld [tilespmem:s17+$0xFFFFFFC0];
	_ =	sdelay $0x4  }
0x4cf: {  	v2 =	vmul.f32 v3, v2  }
0x4d0: {  	s0 =	simm.s32 $0xB40  }
0x4d1: {  	s0 =	sand.u32 $0x1FC0, s0;
	[tilespmem:s5+$0xFFFFFFC0] =	vst v2  }
0x4d2: {  	v2 =	vld [tilespmem:s0+$0x1A500]  }
0x4d3: {  	v3 =	vld [tilespmem:s0+$0x14B00];
	_ =	sdelay $0x4  }
0x4d4: {  	v2 =	vmul.f32 v3, v2;
	_ =	sdelay $0x1  }
0x4d5: {  	[tilespmem:s0+$0x1A500] =	vst v2  }
0x4d6: {  	v2 =	vld [tilespmem:s5+$0xFFFFFFE0]  }
0x4d7: {  	v3 =	vld [tilespmem:s17+$0xFFFFFFE0];
	_ =	sdelay $0x4  }
0x4d8: {  	v2 =	vmul.f32 v3, v2;
	_ =	sdelay $0x1  }
0x4d9: {  	v3 =	vld [tilespmem:s5+$0xFFFFFFF0];
	[tilespmem:s5+$0xFFFFFFE0] =	vst v2  }
0x4da: {  	v2 =	vld [tilespmem:s17+$0xFFFFFFF0];
	_ =	sdelay $0x4  }
0x4db: {  	v3 =	vmul.f32 v2, v3;
	_ =	sdelay $0x1  }
0x4dc: {  	v2 =	vld [tilespmem:s5+$0x0];
	[tilespmem:s5+$0xFFFFFFF0] =	vst v3  }
0x4dd: {  	s8 =	simm.s32 $0xC00;
	s25 =	simm.s32 $0x1B070;
	v3 =	vld [tilespmem:s17+$0x0]  }
.LBB2_32:
0x4de: {  	_ =	sdelay $0x3  }
0x4df: {  	p2 =	sne.s32 s8, $0x15C0;
	s17 =	sadd.s32 $0xC0, s17;
	s5 =	sadd.s32 $0xC0, s5;
	v2 =	vmul.f32 v3, v2  }
0x4e0: {  	s0 =	smov.u32 s8;
	s8 =	sadd.s32 $0xC0, s8  }
0x4e1: {  	v3 =	vld [tilespmem:s5+$0xFFFFFF50];
	[tilespmem:s25+$0x0] =	vst v2;
	s25 =	smov.u32 s5  }
0x4e2: {  	v2 =	vld [tilespmem:s17+$0xFFFFFF50];
	_ =	sdelay $0x4  }
0x4e3: {  	v2 =	vmul.f32 v2, v3;
	_ =	sdelay $0x1  }
0x4e4: {  	[tilespmem:s5+$0xFFFFFF50] =	vst v2;
	v2 =	vld [tilespmem:s5+$0xFFFFFF60]  }
0x4e5: {  	v3 =	vld [tilespmem:s17+$0xFFFFFF60];
	_ =	sdelay $0x4  }
0x4e6: {  	v2 =	vmul.f32 v3, v2;
	_ =	sdelay $0x1  }
0x4e7: {  	[tilespmem:s5+$0xFFFFFF60] =	vst v2;
	v2 =	vld [tilespmem:s5+$0xFFFFFF70]  }
0x4e8: {  	v3 =	vld [tilespmem:s17+$0xFFFFFF70];
	_ =	sdelay $0x4  }
0x4e9: {  	v2 =	vmul.f32 v3, v2;
	_ =	sdelay $0x1  }
0x4ea: {  	[tilespmem:s5+$0xFFFFFF70] =	vst v2;
	v2 =	vld [tilespmem:s5+$0xFFFFFF80]  }
0x4eb: {  	v3 =	vld [tilespmem:s17+$0xFFFFFF80];
	_ =	sdelay $0x4  }
0x4ec: {  	v2 =	vmul.f32 v3, v2;
	_ =	sdelay $0x1  }
0x4ed: {  	[tilespmem:s5+$0xFFFFFF80] =	vst v2;
	v2 =	vld [tilespmem:s5+$0xFFFFFF90]  }
0x4ee: {  	v3 =	vld [tilespmem:s17+$0xFFFFFF90];
	_ =	sdelay $0x4  }
0x4ef: {  	v2 =	vmul.f32 v3, v2;
	_ =	sdelay $0x1  }
0x4f0: {  	[tilespmem:s5+$0xFFFFFF90] =	vst v2;
	v2 =	vld [tilespmem:s5+$0xFFFFFFA0]  }
0x4f1: {  	v3 =	vld [tilespmem:s17+$0xFFFFFFA0];
	_ =	sdelay $0x4  }
0x4f2: {  	v2 =	vmul.f32 v3, v2;
	_ =	sdelay $0x1  }
0x4f3: {  	[tilespmem:s5+$0xFFFFFFA0] =	vst v2;
	v2 =	vld [tilespmem:s5+$0xFFFFFFB0]  }
0x4f4: {  	v3 =	vld [tilespmem:s17+$0xFFFFFFB0];
	_ =	sdelay $0x4  }
0x4f5: {  	v2 =	vmul.f32 v3, v2;
	_ =	sdelay $0x1  }
0x4f6: {  	[tilespmem:s5+$0xFFFFFFB0] =	vst v2;
	v2 =	vld [tilespmem:s5+$0xFFFFFFC0]  }
0x4f7: {  	v3 =	vld [tilespmem:s17+$0xFFFFFFC0];
	_ =	sdelay $0x4  }
0x4f8: {  	v2 =	vmul.f32 v3, v2;
	_ =	sdelay $0x1  }
0x4f9: {  	s0 =	sand.u32 $0x1FC0, s0;
	[tilespmem:s5+$0xFFFFFFC0] =	vst v2  }
0x4fa: {  	v2 =	vld [tilespmem:s0+$0x1A500]  }
0x4fb: {  	v3 =	vld [tilespmem:s0+$0x14B00];
	_ =	sdelay $0x4  }
0x4fc: {  	v2 =	vmul.f32 v3, v2;
	_ =	sdelay $0x1  }
0x4fd: {  	[tilespmem:s0+$0x1A500] =	vst v2  }
0x4fe: {  	v2 =	vld [tilespmem:s5+$0xFFFFFFE0]  }
0x4ff: {  	v3 =	vld [tilespmem:s17+$0xFFFFFFE0];
	_ =	sdelay $0x4  }
0x500: {  	v2 =	vmul.f32 v3, v2  }
0x501: {  	v3 =	vld [tilespmem:s5+$0xFFFFFFF0]  }
0x502: {  	[tilespmem:s5+$0xFFFFFFE0] =	vst v2  }
0x503: {  	v2 =	vld [tilespmem:s17+$0xFFFFFFF0];
	_ =	sdelay $0x3  }
.Ltmp15:
0x504: {  	(pc) =	sbr.rel @p2 .LBB2_32-.Ltmp15, $4  }
0x505: {  	v3 =	vmul.f32 v2, v3  }
0x506: {  	v2 =	vld [tilespmem:s5+$0x0]  }
0x507: {  	[tilespmem:s5+$0xFFFFFFF0] =	vst v3  }
0x508: {  	v3 =	vld [tilespmem:s17+$0x0]  }
0x509: {  	_ =	sdelay $0x3  }
0x50a: {  	v2 =	vmul.f32 v3, v2;
	_ =	sdelay $0x1  }
0x50b: {  	[tilespmem:s25+$0x0] =	vst v2  }
0x50c: {  	[spmem:s6] =	stream.indirect.scatter.add.f32 [tilespmem:s16], [sflag:$0xE], $0x1, s28, s24, $0xb8;
	[tilespmem:$0x1F800] =	vst v63  }
0x50d: {  	_ =	swait.ge [sflag:s9], $0x1680  }
0x50e: {  	[sflag:s9] =	ssyncset.done $0x0  }
0x50f: {  	[sflag:s9] =	ssyncadd.s32 $0xFFFFE980  }
0x510: {  	_ =	swait.ge [sflag:s21], $0x1680  }
0x511: {  	[sflag:s21] =	ssyncset.done $0x0  }
0x512: {  	[sflag:s21] =	ssyncadd.s32 $0xFFFFE980  }
0x513: {  	[bflag:$0x0] =	sbarrier.arrive $0xFFFF  }
0x514: {  	s0 =	rddreg [dreg:$0xf]  }
0x515: {  	s25 =	simm.s32 $0x11;
	s8 =	rddreg [dreg:$0x11]  }
0x516: {  	s17 =	rddreg [dreg:$0x16];
	s0 =	sor.u32 $0x1C11, s0;
	s5 =	sshrl.u32 s8, $0x3  }
0x517: {  	[hbm:s17], [sflag:s0] =	dma.local [spmem:s5], $0x800  }
0x518: {  	_ =	swait.ge [sflag:s25], $0x800  }
0x519: {  	s14 =	sadd.s32 $0x1, s14;
	s29 =	rddreg [dreg:$0x17]  }
0x51a: {  	p2 =	sne.s32 s14, s29  }
.Ltmp16:
0x51b: {  	_ = 	snop;
	(pc) =	sbr.rel @p2 .LBB2_1-.Ltmp16, $3  }
0x51c: {  	_ =	sdelay $0x1  }
0x51d: {  	[sflag:s25] =	ssyncset.done $0x0  }
0x51e: {  	[sflag:s25] =	ssyncadd.s32 $0xFFFFF800  }
0x51f: {  	_ =	sfence.sel $0x180000  }
0x520: {  	[bflag:$0x0] =	sbarrier.arrive $0xFFFF  }
0x521: {  	_ =	strace $0x90000047  }
0x522: {  	s0 =	stileid.u32;
	[bflag:$0x2] =	sbarrier.arrive $0xFFFF  }
0x523: {  	p0 =	sne.s32 s0, $0x0;
	s0 =	rddreg [dreg:$0x6]  }
0x524: {  	s0 =	sadd.s32 @!p0 $0x100000, s0  }
0x525: {  	[sflag:s0] =	ssyncadd.tile.s32 @!p0 $0x1;
	_ =	shalt  }
.Lfunc_end2:
_tile_overlayer_lowered:
.L_overlay_start_2:
0x526: {  	(tag) =	ssettag $0x2  }
0x527: {  	s0 =	rddreg [dreg:$0x0];
	s2 =	stileid.u32  }
0x528: {  	s1 =	rddreg [dreg:$0x1];
	p0 =	sne.s32 s2, $0x0  }
0x529: {  	s3 =	rddreg [dreg:$0x2];
	[bflag:$0x3] =	sbarrier.arrive $0xFFFF;
	s2 =	simm.s32 @!p0 $0x1C11  }
0x52a: {  	[timem:s3], [sflag:s2] =	dma.local @!p0 [hbm:s0], s1  }
0x52b: {  	s0 =	simm.s32 @!p0 $0x11  }
0x52c: {  	_ =	swait.ge @!p0 [sflag:s0], s1  }
0x52d: {  	s1 =	ssub.s32 @!p0 $0x0, s1;
	[sflag:s0] =	ssyncset.done @!p0 $0x0  }
0x52e: {  	[sflag:s0] =	ssyncadd.s32 @!p0 s1  }
0x52f: {  	[bflag:$0x3] =	sbarrier.arrive $0xFFFF  }
0x530: {  	_ =	shalt  }

</sc_bundles>
